<compile_context>
chip_gen: v7x
topology: tpu7x:2x2x1
jax: 0.10.2.dev20260603
libtpu: 0.0.44.dev20260713+nightly
codegen_flags: <defaults>
</compile_context>

<pallas_src>
import functools

import jax
import jax.numpy as jnp
from jax import lax
from jax.experimental import pallas as pl
from jax.experimental.pallas import tpu as pltpu
from jax.experimental.pallas import tpu_sc as plsc

NC = 2
NS = 16
NW = NC * NS
LANES = 16
CHUNK = 128


def _sc_segment_sum(feat, src2, dst2, w2, zeros, n_nodes):
    n_chunks, _ = src2.shape
    d = feat.shape[1]
    cpt = n_chunks // NW
    rpt = n_nodes // NS
    mesh = plsc.VectorSubcoreMesh(core_axis_name="c", subcore_axis_name="s")

    hcpt = cpt // 2

    @functools.partial(
        pl.kernel,
        out_type=jax.ShapeDtypeStruct((NC, n_nodes, d), jnp.float32),
        mesh=mesh,
        scratch_types=[
            pltpu.VMEM((hcpt, CHUNK), jnp.int32),
            pltpu.VMEM((hcpt, CHUNK), jnp.int32),
            pltpu.VMEM((hcpt, CHUNK), jnp.float32),
            pltpu.VMEM((CHUNK, 128), jnp.float32),
            pltpu.VMEM((CHUNK, 128), jnp.float32),
            pltpu.VMEM_SHARED((n_nodes, 128), jnp.float32),
            pltpu.SemaphoreType.DMA,
            pltpu.SemaphoreType.DMA,
        ],
    )
    def run(feat_hbm, src_hbm, dst_hbm, w_hbm, zeros_hbm, out_hbm,
            sidx, didx, wv, rows0, rows1, acc, sem0, sem1):
        cid = lax.axis_index("c")
        tid = lax.axis_index("s")
        wid = cid * NS + tid

        r0 = tid * rpt
        pltpu.sync_copy(zeros_hbm.at[pl.ds(r0, rpt)], acc.at[pl.ds(r0, rpt)])
        plsc.subcore_barrier()

        bufs = ((rows0, sem0), (rows1, sem1))

        def stage_body(h, carry0):
            c0 = wid * cpt + h * hcpt
            pltpu.sync_copy(src_hbm.at[pl.ds(c0, hcpt)], sidx)
            pltpu.sync_copy(dst_hbm.at[pl.ds(c0, hcpt)], didx)
            pltpu.sync_copy(w_hbm.at[pl.ds(c0, hcpt)], wv)

            pltpu.async_copy(feat_hbm.at[sidx.at[0]], rows0, sem0)
            pltpu.async_copy(feat_hbm.at[sidx.at[1]], rows1, sem1)

            def outer_body(io, carry):
                for b, (rows, sem) in enumerate(bufs):
                    i = 2 * io + b
                    pltpu.make_async_copy(
                        feat_hbm.at[sidx.at[i]], rows, sem).wait()

                    def group_body(g, c2, rows=rows, i=i):
                        w16 = wv[i, pl.ds(g * LANES, LANES)]
                        for j in range(LANES):
                            ws = w16[j]
                            e = g * LANES + j
                            for k in range(d // LANES):
                                sl = pl.ds(k * LANES, LANES)
                                rows[e, sl] = rows[e, sl] * ws
                        return c2

                    lax.fori_loop(0, CHUNK // LANES, group_body, 0)
                    pltpu.sync_copy(rows, acc.at[didx.at[i]], add=True)

                    @pl.when(i + 2 < hcpt)
                    def _(rows=rows, sem=sem, i=i):
                        pltpu.async_copy(feat_hbm.at[sidx.at[i + 2]], rows, sem)

                return carry

            lax.fori_loop(0, hcpt // 2, outer_body, 0)
            return carry0

        lax.fori_loop(0, 2, stage_body, 0)

        plsc.subcore_barrier()
        pltpu.sync_copy(acc.at[pl.ds(r0, rpt)],
                        out_hbm.at[cid, pl.ds(r0, rpt)])

    return run(feat, src2, dst2, w2, zeros)


def _tc_linear(partials, w, b, n):
    d = partials.shape[2]
    o = w.shape[1]
    br = 1000

    def body(p_ref, w_ref, b_ref, o_ref):
        h = p_ref[0] + p_ref[1]
        o_ref[...] = (
            jnp.dot(h, w_ref[...], preferred_element_type=jnp.float32)
            + b_ref[...]
        )

    return pl.pallas_call(
        body,
        grid=(n // br,),
        in_specs=[
            pl.BlockSpec((2, br, d), lambda i: (0, i, 0)),
            pl.BlockSpec((d, o), lambda i: (0, 0)),
            pl.BlockSpec((1, o), lambda i: (0, 0)),
        ],
        out_specs=pl.BlockSpec((br, o), lambda i: (i, 0)),
        out_shape=jax.ShapeDtypeStruct((n, o), jnp.float32),
    )(partials, w, b.reshape(1, o))


def kernel(feat, edge_index, edge_weight, W, b):
    n_nodes, d = feat.shape
    src = edge_index[0].astype(jnp.int32)
    dst = edge_index[1].astype(jnp.int32)
    w = edge_weight.astype(jnp.float32)

    n_edges = src.shape[0]
    group = NW * CHUNK * 8
    ep = -(-n_edges // group) * group
    pad = ep - n_edges
    if pad:
        fill = jnp.arange(pad, dtype=jnp.int32) % n_nodes
        src = jnp.concatenate([src, fill])
        dst = jnp.concatenate([dst, fill])
        w = jnp.pad(w, (0, pad))
    src2 = src.reshape(ep // CHUNK, CHUNK)
    dst2 = dst.reshape(ep // CHUNK, CHUNK)
    w2 = w.reshape(ep // CHUNK, CHUNK)

    np_pad = -(-n_nodes // (NS * 8)) * (NS * 8)
    zeros = jnp.zeros((np_pad, d), jnp.float32)
    partials = _sc_segment_sum(feat, src2, dst2, w2, zeros, np_pad)
    return _tc_linear(partials, W, b, n_nodes)

# --- scband reference (transcript-rebuilt; emitter-appended) ---
"""Pipeline reference for scband-dglgraph-conv-37709812859403 (READ-ONLY COPY).

The authoritative reference and input builder live on the scoring server;
editing this copy changes nothing except your own understanding.
"""

import jax, jax.numpy as jnp
import numpy as np

N_NODES = 10000
N_EDGES = 320000
IN_DIM = 128
OUT_DIM = 128


def setup_inputs(seed: int = 0) -> dict:
    key = jax.random.key(seed)
    k1, k2, k3, k4, k5 = jax.random.split(key, 5)
    feat = jax.random.normal(k1, (N_NODES, IN_DIM), dtype=jnp.float32)
    edge_index = jax.random.randint(k2, (2, N_EDGES), 0, N_NODES, dtype=jnp.int64)
    edge_weight = jax.random.uniform(k3, (N_EDGES,), dtype=jnp.float32)
    # xavier_normal_ for weight (fan_in=IN_DIM, fan_out=OUT_DIM)
    std = float(np.sqrt(2.0 / (IN_DIM + OUT_DIM)))
    W = jax.random.normal(k4, (IN_DIM, OUT_DIM), dtype=jnp.float32) * std
    b = jnp.zeros((OUT_DIM,), dtype=jnp.float32)
    return {"feat": feat, "edge_index": edge_index, "edge_weight": edge_weight, "W": W, "b": b}


def reference(feat, edge_index, edge_weight, W, b):
    src = edge_index[0]
    dst = edge_index[1]
    # message: u_mul_e -> src feature times scalar edge weight
    m = jnp.take(feat, src, axis=0) * edge_weight[:, None]
    # reduce: sum over incoming edges at dst nodes
    h = jax.ops.segment_sum(m, dst, num_segments=N_NODES)
    # linear transform + bias (activation is None)
    out = jnp.matmul(h, W) + b
    return out

if __name__ == "__main__":
    import jax
    _d = setup_inputs()
    print(jax.jit(kernel)(*tuple(_d.values())))

</pallas_src>

<mosaic_0001>
#map = affine_map<(d0, d1) -> (0, 0)>
#map1 = affine_map<(d0, d1) -> (0, 0, 0)>
module attributes {stable_mosaic.version = 14 : i64} {
  func.func @run(%arg0: i32, %arg1: i32, %arg2: memref<10000x128xf32, #tpu.memory_space<hbm>>, %arg3: memref<2560x128xi32, #tpu.memory_space<hbm>>, %arg4: memref<2560x128xi32, #tpu.memory_space<hbm>>, %arg5: memref<2560x128xf32, #tpu.memory_space<hbm>>, %arg6: memref<10112x128xf32, #tpu.memory_space<hbm>>, %arg7: memref<2x10112x128xf32, #tpu.memory_space<hbm>>, %arg8: memref<40x128xi32, #tpu.memory_space<vmem>>, %arg9: memref<40x128xi32, #tpu.memory_space<vmem>>, %arg10: memref<40x128xf32, #tpu.memory_space<vmem>>, %arg11: memref<128x128xf32, #tpu.memory_space<vmem>>, %arg12: memref<128x128xf32, #tpu.memory_space<vmem>>, %arg13: memref<10112x128xf32, #tpu.memory_space<vmem_shared>>, %arg14: memref<!tpu.dma_semaphore, #tpu.memory_space<semaphore_mem>>, %arg15: memref<!tpu.dma_semaphore, #tpu.memory_space<semaphore_mem>>) attributes {dimension_semantics = [#tpu.dimension_semantics<core_parallel>, #tpu.dimension_semantics<subcore_parallel>], iteration_bounds = array<i64: 2, 16>, scalar_prefetch = 0 : i64, scratch_operands = 8 : i64, tpu.core_type = #tpu.core_type<sc_vector_subcore>, window_params = [{transform_indices = #map}, {transform_indices = #map}, {transform_indices = #map}, {transform_indices = #map}, {transform_indices = #map}, {transform_indices = #map1}]} {
    %mul3A = arith.constant 16 : i32
    %mul3A_0 = arith.muli %arg0, %mul3A : i32
    %add3A = arith.addi %mul3A_0, %arg1 : i32
    %mul3A_1 = arith.constant 632 : i32
    %mul3A_2 = arith.muli %arg1, %mul3A_1 : i32
    "tpu.region"() ({
      %run_scoped3A = tpu.sem_alloc : memref<!tpu.dma_semaphore, #tpu.memory_space<semaphore_mem>>
      %dma_start3A = arith.constant 0 : i32
      %dma_start3A_9 = tpu.memref_slice %arg13[%mul3A_2, %dma_start3A] : memref<10112x128xf32, #tpu.memory_space<vmem_shared>> -> memref<632x128xf32, #tpu.memory_space<vmem_shared>>
      %dma_start3A_10 = arith.constant 0 : i32
      %dma_start3A_11 = tpu.memref_slice %arg6[%mul3A_2, %dma_start3A_10] : memref<10112x128xf32, #tpu.memory_space<hbm>> -> memref<632x128xf32, #tpu.memory_space<hbm>>
      tpu.enqueue_dma source(%dma_start3A_11 : memref<632x128xf32, #tpu.memory_space<hbm>>) target(%dma_start3A_9 : memref<632x128xf32, #tpu.memory_space<vmem_shared>>) target_semaphore(%run_scoped3A : memref<!tpu.dma_semaphore, #tpu.memory_space<semaphore_mem>>)
      %dma_wait3A = arith.constant 0 : i32
      %dma_wait3A_12 = tpu.memref_slice %arg13[%mul3A_2, %dma_wait3A] : memref<10112x128xf32, #tpu.memory_space<vmem_shared>> -> memref<632x128xf32, #tpu.memory_space<vmem_shared>>
      %dma_wait3A_13 = arith.constant 0 : i32
      %dma_wait3A_14 = tpu.memref_slice %arg6[%mul3A_2, %dma_wait3A_13] : memref<10112x128xf32, #tpu.memory_space<hbm>> -> memref<632x128xf32, #tpu.memory_space<hbm>>
      tpu.wait_dma2 semaphore(%run_scoped3A : memref<!tpu.dma_semaphore, #tpu.memory_space<semaphore_mem>>) src(%dma_wait3A_14 : memref<632x128xf32, #tpu.memory_space<hbm>>) dst(%dma_wait3A_12 : memref<632x128xf32, #tpu.memory_space<vmem_shared>>)
      tpu.yield
    }) : () -> ()
    %barrier3A = arith.constant 0 : index
    tpu.barrier barrier_id(%barrier3A)
    %scan3A = arith.constant 0 : i32
    %scan3A_3 = arith.constant 0 : i32
    %scan3A_4 = arith.constant 2 : i32
    %scan3A_5 = arith.addi %scan3A_3, %scan3A_4 : i32
    %scan3A_6 = arith.constant 1 : i32
    scf.for %scan3A_9 = %scan3A_3 to %scan3A_5 step %scan3A_6  : i32 {
      %mul3A_10 = arith.constant 80 : i32
      %mul3A_11 = arith.muli %add3A, %mul3A_10 : i32
      %mul3A_12 = arith.constant 40 : i32
      %mul3A_13 = arith.muli %scan3A_9, %mul3A_12 : i32
      %add3A_14 = arith.addi %mul3A_11, %mul3A_13 : i32
      "tpu.region"() ({
        %run_scoped3A = tpu.sem_alloc : memref<!tpu.dma_semaphore, #tpu.memory_space<semaphore_mem>>
        %dma_start3A_34 = arith.constant 0 : i32
        %dma_start3A_35 = tpu.memref_slice %arg3[%add3A_14, %dma_start3A_34] : memref<2560x128xi32, #tpu.memory_space<hbm>> -> memref<40x128xi32, #tpu.memory_space<hbm>>
        %dma_start3A_36 = arith.constant 0 : i32
        %dma_start3A_37 = tpu.memref_slice %arg3[%add3A_14, %dma_start3A_36] : memref<2560x128xi32, #tpu.memory_space<hbm>> -> memref<40x128xi32, #tpu.memory_space<hbm>>
        tpu.enqueue_dma source(%dma_start3A_37 : memref<40x128xi32, #tpu.memory_space<hbm>>) target(%arg8 : memref<40x128xi32, #tpu.memory_space<vmem>>) target_semaphore(%run_scoped3A : memref<!tpu.dma_semaphore, #tpu.memory_space<semaphore_mem>>)
        %dma_wait3A = arith.constant 0 : i32
        %dma_wait3A_38 = tpu.memref_slice %arg3[%add3A_14, %dma_wait3A] : memref<2560x128xi32, #tpu.memory_space<hbm>> -> memref<40x128xi32, #tpu.memory_space<hbm>>
        %dma_wait3A_39 = arith.constant 0 : i32
        %dma_wait3A_40 = tpu.memref_slice %arg3[%add3A_14, %dma_wait3A_39] : memref<2560x128xi32, #tpu.memory_space<hbm>> -> memref<40x128xi32, #tpu.memory_space<hbm>>
        tpu.wait_dma2 semaphore(%run_scoped3A : memref<!tpu.dma_semaphore, #tpu.memory_space<semaphore_mem>>) src(%dma_wait3A_40 : memref<40x128xi32, #tpu.memory_space<hbm>>) dst(%arg8 : memref<40x128xi32, #tpu.memory_space<vmem>>)
        tpu.yield
      }) : () -> ()
      "tpu.region"() ({
        %run_scoped3A = tpu.sem_alloc : memref<!tpu.dma_semaphore, #tpu.memory_space<semaphore_mem>>
        %dma_start3A_34 = arith.constant 0 : i32
        %dma_start3A_35 = tpu.memref_slice %arg4[%add3A_14, %dma_start3A_34] : memref<2560x128xi32, #tpu.memory_space<hbm>> -> memref<40x128xi32, #tpu.memory_space<hbm>>
        %dma_start3A_36 = arith.constant 0 : i32
        %dma_start3A_37 = tpu.memref_slice %arg4[%add3A_14, %dma_start3A_36] : memref<2560x128xi32, #tpu.memory_space<hbm>> -> memref<40x128xi32, #tpu.memory_space<hbm>>
        tpu.enqueue_dma source(%dma_start3A_37 : memref<40x128xi32, #tpu.memory_space<hbm>>) target(%arg9 : memref<40x128xi32, #tpu.memory_space<vmem>>) target_semaphore(%run_scoped3A : memref<!tpu.dma_semaphore, #tpu.memory_space<semaphore_mem>>)
        %dma_wait3A = arith.constant 0 : i32
        %dma_wait3A_38 = tpu.memref_slice %arg4[%add3A_14, %dma_wait3A] : memref<2560x128xi32, #tpu.memory_space<hbm>> -> memref<40x128xi32, #tpu.memory_space<hbm>>
        %dma_wait3A_39 = arith.constant 0 : i32
        %dma_wait3A_40 = tpu.memref_slice %arg4[%add3A_14, %dma_wait3A_39] : memref<2560x128xi32, #tpu.memory_space<hbm>> -> memref<40x128xi32, #tpu.memory_space<hbm>>
        tpu.wait_dma2 semaphore(%run_scoped3A : memref<!tpu.dma_semaphore, #tpu.memory_space<semaphore_mem>>) src(%dma_wait3A_40 : memref<40x128xi32, #tpu.memory_space<hbm>>) dst(%arg9 : memref<40x128xi32, #tpu.memory_space<vmem>>)
        tpu.yield
      }) : () -> ()
      "tpu.region"() ({
        %run_scoped3A = tpu.sem_alloc : memref<!tpu.dma_semaphore, #tpu.memory_space<semaphore_mem>>
        %dma_start3A_34 = arith.constant 0 : i32
        %dma_start3A_35 = tpu.memref_slice %arg5[%add3A_14, %dma_start3A_34] : memref<2560x128xf32, #tpu.memory_space<hbm>> -> memref<40x128xf32, #tpu.memory_space<hbm>>
        %dma_start3A_36 = arith.constant 0 : i32
        %dma_start3A_37 = tpu.memref_slice %arg5[%add3A_14, %dma_start3A_36] : memref<2560x128xf32, #tpu.memory_space<hbm>> -> memref<40x128xf32, #tpu.memory_space<hbm>>
        tpu.enqueue_dma source(%dma_start3A_37 : memref<40x128xf32, #tpu.memory_space<hbm>>) target(%arg10 : memref<40x128xf32, #tpu.memory_space<vmem>>) target_semaphore(%run_scoped3A : memref<!tpu.dma_semaphore, #tpu.memory_space<semaphore_mem>>)
        %dma_wait3A = arith.constant 0 : i32
        %dma_wait3A_38 = tpu.memref_slice %arg5[%add3A_14, %dma_wait3A] : memref<2560x128xf32, #tpu.memory_space<hbm>> -> memref<40x128xf32, #tpu.memory_space<hbm>>
        %dma_wait3A_39 = arith.constant 0 : i32
        %dma_wait3A_40 = tpu.memref_slice %arg5[%add3A_14, %dma_wait3A_39] : memref<2560x128xf32, #tpu.memory_space<hbm>> -> memref<40x128xf32, #tpu.memory_space<hbm>>
        tpu.wait_dma2 semaphore(%run_scoped3A : memref<!tpu.dma_semaphore, #tpu.memory_space<semaphore_mem>>) src(%dma_wait3A_40 : memref<40x128xf32, #tpu.memory_space<hbm>>) dst(%arg10 : memref<40x128xf32, #tpu.memory_space<vmem>>)
        tpu.yield
      }) : () -> ()
      %dma_start3A = arith.constant 0 : i32
      %dma_start3A_15 = arith.constant 0 : i32
      %dma_start3A_16 = tpu.memref_slice %arg8[%dma_start3A, %dma_start3A_15] : memref<40x128xi32, #tpu.memory_space<vmem>> -> memref<1x128xi32, #tpu.memory_space<vmem>>
      %dma_start3A_17 = tpu.memref_squeeze %dma_start3A_16 : memref<1x128xi32, #tpu.memory_space<vmem>> -> memref<128xi32, #tpu.memory_space<vmem>>
      %dma_start3A_18 = arith.constant 0 : i32
      %dma_start3A_19 = arith.constant 0 : i32
      %dma_start3A_20 = tpu.memref_slice %arg2[%dma_start3A_18, %dma_start3A_19] : memref<10000x128xf32, #tpu.memory_space<hbm>> -> memref<10000x128xf32, #tpu.memory_space<hbm>>
      tpu.enqueue_indirect_dma source(%dma_start3A_20 : memref<10000x128xf32, #tpu.memory_space<hbm>>) target(%arg11 : memref<128x128xf32, #tpu.memory_space<vmem>>) offsets(%dma_start3A_17 : memref<128xi32, #tpu.memory_space<vmem>>) semaphore(%arg14 : memref<!tpu.dma_semaphore, #tpu.memory_space<semaphore_mem>>)
      %dma_start3A_21 = arith.constant 1 : i32
      %dma_start3A_22 = arith.constant 0 : i32
      %dma_start3A_23 = tpu.memref_slice %arg8[%dma_start3A_21, %dma_start3A_22] : memref<40x128xi32, #tpu.memory_space<vmem>> -> memref<1x128xi32, #tpu.memory_space<vmem>>
      %dma_start3A_24 = tpu.memref_squeeze %dma_start3A_23 : memref<1x128xi32, #tpu.memory_space<vmem>> -> memref<128xi32, #tpu.memory_space<vmem>>
      %dma_start3A_25 = arith.constant 0 : i32
      %dma_start3A_26 = arith.constant 0 : i32
      %dma_start3A_27 = tpu.memref_slice %arg2[%dma_start3A_25, %dma_start3A_26] : memref<10000x128xf32, #tpu.memory_space<hbm>> -> memref<10000x128xf32, #tpu.memory_space<hbm>>
      tpu.enqueue_indirect_dma source(%dma_start3A_27 : memref<10000x128xf32, #tpu.memory_space<hbm>>) target(%arg12 : memref<128x128xf32, #tpu.memory_space<vmem>>) offsets(%dma_start3A_24 : memref<128xi32, #tpu.memory_space<vmem>>) semaphore(%arg15 : memref<!tpu.dma_semaphore, #tpu.memory_space<semaphore_mem>>)
      %scan3A_28 = arith.constant 0 : i32
      %scan3A_29 = arith.constant 0 : i32
      %scan3A_30 = arith.constant 20 : i32
      %scan3A_31 = arith.addi %scan3A_29, %scan3A_30 : i32
      %scan3A_32 = arith.constant 1 : i32
      scf.for %scan3A_34 = %scan3A_29 to %scan3A_31 step %scan3A_32  : i32 {
        %mul3A_35 = arith.constant 2 : i32
        %mul3A_36 = arith.muli %mul3A_35, %scan3A_34 : i32
        %add3A_37 = arith.constant 0 : i32
        %add3A_38 = arith.addi %mul3A_36, %add3A_37 : i32
        %dma_wait3A = arith.constant 0 : i32
        %dma_wait3A_39 = tpu.memref_slice %arg8[%add3A_38, %dma_wait3A] : memref<40x128xi32, #tpu.memory_space<vmem>> -> memref<1x128xi32, #tpu.memory_space<vmem>>
        %dma_wait3A_40 = tpu.memref_squeeze %dma_wait3A_39 : memref<1x128xi32, #tpu.memory_space<vmem>> -> memref<128xi32, #tpu.memory_space<vmem>>
        %dma_wait3A_41 = arith.constant 0 : i32
        %dma_wait3A_42 = arith.constant 0 : i32
        %dma_wait3A_43 = tpu.memref_slice %arg2[%dma_wait3A_41, %dma_wait3A_42] : memref<10000x128xf32, #tpu.memory_space<hbm>> -> memref<10000x128xf32, #tpu.memory_space<hbm>>
        tpu.wait_indirect_dma semaphore(%arg14 : memref<!tpu.dma_semaphore, #tpu.memory_space<semaphore_mem>>) src(%dma_wait3A_43 : memref<10000x128xf32, #tpu.memory_space<hbm>>) dst(%arg11 : memref<128x128xf32, #tpu.memory_space<vmem>>)
        %scan3A_44 = arith.constant 0 : i32
        %scan3A_45 = arith.constant 0 : i32
        %scan3A_46 = arith.constant 8 : i32
        %scan3A_47 = arith.addi %scan3A_45, %scan3A_46 : i32
        %scan3A_48 = arith.constant 1 : i32
        scf.for %scan3A_77 = %scan3A_45 to %scan3A_47 step %scan3A_48  : i32 {
          %mul3A_78 = arith.constant 16 : i32
          %mul3A_79 = arith.muli %scan3A_77, %mul3A_78 : i32
          %get3A = arith.index_cast %add3A_38 : i32 to index
          %get3A_80 = arith.index_cast %mul3A_79 : i32 to index
          %get3A_81 = tpu.vector_load %arg10[%get3A, %get3A_80] {strides = array<i32>} : memref<40x128xf32, #tpu.memory_space<vmem>>, vector<1x16xf32>,
          %get3A_82 = vector.shape_cast %get3A_81 : vector<1x16xf32> to vector<16xf32>
          %slice3A = vector.extract_strided_slice %get3A_82 {offsets = [0], sizes = [1], strides = [1]} : vector<16xf32> to vector<1xf32>
          %squeeze3A = vector.extract %slice3A[0] : f32 from vector<1xf32>
          %mul3A_83 = arith.constant 16 : i32
          %mul3A_84 = arith.muli %scan3A_77, %mul3A_83 : i32
          %add3A_85 = arith.constant 0 : i32
          %add3A_86 = arith.addi %mul3A_84, %add3A_85 : i32
          %get3A_87 = arith.index_cast %add3A_86 : i32 to index
          %get3A_88 = arith.constant 0 : index
          %get3A_89 = tpu.vector_load %arg11[%get3A_87, %get3A_88] {strides = array<i32>} : memref<128x128xf32, #tpu.memory_space<vmem>>, vector<1x16xf32>,
          %get3A_90 = vector.shape_cast %get3A_89 : vector<1x16xf32> to vector<16xf32>
          %mul3A_91 = vector.broadcast %squeeze3A : f32 to vector<16xf32>
          %mul3A_92 = arith.mulf %get3A_90, %mul3A_91 : vector<16xf32>
          %swap3A = arith.index_cast %add3A_86 : i32 to index
          %swap3A_93 = arith.constant 0 : index
          %swap3A_94 = tpu.vector_load %arg11[%swap3A, %swap3A_93] {strides = array<i32>} : memref<128x128xf32, #tpu.memory_space<vmem>>, vector<1x16xf32>,
          %swap3A_95 = vector.shape_cast %swap3A_94 : vector<1x16xf32> to vector<16xf32>
          %swap3A_96 = vector.shape_cast %mul3A_92 : vector<16xf32> to vector<1x16xf32>
          tpu.vector_store %arg11[%swap3A, %swap3A_93], %swap3A_96 {strides = array<i32>} : memref<128x128xf32, #tpu.memory_space<vmem>>, vector<1x16xf32>,
          %get3A_97 = arith.index_cast %add3A_86 : i32 to index
          %get3A_98 = arith.constant 16 : index
          %get3A_99 = tpu.vector_load %arg11[%get3A_97, %get3A_98] {strides = array<i32>} : memref<128x128xf32, #tpu.memory_space<vmem>>, vector<1x16xf32>,
          %get3A_100 = vector.shape_cast %get3A_99 : vector<1x16xf32> to vector<16xf32>
          %mul3A_101 = vector.broadcast %squeeze3A : f32 to vector<16xf32>
          %mul3A_102 = arith.mulf %get3A_100, %mul3A_101 : vector<16xf32>
          %swap3A_103 = arith.index_cast %add3A_86 : i32 to index
          %swap3A_104 = arith.constant 16 : index
          %swap3A_105 = tpu.vector_load %arg11[%swap3A_103, %swap3A_104] {strides = array<i32>} : memref<128x128xf32, #tpu.memory_space<vmem>>, vector<1x16xf32>,
          %swap3A_106 = vector.shape_cast %swap3A_105 : vector<1x16xf32> to vector<16xf32>
          %swap3A_107 = vector.shape_cast %mul3A_102 : vector<16xf32> to vector<1x16xf32>
          tpu.vector_store %arg11[%swap3A_103, %swap3A_104], %swap3A_107 {strides = array<i32>} : memref<128x128xf32, #tpu.memory_space<vmem>>, vector<1x16xf32>,
          %get3A_108 = arith.index_cast %add3A_86 : i32 to index
          %get3A_109 = arith.constant 32 : index
          %get3A_110 = tpu.vector_load %arg11[%get3A_108, %get3A_109] {strides = array<i32>} : memref<128x128xf32, #tpu.memory_space<vmem>>, vector<1x16xf32>,
          %get3A_111 = vector.shape_cast %get3A_110 : vector<1x16xf32> to vector<16xf32>
          %mul3A_112 = vector.broadcast %squeeze3A : f32 to vector<16xf32>
          %mul3A_113 = arith.mulf %get3A_111, %mul3A_112 : vector<16xf32>
          %swap3A_114 = arith.index_cast %add3A_86 : i32 to index
          %swap3A_115 = arith.constant 32 : index
          %swap3A_116 = tpu.vector_load %arg11[%swap3A_114, %swap3A_115] {strides = array<i32>} : memref<128x128xf32, #tpu.memory_space<vmem>>, vector<1x16xf32>,
          %swap3A_117 = vector.shape_cast %swap3A_116 : vector<1x16xf32> to vector<16xf32>
          %swap3A_118 = vector.shape_cast %mul3A_113 : vector<16xf32> to vector<1x16xf32>
          tpu.vector_store %arg11[%swap3A_114, %swap3A_115], %swap3A_118 {strides = array<i32>} : memref<128x128xf32, #tpu.memory_space<vmem>>, vector<1x16xf32>,
          %get3A_119 = arith.index_cast %add3A_86 : i32 to index
          %get3A_120 = arith.constant 48 : index
          %get3A_121 = tpu.vector_load %arg11[%get3A_119, %get3A_120] {strides = array<i32>} : memref<128x128xf32, #tpu.memory_space<vmem>>, vector<1x16xf32>,
          %get3A_122 = vector.shape_cast %get3A_121 : vector<1x16xf32> to vector<16xf32>
          %mul3A_123 = vector.broadcast %squeeze3A : f32 to vector<16xf32>
          %mul3A_124 = arith.mulf %get3A_122, %mul3A_123 : vector<16xf32>
          %swap3A_125 = arith.index_cast %add3A_86 : i32 to index
          %swap3A_126 = arith.constant 48 : index
          %swap3A_127 = tpu.vector_load %arg11[%swap3A_125, %swap3A_126] {strides = array<i32>} : memref<128x128xf32, #tpu.memory_space<vmem>>, vector<1x16xf32>,
          %swap3A_128 = vector.shape_cast %swap3A_127 : vector<1x16xf32> to vector<16xf32>
          %swap3A_129 = vector.shape_cast %mul3A_124 : vector<16xf32> to vector<1x16xf32>
          tpu.vector_store %arg11[%swap3A_125, %swap3A_126], %swap3A_129 {strides = array<i32>} : memref<128x128xf32, #tpu.memory_space<vmem>>, vector<1x16xf32>,
          %get3A_130 = arith.index_cast %add3A_86 : i32 to index
          %get3A_131 = arith.constant 64 : index
          %get3A_132 = tpu.vector_load %arg11[%get3A_130, %get3A_131] {strides = array<i32>} : memref<128x128xf32, #tpu.memory_space<vmem>>, vector<1x16xf32>,
          %get3A_133 = vector.shape_cast %get3A_132 : vector<1x16xf32> to vector<16xf32>
          %mul3A_134 = vector.broadcast %squeeze3A : f32 to vector<16xf32>
          %mul3A_135 = arith.mulf %get3A_133, %mul3A_134 : vector<16xf32>
          %swap3A_136 = arith.index_cast %add3A_86 : i32 to index
          %swap3A_137 = arith.constant 64 : index
          %swap3A_138 = tpu.vector_load %arg11[%swap3A_136, %swap3A_137] {strides = array<i32>} : memref<128x128xf32, #tpu.memory_space<vmem>>, vector<1x16xf32>,
          %swap3A_139 = vector.shape_cast %swap3A_138 : vector<1x16xf32> to vector<16xf32>
          %swap3A_140 = vector.shape_cast %mul3A_135 : vector<16xf32> to vector<1x16xf32>
          tpu.vector_store %arg11[%swap3A_136, %swap3A_137], %swap3A_140 {strides = array<i32>} : memref<128x128xf32, #tpu.memory_space<vmem>>, vector<1x16xf32>,
          %get3A_141 = arith.index_cast %add3A_86 : i32 to index
          %get3A_142 = arith.constant 80 : index
          %get3A_143 = tpu.vector_load %arg11[%get3A_141, %get3A_142] {strides = array<i32>} : memref<128x128xf32, #tpu.memory_space<vmem>>, vector<1x16xf32>,
          %get3A_144 = vector.shape_cast %get3A_143 : vector<1x16xf32> to vector<16xf32>
          %mul3A_145 = vector.broadcast %squeeze3A : f32 to vector<16xf32>
          %mul3A_146 = arith.mulf %get3A_144, %mul3A_145 : vector<16xf32>
          %swap3A_147 = arith.index_cast %add3A_86 : i32 to index
          %swap3A_148 = arith.constant 80 : index
          %swap3A_149 = tpu.vector_load %arg11[%swap3A_147, %swap3A_148] {strides = array<i32>} : memref<128x128xf32, #tpu.memory_space<vmem>>, vector<1x16xf32>,
          %swap3A_150 = vector.shape_cast %swap3A_149 : vector<1x16xf32> to vector<16xf32>
          %swap3A_151 = vector.shape_cast %mul3A_146 : vector<16xf32> to vector<1x16xf32>
          tpu.vector_store %arg11[%swap3A_147, %swap3A_148], %swap3A_151 {strides = array<i32>} : memref<128x128xf32, #tpu.memory_space<vmem>>, vector<1x16xf32>,
          %get3A_152 = arith.index_cast %add3A_86 : i32 to index
          %get3A_153 = arith.constant 96 : index
          %get3A_154 = tpu.vector_load %arg11[%get3A_152, %get3A_153] {strides = array<i32>} : memref<128x128xf32, #tpu.memory_space<vmem>>, vector<1x16xf32>,
          %get3A_155 = vector.shape_cast %get3A_154 : vector<1x16xf32> to vector<16xf32>
          %mul3A_156 = vector.broadcast %squeeze3A : f32 to vector<16xf32>
          %mul3A_157 = arith.mulf %get3A_155, %mul3A_156 : vector<16xf32>
          %swap3A_158 = arith.index_cast %add3A_86 : i32 to index
          %swap3A_159 = arith.constant 96 : index
          %swap3A_160 = tpu.vector_load %arg11[%swap3A_158, %swap3A_159] {strides = array<i32>} : memref<128x128xf32, #tpu.memory_space<vmem>>, vector<1x16xf32>,
          %swap3A_161 = vector.shape_cast %swap3A_160 : vector<1x16xf32> to vector<16xf32>
          %swap3A_162 = vector.shape_cast %mul3A_157 : vector<16xf32> to vector<1x16xf32>
          tpu.vector_store %arg11[%swap3A_158, %swap3A_159], %swap3A_162 {strides = array<i32>} : memref<128x128xf32, #tpu.memory_space<vmem>>, vector<1x16xf32>,
          %get3A_163 = arith.index_cast %add3A_86 : i32 to index
          %get3A_164 = arith.constant 112 : index
          %get3A_165 = tpu.vector_load %arg11[%get3A_163, %get3A_164] {strides = array<i32>} : memref<128x128xf32, #tpu.memory_space<vmem>>, vector<1x16xf32>,
          %get3A_166 = vector.shape_cast %get3A_165 : vector<1x16xf32> to vector<16xf32>
          %mul3A_167 = vector.broadcast %squeeze3A : f32 to vector<16xf32>
          %mul3A_168 = arith.mulf %get3A_166, %mul3A_167 : vector<16xf32>
          %swap3A_169 = arith.index_cast %add3A_86 : i32 to index
          %swap3A_170 = arith.constant 112 : index
          %swap3A_171 = tpu.vector_load %arg11[%swap3A_169, %swap3A_170] {strides = array<i32>} : memref<128x128xf32, #tpu.memory_space<vmem>>, vector<1x16xf32>,
          %swap3A_172 = vector.shape_cast %swap3A_171 : vector<1x16xf32> to vector<16xf32>
          %swap3A_173 = vector.shape_cast %mul3A_168 : vector<16xf32> to vector<1x16xf32>
          tpu.vector_store %arg11[%swap3A_169, %swap3A_170], %swap3A_173 {strides = array<i32>} : memref<128x128xf32, #tpu.memory_space<vmem>>, vector<1x16xf32>,
          %slice3A_174 = vector.extract_strided_slice %get3A_82 {offsets = [1], sizes = [1], strides = [1]} : vector<16xf32> to vector<1xf32>
          %squeeze3A_175 = vector.extract %slice3A_174[0] : f32 from vector<1xf32>
          %mul3A_176 = arith.constant 16 : i32
          %mul3A_177 = arith.muli %scan3A_77, %mul3A_176 : i32
          %add3A_178 = arith.constant 1 : i32
          %add3A_179 = arith.addi %mul3A_177, %add3A_178 : i32
          %get3A_180 = arith.index_cast %add3A_179 : i32 to index
          %get3A_181 = arith.constant 0 : index
          %get3A_182 = tpu.vector_load %arg11[%get3A_180, %get3A_181] {strides = array<i32>} : memref<128x128xf32, #tpu.memory_space<vmem>>, vector<1x16xf32>,
          %get3A_183 = vector.shape_cast %get3A_182 : vector<1x16xf32> to vector<16xf32>
          %mul3A_184 = vector.broadcast %squeeze3A_175 : f32 to vector<16xf32>
          %mul3A_185 = arith.mulf %get3A_183, %mul3A_184 : vector<16xf32>
          %swap3A_186 = arith.index_cast %add3A_179 : i32 to index
          %swap3A_187 = arith.constant 0 : index
          %swap3A_188 = tpu.vector_load %arg11[%swap3A_186, %swap3A_187] {strides = array<i32>} : memref<128x128xf32, #tpu.memory_space<vmem>>, vector<1x16xf32>,
          %swap3A_189 = vector.shape_cast %swap3A_188 : vector<1x16xf32> to vector<16xf32>
          %swap3A_190 = vector.shape_cast %mul3A_185 : vector<16xf32> to vector<1x16xf32>
          tpu.vector_store %arg11[%swap3A_186, %swap3A_187], %swap3A_190 {strides = array<i32>} : memref<128x128xf32, #tpu.memory_space<vmem>>, vector<1x16xf32>,
          %get3A_191 = arith.index_cast %add3A_179 : i32 to index
          %get3A_192 = arith.constant 16 : index
          %get3A_193 = tpu.vector_load %arg11[%get3A_191, %get3A_192] {strides = array<i32>} : memref<128x128xf32, #tpu.memory_space<vmem>>, vector<1x16xf32>,
          %get3A_194 = vector.shape_cast %get3A_193 : vector<1x16xf32> to vector<16xf32>
          %mul3A_195 = vector.broadcast %squeeze3A_175 : f32 to vector<16xf32>
          %mul3A_196 = arith.mulf %get3A_194, %mul3A_195 : vector<16xf32>
          %swap3A_197 = arith.index_cast %add3A_179 : i32 to index
          %swap3A_198 = arith.constant 16 : index
          %swap3A_199 = tpu.vector_load %arg11[%swap3A_197, %swap3A_198] {strides = array<i32>} : memref<128x128xf32, #tpu.memory_space<vmem>>, vector<1x16xf32>,
          %swap3A_200 = vector.shape_cast %swap3A_199 : vector<1x16xf32> to vector<16xf32>
          %swap3A_201 = vector.shape_cast %mul3A_196 : vector<16xf32> to vector<1x16xf32>
          tpu.vector_store %arg11[%swap3A_197, %swap3A_198], %swap3A_201 {strides = array<i32>} : memref<128x128xf32, #tpu.memory_space<vmem>>, vector<1x16xf32>,
          %get3A_202 = arith.index_cast %add3A_179 : i32 to index
          %get3A_203 = arith.constant 32 : index
          %get3A_204 = tpu.vector_load %arg11[%get3A_202, %get3A_203] {strides = array<i32>} : memref<128x128xf32, #tpu.memory_space<vmem>>, vector<1x16xf32>,
          %get3A_205 = vector.shape_cast %get3A_204 : vector<1x16xf32> to vector<16xf32>
          %mul3A_206 = vector.broadcast %squeeze3A_175 : f32 to vector<16xf32>
          %mul3A_207 = arith.mulf %get3A_205, %mul3A_206 : vector<16xf32>
          %swap3A_208 = arith.index_cast %add3A_179 : i32 to index
          %swap3A_209 = arith.constant 32 : index
          %swap3A_210 = tpu.vector_load %arg11[%swap3A_208, %swap3A_209] {strides = array<i32>} : memref<128x128xf32, #tpu.memory_space<vmem>>, vector<1x16xf32>,
          %swap3A_211 = vector.shape_cast %swap3A_210 : vector<1x16xf32> to vector<16xf32>
          %swap3A_212 = vector.shape_cast %mul3A_207 : vector<16xf32> to vector<1x16xf32>
          tpu.vector_store %arg11[%swap3A_208, %swap3A_209], %swap3A_212 {strides = array<i32>} : memref<128x128xf32, #tpu.memory_space<vmem>>, vector<1x16xf32>,
          %get3A_213 = arith.index_cast %add3A_179 : i32 to index
          %get3A_214 = arith.constant 48 : index
          %get3A_215 = tpu.vector_load %arg11[%get3A_213, %get3A_214] {strides = array<i32>} : memref<128x128xf32, #tpu.memory_space<vmem>>, vector<1x16xf32>,
          %get3A_216 = vector.shape_cast %get3A_215 : vector<1x16xf32> to vector<16xf32>
          %mul3A_217 = vector.broadcast %squeeze3A_175 : f32 to vector<16xf32>
          %mul3A_218 = arith.mulf %get3A_216, %mul3A_217 : vector<16xf32>
          %swap3A_219 = arith.index_cast %add3A_179 : i32 to index
          %swap3A_220 = arith.constant 48 : index
          %swap3A_221 = tpu.vector_load %arg11[%swap3A_219, %swap3A_220] {strides = array<i32>} : memref<128x128xf32, #tpu.memory_space<vmem>>, vector<1x16xf32>,
          %swap3A_222 = vector.shape_cast %swap3A_221 : vector<1x16xf32> to vector<16xf32>
          %swap3A_223 = vector.shape_cast %mul3A_218 : vector<16xf32> to vector<1x16xf32>
          tpu.vector_store %arg11[%swap3A_219, %swap3A_220], %swap3A_223 {strides = array<i32>} : memref<128x128xf32, #tpu.memory_space<vmem>>, vector<1x16xf32>,
          %get3A_224 = arith.index_cast %add3A_179 : i32 to index
          %get3A_225 = arith.constant 64 : index
          %get3A_226 = tpu.vector_load %arg11[%get3A_224, %get3A_225] {strides = array<i32>} : memref<128x128xf32, #tpu.memory_space<vmem>>, vector<1x16xf32>,
          %get3A_227 = vector.shape_cast %get3A_226 : vector<1x16xf32> to vector<16xf32>
          %mul3A_228 = vector.broadcast %squeeze3A_175 : f32 to vector<16xf32>
          %mul3A_229 = arith.mulf %get3A_227, %mul3A_228 : vector<16xf32>
          %swap3A_230 = arith.index_cast %add3A_179 : i32 to index
          %swap3A_231 = arith.constant 64 : index
          %swap3A_232 = tpu.vector_load %arg11[%swap3A_230, %swap3A_231] {strides = array<i32>} : memref<128x128xf32, #tpu.memory_space<vmem>>, vector<1x16xf32>,
          %swap3A_233 = vector.shape_cast %swap3A_232 : vector<1x16xf32> to vector<16xf32>
          %swap3A_234 = vector.shape_cast %mul3A_229 : vector<16xf32> to vector<1x16xf32>
          tpu.vector_store %arg11[%swap3A_230, %swap3A_231], %swap3A_234 {strides = array<i32>} : memref<128x128xf32, #tpu.memory_space<vmem>>, vector<1x16xf32>,
          %get3A_235 = arith.index_cast %add3A_179 : i32 to index
          %get3A_236 = arith.constant 80 : index
          %get3A_237 = tpu.vector_load %arg11[%get3A_235, %get3A_236] {strides = array<i32>} : memref<128x128xf32, #tpu.memory_space<vmem>>, vector<1x16xf32>,
          %get3A_238 = vector.shape_cast %get3A_237 : vector<1x16xf32> to vector<16xf32>
          %mul3A_239 = vector.broadcast %squeeze3A_175 : f32 to vector<16xf32>
          %mul3A_240 = arith.mulf %get3A_238, %mul3A_239 : vector<16xf32>
          %swap3A_241 = arith.index_cast %add3A_179 : i32 to index
          %swap3A_242 = arith.constant 80 : index
          %swap3A_243 = tpu.vector_load %arg11[%swap3A_241, %swap3A_242] {strides = array<i32>} : memref<128x128xf32, #tpu.memory_space<vmem>>, vector<1x16xf32>,
          %swap3A_244 = vector.shape_cast %swap3A_243 : vector<1x16xf32> to vector<16xf32>
          %swap3A_245 = vector.shape_cast %mul3A_240 : vector<16xf32> to vector<1x16xf32>
          tpu.vector_store %arg11[%swap3A_241, %swap3A_242], %swap3A_245 {strides = array<i32>} : memref<128x128xf32, #tpu.memory_space<vmem>>, vector<1x16xf32>,
          %get3A_246 = arith.index_cast %add3A_179 : i32 to index
          %get3A_247 = arith.constant 96 : index
          %get3A_248 = tpu.vector_load %arg11[%get3A_246, %get3A_247] {strides = array<i32>} : memref<128x128xf32, #tpu.memory_space<vmem>>, vector<1x16xf32>,
          %get3A_249 = vector.shape_cast %get3A_248 : vector<1x16xf32> to vector<16xf32>
          %mul3A_250 = vector.broadcast %squeeze3A_175 : f32 to vector<16xf32>
          %mul3A_251 = arith.mulf %get3A_249, %mul3A_250 : vector<16xf32>
          %swap3A_252 = arith.index_cast %add3A_179 : i32 to index
          %swap3A_253 = arith.constant 96 : index
          %swap3A_254 = tpu.vector_load %arg11[%swap3A_252, %swap3A_253] {strides = array<i32>} : memref<128x128xf32, #tpu.memory_space<vmem>>, vector<1x16xf32>,
          %swap3A_255 = vector.shape_cast %swap3A_254 : vector<1x16xf32> to vector<16xf32>
          %swap3A_256 = vector.shape_cast %mul3A_251 : vector<16xf32> to vector<1x16xf32>
          tpu.vector_store %arg11[%swap3A_252, %swap3A_253], %swap3A_256 {strides = array<i32>} : memref<128x128xf32, #tpu.memory_space<vmem>>, vector<1x16xf32>,
          %get3A_257 = arith.index_cast %add3A_179 : i32 to index
          %get3A_258 = arith.constant 112 : index
          %get3A_259 = tpu.vector_load %arg11[%get3A_257, %get3A_258] {strides = array<i32>} : memref<128x128xf32, #tpu.memory_space<vmem>>, vector<1x16xf32>,
          %get3A_260 = vector.shape_cast %get3A_259 : vector<1x16xf32> to vector<16xf32>
          %mul3A_261 = vector.broadcast %squeeze3A_175 : f32 to vector<16xf32>
          %mul3A_262 = arith.mulf %get3A_260, %mul3A_261 : vector<16xf32>
          %swap3A_263 = arith.index_cast %add3A_179 : i32 to index
          %swap3A_264 = arith.constant 112 : index
          %swap3A_265 = tpu.vector_load %arg11[%swap3A_263, %swap3A_264] {strides = array<i32>} : memref<128x128xf32, #tpu.memory_space<vmem>>, vector<1x16xf32>,
          %swap3A_266 = vector.shape_cast %swap3A_265 : vector<1x16xf32> to vector<16xf32>
          %swap3A_267 = vector.shape_cast %mul3A_262 : vector<16xf32> to vector<1x16xf32>
          tpu.vector_store %arg11[%swap3A_263, %swap3A_264], %swap3A_267 {strides = array<i32>} : memref<128x128xf32, #tpu.memory_space<vmem>>, vector<1x16xf32>,
          %slice3A_268 = vector.extract_strided_slice %get3A_82 {offsets = [2], sizes = [1], strides = [1]} : vector<16xf32> to vector<1xf32>
          %squeeze3A_269 = vector.extract %slice3A_268[0] : f32 from vector<1xf32>
          %mul3A_270 = arith.constant 16 : i32
          %mul3A_271 = arith.muli %scan3A_77, %mul3A_270 : i32
          %add3A_272 = arith.constant 2 : i32
          %add3A_273 = arith.addi %mul3A_271, %add3A_272 : i32
          %get3A_274 = arith.index_cast %add3A_273 : i32 to index
          %get3A_275 = arith.constant 0 : index
          %get3A_276 = tpu.vector_load %arg11[%get3A_274, %get3A_275] {strides = array<i32>} : memref<128x128xf32, #tpu.memory_space<vmem>>, vector<1x16xf32>,
          %get3A_277 = vector.shape_cast %get3A_276 : vector<1x16xf32> to vector<16xf32>
          %mul3A_278 = vector.broadcast %squeeze3A_269 : f32 to vector<16xf32>
          %mul3A_279 = arith.mulf %get3A_277, %mul3A_278 : vector<16xf32>
          %swap3A_280 = arith.index_cast %add3A_273 : i32 to index
          %swap3A_281 = arith.constant 0 : index
          %swap3A_282 = tpu.vector_load %arg11[%swap3A_280, %swap3A_281] {strides = array<i32>} : memref<128x128xf32, #tpu.memory_space<vmem>>, vector<1x16xf32>,
          %swap3A_283 = vector.shape_cast %swap3A_282 : vector<1x16xf32> to vector<16xf32>
          %swap3A_284 = vector.shape_cast %mul3A_279 : vector<16xf32> to vector<1x16xf32>
          tpu.vector_store %arg11[%swap3A_280, %swap3A_281], %swap3A_284 {strides = array<i32>} : memref<128x128xf32, #tpu.memory_space<vmem>>, vector<1x16xf32>,
          %get3A_285 = arith.index_cast %add3A_273 : i32 to index
          %get3A_286 = arith.constant 16 : index
          %get3A_287 = tpu.vector_load %arg11[%get3A_285, %get3A_286] {strides = array<i32>} : memref<128x128xf32, #tpu.memory_space<vmem>>, vector<1x16xf32>,
          %get3A_288 = vector.shape_cast %get3A_287 : vector<1x16xf32> to vector<16xf32>
          %mul3A_289 = vector.broadcast %squeeze3A_269 : f32 to vector<16xf32>
          %mul3A_290 = arith.mulf %get3A_288, %mul3A_289 : vector<16xf32>
          %swap3A_291 = arith.index_cast %add3A_273 : i32 to index
          %swap3A_292 = arith.constant 16 : index
          %swap3A_293 = tpu.vector_load %arg11[%swap3A_291, %swap3A_292] {strides = array<i32>} : memref<128x128xf32, #tpu.memory_space<vmem>>, vector<1x16xf32>,
          %swap3A_294 = vector.shape_cast %swap3A_293 : vector<1x16xf32> to vector<16xf32>
          %swap3A_295 = vector.shape_cast %mul3A_290 : vector<16xf32> to vector<1x16xf32>
          tpu.vector_store %arg11[%swap3A_291, %swap3A_292], %swap3A_295 {strides = array<i32>} : memref<128x128xf32, #tpu.memory_space<vmem>>, vector<1x16xf32>,
          %get3A_296 = arith.index_cast %add3A_273 : i32 to index
          %get3A_297 = arith.constant 32 : index
          %get3A_298 = tpu.vector_load %arg11[%get3A_296, %get3A_297] {strides = array<i32>} : memref<128x128xf32, #tpu.memory_space<vmem>>, vector<1x16xf32>,
          %get3A_299 = vector.shape_cast %get3A_298 : vector<1x16xf32> to vector<16xf32>
          %mul3A_300 = vector.broadcast %squeeze3A_269 : f32 to vector<16xf32>
          %mul3A_301 = arith.mulf %get3A_299, %mul3A_300 : vector<16xf32>
          %swap3A_302 = arith.index_cast %add3A_273 : i32 to index
          %swap3A_303 = arith.constant 32 : index
          %swap3A_304 = tpu.vector_load %arg11[%swap3A_302, %swap3A_303] {strides = array<i32>} : memref<128x128xf32, #tpu.memory_space<vmem>>, vector<1x16xf32>,
          %swap3A_305 = vector.shape_cast %swap3A_304 : vector<1x16xf32> to vector<16xf32>
          %swap3A_306 = vector.shape_cast %mul3A_301 : vector<16xf32> to vector<1x16xf32>
          tpu.vector_store %arg11[%swap3A_302, %swap3A_303], %swap3A_306 {strides = array<i32>} : memref<128x128xf32, #tpu.memory_space<vmem>>, vector<1x16xf32>,
          %get3A_307 = arith.index_cast %add3A_273 : i32 to index
          %get3A_308 = arith.constant 48 : index
          %get3A_309 = tpu.vector_load %arg11[%get3A_307, %get3A_308] {strides = array<i32>} : memref<128x128xf32, #tpu.memory_space<vmem>>, vector<1x16xf32>,
          %get3A_310 = vector.shape_cast %get3A_309 : vector<1x16xf32> to vector<16xf32>
          %mul3A_311 = vector.broadcast %squeeze3A_269 : f32 to vector<16xf32>
          %mul3A_312 = arith.mulf %get3A_310, %mul3A_311 : vector<16xf32>
          %swap3A_313 = arith.index_cast %add3A_273 : i32 to index
          %swap3A_314 = arith.constant 48 : index
          %swap3A_315 = tpu.vector_load %arg11[%swap3A_313, %swap3A_314] {strides = array<i32>} : memref<128x128xf32, #tpu.memory_space<vmem>>, vector<1x16xf32>,
          %swap3A_316 = vector.shape_cast %swap3A_315 : vector<1x16xf32> to vector<16xf32>
          %swap3A_317 = vector.shape_cast %mul3A_312 : vector<16xf32> to vector<1x16xf32>
          tpu.vector_store %arg11[%swap3A_313, %swap3A_314], %swap3A_317 {strides = array<i32>} : memref<128x128xf32, #tpu.memory_space<vmem>>, vector<1x16xf32>,
          %get3A_318 = arith.index_cast %add3A_273 : i32 to index
          %get3A_319 = arith.constant 64 : index
          %get3A_320 = tpu.vector_load %arg11[%get3A_318, %get3A_319] {strides = array<i32>} : memref<128x128xf32, #tpu.memory_space<vmem>>, vector<1x16xf32>,
          %get3A_321 = vector.shape_cast %get3A_320 : vector<1x16xf32> to vector<16xf32>
          %mul3A_322 = vector.broadcast %squeeze3A_269 : f32 to vector<16xf32>
          %mul3A_323 = arith.mulf %get3A_321, %mul3A_322 : vector<16xf32>
          %swap3A_324 = arith.index_cast %add3A_273 : i32 to index
          %swap3A_325 = arith.constant 64 : index
          %swap3A_326 = tpu.vector_load %arg11[%swap3A_324, %swap3A_325] {strides = array<i32>} : memref<128x128xf32, #tpu.memory_space<vmem>>, vector<1x16xf32>,
          %swap3A_327 = vector.shape_cast %swap3A_326 : vector<1x16xf32> to vector<16xf32>
          %swap3A_328 = vector.shape_cast %mul3A_323 : vector<16xf32> to vector<1x16xf32>
          tpu.vector_store %arg11[%swap3A_324, %swap3A_325], %swap3A_328 {strides = array<i32>} : memref<128x128xf32, #tpu.memory_space<vmem>>, vector<1x16xf32>,
          %get3A_329 = arith.index_cast %add3A_273 : i32 to index
          %get3A_330 = arith.constant 80 : index
          %get3A_331 = tpu.vector_load %arg11[%get3A_329, %get3A_330] {strides = array<i32>} : memref<128x128xf32, #tpu.memory_space<vmem>>, vector<1x16xf32>,
          %get3A_332 = vector.shape_cast %get3A_331 : vector<1x16xf32> to vector<16xf32>
          %mul3A_333 = vector.broadcast %squeeze3A_269 : f32 to vector<16xf32>
          %mul3A_334 = arith.mulf %get3A_332, %mul3A_333 : vector<16xf32>
          %swap3A_335 = arith.index_cast %add3A_273 : i32 to index
          %swap3A_336 = arith.constant 80 : index
          %swap3A_337 = tpu.vector_load %arg11[%swap3A_335, %swap3A_336] {strides = array<i32>} : memref<128x128xf32, #tpu.memory_space<vmem>>, vector<1x16xf32>,
          %swap3A_338 = vector.shape_cast %swap3A_337 : vector<1x16xf32> to vector<16xf32>
          %swap3A_339 = vector.shape_cast %mul3A_334 : vector<16xf32> to vector<1x16xf32>
          tpu.vector_store %arg11[%swap3A_335, %swap3A_336], %swap3A_339 {strides = array<i32>} : memref<128x128xf32, #tpu.memory_space<vmem>>, vector<1x16xf32>,
          %get3A_340 = arith.index_cast %add3A_273 : i32 to index
          %get3A_341 = arith.constant 96 : index
          %get3A_342 = tpu.vector_load %arg11[%get3A_340, %get3A_341] {strides = array<i32>} : memref<128x128xf32, #tpu.memory_space<vmem>>, vector<1x16xf32>,
          %get3A_343 = vector.shape_cast %get3A_342 : vector<1x16xf32> to vector<16xf32>
          %mul3A_344 = vector.broadcast %squeeze3A_269 : f32 to vector<16xf32>
          %mul3A_345 = arith.mulf %get3A_343, %mul3A_344 : vector<16xf32>
          %swap3A_346 = arith.index_cast %add3A_273 : i32 to index
          %swap3A_347 = arith.constant 96 : index
          %swap3A_348 = tpu.vector_load %arg11[%swap3A_346, %swap3A_347] {strides = array<i32>} : memref<128x128xf32, #tpu.memory_space<vmem>>, vector<1x16xf32>,
          %swap3A_349 = vector.shape_cast %swap3A_348 : vector<1x16xf32> to vector<16xf32>
          %swap3A_350 = vector.shape_cast %mul3A_345 : vector<16xf32> to vector<1x16xf32>
          tpu.vector_store %arg11[%swap3A_346, %swap3A_347], %swap3A_350 {strides = array<i32>} : memref<128x128xf32, #tpu.memory_space<vmem>>, vector<1x16xf32>,
          %get3A_351 = arith.index_cast %add3A_273 : i32 to index
          %get3A_352 = arith.constant 112 : index
          %get3A_353 = tpu.vector_load %arg11[%get3A_351, %get3A_352] {strides = array<i32>} : memref<128x128xf32, #tpu.memory_space<vmem>>, vector<1x16xf32>,
          %get3A_354 = vector.shape_cast %get3A_353 : vector<1x16xf32> to vector<16xf32>
          %mul3A_355 = vector.broadcast %squeeze3A_269 : f32 to vector<16xf32>
          %mul3A_356 = arith.mulf %get3A_354, %mul3A_355 : vector<16xf32>
          %swap3A_357 = arith.index_cast %add3A_273 : i32 to index
          %swap3A_358 = arith.constant 112 : index
          %swap3A_359 = tpu.vector_load %arg11[%swap3A_357, %swap3A_358] {strides = array<i32>} : memref<128x128xf32, #tpu.memory_space<vmem>>, vector<1x16xf32>,
          %swap3A_360 = vector.shape_cast %swap3A_359 : vector<1x16xf32> to vector<16xf32>
          %swap3A_361 = vector.shape_cast %mul3A_356 : vector<16xf32> to vector<1x16xf32>
          tpu.vector_store %arg11[%swap3A_357, %swap3A_358], %swap3A_361 {strides = array<i32>} : memref<128x128xf32, #tpu.memory_space<vmem>>, vector<1x16xf32>,
          %slice3A_362 = vector.extract_strided_slice %get3A_82 {offsets = [3], sizes = [1], strides = [1]} : vector<16xf32> to vector<1xf32>
          %squeeze3A_363 = vector.extract %slice3A_362[0] : f32 from vector<1xf32>
          %mul3A_364 = arith.constant 16 : i32
          %mul3A_365 = arith.muli %scan3A_77, %mul3A_364 : i32
          %add3A_366 = arith.constant 3 : i32
          %add3A_367 = arith.addi %mul3A_365, %add3A_366 : i32
          %get3A_368 = arith.index_cast %add3A_367 : i32 to index
          %get3A_369 = arith.constant 0 : index
          %get3A_370 = tpu.vector_load %arg11[%get3A_368, %get3A_369] {strides = array<i32>} : memref<128x128xf32, #tpu.memory_space<vmem>>, vector<1x16xf32>,
          %get3A_371 = vector.shape_cast %get3A_370 : vector<1x16xf32> to vector<16xf32>
          %mul3A_372 = vector.broadcast %squeeze3A_363 : f32 to vector<16xf32>
          %mul3A_373 = arith.mulf %get3A_371, %mul3A_372 : vector<16xf32>
          %swap3A_374 = arith.index_cast %add3A_367 : i32 to index
          %swap3A_375 = arith.constant 0 : index
          %swap3A_376 = tpu.vector_load %arg11[%swap3A_374, %swap3A_375] {strides = array<i32>} : memref<128x128xf32, #tpu.memory_space<vmem>>, vector<1x16xf32>,
          %swap3A_377 = vector.shape_cast %swap3A_376 : vector<1x16xf32> to vector<16xf32>
          %swap3A_378 = vector.shape_cast %mul3A_373 : vector<16xf32> to vector<1x16xf32>
          tpu.vector_store %arg11[%swap3A_374, %swap3A_375], %swap3A_378 {strides = array<i32>} : memref<128x128xf32, #tpu.memory_space<vmem>>, vector<1x16xf32>,
          %get3A_379 = arith.index_cast %add3A_367 : i32 to index
          %get3A_380 = arith.constant 16 : index
          %get3A_381 = tpu.vector_load %arg11[%get3A_379, %get3A_380] {strides = array<i32>} : memref<128x128xf32, #tpu.memory_space<vmem>>, vector<1x16xf32>,
          %get3A_382 = vector.shape_cast %get3A_381 : vector<1x16xf32> to vector<16xf32>
          %mul3A_383 = vector.broadcast %squeeze3A_363 : f32 to vector<16xf32>
          %mul3A_384 = arith.mulf %get3A_382, %mul3A_383 : vector<16xf32>
          %swap3A_385 = arith.index_cast %add3A_367 : i32 to index
          %swap3A_386 = arith.constant 16 : index
          %swap3A_387 = tpu.vector_load %arg11[%swap3A_385, %swap3A_386] {strides = array<i32>} : memref<128x128xf32, #tpu.memory_space<vmem>>, vector<1x16xf32>,
          %swap3A_388 = vector.shape_cast %swap3A_387 : vector<1x16xf32> to vector<16xf32>
          %swap3A_389 = vector.shape_cast %mul3A_384 : vector<16xf32> to vector<1x16xf32>
          tpu.vector_store %arg11[%swap3A_385, %swap3A_386], %swap3A_389 {strides = array<i32>} : memref<128x128xf32, #tpu.memory_space<vmem>>, vector<1x16xf32>,
          %get3A_390 = arith.index_cast %add3A_367 : i32 to index
          %get3A_391 = arith.constant 32 : index
          %get3A_392 = tpu.vector_load %arg11[%get3A_390, %get3A_391] {strides = array<i32>} : memref<128x128xf32, #tpu.memory_space<vmem>>, vector<1x16xf32>,
          %get3A_393 = vector.shape_cast %get3A_392 : vector<1x16xf32> to vector<16xf32>
          %mul3A_394 = vector.broadcast %squeeze3A_363 : f32 to vector<16xf32>
          %mul3A_395 = arith.mulf %get3A_393, %mul3A_394 : vector<16xf32>
          %swap3A_396 = arith.index_cast %add3A_367 : i32 to index
          %swap3A_397 = arith.constant 32 : index
          %swap3A_398 = tpu.vector_load %arg11[%swap3A_396, %swap3A_397] {strides = array<i32>} : memref<128x128xf32, #tpu.memory_space<vmem>>, vector<1x16xf32>,
          %swap3A_399 = vector.shape_cast %swap3A_398 : vector<1x16xf32> to vector<16xf32>
          %swap3A_400 = vector.shape_cast %mul3A_395 : vector<16xf32> to vector<1x16xf32>
          tpu.vector_store %arg11[%swap3A_396, %swap3A_397], %swap3A_400 {strides = array<i32>} : memref<128x128xf32, #tpu.memory_space<vmem>>, vector<1x16xf32>,
          %get3A_401 = arith.index_cast %add3A_367 : i32 to index
          %get3A_402 = arith.constant 48 : index
          %get3A_403 = tpu.vector_load %arg11[%get3A_401, %get3A_402] {strides = array<i32>} : memref<128x128xf32, #tpu.memory_space<vmem>>, vector<1x16xf32>,
          %get3A_404 = vector.shape_cast %get3A_403 : vector<1x16xf32> to vector<16xf32>
          %mul3A_405 = vector.broadcast %squeeze3A_363 : f32 to vector<16xf32>
          %mul3A_406 = arith.mulf %get3A_404, %mul3A_405 : vector<16xf32>
          %swap3A_407 = arith.index_cast %add3A_367 : i32 to index
          %swap3A_408 = arith.constant 48 : index
          %swap3A_409 = tpu.vector_load %arg11[%swap3A_407, %swap3A_408] {strides = array<i32>} : memref<128x128xf32, #tpu.memory_space<vmem>>, vector<1x16xf32>,
          %swap3A_410 = vector.shape_cast %swap3A_409 : vector<1x16xf32> to vector<16xf32>
          %swap3A_411 = vector.shape_cast %mul3A_406 : vector<16xf32> to vector<1x16xf32>
          tpu.vector_store %arg11[%swap3A_407, %swap3A_408], %swap3A_411 {strides = array<i32>} : memref<128x128xf32, #tpu.memory_space<vmem>>, vector<1x16xf32>,
          %get3A_412 = arith.index_cast %add3A_367 : i32 to index
          %get3A_413 = arith.constant 64 : index
          %get3A_414 = tpu.vector_load %arg11[%get3A_412, %get3A_413] {strides = array<i32>} : memref<128x128xf32, #tpu.memory_space<vmem>>, vector<1x16xf32>,
          %get3A_415 = vector.shape_cast %get3A_414 : vector<1x16xf32> to vector<16xf32>
          %mul3A_416 = vector.broadcast %squeeze3A_363 : f32 to vector<16xf32>
          %mul3A_417 = arith.mulf %get3A_415, %mul3A_416 : vector<16xf32>
          %swap3A_418 = arith.index_cast %add3A_367 : i32 to index
          %swap3A_419 = arith.constant 64 : index
          %swap3A_420 = tpu.vector_load %arg11[%swap3A_418, %swap3A_419] {strides = array<i32>} : memref<128x128xf32, #tpu.memory_space<vmem>>, vector<1x16xf32>,
          %swap3A_421 = vector.shape_cast %swap3A_420 : vector<1x16xf32> to vector<16xf32>
          %swap3A_422 = vector.shape_cast %mul3A_417 : vector<16xf32> to vector<1x16xf32>
          tpu.vector_store %arg11[%swap3A_418, %swap3A_419], %swap3A_422 {strides = array<i32>} : memref<128x128xf32, #tpu.memory_space<vmem>>, vector<1x16xf32>,
          %get3A_423 = arith.index_cast %add3A_367 : i32 to index
          %get3A_424 = arith.constant 80 : index
          %get3A_425 = tpu.vector_load %arg11[%get3A_423, %get3A_424] {strides = array<i32>} : memref<128x128xf32, #tpu.memory_space<vmem>>, vector<1x16xf32>,
          %get3A_426 = vector.shape_cast %get3A_425 : vector<1x16xf32> to vector<16xf32>
          %mul3A_427 = vector.broadcast %squeeze3A_363 : f32 to vector<16xf32>
          %mul3A_428 = arith.mulf %get3A_426, %mul3A_427 : vector<16xf32>
          %swap3A_429 = arith.index_cast %add3A_367 : i32 to index
          %swap3A_430 = arith.constant 80 : index
          %swap3A_431 = tpu.vector_load %arg11[%swap3A_429, %swap3A_430] {strides = array<i32>} : memref<128x128xf32, #tpu.memory_space<vmem>>, vector<1x16xf32>,
          %swap3A_432 = vector.shape_cast %swap3A_431 : vector<1x16xf32> to vector<16xf32>
          %swap3A_433 = vector.shape_cast %mul3A_428 : vector<16xf32> to vector<1x16xf32>
          tpu.vector_store %arg11[%swap3A_429, %swap3A_430], %swap3A_433 {strides = array<i32>} : memref<128x128xf32, #tpu.memory_space<vmem>>, vector<1x16xf32>,
          %get3A_434 = arith.index_cast %add3A_367 : i32 to index
          %get3A_435 = arith.constant 96 : index
          %get3A_436 = tpu.vector_load %arg11[%get3A_434, %get3A_435] {strides = array<i32>} : memref<128x128xf32, #tpu.memory_space<vmem>>, vector<1x16xf32>,
          %get3A_437 = vector.shape_cast %get3A_436 : vector<1x16xf32> to vector<16xf32>
          %mul3A_438 = vector.broadcast %squeeze3A_363 : f32 to vector<16xf32>
          %mul3A_439 = arith.mulf %get3A_437, %mul3A_438 : vector<16xf32>
          %swap3A_440 = arith.index_cast %add3A_367 : i32 to index
          %swap3A_441 = arith.constant 96 : index
          %swap3A_442 = tpu.vector_load %arg11[%swap3A_440, %swap3A_441] {strides = array<i32>} : memref<128x128xf32, #tpu.memory_space<vmem>>, vector<1x16xf32>,
          %swap3A_443 = vector.shape_cast %swap3A_442 : vector<1x16xf32> to vector<16xf32>
          %swap3A_444 = vector.shape_cast %mul3A_439 : vector<16xf32> to vector<1x16xf32>
          tpu.vector_store %arg11[%swap3A_440, %swap3A_441], %swap3A_444 {strides = array<i32>} : memref<128x128xf32, #tpu.memory_space<vmem>>, vector<1x16xf32>,
          %get3A_445 = arith.index_cast %add3A_367 : i32 to index
          %get3A_446 = arith.constant 112 : index
          %get3A_447 = tpu.vector_load %arg11[%get3A_445, %get3A_446] {strides = array<i32>} : memref<128x128xf32, #tpu.memory_space<vmem>>, vector<1x16xf32>,
          %get3A_448 = vector.shape_cast %get3A_447 : vector<1x16xf32> to vector<16xf32>
          %mul3A_449 = vector.broadcast %squeeze3A_363 : f32 to vector<16xf32>
          %mul3A_450 = arith.mulf %get3A_448, %mul3A_449 : vector<16xf32>
          %swap3A_451 = arith.index_cast %add3A_367 : i32 to index
          %swap3A_452 = arith.constant 112 : index
          %swap3A_453 = tpu.vector_load %arg11[%swap3A_451, %swap3A_452] {strides = array<i32>} : memref<128x128xf32, #tpu.memory_space<vmem>>, vector<1x16xf32>,
          %swap3A_454 = vector.shape_cast %swap3A_453 : vector<1x16xf32> to vector<16xf32>
          %swap3A_455 = vector.shape_cast %mul3A_450 : vector<16xf32> to vector<1x16xf32>
          tpu.vector_store %arg11[%swap3A_451, %swap3A_452], %swap3A_455 {strides = array<i32>} : memref<128x128xf32, #tpu.memory_space<vmem>>, vector<1x16xf32>,
          %slice3A_456 = vector.extract_strided_slice %get3A_82 {offsets = [4], sizes = [1], strides = [1]} : vector<16xf32> to vector<1xf32>
          %squeeze3A_457 = vector.extract %slice3A_456[0] : f32 from vector<1xf32>
          %mul3A_458 = arith.constant 16 : i32
          %mul3A_459 = arith.muli %scan3A_77, %mul3A_458 : i32
          %add3A_460 = arith.constant 4 : i32
          %add3A_461 = arith.addi %mul3A_459, %add3A_460 : i32
          %get3A_462 = arith.index_cast %add3A_461 : i32 to index
          %get3A_463 = arith.constant 0 : index
          %get3A_464 = tpu.vector_load %arg11[%get3A_462, %get3A_463] {strides = array<i32>} : memref<128x128xf32, #tpu.memory_space<vmem>>, vector<1x16xf32>,
          %get3A_465 = vector.shape_cast %get3A_464 : vector<1x16xf32> to vector<16xf32>
          %mul3A_466 = vector.broadcast %squeeze3A_457 : f32 to vector<16xf32>
          %mul3A_467 = arith.mulf %get3A_465, %mul3A_466 : vector<16xf32>
          %swap3A_468 = arith.index_cast %add3A_461 : i32 to index
          %swap3A_469 = arith.constant 0 : index
          %swap3A_470 = tpu.vector_load %arg11[%swap3A_468, %swap3A_469] {strides = array<i32>} : memref<128x128xf32, #tpu.memory_space<vmem>>, vector<1x16xf32>,
          %swap3A_471 = vector.shape_cast %swap3A_470 : vector<1x16xf32> to vector<16xf32>
          %swap3A_472 = vector.shape_cast %mul3A_467 : vector<16xf32> to vector<1x16xf32>
          tpu.vector_store %arg11[%swap3A_468, %swap3A_469], %swap3A_472 {strides = array<i32>} : memref<128x128xf32, #tpu.memory_space<vmem>>, vector<1x16xf32>,
          %get3A_473 = arith.index_cast %add3A_461 : i32 to index
          %get3A_474 = arith.constant 16 : index
          %get3A_475 = tpu.vector_load %arg11[%get3A_473, %get3A_474] {strides = array<i32>} : memref<128x128xf32, #tpu.memory_space<vmem>>, vector<1x16xf32>,
          %get3A_476 = vector.shape_cast %get3A_475 : vector<1x16xf32> to vector<16xf32>
          %mul3A_477 = vector.broadcast %squeeze3A_457 : f32 to vector<16xf32>
          %mul3A_478 = arith.mulf %get3A_476, %mul3A_477 : vector<16xf32>
          %swap3A_479 = arith.index_cast %add3A_461 : i32 to index
          %swap3A_480 = arith.constant 16 : index
          %swap3A_481 = tpu.vector_load %arg11[%swap3A_479, %swap3A_480] {strides = array<i32>} : memref<128x128xf32, #tpu.memory_space<vmem>>, vector<1x16xf32>,
          %swap3A_482 = vector.shape_cast %swap3A_481 : vector<1x16xf32> to vector<16xf32>
          %swap3A_483 = vector.shape_cast %mul3A_478 : vector<16xf32> to vector<1x16xf32>
          tpu.vector_store %arg11[%swap3A_479, %swap3A_480], %swap3A_483 {strides = array<i32>} : memref<128x128xf32, #tpu.memory_space<vmem>>, vector<1x16xf32>,
          %get3A_484 = arith.index_cast %add3A_461 : i32 to index
          %get3A_485 = arith.constant 32 : index
          %get3A_486 = tpu.vector_load %arg11[%get3A_484, %get3A_485] {strides = array<i32>} : memref<128x128xf32, #tpu.memory_space<vmem>>, vector<1x16xf32>,
          %get3A_487 = vector.shape_cast %get3A_486 : vector<1x16xf32> to vector<16xf32>
          %mul3A_488 = vector.broadcast %squeeze3A_457 : f32 to vector<16xf32>
          %mul3A_489 = arith.mulf %get3A_487, %mul3A_488 : vector<16xf32>
          %swap3A_490 = arith.index_cast %add3A_461 : i32 to index
          %swap3A_491 = arith.constant 32 : index
          %swap3A_492 = tpu.vector_load %arg11[%swap3A_490, %swap3A_491] {strides = array<i32>} : memref<128x128xf32, #tpu.memory_space<vmem>>, vector<1x16xf32>,
          %swap3A_493 = vector.shape_cast %swap3A_492 : vector<1x16xf32> to vector<16xf32>
          %swap3A_494 = vector.shape_cast %mul3A_489 : vector<16xf32> to vector<1x16xf32>
          tpu.vector_store %arg11[%swap3A_490, %swap3A_491], %swap3A_494 {strides = array<i32>} : memref<128x128xf32, #tpu.memory_space<vmem>>, vector<1x16xf32>,
          %get3A_495 = arith.index_cast %add3A_461 : i32 to index
          %get3A_496 = arith.constant 48 : index
          %get3A_497 = tpu.vector_load %arg11[%get3A_495, %get3A_496] {strides = array<i32>} : memref<128x128xf32, #tpu.memory_space<vmem>>, vector<1x16xf32>,
          %get3A_498 = vector.shape_cast %get3A_497 : vector<1x16xf32> to vector<16xf32>
          %mul3A_499 = vector.broadcast %squeeze3A_457 : f32 to vector<16xf32>
          %mul3A_500 = arith.mulf %get3A_498, %mul3A_499 : vector<16xf32>
          %swap3A_501 = arith.index_cast %add3A_461 : i32 to index
          %swap3A_502 = arith.constant 48 : index
          %swap3A_503 = tpu.vector_load %arg11[%swap3A_501, %swap3A_502] {strides = array<i32>} : memref<128x128xf32, #tpu.memory_space<vmem>>, vector<1x16xf32>,
          %swap3A_504 = vector.shape_cast %swap3A_503 : vector<1x16xf32> to vector<16xf32>
          %swap3A_505 = vector.shape_cast %mul3A_500 : vector<16xf32> to vector<1x16xf32>
          tpu.vector_store %arg11[%swap3A_501, %swap3A_502], %swap3A_505 {strides = array<i32>} : memref<128x128xf32, #tpu.memory_space<vmem>>, vector<1x16xf32>,
          %get3A_506 = arith.index_cast %add3A_461 : i32 to index
          %get3A_507 = arith.constant 64 : index
          %get3A_508 = tpu.vector_load %arg11[%get3A_506, %get3A_507] {strides = array<i32>} : memref<128x128xf32, #tpu.memory_space<vmem>>, vector<1x16xf32>,
          %get3A_509 = vector.shape_cast %get3A_508 : vector<1x16xf32> to vector<16xf32>
          %mul3A_510 = vector.broadcast %squeeze3A_457 : f32 to vector<16xf32>
          %mul3A_511 = arith.mulf %get3A_509, %mul3A_510 : vector<16xf32>
          %swap3A_512 = arith.index_cast %add3A_461 : i32 to index
          %swap3A_513 = arith.constant 64 : index
          %swap3A_514 = tpu.vector_load %arg11[%swap3A_512, %swap3A_513] {strides = array<i32>} : memref<128x128xf32, #tpu.memory_space<vmem>>, vector<1x16xf32>,
          %swap3A_515 = vector.shape_cast %swap3A_514 : vector<1x16xf32> to vector<16xf32>
          %swap3A_516 = vector.shape_cast %mul3A_511 : vector<16xf32> to vector<1x16xf32>
          tpu.vector_store %arg11[%swap3A_512, %swap3A_513], %swap3A_516 {strides = array<i32>} : memref<128x128xf32, #tpu.memory_space<vmem>>, vector<1x16xf32>,
          %get3A_517 = arith.index_cast %add3A_461 : i32 to index
          %get3A_518 = arith.constant 80 : index
          %get3A_519 = tpu.vector_load %arg11[%get3A_517, %get3A_518] {strides = array<i32>} : memref<128x128xf32, #tpu.memory_space<vmem>>, vector<1x16xf32>,
          %get3A_520 = vector.shape_cast %get3A_519 : vector<1x16xf32> to vector<16xf32>
          %mul3A_521 = vector.broadcast %squeeze3A_457 : f32 to vector<16xf32>
          %mul3A_522 = arith.mulf %get3A_520, %mul3A_521 : vector<16xf32>
          %swap3A_523 = arith.index_cast %add3A_461 : i32 to index
          %swap3A_524 = arith.constant 80 : index
          %swap3A_525 = tpu.vector_load %arg11[%swap3A_523, %swap3A_524] {strides = array<i32>} : memref<128x128xf32, #tpu.memory_space<vmem>>, vector<1x16xf32>,
          %swap3A_526 = vector.shape_cast %swap3A_525 : vector<1x16xf32> to vector<16xf32>
          %swap3A_527 = vector.shape_cast %mul3A_522 : vector<16xf32> to vector<1x16xf32>
          tpu.vector_store %arg11[%swap3A_523, %swap3A_524], %swap3A_527 {strides = array<i32>} : memref<128x128xf32, #tpu.memory_space<vmem>>, vector<1x16xf32>,
          %get3A_528 = arith.index_cast %add3A_461 : i32 to index
          %get3A_529 = arith.constant 96 : index
          %get3A_530 = tpu.vector_load %arg11[%get3A_528, %get3A_529] {strides = array<i32>} : memref<128x128xf32, #tpu.memory_space<vmem>>, vector<1x16xf32>,
          %get3A_531 = vector.shape_cast %get3A_530 : vector<1x16xf32> to vector<16xf32>
          %mul3A_532 = vector.broadcast %squeeze3A_457 : f32 to vector<16xf32>
          %mul3A_533 = arith.mulf %get3A_531, %mul3A_532 : vector<16xf32>
          %swap3A_534 = arith.index_cast %add3A_461 : i32 to index
          %swap3A_535 = arith.constant 96 : index
          %swap3A_536 = tpu.vector_load %arg11[%swap3A_534, %swap3A_535] {strides = array<i32>} : memref<128x128xf32, #tpu.memory_space<vmem>>, vector<1x16xf32>,
          %swap3A_537 = vector.shape_cast %swap3A_536 : vector<1x16xf32> to vector<16xf32>
          %swap3A_538 = vector.shape_cast %mul3A_533 : vector<16xf32> to vector<1x16xf32>
          tpu.vector_store %arg11[%swap3A_534, %swap3A_535], %swap3A_538 {strides = array<i32>} : memref<128x128xf32, #tpu.memory_space<vmem>>, vector<1x16xf32>,
          %get3A_539 = arith.index_cast %add3A_461 : i32 to index
          %get3A_540 = arith.constant 112 : index
          %get3A_541 = tpu.vector_load %arg11[%get3A_539, %get3A_540] {strides = array<i32>} : memref<128x128xf32, #tpu.memory_space<vmem>>, vector<1x16xf32>,
          %get3A_542 = vector.shape_cast %get3A_541 : vector<1x16xf32> to vector<16xf32>
          %mul3A_543 = vector.broadcast %squeeze3A_457 : f32 to vector<16xf32>
          %mul3A_544 = arith.mulf %get3A_542, %mul3A_543 : vector<16xf32>
          %swap3A_545 = arith.index_cast %add3A_461 : i32 to index
          %swap3A_546 = arith.constant 112 : index
          %swap3A_547 = tpu.vector_load %arg11[%swap3A_545, %swap3A_546] {strides = array<i32>} : memref<128x128xf32, #tpu.memory_space<vmem>>, vector<1x16xf32>,
          %swap3A_548 = vector.shape_cast %swap3A_547 : vector<1x16xf32> to vector<16xf32>
          %swap3A_549 = vector.shape_cast %mul3A_544 : vector<16xf32> to vector<1x16xf32>
          tpu.vector_store %arg11[%swap3A_545, %swap3A_546], %swap3A_549 {strides = array<i32>} : memref<128x128xf32, #tpu.memory_space<vmem>>, vector<1x16xf32>,
          %slice3A_550 = vector.extract_strided_slice %get3A_82 {offsets = [5], sizes = [1], strides = [1]} : vector<16xf32> to vector<1xf32>
          %squeeze3A_551 = vector.extract %slice3A_550[0] : f32 from vector<1xf32>
          %mul3A_552 = arith.constant 16 : i32
          %mul3A_553 = arith.muli %scan3A_77, %mul3A_552 : i32
          %add3A_554 = arith.constant 5 : i32
          %add3A_555 = arith.addi %mul3A_553, %add3A_554 : i32
          %get3A_556 = arith.index_cast %add3A_555 : i32 to index
          %get3A_557 = arith.constant 0 : index
          %get3A_558 = tpu.vector_load %arg11[%get3A_556, %get3A_557] {strides = array<i32>} : memref<128x128xf32, #tpu.memory_space<vmem>>, vector<1x16xf32>,
          %get3A_559 = vector.shape_cast %get3A_558 : vector<1x16xf32> to vector<16xf32>
          %mul3A_560 = vector.broadcast %squeeze3A_551 : f32 to vector<16xf32>
          %mul3A_561 = arith.mulf %get3A_559, %mul3A_560 : vector<16xf32>
          %swap3A_562 = arith.index_cast %add3A_555 : i32 to index
          %swap3A_563 = arith.constant 0 : index
          %swap3A_564 = tpu.vector_load %arg11[%swap3A_562, %swap3A_563] {strides = array<i32>} : memref<128x128xf32, #tpu.memory_space<vmem>>, vector<1x16xf32>,
          %swap3A_565 = vector.shape_cast %swap3A_564 : vector<1x16xf32> to vector<16xf32>
          %swap3A_566 = vector.shape_cast %mul3A_561 : vector<16xf32> to vector<1x16xf32>
          tpu.vector_store %arg11[%swap3A_562, %swap3A_563], %swap3A_566 {strides = array<i32>} : memref<128x128xf32, #tpu.memory_space<vmem>>, vector<1x16xf32>,
          %get3A_567 = arith.index_cast %add3A_555 : i32 to index
          %get3A_568 = arith.constant 16 : index
          %get3A_569 = tpu.vector_load %arg11[%get3A_567, %get3A_568] {strides = array<i32>} : memref<128x128xf32, #tpu.memory_space<vmem>>, vector<1x16xf32>,
          %get3A_570 = vector.shape_cast %get3A_569 : vector<1x16xf32> to vector<16xf32>
          %mul3A_571 = vector.broadcast %squeeze3A_551 : f32 to vector<16xf32>
          %mul3A_572 = arith.mulf %get3A_570, %mul3A_571 : vector<16xf32>
          %swap3A_573 = arith.index_cast %add3A_555 : i32 to index
          %swap3A_574 = arith.constant 16 : index
          %swap3A_575 = tpu.vector_load %arg11[%swap3A_573, %swap3A_574] {strides = array<i32>} : memref<128x128xf32, #tpu.memory_space<vmem>>, vector<1x16xf32>,
          %swap3A_576 = vector.shape_cast %swap3A_575 : vector<1x16xf32> to vector<16xf32>
          %swap3A_577 = vector.shape_cast %mul3A_572 : vector<16xf32> to vector<1x16xf32>
          tpu.vector_store %arg11[%swap3A_573, %swap3A_574], %swap3A_577 {strides = array<i32>} : memref<128x128xf32, #tpu.memory_space<vmem>>, vector<1x16xf32>,
          %get3A_578 = arith.index_cast %add3A_555 : i32 to index
          %get3A_579 = arith.constant 32 : index
          %get3A_580 = tpu.vector_load %arg11[%get3A_578, %get3A_579] {strides = array<i32>} : memref<128x128xf32, #tpu.memory_space<vmem>>, vector<1x16xf32>,
          %get3A_581 = vector.shape_cast %get3A_580 : vector<1x16xf32> to vector<16xf32>
          %mul3A_582 = vector.broadcast %squeeze3A_551 : f32 to vector<16xf32>
          %mul3A_583 = arith.mulf %get3A_581, %mul3A_582 : vector<16xf32>
          %swap3A_584 = arith.index_cast %add3A_555 : i32 to index
          %swap3A_585 = arith.constant 32 : index
          %swap3A_586 = tpu.vector_load %arg11[%swap3A_584, %swap3A_585] {strides = array<i32>} : memref<128x128xf32, #tpu.memory_space<vmem>>, vector<1x16xf32>,
          %swap3A_587 = vector.shape_cast %swap3A_586 : vector<1x16xf32> to vector<16xf32>
          %swap3A_588 = vector.shape_cast %mul3A_583 : vector<16xf32> to vector<1x16xf32>
          tpu.vector_store %arg11[%swap3A_584, %swap3A_585], %swap3A_588 {strides = array<i32>} : memref<128x128xf32, #tpu.memory_space<vmem>>, vector<1x16xf32>,
          %get3A_589 = arith.index_cast %add3A_555 : i32 to index
          %get3A_590 = arith.constant 48 : index
          %get3A_591 = tpu.vector_load %arg11[%get3A_589, %get3A_590] {strides = array<i32>} : memref<128x128xf32, #tpu.memory_space<vmem>>, vector<1x16xf32>,
          %get3A_592 = vector.shape_cast %get3A_591 : vector<1x16xf32> to vector<16xf32>
          %mul3A_593 = vector.broadcast %squeeze3A_551 : f32 to vector<16xf32>
          %mul3A_594 = arith.mulf %get3A_592, %mul3A_593 : vector<16xf32>
          %swap3A_595 = arith.index_cast %add3A_555 : i32 to index
          %swap3A_596 = arith.constant 48 : index
          %swap3A_597 = tpu.vector_load %arg11[%swap3A_595, %swap3A_596] {strides = array<i32>} : memref<128x128xf32, #tpu.memory_space<vmem>>, vector<1x16xf32>,
          %swap3A_598 = vector.shape_cast %swap3A_597 : vector<1x16xf32> to vector<16xf32>
          %swap3A_599 = vector.shape_cast %mul3A_594 : vector<16xf32> to vector<1x16xf32>
          tpu.vector_store %arg11[%swap3A_595, %swap3A_596], %swap3A_599 {strides = array<i32>} : memref<128x128xf32, #tpu.memory_space<vmem>>, vector<1x16xf32>,
          %get3A_600 = arith.index_cast %add3A_555 : i32 to index
          %get3A_601 = arith.constant 64 : index
          %get3A_602 = tpu.vector_load %arg11[%get3A_600, %get3A_601] {strides = array<i32>} : memref<128x128xf32, #tpu.memory_space<vmem>>, vector<1x16xf32>,
          %get3A_603 = vector.shape_cast %get3A_602 : vector<1x16xf32> to vector<16xf32>
          %mul3A_604 = vector.broadcast %squeeze3A_551 : f32 to vector<16xf32>
          %mul3A_605 = arith.mulf %get3A_603, %mul3A_604 : vector<16xf32>
          %swap3A_606 = arith.index_cast %add3A_555 : i32 to index
          %swap3A_607 = arith.constant 64 : index
          %swap3A_608 = tpu.vector_load %arg11[%swap3A_606, %swap3A_607] {strides = array<i32>} : memref<128x128xf32, #tpu.memory_space<vmem>>, vector<1x16xf32>,
          %swap3A_609 = vector.shape_cast %swap3A_608 : vector<1x16xf32> to vector<16xf32>
          %swap3A_610 = vector.shape_cast %mul3A_605 : vector<16xf32> to vector<1x16xf32>
          tpu.vector_store %arg11[%swap3A_606, %swap3A_607], %swap3A_610 {strides = array<i32>} : memref<128x128xf32, #tpu.memory_space<vmem>>, vector<1x16xf32>,
          %get3A_611 = arith.index_cast %add3A_555 : i32 to index
          %get3A_612 = arith.constant 80 : index
          %get3A_613 = tpu.vector_load %arg11[%get3A_611, %get3A_612] {strides = array<i32>} : memref<128x128xf32, #tpu.memory_space<vmem>>, vector<1x16xf32>,
          %get3A_614 = vector.shape_cast %get3A_613 : vector<1x16xf32> to vector<16xf32>
          %mul3A_615 = vector.broadcast %squeeze3A_551 : f32 to vector<16xf32>
          %mul3A_616 = arith.mulf %get3A_614, %mul3A_615 : vector<16xf32>
          %swap3A_617 = arith.index_cast %add3A_555 : i32 to index
          %swap3A_618 = arith.constant 80 : index
          %swap3A_619 = tpu.vector_load %arg11[%swap3A_617, %swap3A_618] {strides = array<i32>} : memref<128x128xf32, #tpu.memory_space<vmem>>, vector<1x16xf32>,
          %swap3A_620 = vector.shape_cast %swap3A_619 : vector<1x16xf32> to vector<16xf32>
          %swap3A_621 = vector.shape_cast %mul3A_616 : vector<16xf32> to vector<1x16xf32>
          tpu.vector_store %arg11[%swap3A_617, %swap3A_618], %swap3A_621 {strides = array<i32>} : memref<128x128xf32, #tpu.memory_space<vmem>>, vector<1x16xf32>,
          %get3A_622 = arith.index_cast %add3A_555 : i32 to index
          %get3A_623 = arith.constant 96 : index
          %get3A_624 = tpu.vector_load %arg11[%get3A_622, %get3A_623] {strides = array<i32>} : memref<128x128xf32, #tpu.memory_space<vmem>>, vector<1x16xf32>,
          %get3A_625 = vector.shape_cast %get3A_624 : vector<1x16xf32> to vector<16xf32>
          %mul3A_626 = vector.broadcast %squeeze3A_551 : f32 to vector<16xf32>
          %mul3A_627 = arith.mulf %get3A_625, %mul3A_626 : vector<16xf32>
          %swap3A_628 = arith.index_cast %add3A_555 : i32 to index
          %swap3A_629 = arith.constant 96 : index
          %swap3A_630 = tpu.vector_load %arg11[%swap3A_628, %swap3A_629] {strides = array<i32>} : memref<128x128xf32, #tpu.memory_space<vmem>>, vector<1x16xf32>,
          %swap3A_631 = vector.shape_cast %swap3A_630 : vector<1x16xf32> to vector<16xf32>
          %swap3A_632 = vector.shape_cast %mul3A_627 : vector<16xf32> to vector<1x16xf32>
          tpu.vector_store %arg11[%swap3A_628, %swap3A_629], %swap3A_632 {strides = array<i32>} : memref<128x128xf32, #tpu.memory_space<vmem>>, vector<1x16xf32>,
          %get3A_633 = arith.index_cast %add3A_555 : i32 to index
          %get3A_634 = arith.constant 112 : index
          %get3A_635 = tpu.vector_load %arg11[%get3A_633, %get3A_634] {strides = array<i32>} : memref<128x128xf32, #tpu.memory_space<vmem>>, vector<1x16xf32>,
          %get3A_636 = vector.shape_cast %get3A_635 : vector<1x16xf32> to vector<16xf32>
          %mul3A_637 = vector.broadcast %squeeze3A_551 : f32 to vector<16xf32>
          %mul3A_638 = arith.mulf %get3A_636, %mul3A_637 : vector<16xf32>
          %swap3A_639 = arith.index_cast %add3A_555 : i32 to index
          %swap3A_640 = arith.constant 112 : index
          %swap3A_641 = tpu.vector_load %arg11[%swap3A_639, %swap3A_640] {strides = array<i32>} : memref<128x128xf32, #tpu.memory_space<vmem>>, vector<1x16xf32>,
          %swap3A_642 = vector.shape_cast %swap3A_641 : vector<1x16xf32> to vector<16xf32>
          %swap3A_643 = vector.shape_cast %mul3A_638 : vector<16xf32> to vector<1x16xf32>
          tpu.vector_store %arg11[%swap3A_639, %swap3A_640], %swap3A_643 {strides = array<i32>} : memref<128x128xf32, #tpu.memory_space<vmem>>, vector<1x16xf32>,
          %slice3A_644 = vector.extract_strided_slice %get3A_82 {offsets = [6], sizes = [1], strides = [1]} : vector<16xf32> to vector<1xf32>
          %squeeze3A_645 = vector.extract %slice3A_644[0] : f32 from vector<1xf32>
          %mul3A_646 = arith.constant 16 : i32
          %mul3A_647 = arith.muli %scan3A_77, %mul3A_646 : i32
          %add3A_648 = arith.constant 6 : i32
          %add3A_649 = arith.addi %mul3A_647, %add3A_648 : i32
          %get3A_650 = arith.index_cast %add3A_649 : i32 to index
          %get3A_651 = arith.constant 0 : index
          %get3A_652 = tpu.vector_load %arg11[%get3A_650, %get3A_651] {strides = array<i32>} : memref<128x128xf32, #tpu.memory_space<vmem>>, vector<1x16xf32>,
          %get3A_653 = vector.shape_cast %get3A_652 : vector<1x16xf32> to vector<16xf32>
          %mul3A_654 = vector.broadcast %squeeze3A_645 : f32 to vector<16xf32>
          %mul3A_655 = arith.mulf %get3A_653, %mul3A_654 : vector<16xf32>
          %swap3A_656 = arith.index_cast %add3A_649 : i32 to index
          %swap3A_657 = arith.constant 0 : index
          %swap3A_658 = tpu.vector_load %arg11[%swap3A_656, %swap3A_657] {strides = array<i32>} : memref<128x128xf32, #tpu.memory_space<vmem>>, vector<1x16xf32>,
          %swap3A_659 = vector.shape_cast %swap3A_658 : vector<1x16xf32> to vector<16xf32>
          %swap3A_660 = vector.shape_cast %mul3A_655 : vector<16xf32> to vector<1x16xf32>
          tpu.vector_store %arg11[%swap3A_656, %swap3A_657], %swap3A_660 {strides = array<i32>} : memref<128x128xf32, #tpu.memory_space<vmem>>, vector<1x16xf32>,
          %get3A_661 = arith.index_cast %add3A_649 : i32 to index
          %get3A_662 = arith.constant 16 : index
          %get3A_663 = tpu.vector_load %arg11[%get3A_661, %get3A_662] {strides = array<i32>} : memref<128x128xf32, #tpu.memory_space<vmem>>, vector<1x16xf32>,
          %get3A_664 = vector.shape_cast %get3A_663 : vector<1x16xf32> to vector<16xf32>
          %mul3A_665 = vector.broadcast %squeeze3A_645 : f32 to vector<16xf32>
          %mul3A_666 = arith.mulf %get3A_664, %mul3A_665 : vector<16xf32>
          %swap3A_667 = arith.index_cast %add3A_649 : i32 to index
          %swap3A_668 = arith.constant 16 : index
          %swap3A_669 = tpu.vector_load %arg11[%swap3A_667, %swap3A_668] {strides = array<i32>} : memref<128x128xf32, #tpu.memory_space<vmem>>, vector<1x16xf32>,
          %swap3A_670 = vector.shape_cast %swap3A_669 : vector<1x16xf32> to vector<16xf32>
          %swap3A_671 = vector.shape_cast %mul3A_666 : vector<16xf32> to vector<1x16xf32>
          tpu.vector_store %arg11[%swap3A_667, %swap3A_668], %swap3A_671 {strides = array<i32>} : memref<128x128xf32, #tpu.memory_space<vmem>>, vector<1x16xf32>,
          %get3A_672 = arith.index_cast %add3A_649 : i32 to index
          %get3A_673 = arith.constant 32 : index
          %get3A_674 = tpu.vector_load %arg11[%get3A_672, %get3A_673] {strides = array<i32>} : memref<128x128xf32, #tpu.memory_space<vmem>>, vector<1x16xf32>,
          %get3A_675 = vector.shape_cast %get3A_674 : vector<1x16xf32> to vector<16xf32>
          %mul3A_676 = vector.broadcast %squeeze3A_645 : f32 to vector<16xf32>
          %mul3A_677 = arith.mulf %get3A_675, %mul3A_676 : vector<16xf32>
          %swap3A_678 = arith.index_cast %add3A_649 : i32 to index
          %swap3A_679 = arith.constant 32 : index
          %swap3A_680 = tpu.vector_load %arg11[%swap3A_678, %swap3A_679] {strides = array<i32>} : memref<128x128xf32, #tpu.memory_space<vmem>>, vector<1x16xf32>,
          %swap3A_681 = vector.shape_cast %swap3A_680 : vector<1x16xf32> to vector<16xf32>
          %swap3A_682 = vector.shape_cast %mul3A_677 : vector<16xf32> to vector<1x16xf32>
          tpu.vector_store %arg11[%swap3A_678, %swap3A_679], %swap3A_682 {strides = array<i32>} : memref<128x128xf32, #tpu.memory_space<vmem>>, vector<1x16xf32>,
          %get3A_683 = arith.index_cast %add3A_649 : i32 to index
          %get3A_684 = arith.constant 48 : index
          %get3A_685 = tpu.vector_load %arg11[%get3A_683, %get3A_684] {strides = array<i32>} : memref<128x128xf32, #tpu.memory_space<vmem>>, vector<1x16xf32>,
          %get3A_686 = vector.shape_cast %get3A_685 : vector<1x16xf32> to vector<16xf32>
          %mul3A_687 = vector.broadcast %squeeze3A_645 : f32 to vector<16xf32>
          %mul3A_688 = arith.mulf %get3A_686, %mul3A_687 : vector<16xf32>
          %swap3A_689 = arith.index_cast %add3A_649 : i32 to index
          %swap3A_690 = arith.constant 48 : index
          %swap3A_691 = tpu.vector_load %arg11[%swap3A_689, %swap3A_690] {strides = array<i32>} : memref<128x128xf32, #tpu.memory_space<vmem>>, vector<1x16xf32>,
          %swap3A_692 = vector.shape_cast %swap3A_691 : vector<1x16xf32> to vector<16xf32>
          %swap3A_693 = vector.shape_cast %mul3A_688 : vector<16xf32> to vector<1x16xf32>
          tpu.vector_store %arg11[%swap3A_689, %swap3A_690], %swap3A_693 {strides = array<i32>} : memref<128x128xf32, #tpu.memory_space<vmem>>, vector<1x16xf32>,
          %get3A_694 = arith.index_cast %add3A_649 : i32 to index
          %get3A_695 = arith.constant 64 : index
          %get3A_696 = tpu.vector_load %arg11[%get3A_694, %get3A_695] {strides = array<i32>} : memref<128x128xf32, #tpu.memory_space<vmem>>, vector<1x16xf32>,
          %get3A_697 = vector.shape_cast %get3A_696 : vector<1x16xf32> to vector<16xf32>
          %mul3A_698 = vector.broadcast %squeeze3A_645 : f32 to vector<16xf32>
          %mul3A_699 = arith.mulf %get3A_697, %mul3A_698 : vector<16xf32>
          %swap3A_700 = arith.index_cast %add3A_649 : i32 to index
          %swap3A_701 = arith.constant 64 : index
          %swap3A_702 = tpu.vector_load %arg11[%swap3A_700, %swap3A_701] {strides = array<i32>} : memref<128x128xf32, #tpu.memory_space<vmem>>, vector<1x16xf32>,
          %swap3A_703 = vector.shape_cast %swap3A_702 : vector<1x16xf32> to vector<16xf32>
          %swap3A_704 = vector.shape_cast %mul3A_699 : vector<16xf32> to vector<1x16xf32>
          tpu.vector_store %arg11[%swap3A_700, %swap3A_701], %swap3A_704 {strides = array<i32>} : memref<128x128xf32, #tpu.memory_space<vmem>>, vector<1x16xf32>,
          %get3A_705 = arith.index_cast %add3A_649 : i32 to index
          %get3A_706 = arith.constant 80 : index
          %get3A_707 = tpu.vector_load %arg11[%get3A_705, %get3A_706] {strides = array<i32>} : memref<128x128xf32, #tpu.memory_space<vmem>>, vector<1x16xf32>,
          %get3A_708 = vector.shape_cast %get3A_707 : vector<1x16xf32> to vector<16xf32>
          %mul3A_709 = vector.broadcast %squeeze3A_645 : f32 to vector<16xf32>
          %mul3A_710 = arith.mulf %get3A_708, %mul3A_709 : vector<16xf32>
          %swap3A_711 = arith.index_cast %add3A_649 : i32 to index
          %swap3A_712 = arith.constant 80 : index
          %swap3A_713 = tpu.vector_load %arg11[%swap3A_711, %swap3A_712] {strides = array<i32>} : memref<128x128xf32, #tpu.memory_space<vmem>>, vector<1x16xf32>,
          %swap3A_714 = vector.shape_cast %swap3A_713 : vector<1x16xf32> to vector<16xf32>
          %swap3A_715 = vector.shape_cast %mul3A_710 : vector<16xf32> to vector<1x16xf32>
          tpu.vector_store %arg11[%swap3A_711, %swap3A_712], %swap3A_715 {strides = array<i32>} : memref<128x128xf32, #tpu.memory_space<vmem>>, vector<1x16xf32>,
          %get3A_716 = arith.index_cast %add3A_649 : i32 to index
          %get3A_717 = arith.constant 96 : index
          %get3A_718 = tpu.vector_load %arg11[%get3A_716, %get3A_717] {strides = array<i32>} : memref<128x128xf32, #tpu.memory_space<vmem>>, vector<1x16xf32>,
          %get3A_719 = vector.shape_cast %get3A_718 : vector<1x16xf32> to vector<16xf32>
          %mul3A_720 = vector.broadcast %squeeze3A_645 : f32 to vector<16xf32>
          %mul3A_721 = arith.mulf %get3A_719, %mul3A_720 : vector<16xf32>
          %swap3A_722 = arith.index_cast %add3A_649 : i32 to index
          %swap3A_723 = arith.constant 96 : index
          %swap3A_724 = tpu.vector_load %arg11[%swap3A_722, %swap3A_723] {strides = array<i32>} : memref<128x128xf32, #tpu.memory_space<vmem>>, vector<1x16xf32>,
          %swap3A_725 = vector.shape_cast %swap3A_724 : vector<1x16xf32> to vector<16xf32>
          %swap3A_726 = vector.shape_cast %mul3A_721 : vector<16xf32> to vector<1x16xf32>
          tpu.vector_store %arg11[%swap3A_722, %swap3A_723], %swap3A_726 {strides = array<i32>} : memref<128x128xf32, #tpu.memory_space<vmem>>, vector<1x16xf32>,
          %get3A_727 = arith.index_cast %add3A_649 : i32 to index
          %get3A_728 = arith.constant 112 : index
          %get3A_729 = tpu.vector_load %arg11[%get3A_727, %get3A_728] {strides = array<i32>} : memref<128x128xf32, #tpu.memory_space<vmem>>, vector<1x16xf32>,
          %get3A_730 = vector.shape_cast %get3A_729 : vector<1x16xf32> to vector<16xf32>
          %mul3A_731 = vector.broadcast %squeeze3A_645 : f32 to vector<16xf32>
          %mul3A_732 = arith.mulf %get3A_730, %mul3A_731 : vector<16xf32>
          %swap3A_733 = arith.index_cast %add3A_649 : i32 to index
          %swap3A_734 = arith.constant 112 : index
          %swap3A_735 = tpu.vector_load %arg11[%swap3A_733, %swap3A_734] {strides = array<i32>} : memref<128x128xf32, #tpu.memory_space<vmem>>, vector<1x16xf32>,
          %swap3A_736 = vector.shape_cast %swap3A_735 : vector<1x16xf32> to vector<16xf32>
          %swap3A_737 = vector.shape_cast %mul3A_732 : vector<16xf32> to vector<1x16xf32>
          tpu.vector_store %arg11[%swap3A_733, %swap3A_734], %swap3A_737 {strides = array<i32>} : memref<128x128xf32, #tpu.memory_space<vmem>>, vector<1x16xf32>,
          %slice3A_738 = vector.extract_strided_slice %get3A_82 {offsets = [7], sizes = [1], strides = [1]} : vector<16xf32> to vector<1xf32>
          %squeeze3A_739 = vector.extract %slice3A_738[0] : f32 from vector<1xf32>
          %mul3A_740 = arith.constant 16 : i32
          %mul3A_741 = arith.muli %scan3A_77, %mul3A_740 : i32
          %add3A_742 = arith.constant 7 : i32
          %add3A_743 = arith.addi %mul3A_741, %add3A_742 : i32
          %get3A_744 = arith.index_cast %add3A_743 : i32 to index
          %get3A_745 = arith.constant 0 : index
          %get3A_746 = tpu.vector_load %arg11[%get3A_744, %get3A_745] {strides = array<i32>} : memref<128x128xf32, #tpu.memory_space<vmem>>, vector<1x16xf32>,
          %get3A_747 = vector.shape_cast %get3A_746 : vector<1x16xf32> to vector<16xf32>
          %mul3A_748 = vector.broadcast %squeeze3A_739 : f32 to vector<16xf32>
          %mul3A_749 = arith.mulf %get3A_747, %mul3A_748 : vector<16xf32>
          %swap3A_750 = arith.index_cast %add3A_743 : i32 to index
          %swap3A_751 = arith.constant 0 : index
          %swap3A_752 = tpu.vector_load %arg11[%swap3A_750, %swap3A_751] {strides = array<i32>} : memref<128x128xf32, #tpu.memory_space<vmem>>, vector<1x16xf32>,
          %swap3A_753 = vector.shape_cast %swap3A_752 : vector<1x16xf32> to vector<16xf32>
          %swap3A_754 = vector.shape_cast %mul3A_749 : vector<16xf32> to vector<1x16xf32>
          tpu.vector_store %arg11[%swap3A_750, %swap3A_751], %swap3A_754 {strides = array<i32>} : memref<128x128xf32, #tpu.memory_space<vmem>>, vector<1x16xf32>,
          %get3A_755 = arith.index_cast %add3A_743 : i32 to index
          %get3A_756 = arith.constant 16 : index
          %get3A_757 = tpu.vector_load %arg11[%get3A_755, %get3A_756] {strides = array<i32>} : memref<128x128xf32, #tpu.memory_space<vmem>>, vector<1x16xf32>,
          %get3A_758 = vector.shape_cast %get3A_757 : vector<1x16xf32> to vector<16xf32>
          %mul3A_759 = vector.broadcast %squeeze3A_739 : f32 to vector<16xf32>
          %mul3A_760 = arith.mulf %get3A_758, %mul3A_759 : vector<16xf32>
          %swap3A_761 = arith.index_cast %add3A_743 : i32 to index
          %swap3A_762 = arith.constant 16 : index
          %swap3A_763 = tpu.vector_load %arg11[%swap3A_761, %swap3A_762] {strides = array<i32>} : memref<128x128xf32, #tpu.memory_space<vmem>>, vector<1x16xf32>,
          %swap3A_764 = vector.shape_cast %swap3A_763 : vector<1x16xf32> to vector<16xf32>
          %swap3A_765 = vector.shape_cast %mul3A_760 : vector<16xf32> to vector<1x16xf32>
          tpu.vector_store %arg11[%swap3A_761, %swap3A_762], %swap3A_765 {strides = array<i32>} : memref<128x128xf32, #tpu.memory_space<vmem>>, vector<1x16xf32>,
          %get3A_766 = arith.index_cast %add3A_743 : i32 to index
          %get3A_767 = arith.constant 32 : index
          %get3A_768 = tpu.vector_load %arg11[%get3A_766, %get3A_767] {strides = array<i32>} : memref<128x128xf32, #tpu.memory_space<vmem>>, vector<1x16xf32>,
          %get3A_769 = vector.shape_cast %get3A_768 : vector<1x16xf32> to vector<16xf32>
          %mul3A_770 = vector.broadcast %squeeze3A_739 : f32 to vector<16xf32>
          %mul3A_771 = arith.mulf %get3A_769, %mul3A_770 : vector<16xf32>
          %swap3A_772 = arith.index_cast %add3A_743 : i32 to index
          %swap3A_773 = arith.constant 32 : index
          %swap3A_774 = tpu.vector_load %arg11[%swap3A_772, %swap3A_773] {strides = array<i32>} : memref<128x128xf32, #tpu.memory_space<vmem>>, vector<1x16xf32>,
          %swap3A_775 = vector.shape_cast %swap3A_774 : vector<1x16xf32> to vector<16xf32>
          %swap3A_776 = vector.shape_cast %mul3A_771 : vector<16xf32> to vector<1x16xf32>
          tpu.vector_store %arg11[%swap3A_772, %swap3A_773], %swap3A_776 {strides = array<i32>} : memref<128x128xf32, #tpu.memory_space<vmem>>, vector<1x16xf32>,
          %get3A_777 = arith.index_cast %add3A_743 : i32 to index
          %get3A_778 = arith.constant 48 : index
          %get3A_779 = tpu.vector_load %arg11[%get3A_777, %get3A_778] {strides = array<i32>} : memref<128x128xf32, #tpu.memory_space<vmem>>, vector<1x16xf32>,
          %get3A_780 = vector.shape_cast %get3A_779 : vector<1x16xf32> to vector<16xf32>
          %mul3A_781 = vector.broadcast %squeeze3A_739 : f32 to vector<16xf32>
          %mul3A_782 = arith.mulf %get3A_780, %mul3A_781 : vector<16xf32>
          %swap3A_783 = arith.index_cast %add3A_743 : i32 to index
          %swap3A_784 = arith.constant 48 : index
          %swap3A_785 = tpu.vector_load %arg11[%swap3A_783, %swap3A_784] {strides = array<i32>} : memref<128x128xf32, #tpu.memory_space<vmem>>, vector<1x16xf32>,
          %swap3A_786 = vector.shape_cast %swap3A_785 : vector<1x16xf32> to vector<16xf32>
          %swap3A_787 = vector.shape_cast %mul3A_782 : vector<16xf32> to vector<1x16xf32>
          tpu.vector_store %arg11[%swap3A_783, %swap3A_784], %swap3A_787 {strides = array<i32>} : memref<128x128xf32, #tpu.memory_space<vmem>>, vector<1x16xf32>,
          %get3A_788 = arith.index_cast %add3A_743 : i32 to index
          %get3A_789 = arith.constant 64 : index
          %get3A_790 = tpu.vector_load %arg11[%get3A_788, %get3A_789] {strides = array<i32>} : memref<128x128xf32, #tpu.memory_space<vmem>>, vector<1x16xf32>,
          %get3A_791 = vector.shape_cast %get3A_790 : vector<1x16xf32> to vector<16xf32>
          %mul3A_792 = vector.broadcast %squeeze3A_739 : f32 to vector<16xf32>
          %mul3A_793 = arith.mulf %get3A_791, %mul3A_792 : vector<16xf32>
          %swap3A_794 = arith.index_cast %add3A_743 : i32 to index
          %swap3A_795 = arith.constant 64 : index
          %swap3A_796 = tpu.vector_load %arg11[%swap3A_794, %swap3A_795] {strides = array<i32>} : memref<128x128xf32, #tpu.memory_space<vmem>>, vector<1x16xf32>,
          %swap3A_797 = vector.shape_cast %swap3A_796 : vector<1x16xf32> to vector<16xf32>
          %swap3A_798 = vector.shape_cast %mul3A_793 : vector<16xf32> to vector<1x16xf32>
          tpu.vector_store %arg11[%swap3A_794, %swap3A_795], %swap3A_798 {strides = array<i32>} : memref<128x128xf32, #tpu.memory_space<vmem>>, vector<1x16xf32>,
          %get3A_799 = arith.index_cast %add3A_743 : i32 to index
          %get3A_800 = arith.constant 80 : index
          %get3A_801 = tpu.vector_load %arg11[%get3A_799, %get3A_800] {strides = array<i32>} : memref<128x128xf32, #tpu.memory_space<vmem>>, vector<1x16xf32>,
          %get3A_802 = vector.shape_cast %get3A_801 : vector<1x16xf32> to vector<16xf32>
          %mul3A_803 = vector.broadcast %squeeze3A_739 : f32 to vector<16xf32>
          %mul3A_804 = arith.mulf %get3A_802, %mul3A_803 : vector<16xf32>
          %swap3A_805 = arith.index_cast %add3A_743 : i32 to index
          %swap3A_806 = arith.constant 80 : index
          %swap3A_807 = tpu.vector_load %arg11[%swap3A_805, %swap3A_806] {strides = array<i32>} : memref<128x128xf32, #tpu.memory_space<vmem>>, vector<1x16xf32>,
          %swap3A_808 = vector.shape_cast %swap3A_807 : vector<1x16xf32> to vector<16xf32>
          %swap3A_809 = vector.shape_cast %mul3A_804 : vector<16xf32> to vector<1x16xf32>
          tpu.vector_store %arg11[%swap3A_805, %swap3A_806], %swap3A_809 {strides = array<i32>} : memref<128x128xf32, #tpu.memory_space<vmem>>, vector<1x16xf32>,
          %get3A_810 = arith.index_cast %add3A_743 : i32 to index
          %get3A_811 = arith.constant 96 : index
          %get3A_812 = tpu.vector_load %arg11[%get3A_810, %get3A_811] {strides = array<i32>} : memref<128x128xf32, #tpu.memory_space<vmem>>, vector<1x16xf32>,
          %get3A_813 = vector.shape_cast %get3A_812 : vector<1x16xf32> to vector<16xf32>
          %mul3A_814 = vector.broadcast %squeeze3A_739 : f32 to vector<16xf32>
          %mul3A_815 = arith.mulf %get3A_813, %mul3A_814 : vector<16xf32>
          %swap3A_816 = arith.index_cast %add3A_743 : i32 to index
          %swap3A_817 = arith.constant 96 : index
          %swap3A_818 = tpu.vector_load %arg11[%swap3A_816, %swap3A_817] {strides = array<i32>} : memref<128x128xf32, #tpu.memory_space<vmem>>, vector<1x16xf32>,
          %swap3A_819 = vector.shape_cast %swap3A_818 : vector<1x16xf32> to vector<16xf32>
          %swap3A_820 = vector.shape_cast %mul3A_815 : vector<16xf32> to vector<1x16xf32>
          tpu.vector_store %arg11[%swap3A_816, %swap3A_817], %swap3A_820 {strides = array<i32>} : memref<128x128xf32, #tpu.memory_space<vmem>>, vector<1x16xf32>,
          %get3A_821 = arith.index_cast %add3A_743 : i32 to index
          %get3A_822 = arith.constant 112 : index
          %get3A_823 = tpu.vector_load %arg11[%get3A_821, %get3A_822] {strides = array<i32>} : memref<128x128xf32, #tpu.memory_space<vmem>>, vector<1x16xf32>,
          %get3A_824 = vector.shape_cast %get3A_823 : vector<1x16xf32> to vector<16xf32>
          %mul3A_825 = vector.broadcast %squeeze3A_739 : f32 to vector<16xf32>
          %mul3A_826 = arith.mulf %get3A_824, %mul3A_825 : vector<16xf32>
          %swap3A_827 = arith.index_cast %add3A_743 : i32 to index
          %swap3A_828 = arith.constant 112 : index
          %swap3A_829 = tpu.vector_load %arg11[%swap3A_827, %swap3A_828] {strides = array<i32>} : memref<128x128xf32, #tpu.memory_space<vmem>>, vector<1x16xf32>,
          %swap3A_830 = vector.shape_cast %swap3A_829 : vector<1x16xf32> to vector<16xf32>
          %swap3A_831 = vector.shape_cast %mul3A_826 : vector<16xf32> to vector<1x16xf32>
          tpu.vector_store %arg11[%swap3A_827, %swap3A_828], %swap3A_831 {strides = array<i32>} : memref<128x128xf32, #tpu.memory_space<vmem>>, vector<1x16xf32>,
          %slice3A_832 = vector.extract_strided_slice %get3A_82 {offsets = [8], sizes = [1], strides = [1]} : vector<16xf32> to vector<1xf32>
          %squeeze3A_833 = vector.extract %slice3A_832[0] : f32 from vector<1xf32>
          %mul3A_834 = arith.constant 16 : i32
          %mul3A_835 = arith.muli %scan3A_77, %mul3A_834 : i32
          %add3A_836 = arith.constant 8 : i32
          %add3A_837 = arith.addi %mul3A_835, %add3A_836 : i32
          %get3A_838 = arith.index_cast %add3A_837 : i32 to index
          %get3A_839 = arith.constant 0 : index
          %get3A_840 = tpu.vector_load %arg11[%get3A_838, %get3A_839] {strides = array<i32>} : memref<128x128xf32, #tpu.memory_space<vmem>>, vector<1x16xf32>,
          %get3A_841 = vector.shape_cast %get3A_840 : vector<1x16xf32> to vector<16xf32>
          %mul3A_842 = vector.broadcast %squeeze3A_833 : f32 to vector<16xf32>
          %mul3A_843 = arith.mulf %get3A_841, %mul3A_842 : vector<16xf32>
          %swap3A_844 = arith.index_cast %add3A_837 : i32 to index
          %swap3A_845 = arith.constant 0 : index
          %swap3A_846 = tpu.vector_load %arg11[%swap3A_844, %swap3A_845] {strides = array<i32>} : memref<128x128xf32, #tpu.memory_space<vmem>>, vector<1x16xf32>,
          %swap3A_847 = vector.shape_cast %swap3A_846 : vector<1x16xf32> to vector<16xf32>
          %swap3A_848 = vector.shape_cast %mul3A_843 : vector<16xf32> to vector<1x16xf32>
          tpu.vector_store %arg11[%swap3A_844, %swap3A_845], %swap3A_848 {strides = array<i32>} : memref<128x128xf32, #tpu.memory_space<vmem>>, vector<1x16xf32>,
          %get3A_849 = arith.index_cast %add3A_837 : i32 to index
          %get3A_850 = arith.constant 16 : index
          %get3A_851 = tpu.vector_load %arg11[%get3A_849, %get3A_850] {strides = array<i32>} : memref<128x128xf32, #tpu.memory_space<vmem>>, vector<1x16xf32>,
          %get3A_852 = vector.shape_cast %get3A_851 : vector<1x16xf32> to vector<16xf32>
          %mul3A_853 = vector.broadcast %squeeze3A_833 : f32 to vector<16xf32>
          %mul3A_854 = arith.mulf %get3A_852, %mul3A_853 : vector<16xf32>
          %swap3A_855 = arith.index_cast %add3A_837 : i32 to index
          %swap3A_856 = arith.constant 16 : index
          %swap3A_857 = tpu.vector_load %arg11[%swap3A_855, %swap3A_856] {strides = array<i32>} : memref<128x128xf32, #tpu.memory_space<vmem>>, vector<1x16xf32>,
          %swap3A_858 = vector.shape_cast %swap3A_857 : vector<1x16xf32> to vector<16xf32>
          %swap3A_859 = vector.shape_cast %mul3A_854 : vector<16xf32> to vector<1x16xf32>
          tpu.vector_store %arg11[%swap3A_855, %swap3A_856], %swap3A_859 {strides = array<i32>} : memref<128x128xf32, #tpu.memory_space<vmem>>, vector<1x16xf32>,
          %get3A_860 = arith.index_cast %add3A_837 : i32 to index
          %get3A_861 = arith.constant 32 : index
          %get3A_862 = tpu.vector_load %arg11[%get3A_860, %get3A_861] {strides = array<i32>} : memref<128x128xf32, #tpu.memory_space<vmem>>, vector<1x16xf32>,
          %get3A_863 = vector.shape_cast %get3A_862 : vector<1x16xf32> to vector<16xf32>
          %mul3A_864 = vector.broadcast %squeeze3A_833 : f32 to vector<16xf32>
          %mul3A_865 = arith.mulf %get3A_863, %mul3A_864 : vector<16xf32>
          %swap3A_866 = arith.index_cast %add3A_837 : i32 to index
          %swap3A_867 = arith.constant 32 : index
          %swap3A_868 = tpu.vector_load %arg11[%swap3A_866, %swap3A_867] {strides = array<i32>} : memref<128x128xf32, #tpu.memory_space<vmem>>, vector<1x16xf32>,
          %swap3A_869 = vector.shape_cast %swap3A_868 : vector<1x16xf32> to vector<16xf32>
          %swap3A_870 = vector.shape_cast %mul3A_865 : vector<16xf32> to vector<1x16xf32>
          tpu.vector_store %arg11[%swap3A_866, %swap3A_867], %swap3A_870 {strides = array<i32>} : memref<128x128xf32, #tpu.memory_space<vmem>>, vector<1x16xf32>,
          %get3A_871 = arith.index_cast %add3A_837 : i32 to index
          %get3A_872 = arith.constant 48 : index
          %get3A_873 = tpu.vector_load %arg11[%get3A_871, %get3A_872] {strides = array<i32>} : memref<128x128xf32, #tpu.memory_space<vmem>>, vector<1x16xf32>,
          %get3A_874 = vector.shape_cast %get3A_873 : vector<1x16xf32> to vector<16xf32>
          %mul3A_875 = vector.broadcast %squeeze3A_833 : f32 to vector<16xf32>
          %mul3A_876 = arith.mulf %get3A_874, %mul3A_875 : vector<16xf32>
          %swap3A_877 = arith.index_cast %add3A_837 : i32 to index
          %swap3A_878 = arith.constant 48 : index
          %swap3A_879 = tpu.vector_load %arg11[%swap3A_877, %swap3A_878] {strides = array<i32>} : memref<128x128xf32, #tpu.memory_space<vmem>>, vector<1x16xf32>,
          %swap3A_880 = vector.shape_cast %swap3A_879 : vector<1x16xf32> to vector<16xf32>
          %swap3A_881 = vector.shape_cast %mul3A_876 : vector<16xf32> to vector<1x16xf32>
          tpu.vector_store %arg11[%swap3A_877, %swap3A_878], %swap3A_881 {strides = array<i32>} : memref<128x128xf32, #tpu.memory_space<vmem>>, vector<1x16xf32>,
          %get3A_882 = arith.index_cast %add3A_837 : i32 to index
          %get3A_883 = arith.constant 64 : index
          %get3A_884 = tpu.vector_load %arg11[%get3A_882, %get3A_883] {strides = array<i32>} : memref<128x128xf32, #tpu.memory_space<vmem>>, vector<1x16xf32>,
          %get3A_885 = vector.shape_cast %get3A_884 : vector<1x16xf32> to vector<16xf32>
          %mul3A_886 = vector.broadcast %squeeze3A_833 : f32 to vector<16xf32>
          %mul3A_887 = arith.mulf %get3A_885, %mul3A_886 : vector<16xf32>
          %swap3A_888 = arith.index_cast %add3A_837 : i32 to index
          %swap3A_889 = arith.constant 64 : index
          %swap3A_890 = tpu.vector_load %arg11[%swap3A_888, %swap3A_889] {strides = array<i32>} : memref<128x128xf32, #tpu.memory_space<vmem>>, vector<1x16xf32>,
          %swap3A_891 = vector.shape_cast %swap3A_890 : vector<1x16xf32> to vector<16xf32>
          %swap3A_892 = vector.shape_cast %mul3A_887 : vector<16xf32> to vector<1x16xf32>
          tpu.vector_store %arg11[%swap3A_888, %swap3A_889], %swap3A_892 {strides = array<i32>} : memref<128x128xf32, #tpu.memory_space<vmem>>, vector<1x16xf32>,
          %get3A_893 = arith.index_cast %add3A_837 : i32 to index
          %get3A_894 = arith.constant 80 : index
          %get3A_895 = tpu.vector_load %arg11[%get3A_893, %get3A_894] {strides = array<i32>} : memref<128x128xf32, #tpu.memory_space<vmem>>, vector<1x16xf32>,
          %get3A_896 = vector.shape_cast %get3A_895 : vector<1x16xf32> to vector<16xf32>
          %mul3A_897 = vector.broadcast %squeeze3A_833 : f32 to vector<16xf32>
          %mul3A_898 = arith.mulf %get3A_896, %mul3A_897 : vector<16xf32>
          %swap3A_899 = arith.index_cast %add3A_837 : i32 to index
          %swap3A_900 = arith.constant 80 : index
          %swap3A_901 = tpu.vector_load %arg11[%swap3A_899, %swap3A_900] {strides = array<i32>} : memref<128x128xf32, #tpu.memory_space<vmem>>, vector<1x16xf32>,
          %swap3A_902 = vector.shape_cast %swap3A_901 : vector<1x16xf32> to vector<16xf32>
          %swap3A_903 = vector.shape_cast %mul3A_898 : vector<16xf32> to vector<1x16xf32>
          tpu.vector_store %arg11[%swap3A_899, %swap3A_900], %swap3A_903 {strides = array<i32>} : memref<128x128xf32, #tpu.memory_space<vmem>>, vector<1x16xf32>,
          %get3A_904 = arith.index_cast %add3A_837 : i32 to index
          %get3A_905 = arith.constant 96 : index
          %get3A_906 = tpu.vector_load %arg11[%get3A_904, %get3A_905] {strides = array<i32>} : memref<128x128xf32, #tpu.memory_space<vmem>>, vector<1x16xf32>,
          %get3A_907 = vector.shape_cast %get3A_906 : vector<1x16xf32> to vector<16xf32>
          %mul3A_908 = vector.broadcast %squeeze3A_833 : f32 to vector<16xf32>
          %mul3A_909 = arith.mulf %get3A_907, %mul3A_908 : vector<16xf32>
          %swap3A_910 = arith.index_cast %add3A_837 : i32 to index
          %swap3A_911 = arith.constant 96 : index
          %swap3A_912 = tpu.vector_load %arg11[%swap3A_910, %swap3A_911] {strides = array<i32>} : memref<128x128xf32, #tpu.memory_space<vmem>>, vector<1x16xf32>,
          %swap3A_913 = vector.shape_cast %swap3A_912 : vector<1x16xf32> to vector<16xf32>
          %swap3A_914 = vector.shape_cast %mul3A_909 : vector<16xf32> to vector<1x16xf32>
          tpu.vector_store %arg11[%swap3A_910, %swap3A_911], %swap3A_914 {strides = array<i32>} : memref<128x128xf32, #tpu.memory_space<vmem>>, vector<1x16xf32>,
          %get3A_915 = arith.index_cast %add3A_837 : i32 to index
          %get3A_916 = arith.constant 112 : index
          %get3A_917 = tpu.vector_load %arg11[%get3A_915, %get3A_916] {strides = array<i32>} : memref<128x128xf32, #tpu.memory_space<vmem>>, vector<1x16xf32>,
          %get3A_918 = vector.shape_cast %get3A_917 : vector<1x16xf32> to vector<16xf32>
          %mul3A_919 = vector.broadcast %squeeze3A_833 : f32 to vector<16xf32>
          %mul3A_920 = arith.mulf %get3A_918, %mul3A_919 : vector<16xf32>
          %swap3A_921 = arith.index_cast %add3A_837 : i32 to index
          %swap3A_922 = arith.constant 112 : index
          %swap3A_923 = tpu.vector_load %arg11[%swap3A_921, %swap3A_922] {strides = array<i32>} : memref<128x128xf32, #tpu.memory_space<vmem>>, vector<1x16xf32>,
          %swap3A_924 = vector.shape_cast %swap3A_923 : vector<1x16xf32> to vector<16xf32>
          %swap3A_925 = vector.shape_cast %mul3A_920 : vector<16xf32> to vector<1x16xf32>
          tpu.vector_store %arg11[%swap3A_921, %swap3A_922], %swap3A_925 {strides = array<i32>} : memref<128x128xf32, #tpu.memory_space<vmem>>, vector<1x16xf32>,
          %slice3A_926 = vector.extract_strided_slice %get3A_82 {offsets = [9], sizes = [1], strides = [1]} : vector<16xf32> to vector<1xf32>
          %squeeze3A_927 = vector.extract %slice3A_926[0] : f32 from vector<1xf32>
          %mul3A_928 = arith.constant 16 : i32
          %mul3A_929 = arith.muli %scan3A_77, %mul3A_928 : i32
          %add3A_930 = arith.constant 9 : i32
          %add3A_931 = arith.addi %mul3A_929, %add3A_930 : i32
          %get3A_932 = arith.index_cast %add3A_931 : i32 to index
          %get3A_933 = arith.constant 0 : index
          %get3A_934 = tpu.vector_load %arg11[%get3A_932, %get3A_933] {strides = array<i32>} : memref<128x128xf32, #tpu.memory_space<vmem>>, vector<1x16xf32>,
          %get3A_935 = vector.shape_cast %get3A_934 : vector<1x16xf32> to vector<16xf32>
          %mul3A_936 = vector.broadcast %squeeze3A_927 : f32 to vector<16xf32>
          %mul3A_937 = arith.mulf %get3A_935, %mul3A_936 : vector<16xf32>
          %swap3A_938 = arith.index_cast %add3A_931 : i32 to index
          %swap3A_939 = arith.constant 0 : index
          %swap3A_940 = tpu.vector_load %arg11[%swap3A_938, %swap3A_939] {strides = array<i32>} : memref<128x128xf32, #tpu.memory_space<vmem>>, vector<1x16xf32>,
          %swap3A_941 = vector.shape_cast %swap3A_940 : vector<1x16xf32> to vector<16xf32>
          %swap3A_942 = vector.shape_cast %mul3A_937 : vector<16xf32> to vector<1x16xf32>
          tpu.vector_store %arg11[%swap3A_938, %swap3A_939], %swap3A_942 {strides = array<i32>} : memref<128x128xf32, #tpu.memory_space<vmem>>, vector<1x16xf32>,
          %get3A_943 = arith.index_cast %add3A_931 : i32 to index
          %get3A_944 = arith.constant 16 : index
          %get3A_945 = tpu.vector_load %arg11[%get3A_943, %get3A_944] {strides = array<i32>} : memref<128x128xf32, #tpu.memory_space<vmem>>, vector<1x16xf32>,
          %get3A_946 = vector.shape_cast %get3A_945 : vector<1x16xf32> to vector<16xf32>
          %mul3A_947 = vector.broadcast %squeeze3A_927 : f32 to vector<16xf32>
          %mul3A_948 = arith.mulf %get3A_946, %mul3A_947 : vector<16xf32>
          %swap3A_949 = arith.index_cast %add3A_931 : i32 to index
          %swap3A_950 = arith.constant 16 : index
          %swap3A_951 = tpu.vector_load %arg11[%swap3A_949, %swap3A_950] {strides = array<i32>} : memref<128x128xf32, #tpu.memory_space<vmem>>, vector<1x16xf32>,
          %swap3A_952 = vector.shape_cast %swap3A_951 : vector<1x16xf32> to vector<16xf32>
          %swap3A_953 = vector.shape_cast %mul3A_948 : vector<16xf32> to vector<1x16xf32>
          tpu.vector_store %arg11[%swap3A_949, %swap3A_950], %swap3A_953 {strides = array<i32>} : memref<128x128xf32, #tpu.memory_space<vmem>>, vector<1x16xf32>,
          %get3A_954 = arith.index_cast %add3A_931 : i32 to index
          %get3A_955 = arith.constant 32 : index
          %get3A_956 = tpu.vector_load %arg11[%get3A_954, %get3A_955] {strides = array<i32>} : memref<128x128xf32, #tpu.memory_space<vmem>>, vector<1x16xf32>,
          %get3A_957 = vector.shape_cast %get3A_956 : vector<1x16xf32> to vector<16xf32>
          %mul3A_958 = vector.broadcast %squeeze3A_927 : f32 to vector<16xf32>
          %mul3A_959 = arith.mulf %get3A_957, %mul3A_958 : vector<16xf32>
          %swap3A_960 = arith.index_cast %add3A_931 : i32 to index
          %swap3A_961 = arith.constant 32 : index
          %swap3A_962 = tpu.vector_load %arg11[%swap3A_960, %swap3A_961] {strides = array<i32>} : memref<128x128xf32, #tpu.memory_space<vmem>>, vector<1x16xf32>,
          %swap3A_963 = vector.shape_cast %swap3A_962 : vector<1x16xf32> to vector<16xf32>
          %swap3A_964 = vector.shape_cast %mul3A_959 : vector<16xf32> to vector<1x16xf32>
          tpu.vector_store %arg11[%swap3A_960, %swap3A_961], %swap3A_964 {strides = array<i32>} : memref<128x128xf32, #tpu.memory_space<vmem>>, vector<1x16xf32>,
          %get3A_965 = arith.index_cast %add3A_931 : i32 to index
          %get3A_966 = arith.constant 48 : index
          %get3A_967 = tpu.vector_load %arg11[%get3A_965, %get3A_966] {strides = array<i32>} : memref<128x128xf32, #tpu.memory_space<vmem>>, vector<1x16xf32>,
          %get3A_968 = vector.shape_cast %get3A_967 : vector<1x16xf32> to vector<16xf32>
          %mul3A_969 = vector.broadcast %squeeze3A_927 : f32 to vector<16xf32>
          %mul3A_970 = arith.mulf %get3A_968, %mul3A_969 : vector<16xf32>
          %swap3A_971 = arith.index_cast %add3A_931 : i32 to index
          %swap3A_972 = arith.constant 48 : index
          %swap3A_973 = tpu.vector_load %arg11[%swap3A_971, %swap3A_972] {strides = array<i32>} : memref<128x128xf32, #tpu.memory_space<vmem>>, vector<1x16xf32>,
          %swap3A_974 = vector.shape_cast %swap3A_973 : vector<1x16xf32> to vector<16xf32>
          %swap3A_975 = vector.shape_cast %mul3A_970 : vector<16xf32> to vector<1x16xf32>
          tpu.vector_store %arg11[%swap3A_971, %swap3A_972], %swap3A_975 {strides = array<i32>} : memref<128x128xf32, #tpu.memory_space<vmem>>, vector<1x16xf32>,
          %get3A_976 = arith.index_cast %add3A_931 : i32 to index
          %get3A_977 = arith.constant 64 : index
          %get3A_978 = tpu.vector_load %arg11[%get3A_976, %get3A_977] {strides = array<i32>} : memref<128x128xf32, #tpu.memory_space<vmem>>, vector<1x16xf32>,
          %get3A_979 = vector.shape_cast %get3A_978 : vector<1x16xf32> to vector<16xf32>
          %mul3A_980 = vector.broadcast %squeeze3A_927 : f32 to vector<16xf32>
          %mul3A_981 = arith.mulf %get3A_979, %mul3A_980 : vector<16xf32>
          %swap3A_982 = arith.index_cast %add3A_931 : i32 to index
          %swap3A_983 = arith.constant 64 : index
          %swap3A_984 = tpu.vector_load %arg11[%swap3A_982, %swap3A_983] {strides = array<i32>} : memref<128x128xf32, #tpu.memory_space<vmem>>, vector<1x16xf32>,
          %swap3A_985 = vector.shape_cast %swap3A_984 : vector<1x16xf32> to vector<16xf32>
          %swap3A_986 = vector.shape_cast %mul3A_981 : vector<16xf32> to vector<1x16xf32>
          tpu.vector_store %arg11[%swap3A_982, %swap3A_983], %swap3A_986 {strides = array<i32>} : memref<128x128xf32, #tpu.memory_space<vmem>>, vector<1x16xf32>,
          %get3A_987 = arith.index_cast %add3A_931 : i32 to index
          %get3A_988 = arith.constant 80 : index
          %get3A_989 = tpu.vector_load %arg11[%get3A_987, %get3A_988] {strides = array<i32>} : memref<128x128xf32, #tpu.memory_space<vmem>>, vector<1x16xf32>,
          %get3A_990 = vector.shape_cast %get3A_989 : vector<1x16xf32> to vector<16xf32>
          %mul3A_991 = vector.broadcast %squeeze3A_927 : f32 to vector<16xf32>
          %mul3A_992 = arith.mulf %get3A_990, %mul3A_991 : vector<16xf32>
          %swap3A_993 = arith.index_cast %add3A_931 : i32 to index
          %swap3A_994 = arith.constant 80 : index
          %swap3A_995 = tpu.vector_load %arg11[%swap3A_993, %swap3A_994] {strides = array<i32>} : memref<128x128xf32, #tpu.memory_space<vmem>>, vector<1x16xf32>,
          %swap3A_996 = vector.shape_cast %swap3A_995 : vector<1x16xf32> to vector<16xf32>
          %swap3A_997 = vector.shape_cast %mul3A_992 : vector<16xf32> to vector<1x16xf32>
          tpu.vector_store %arg11[%swap3A_993, %swap3A_994], %swap3A_997 {strides = array<i32>} : memref<128x128xf32, #tpu.memory_space<vmem>>, vector<1x16xf32>,
          %get3A_998 = arith.index_cast %add3A_931 : i32 to index
          %get3A_999 = arith.constant 96 : index
          %get3A_1000 = tpu.vector_load %arg11[%get3A_998, %get3A_999] {strides = array<i32>} : memref<128x128xf32, #tpu.memory_space<vmem>>, vector<1x16xf32>,
          %get3A_1001 = vector.shape_cast %get3A_1000 : vector<1x16xf32> to vector<16xf32>
          %mul3A_1002 = vector.broadcast %squeeze3A_927 : f32 to vector<16xf32>
          %mul3A_1003 = arith.mulf %get3A_1001, %mul3A_1002 : vector<16xf32>
          %swap3A_1004 = arith.index_cast %add3A_931 : i32 to index
          %swap3A_1005 = arith.constant 96 : index
          %swap3A_1006 = tpu.vector_load %arg11[%swap3A_1004, %swap3A_1005] {strides = array<i32>} : memref<128x128xf32, #tpu.memory_space<vmem>>, vector<1x16xf32>,
          %swap3A_1007 = vector.shape_cast %swap3A_1006 : vector<1x16xf32> to vector<16xf32>
          %swap3A_1008 = vector.shape_cast %mul3A_1003 : vector<16xf32> to vector<1x16xf32>
          tpu.vector_store %arg11[%swap3A_1004, %swap3A_1005], %swap3A_1008 {strides = array<i32>} : memref<128x128xf32, #tpu.memory_space<vmem>>, vector<1x16xf32>,
          %get3A_1009 = arith.index_cast %add3A_931 : i32 to index
          %get3A_1010 = arith.constant 112 : index
          %get3A_1011 = tpu.vector_load %arg11[%get3A_1009, %get3A_1010] {strides = array<i32>} : memref<128x128xf32, #tpu.memory_space<vmem>>, vector<1x16xf32>,
          %get3A_1012 = vector.shape_cast %get3A_1011 : vector<1x16xf32> to vector<16xf32>
          %mul3A_1013 = vector.broadcast %squeeze3A_927 : f32 to vector<16xf32>
          %mul3A_1014 = arith.mulf %get3A_1012, %mul3A_1013 : vector<16xf32>
          %swap3A_1015 = arith.index_cast %add3A_931 : i32 to index
          %swap3A_1016 = arith.constant 112 : index
          %swap3A_1017 = tpu.vector_load %arg11[%swap3A_1015, %swap3A_1016] {strides = array<i32>} : memref<128x128xf32, #tpu.memory_space<vmem>>, vector<1x16xf32>,
          %swap3A_1018 = vector.shape_cast %swap3A_1017 : vector<1x16xf32> to vector<16xf32>
          %swap3A_1019 = vector.shape_cast %mul3A_1014 : vector<16xf32> to vector<1x16xf32>
          tpu.vector_store %arg11[%swap3A_1015, %swap3A_1016], %swap3A_1019 {strides = array<i32>} : memref<128x128xf32, #tpu.memory_space<vmem>>, vector<1x16xf32>,
          %slice3A_1020 = vector.extract_strided_slice %get3A_82 {offsets = [10], sizes = [1], strides = [1]} : vector<16xf32> to vector<1xf32>
          %squeeze3A_1021 = vector.extract %slice3A_1020[0] : f32 from vector<1xf32>
          %mul3A_1022 = arith.constant 16 : i32
          %mul3A_1023 = arith.muli %scan3A_77, %mul3A_1022 : i32
          %add3A_1024 = arith.constant 10 : i32
          %add3A_1025 = arith.addi %mul3A_1023, %add3A_1024 : i32
          %get3A_1026 = arith.index_cast %add3A_1025 : i32 to index
          %get3A_1027 = arith.constant 0 : index
          %get3A_1028 = tpu.vector_load %arg11[%get3A_1026, %get3A_1027] {strides = array<i32>} : memref<128x128xf32, #tpu.memory_space<vmem>>, vector<1x16xf32>,
          %get3A_1029 = vector.shape_cast %get3A_1028 : vector<1x16xf32> to vector<16xf32>
          %mul3A_1030 = vector.broadcast %squeeze3A_1021 : f32 to vector<16xf32>
          %mul3A_1031 = arith.mulf %get3A_1029, %mul3A_1030 : vector<16xf32>
          %swap3A_1032 = arith.index_cast %add3A_1025 : i32 to index
          %swap3A_1033 = arith.constant 0 : index
          %swap3A_1034 = tpu.vector_load %arg11[%swap3A_1032, %swap3A_1033] {strides = array<i32>} : memref<128x128xf32, #tpu.memory_space<vmem>>, vector<1x16xf32>,
          %swap3A_1035 = vector.shape_cast %swap3A_1034 : vector<1x16xf32> to vector<16xf32>
          %swap3A_1036 = vector.shape_cast %mul3A_1031 : vector<16xf32> to vector<1x16xf32>
          tpu.vector_store %arg11[%swap3A_1032, %swap3A_1033], %swap3A_1036 {strides = array<i32>} : memref<128x128xf32, #tpu.memory_space<vmem>>, vector<1x16xf32>,
          %get3A_1037 = arith.index_cast %add3A_1025 : i32 to index
          %get3A_1038 = arith.constant 16 : index
          %get3A_1039 = tpu.vector_load %arg11[%get3A_1037, %get3A_1038] {strides = array<i32>} : memref<128x128xf32, #tpu.memory_space<vmem>>, vector<1x16xf32>,
          %get3A_1040 = vector.shape_cast %get3A_1039 : vector<1x16xf32> to vector<16xf32>
          %mul3A_1041 = vector.broadcast %squeeze3A_1021 : f32 to vector<16xf32>
          %mul3A_1042 = arith.mulf %get3A_1040, %mul3A_1041 : vector<16xf32>
          %swap3A_1043 = arith.index_cast %add3A_1025 : i32 to index
          %swap3A_1044 = arith.constant 16 : index
          %swap3A_1045 = tpu.vector_load %arg11[%swap3A_1043, %swap3A_1044] {strides = array<i32>} : memref<128x128xf32, #tpu.memory_space<vmem>>, vector<1x16xf32>,
          %swap3A_1046 = vector.shape_cast %swap3A_1045 : vector<1x16xf32> to vector<16xf32>
          %swap3A_1047 = vector.shape_cast %mul3A_1042 : vector<16xf32> to vector<1x16xf32>
          tpu.vector_store %arg11[%swap3A_1043, %swap3A_1044], %swap3A_1047 {strides = array<i32>} : memref<128x128xf32, #tpu.memory_space<vmem>>, vector<1x16xf32>,
          %get3A_1048 = arith.index_cast %add3A_1025 : i32 to index
          %get3A_1049 = arith.constant 32 : index
          %get3A_1050 = tpu.vector_load %arg11[%get3A_1048, %get3A_1049] {strides = array<i32>} : memref<128x128xf32, #tpu.memory_space<vmem>>, vector<1x16xf32>,
          %get3A_1051 = vector.shape_cast %get3A_1050 : vector<1x16xf32> to vector<16xf32>
          %mul3A_1052 = vector.broadcast %squeeze3A_1021 : f32 to vector<16xf32>
          %mul3A_1053 = arith.mulf %get3A_1051, %mul3A_1052 : vector<16xf32>
          %swap3A_1054 = arith.index_cast %add3A_1025 : i32 to index
          %swap3A_1055 = arith.constant 32 : index
          %swap3A_1056 = tpu.vector_load %arg11[%swap3A_1054, %swap3A_1055] {strides = array<i32>} : memref<128x128xf32, #tpu.memory_space<vmem>>, vector<1x16xf32>,
          %swap3A_1057 = vector.shape_cast %swap3A_1056 : vector<1x16xf32> to vector<16xf32>
          %swap3A_1058 = vector.shape_cast %mul3A_1053 : vector<16xf32> to vector<1x16xf32>
          tpu.vector_store %arg11[%swap3A_1054, %swap3A_1055], %swap3A_1058 {strides = array<i32>} : memref<128x128xf32, #tpu.memory_space<vmem>>, vector<1x16xf32>,
          %get3A_1059 = arith.index_cast %add3A_1025 : i32 to index
          %get3A_1060 = arith.constant 48 : index
          %get3A_1061 = tpu.vector_load %arg11[%get3A_1059, %get3A_1060] {strides = array<i32>} : memref<128x128xf32, #tpu.memory_space<vmem>>, vector<1x16xf32>,
          %get3A_1062 = vector.shape_cast %get3A_1061 : vector<1x16xf32> to vector<16xf32>
          %mul3A_1063 = vector.broadcast %squeeze3A_1021 : f32 to vector<16xf32>
          %mul3A_1064 = arith.mulf %get3A_1062, %mul3A_1063 : vector<16xf32>
          %swap3A_1065 = arith.index_cast %add3A_1025 : i32 to index
          %swap3A_1066 = arith.constant 48 : index
          %swap3A_1067 = tpu.vector_load %arg11[%swap3A_1065, %swap3A_1066] {strides = array<i32>} : memref<128x128xf32, #tpu.memory_space<vmem>>, vector<1x16xf32>,
          %swap3A_1068 = vector.shape_cast %swap3A_1067 : vector<1x16xf32> to vector<16xf32>
          %swap3A_1069 = vector.shape_cast %mul3A_1064 : vector<16xf32> to vector<1x16xf32>
          tpu.vector_store %arg11[%swap3A_1065, %swap3A_1066], %swap3A_1069 {strides = array<i32>} : memref<128x128xf32, #tpu.memory_space<vmem>>, vector<1x16xf32>,
          %get3A_1070 = arith.index_cast %add3A_1025 : i32 to index
          %get3A_1071 = arith.constant 64 : index
          %get3A_1072 = tpu.vector_load %arg11[%get3A_1070, %get3A_1071] {strides = array<i32>} : memref<128x128xf32, #tpu.memory_space<vmem>>, vector<1x16xf32>,
          %get3A_1073 = vector.shape_cast %get3A_1072 : vector<1x16xf32> to vector<16xf32>
          %mul3A_1074 = vector.broadcast %squeeze3A_1021 : f32 to vector<16xf32>
          %mul3A_1075 = arith.mulf %get3A_1073, %mul3A_1074 : vector<16xf32>
          %swap3A_1076 = arith.index_cast %add3A_1025 : i32 to index
          %swap3A_1077 = arith.constant 64 : index
          %swap3A_1078 = tpu.vector_load %arg11[%swap3A_1076, %swap3A_1077] {strides = array<i32>} : memref<128x128xf32, #tpu.memory_space<vmem>>, vector<1x16xf32>,
          %swap3A_1079 = vector.shape_cast %swap3A_1078 : vector<1x16xf32> to vector<16xf32>
          %swap3A_1080 = vector.shape_cast %mul3A_1075 : vector<16xf32> to vector<1x16xf32>
          tpu.vector_store %arg11[%swap3A_1076, %swap3A_1077], %swap3A_1080 {strides = array<i32>} : memref<128x128xf32, #tpu.memory_space<vmem>>, vector<1x16xf32>,
          %get3A_1081 = arith.index_cast %add3A_1025 : i32 to index
          %get3A_1082 = arith.constant 80 : index
          %get3A_1083 = tpu.vector_load %arg11[%get3A_1081, %get3A_1082] {strides = array<i32>} : memref<128x128xf32, #tpu.memory_space<vmem>>, vector<1x16xf32>,
          %get3A_1084 = vector.shape_cast %get3A_1083 : vector<1x16xf32> to vector<16xf32>
          %mul3A_1085 = vector.broadcast %squeeze3A_1021 : f32 to vector<16xf32>
          %mul3A_1086 = arith.mulf %get3A_1084, %mul3A_1085 : vector<16xf32>
          %swap3A_1087 = arith.index_cast %add3A_1025 : i32 to index
          %swap3A_1088 = arith.constant 80 : index
          %swap3A_1089 = tpu.vector_load %arg11[%swap3A_1087, %swap3A_1088] {strides = array<i32>} : memref<128x128xf32, #tpu.memory_space<vmem>>, vector<1x16xf32>,
          %swap3A_1090 = vector.shape_cast %swap3A_1089 : vector<1x16xf32> to vector<16xf32>
          %swap3A_1091 = vector.shape_cast %mul3A_1086 : vector<16xf32> to vector<1x16xf32>
          tpu.vector_store %arg11[%swap3A_1087, %swap3A_1088], %swap3A_1091 {strides = array<i32>} : memref<128x128xf32, #tpu.memory_space<vmem>>, vector<1x16xf32>,
          %get3A_1092 = arith.index_cast %add3A_1025 : i32 to index
          %get3A_1093 = arith.constant 96 : index
          %get3A_1094 = tpu.vector_load %arg11[%get3A_1092, %get3A_1093] {strides = array<i32>} : memref<128x128xf32, #tpu.memory_space<vmem>>, vector<1x16xf32>,
          %get3A_1095 = vector.shape_cast %get3A_1094 : vector<1x16xf32> to vector<16xf32>
          %mul3A_1096 = vector.broadcast %squeeze3A_1021 : f32 to vector<16xf32>
          %mul3A_1097 = arith.mulf %get3A_1095, %mul3A_1096 : vector<16xf32>
          %swap3A_1098 = arith.index_cast %add3A_1025 : i32 to index
          %swap3A_1099 = arith.constant 96 : index
          %swap3A_1100 = tpu.vector_load %arg11[%swap3A_1098, %swap3A_1099] {strides = array<i32>} : memref<128x128xf32, #tpu.memory_space<vmem>>, vector<1x16xf32>,
          %swap3A_1101 = vector.shape_cast %swap3A_1100 : vector<1x16xf32> to vector<16xf32>
          %swap3A_1102 = vector.shape_cast %mul3A_1097 : vector<16xf32> to vector<1x16xf32>
          tpu.vector_store %arg11[%swap3A_1098, %swap3A_1099], %swap3A_1102 {strides = array<i32>} : memref<128x128xf32, #tpu.memory_space<vmem>>, vector<1x16xf32>,
          %get3A_1103 = arith.index_cast %add3A_1025 : i32 to index
          %get3A_1104 = arith.constant 112 : index
          %get3A_1105 = tpu.vector_load %arg11[%get3A_1103, %get3A_1104] {strides = array<i32>} : memref<128x128xf32, #tpu.memory_space<vmem>>, vector<1x16xf32>,
          %get3A_1106 = vector.shape_cast %get3A_1105 : vector<1x16xf32> to vector<16xf32>
          %mul3A_1107 = vector.broadcast %squeeze3A_1021 : f32 to vector<16xf32>
          %mul3A_1108 = arith.mulf %get3A_1106, %mul3A_1107 : vector<16xf32>
          %swap3A_1109 = arith.index_cast %add3A_1025 : i32 to index
          %swap3A_1110 = arith.constant 112 : index
          %swap3A_1111 = tpu.vector_load %arg11[%swap3A_1109, %swap3A_1110] {strides = array<i32>} : memref<128x128xf32, #tpu.memory_space<vmem>>, vector<1x16xf32>,
          %swap3A_1112 = vector.shape_cast %swap3A_1111 : vector<1x16xf32> to vector<16xf32>
          %swap3A_1113 = vector.shape_cast %mul3A_1108 : vector<16xf32> to vector<1x16xf32>
          tpu.vector_store %arg11[%swap3A_1109, %swap3A_1110], %swap3A_1113 {strides = array<i32>} : memref<128x128xf32, #tpu.memory_space<vmem>>, vector<1x16xf32>,
          %slice3A_1114 = vector.extract_strided_slice %get3A_82 {offsets = [11], sizes = [1], strides = [1]} : vector<16xf32> to vector<1xf32>
          %squeeze3A_1115 = vector.extract %slice3A_1114[0] : f32 from vector<1xf32>
          %mul3A_1116 = arith.constant 16 : i32
          %mul3A_1117 = arith.muli %scan3A_77, %mul3A_1116 : i32
          %add3A_1118 = arith.constant 11 : i32
          %add3A_1119 = arith.addi %mul3A_1117, %add3A_1118 : i32
          %get3A_1120 = arith.index_cast %add3A_1119 : i32 to index
          %get3A_1121 = arith.constant 0 : index
          %get3A_1122 = tpu.vector_load %arg11[%get3A_1120, %get3A_1121] {strides = array<i32>} : memref<128x128xf32, #tpu.memory_space<vmem>>, vector<1x16xf32>,
          %get3A_1123 = vector.shape_cast %get3A_1122 : vector<1x16xf32> to vector<16xf32>
          %mul3A_1124 = vector.broadcast %squeeze3A_1115 : f32 to vector<16xf32>
          %mul3A_1125 = arith.mulf %get3A_1123, %mul3A_1124 : vector<16xf32>
          %swap3A_1126 = arith.index_cast %add3A_1119 : i32 to index
          %swap3A_1127 = arith.constant 0 : index
          %swap3A_1128 = tpu.vector_load %arg11[%swap3A_1126, %swap3A_1127] {strides = array<i32>} : memref<128x128xf32, #tpu.memory_space<vmem>>, vector<1x16xf32>,
          %swap3A_1129 = vector.shape_cast %swap3A_1128 : vector<1x16xf32> to vector<16xf32>
          %swap3A_1130 = vector.shape_cast %mul3A_1125 : vector<16xf32> to vector<1x16xf32>
          tpu.vector_store %arg11[%swap3A_1126, %swap3A_1127], %swap3A_1130 {strides = array<i32>} : memref<128x128xf32, #tpu.memory_space<vmem>>, vector<1x16xf32>,
          %get3A_1131 = arith.index_cast %add3A_1119 : i32 to index
          %get3A_1132 = arith.constant 16 : index
          %get3A_1133 = tpu.vector_load %arg11[%get3A_1131, %get3A_1132] {strides = array<i32>} : memref<128x128xf32, #tpu.memory_space<vmem>>, vector<1x16xf32>,
          %get3A_1134 = vector.shape_cast %get3A_1133 : vector<1x16xf32> to vector<16xf32>
          %mul3A_1135 = vector.broadcast %squeeze3A_1115 : f32 to vector<16xf32>
          %mul3A_1136 = arith.mulf %get3A_1134, %mul3A_1135 : vector<16xf32>
          %swap3A_1137 = arith.index_cast %add3A_1119 : i32 to index
          %swap3A_1138 = arith.constant 16 : index
          %swap3A_1139 = tpu.vector_load %arg11[%swap3A_1137, %swap3A_1138] {strides = array<i32>} : memref<128x128xf32, #tpu.memory_space<vmem>>, vector<1x16xf32>,
          %swap3A_1140 = vector.shape_cast %swap3A_1139 : vector<1x16xf32> to vector<16xf32>
          %swap3A_1141 = vector.shape_cast %mul3A_1136 : vector<16xf32> to vector<1x16xf32>
          tpu.vector_store %arg11[%swap3A_1137, %swap3A_1138], %swap3A_1141 {strides = array<i32>} : memref<128x128xf32, #tpu.memory_space<vmem>>, vector<1x16xf32>,
          %get3A_1142 = arith.index_cast %add3A_1119 : i32 to index
          %get3A_1143 = arith.constant 32 : index
          %get3A_1144 = tpu.vector_load %arg11[%get3A_1142, %get3A_1143] {strides = array<i32>} : memref<128x128xf32, #tpu.memory_space<vmem>>, vector<1x16xf32>,
          %get3A_1145 = vector.shape_cast %get3A_1144 : vector<1x16xf32> to vector<16xf32>
          %mul3A_1146 = vector.broadcast %squeeze3A_1115 : f32 to vector<16xf32>
          %mul3A_1147 = arith.mulf %get3A_1145, %mul3A_1146 : vector<16xf32>
          %swap3A_1148 = arith.index_cast %add3A_1119 : i32 to index
          %swap3A_1149 = arith.constant 32 : index
          %swap3A_1150 = tpu.vector_load %arg11[%swap3A_1148, %swap3A_1149] {strides = array<i32>} : memref<128x128xf32, #tpu.memory_space<vmem>>, vector<1x16xf32>,
          %swap3A_1151 = vector.shape_cast %swap3A_1150 : vector<1x16xf32> to vector<16xf32>
          %swap3A_1152 = vector.shape_cast %mul3A_1147 : vector<16xf32> to vector<1x16xf32>
          tpu.vector_store %arg11[%swap3A_1148, %swap3A_1149], %swap3A_1152 {strides = array<i32>} : memref<128x128xf32, #tpu.memory_space<vmem>>, vector<1x16xf32>,
          %get3A_1153 = arith.index_cast %add3A_1119 : i32 to index
          %get3A_1154 = arith.constant 48 : index
          %get3A_1155 = tpu.vector_load %arg11[%get3A_1153, %get3A_1154] {strides = array<i32>} : memref<128x128xf32, #tpu.memory_space<vmem>>, vector<1x16xf32>,
          %get3A_1156 = vector.shape_cast %get3A_1155 : vector<1x16xf32> to vector<16xf32>
          %mul3A_1157 = vector.broadcast %squeeze3A_1115 : f32 to vector<16xf32>
          %mul3A_1158 = arith.mulf %get3A_1156, %mul3A_1157 : vector<16xf32>
          %swap3A_1159 = arith.index_cast %add3A_1119 : i32 to index
          %swap3A_1160 = arith.constant 48 : index
          %swap3A_1161 = tpu.vector_load %arg11[%swap3A_1159, %swap3A_1160] {strides = array<i32>} : memref<128x128xf32, #tpu.memory_space<vmem>>, vector<1x16xf32>,
          %swap3A_1162 = vector.shape_cast %swap3A_1161 : vector<1x16xf32> to vector<16xf32>
          %swap3A_1163 = vector.shape_cast %mul3A_1158 : vector<16xf32> to vector<1x16xf32>
          tpu.vector_store %arg11[%swap3A_1159, %swap3A_1160], %swap3A_1163 {strides = array<i32>} : memref<128x128xf32, #tpu.memory_space<vmem>>, vector<1x16xf32>,
          %get3A_1164 = arith.index_cast %add3A_1119 : i32 to index
          %get3A_1165 = arith.constant 64 : index
          %get3A_1166 = tpu.vector_load %arg11[%get3A_1164, %get3A_1165] {strides = array<i32>} : memref<128x128xf32, #tpu.memory_space<vmem>>, vector<1x16xf32>,
          %get3A_1167 = vector.shape_cast %get3A_1166 : vector<1x16xf32> to vector<16xf32>
          %mul3A_1168 = vector.broadcast %squeeze3A_1115 : f32 to vector<16xf32>
          %mul3A_1169 = arith.mulf %get3A_1167, %mul3A_1168 : vector<16xf32>
          %swap3A_1170 = arith.index_cast %add3A_1119 : i32 to index
          %swap3A_1171 = arith.constant 64 : index
          %swap3A_1172 = tpu.vector_load %arg11[%swap3A_1170, %swap3A_1171] {strides = array<i32>} : memref<128x128xf32, #tpu.memory_space<vmem>>, vector<1x16xf32>,
          %swap3A_1173 = vector.shape_cast %swap3A_1172 : vector<1x16xf32> to vector<16xf32>
          %swap3A_1174 = vector.shape_cast %mul3A_1169 : vector<16xf32> to vector<1x16xf32>
          tpu.vector_store %arg11[%swap3A_1170, %swap3A_1171], %swap3A_1174 {strides = array<i32>} : memref<128x128xf32, #tpu.memory_space<vmem>>, vector<1x16xf32>,
          %get3A_1175 = arith.index_cast %add3A_1119 : i32 to index
          %get3A_1176 = arith.constant 80 : index
          %get3A_1177 = tpu.vector_load %arg11[%get3A_1175, %get3A_1176] {strides = array<i32>} : memref<128x128xf32, #tpu.memory_space<vmem>>, vector<1x16xf32>,
          %get3A_1178 = vector.shape_cast %get3A_1177 : vector<1x16xf32> to vector<16xf32>
          %mul3A_1179 = vector.broadcast %squeeze3A_1115 : f32 to vector<16xf32>
          %mul3A_1180 = arith.mulf %get3A_1178, %mul3A_1179 : vector<16xf32>
          %swap3A_1181 = arith.index_cast %add3A_1119 : i32 to index
          %swap3A_1182 = arith.constant 80 : index
          %swap3A_1183 = tpu.vector_load %arg11[%swap3A_1181, %swap3A_1182] {strides = array<i32>} : memref<128x128xf32, #tpu.memory_space<vmem>>, vector<1x16xf32>,
          %swap3A_1184 = vector.shape_cast %swap3A_1183 : vector<1x16xf32> to vector<16xf32>
          %swap3A_1185 = vector.shape_cast %mul3A_1180 : vector<16xf32> to vector<1x16xf32>
          tpu.vector_store %arg11[%swap3A_1181, %swap3A_1182], %swap3A_1185 {strides = array<i32>} : memref<128x128xf32, #tpu.memory_space<vmem>>, vector<1x16xf32>,
          %get3A_1186 = arith.index_cast %add3A_1119 : i32 to index
          %get3A_1187 = arith.constant 96 : index
          %get3A_1188 = tpu.vector_load %arg11[%get3A_1186, %get3A_1187] {strides = array<i32>} : memref<128x128xf32, #tpu.memory_space<vmem>>, vector<1x16xf32>,
          %get3A_1189 = vector.shape_cast %get3A_1188 : vector<1x16xf32> to vector<16xf32>
          %mul3A_1190 = vector.broadcast %squeeze3A_1115 : f32 to vector<16xf32>
          %mul3A_1191 = arith.mulf %get3A_1189, %mul3A_1190 : vector<16xf32>
          %swap3A_1192 = arith.index_cast %add3A_1119 : i32 to index
          %swap3A_1193 = arith.constant 96 : index
          %swap3A_1194 = tpu.vector_load %arg11[%swap3A_1192, %swap3A_1193] {strides = array<i32>} : memref<128x128xf32, #tpu.memory_space<vmem>>, vector<1x16xf32>,
          %swap3A_1195 = vector.shape_cast %swap3A_1194 : vector<1x16xf32> to vector<16xf32>
          %swap3A_1196 = vector.shape_cast %mul3A_1191 : vector<16xf32> to vector<1x16xf32>
          tpu.vector_store %arg11[%swap3A_1192, %swap3A_1193], %swap3A_1196 {strides = array<i32>} : memref<128x128xf32, #tpu.memory_space<vmem>>, vector<1x16xf32>,
          %get3A_1197 = arith.index_cast %add3A_1119 : i32 to index
          %get3A_1198 = arith.constant 112 : index
          %get3A_1199 = tpu.vector_load %arg11[%get3A_1197, %get3A_1198] {strides = array<i32>} : memref<128x128xf32, #tpu.memory_space<vmem>>, vector<1x16xf32>,
          %get3A_1200 = vector.shape_cast %get3A_1199 : vector<1x16xf32> to vector<16xf32>
          %mul3A_1201 = vector.broadcast %squeeze3A_1115 : f32 to vector<16xf32>
          %mul3A_1202 = arith.mulf %get3A_1200, %mul3A_1201 : vector<16xf32>
          %swap3A_1203 = arith.index_cast %add3A_1119 : i32 to index
          %swap3A_1204 = arith.constant 112 : index
          %swap3A_1205 = tpu.vector_load %arg11[%swap3A_1203, %swap3A_1204] {strides = array<i32>} : memref<128x128xf32, #tpu.memory_space<vmem>>, vector<1x16xf32>,
          %swap3A_1206 = vector.shape_cast %swap3A_1205 : vector<1x16xf32> to vector<16xf32>
          %swap3A_1207 = vector.shape_cast %mul3A_1202 : vector<16xf32> to vector<1x16xf32>
          tpu.vector_store %arg11[%swap3A_1203, %swap3A_1204], %swap3A_1207 {strides = array<i32>} : memref<128x128xf32, #tpu.memory_space<vmem>>, vector<1x16xf32>,
          %slice3A_1208 = vector.extract_strided_slice %get3A_82 {offsets = [12], sizes = [1], strides = [1]} : vector<16xf32> to vector<1xf32>
          %squeeze3A_1209 = vector.extract %slice3A_1208[0] : f32 from vector<1xf32>
          %mul3A_1210 = arith.constant 16 : i32
          %mul3A_1211 = arith.muli %scan3A_77, %mul3A_1210 : i32
          %add3A_1212 = arith.constant 12 : i32
          %add3A_1213 = arith.addi %mul3A_1211, %add3A_1212 : i32
          %get3A_1214 = arith.index_cast %add3A_1213 : i32 to index
          %get3A_1215 = arith.constant 0 : index
          %get3A_1216 = tpu.vector_load %arg11[%get3A_1214, %get3A_1215] {strides = array<i32>} : memref<128x128xf32, #tpu.memory_space<vmem>>, vector<1x16xf32>,
          %get3A_1217 = vector.shape_cast %get3A_1216 : vector<1x16xf32> to vector<16xf32>
          %mul3A_1218 = vector.broadcast %squeeze3A_1209 : f32 to vector<16xf32>
          %mul3A_1219 = arith.mulf %get3A_1217, %mul3A_1218 : vector<16xf32>
          %swap3A_1220 = arith.index_cast %add3A_1213 : i32 to index
          %swap3A_1221 = arith.constant 0 : index
          %swap3A_1222 = tpu.vector_load %arg11[%swap3A_1220, %swap3A_1221] {strides = array<i32>} : memref<128x128xf32, #tpu.memory_space<vmem>>, vector<1x16xf32>,
          %swap3A_1223 = vector.shape_cast %swap3A_1222 : vector<1x16xf32> to vector<16xf32>
          %swap3A_1224 = vector.shape_cast %mul3A_1219 : vector<16xf32> to vector<1x16xf32>
          tpu.vector_store %arg11[%swap3A_1220, %swap3A_1221], %swap3A_1224 {strides = array<i32>} : memref<128x128xf32, #tpu.memory_space<vmem>>, vector<1x16xf32>,
          %get3A_1225 = arith.index_cast %add3A_1213 : i32 to index
          %get3A_1226 = arith.constant 16 : index
          %get3A_1227 = tpu.vector_load %arg11[%get3A_1225, %get3A_1226] {strides = array<i32>} : memref<128x128xf32, #tpu.memory_space<vmem>>, vector<1x16xf32>,
          %get3A_1228 = vector.shape_cast %get3A_1227 : vector<1x16xf32> to vector<16xf32>
          %mul3A_1229 = vector.broadcast %squeeze3A_1209 : f32 to vector<16xf32>
          %mul3A_1230 = arith.mulf %get3A_1228, %mul3A_1229 : vector<16xf32>
          %swap3A_1231 = arith.index_cast %add3A_1213 : i32 to index
          %swap3A_1232 = arith.constant 16 : index
          %swap3A_1233 = tpu.vector_load %arg11[%swap3A_1231, %swap3A_1232] {strides = array<i32>} : memref<128x128xf32, #tpu.memory_space<vmem>>, vector<1x16xf32>,
          %swap3A_1234 = vector.shape_cast %swap3A_1233 : vector<1x16xf32> to vector<16xf32>
          %swap3A_1235 = vector.shape_cast %mul3A_1230 : vector<16xf32> to vector<1x16xf32>
          tpu.vector_store %arg11[%swap3A_1231, %swap3A_1232], %swap3A_1235 {strides = array<i32>} : memref<128x128xf32, #tpu.memory_space<vmem>>, vector<1x16xf32>,
          %get3A_1236 = arith.index_cast %add3A_1213 : i32 to index
          %get3A_1237 = arith.constant 32 : index
          %get3A_1238 = tpu.vector_load %arg11[%get3A_1236, %get3A_1237] {strides = array<i32>} : memref<128x128xf32, #tpu.memory_space<vmem>>, vector<1x16xf32>,
          %get3A_1239 = vector.shape_cast %get3A_1238 : vector<1x16xf32> to vector<16xf32>
          %mul3A_1240 = vector.broadcast %squeeze3A_1209 : f32 to vector<16xf32>
          %mul3A_1241 = arith.mulf %get3A_1239, %mul3A_1240 : vector<16xf32>
          %swap3A_1242 = arith.index_cast %add3A_1213 : i32 to index
          %swap3A_1243 = arith.constant 32 : index
          %swap3A_1244 = tpu.vector_load %arg11[%swap3A_1242, %swap3A_1243] {strides = array<i32>} : memref<128x128xf32, #tpu.memory_space<vmem>>, vector<1x16xf32>,
          %swap3A_1245 = vector.shape_cast %swap3A_1244 : vector<1x16xf32> to vector<16xf32>
          %swap3A_1246 = vector.shape_cast %mul3A_1241 : vector<16xf32> to vector<1x16xf32>
          tpu.vector_store %arg11[%swap3A_1242, %swap3A_1243], %swap3A_1246 {strides = array<i32>} : memref<128x128xf32, #tpu.memory_space<vmem>>, vector<1x16xf32>,
          %get3A_1247 = arith.index_cast %add3A_1213 : i32 to index
          %get3A_1248 = arith.constant 48 : index
          %get3A_1249 = tpu.vector_load %arg11[%get3A_1247, %get3A_1248] {strides = array<i32>} : memref<128x128xf32, #tpu.memory_space<vmem>>, vector<1x16xf32>,
          %get3A_1250 = vector.shape_cast %get3A_1249 : vector<1x16xf32> to vector<16xf32>
          %mul3A_1251 = vector.broadcast %squeeze3A_1209 : f32 to vector<16xf32>
          %mul3A_1252 = arith.mulf %get3A_1250, %mul3A_1251 : vector<16xf32>
          %swap3A_1253 = arith.index_cast %add3A_1213 : i32 to index
          %swap3A_1254 = arith.constant 48 : index
          %swap3A_1255 = tpu.vector_load %arg11[%swap3A_1253, %swap3A_1254] {strides = array<i32>} : memref<128x128xf32, #tpu.memory_space<vmem>>, vector<1x16xf32>,
          %swap3A_1256 = vector.shape_cast %swap3A_1255 : vector<1x16xf32> to vector<16xf32>
          %swap3A_1257 = vector.shape_cast %mul3A_1252 : vector<16xf32> to vector<1x16xf32>
          tpu.vector_store %arg11[%swap3A_1253, %swap3A_1254], %swap3A_1257 {strides = array<i32>} : memref<128x128xf32, #tpu.memory_space<vmem>>, vector<1x16xf32>,
          %get3A_1258 = arith.index_cast %add3A_1213 : i32 to index
          %get3A_1259 = arith.constant 64 : index
          %get3A_1260 = tpu.vector_load %arg11[%get3A_1258, %get3A_1259] {strides = array<i32>} : memref<128x128xf32, #tpu.memory_space<vmem>>, vector<1x16xf32>,
          %get3A_1261 = vector.shape_cast %get3A_1260 : vector<1x16xf32> to vector<16xf32>
          %mul3A_1262 = vector.broadcast %squeeze3A_1209 : f32 to vector<16xf32>
          %mul3A_1263 = arith.mulf %get3A_1261, %mul3A_1262 : vector<16xf32>
          %swap3A_1264 = arith.index_cast %add3A_1213 : i32 to index
          %swap3A_1265 = arith.constant 64 : index
          %swap3A_1266 = tpu.vector_load %arg11[%swap3A_1264, %swap3A_1265] {strides = array<i32>} : memref<128x128xf32, #tpu.memory_space<vmem>>, vector<1x16xf32>,
          %swap3A_1267 = vector.shape_cast %swap3A_1266 : vector<1x16xf32> to vector<16xf32>
          %swap3A_1268 = vector.shape_cast %mul3A_1263 : vector<16xf32> to vector<1x16xf32>
          tpu.vector_store %arg11[%swap3A_1264, %swap3A_1265], %swap3A_1268 {strides = array<i32>} : memref<128x128xf32, #tpu.memory_space<vmem>>, vector<1x16xf32>,
          %get3A_1269 = arith.index_cast %add3A_1213 : i32 to index
          %get3A_1270 = arith.constant 80 : index
          %get3A_1271 = tpu.vector_load %arg11[%get3A_1269, %get3A_1270] {strides = array<i32>} : memref<128x128xf32, #tpu.memory_space<vmem>>, vector<1x16xf32>,
          %get3A_1272 = vector.shape_cast %get3A_1271 : vector<1x16xf32> to vector<16xf32>
          %mul3A_1273 = vector.broadcast %squeeze3A_1209 : f32 to vector<16xf32>
          %mul3A_1274 = arith.mulf %get3A_1272, %mul3A_1273 : vector<16xf32>
          %swap3A_1275 = arith.index_cast %add3A_1213 : i32 to index
          %swap3A_1276 = arith.constant 80 : index
          %swap3A_1277 = tpu.vector_load %arg11[%swap3A_1275, %swap3A_1276] {strides = array<i32>} : memref<128x128xf32, #tpu.memory_space<vmem>>, vector<1x16xf32>,
          %swap3A_1278 = vector.shape_cast %swap3A_1277 : vector<1x16xf32> to vector<16xf32>
          %swap3A_1279 = vector.shape_cast %mul3A_1274 : vector<16xf32> to vector<1x16xf32>
          tpu.vector_store %arg11[%swap3A_1275, %swap3A_1276], %swap3A_1279 {strides = array<i32>} : memref<128x128xf32, #tpu.memory_space<vmem>>, vector<1x16xf32>,
          %get3A_1280 = arith.index_cast %add3A_1213 : i32 to index
          %get3A_1281 = arith.constant 96 : index
          %get3A_1282 = tpu.vector_load %arg11[%get3A_1280, %get3A_1281] {strides = array<i32>} : memref<128x128xf32, #tpu.memory_space<vmem>>, vector<1x16xf32>,
          %get3A_1283 = vector.shape_cast %get3A_1282 : vector<1x16xf32> to vector<16xf32>
          %mul3A_1284 = vector.broadcast %squeeze3A_1209 : f32 to vector<16xf32>
          %mul3A_1285 = arith.mulf %get3A_1283, %mul3A_1284 : vector<16xf32>
          %swap3A_1286 = arith.index_cast %add3A_1213 : i32 to index
          %swap3A_1287 = arith.constant 96 : index
          %swap3A_1288 = tpu.vector_load %arg11[%swap3A_1286, %swap3A_1287] {strides = array<i32>} : memref<128x128xf32, #tpu.memory_space<vmem>>, vector<1x16xf32>,
          %swap3A_1289 = vector.shape_cast %swap3A_1288 : vector<1x16xf32> to vector<16xf32>
          %swap3A_1290 = vector.shape_cast %mul3A_1285 : vector<16xf32> to vector<1x16xf32>
          tpu.vector_store %arg11[%swap3A_1286, %swap3A_1287], %swap3A_1290 {strides = array<i32>} : memref<128x128xf32, #tpu.memory_space<vmem>>, vector<1x16xf32>,
          %get3A_1291 = arith.index_cast %add3A_1213 : i32 to index
          %get3A_1292 = arith.constant 112 : index
          %get3A_1293 = tpu.vector_load %arg11[%get3A_1291, %get3A_1292] {strides = array<i32>} : memref<128x128xf32, #tpu.memory_space<vmem>>, vector<1x16xf32>,
          %get3A_1294 = vector.shape_cast %get3A_1293 : vector<1x16xf32> to vector<16xf32>
          %mul3A_1295 = vector.broadcast %squeeze3A_1209 : f32 to vector<16xf32>
          %mul3A_1296 = arith.mulf %get3A_1294, %mul3A_1295 : vector<16xf32>
          %swap3A_1297 = arith.index_cast %add3A_1213 : i32 to index
          %swap3A_1298 = arith.constant 112 : index
          %swap3A_1299 = tpu.vector_load %arg11[%swap3A_1297, %swap3A_1298] {strides = array<i32>} : memref<128x128xf32, #tpu.memory_space<vmem>>, vector<1x16xf32>,
          %swap3A_1300 = vector.shape_cast %swap3A_1299 : vector<1x16xf32> to vector<16xf32>
          %swap3A_1301 = vector.shape_cast %mul3A_1296 : vector<16xf32> to vector<1x16xf32>
          tpu.vector_store %arg11[%swap3A_1297, %swap3A_1298], %swap3A_1301 {strides = array<i32>} : memref<128x128xf32, #tpu.memory_space<vmem>>, vector<1x16xf32>,
          %slice3A_1302 = vector.extract_strided_slice %get3A_82 {offsets = [13], sizes = [1], strides = [1]} : vector<16xf32> to vector<1xf32>
          %squeeze3A_1303 = vector.extract %slice3A_1302[0] : f32 from vector<1xf32>
          %mul3A_1304 = arith.constant 16 : i32
          %mul3A_1305 = arith.muli %scan3A_77, %mul3A_1304 : i32
          %add3A_1306 = arith.constant 13 : i32
          %add3A_1307 = arith.addi %mul3A_1305, %add3A_1306 : i32
          %get3A_1308 = arith.index_cast %add3A_1307 : i32 to index
          %get3A_1309 = arith.constant 0 : index
          %get3A_1310 = tpu.vector_load %arg11[%get3A_1308, %get3A_1309] {strides = array<i32>} : memref<128x128xf32, #tpu.memory_space<vmem>>, vector<1x16xf32>,
          %get3A_1311 = vector.shape_cast %get3A_1310 : vector<1x16xf32> to vector<16xf32>
          %mul3A_1312 = vector.broadcast %squeeze3A_1303 : f32 to vector<16xf32>
          %mul3A_1313 = arith.mulf %get3A_1311, %mul3A_1312 : vector<16xf32>
          %swap3A_1314 = arith.index_cast %add3A_1307 : i32 to index
          %swap3A_1315 = arith.constant 0 : index
          %swap3A_1316 = tpu.vector_load %arg11[%swap3A_1314, %swap3A_1315] {strides = array<i32>} : memref<128x128xf32, #tpu.memory_space<vmem>>, vector<1x16xf32>,
          %swap3A_1317 = vector.shape_cast %swap3A_1316 : vector<1x16xf32> to vector<16xf32>
          %swap3A_1318 = vector.shape_cast %mul3A_1313 : vector<16xf32> to vector<1x16xf32>
          tpu.vector_store %arg11[%swap3A_1314, %swap3A_1315], %swap3A_1318 {strides = array<i32>} : memref<128x128xf32, #tpu.memory_space<vmem>>, vector<1x16xf32>,
          %get3A_1319 = arith.index_cast %add3A_1307 : i32 to index
          %get3A_1320 = arith.constant 16 : index
          %get3A_1321 = tpu.vector_load %arg11[%get3A_1319, %get3A_1320] {strides = array<i32>} : memref<128x128xf32, #tpu.memory_space<vmem>>, vector<1x16xf32>,
          %get3A_1322 = vector.shape_cast %get3A_1321 : vector<1x16xf32> to vector<16xf32>
          %mul3A_1323 = vector.broadcast %squeeze3A_1303 : f32 to vector<16xf32>
          %mul3A_1324 = arith.mulf %get3A_1322, %mul3A_1323 : vector<16xf32>
          %swap3A_1325 = arith.index_cast %add3A_1307 : i32 to index
          %swap3A_1326 = arith.constant 16 : index
          %swap3A_1327 = tpu.vector_load %arg11[%swap3A_1325, %swap3A_1326] {strides = array<i32>} : memref<128x128xf32, #tpu.memory_space<vmem>>, vector<1x16xf32>,
          %swap3A_1328 = vector.shape_cast %swap3A_1327 : vector<1x16xf32> to vector<16xf32>
          %swap3A_1329 = vector.shape_cast %mul3A_1324 : vector<16xf32> to vector<1x16xf32>
          tpu.vector_store %arg11[%swap3A_1325, %swap3A_1326], %swap3A_1329 {strides = array<i32>} : memref<128x128xf32, #tpu.memory_space<vmem>>, vector<1x16xf32>,
          %get3A_1330 = arith.index_cast %add3A_1307 : i32 to index
          %get3A_1331 = arith.constant 32 : index
          %get3A_1332 = tpu.vector_load %arg11[%get3A_1330, %get3A_1331] {strides = array<i32>} : memref<128x128xf32, #tpu.memory_space<vmem>>, vector<1x16xf32>,
          %get3A_1333 = vector.shape_cast %get3A_1332 : vector<1x16xf32> to vector<16xf32>
          %mul3A_1334 = vector.broadcast %squeeze3A_1303 : f32 to vector<16xf32>
          %mul3A_1335 = arith.mulf %get3A_1333, %mul3A_1334 : vector<16xf32>
          %swap3A_1336 = arith.index_cast %add3A_1307 : i32 to index
          %swap3A_1337 = arith.constant 32 : index
          %swap3A_1338 = tpu.vector_load %arg11[%swap3A_1336, %swap3A_1337] {strides = array<i32>} : memref<128x128xf32, #tpu.memory_space<vmem>>, vector<1x16xf32>,
          %swap3A_1339 = vector.shape_cast %swap3A_1338 : vector<1x16xf32> to vector<16xf32>
          %swap3A_1340 = vector.shape_cast %mul3A_1335 : vector<16xf32> to vector<1x16xf32>
          tpu.vector_store %arg11[%swap3A_1336, %swap3A_1337], %swap3A_1340 {strides = array<i32>} : memref<128x128xf32, #tpu.memory_space<vmem>>, vector<1x16xf32>,
          %get3A_1341 = arith.index_cast %add3A_1307 : i32 to index
          %get3A_1342 = arith.constant 48 : index
          %get3A_1343 = tpu.vector_load %arg11[%get3A_1341, %get3A_1342] {strides = array<i32>} : memref<128x128xf32, #tpu.memory_space<vmem>>, vector<1x16xf32>,
          %get3A_1344 = vector.shape_cast %get3A_1343 : vector<1x16xf32> to vector<16xf32>
          %mul3A_1345 = vector.broadcast %squeeze3A_1303 : f32 to vector<16xf32>
          %mul3A_1346 = arith.mulf %get3A_1344, %mul3A_1345 : vector<16xf32>
          %swap3A_1347 = arith.index_cast %add3A_1307 : i32 to index
          %swap3A_1348 = arith.constant 48 : index
          %swap3A_1349 = tpu.vector_load %arg11[%swap3A_1347, %swap3A_1348] {strides = array<i32>} : memref<128x128xf32, #tpu.memory_space<vmem>>, vector<1x16xf32>,
          %swap3A_1350 = vector.shape_cast %swap3A_1349 : vector<1x16xf32> to vector<16xf32>
          %swap3A_1351 = vector.shape_cast %mul3A_1346 : vector<16xf32> to vector<1x16xf32>
          tpu.vector_store %arg11[%swap3A_1347, %swap3A_1348], %swap3A_1351 {strides = array<i32>} : memref<128x128xf32, #tpu.memory_space<vmem>>, vector<1x16xf32>,
          %get3A_1352 = arith.index_cast %add3A_1307 : i32 to index
          %get3A_1353 = arith.constant 64 : index
          %get3A_1354 = tpu.vector_load %arg11[%get3A_1352, %get3A_1353] {strides = array<i32>} : memref<128x128xf32, #tpu.memory_space<vmem>>, vector<1x16xf32>,
          %get3A_1355 = vector.shape_cast %get3A_1354 : vector<1x16xf32> to vector<16xf32>
          %mul3A_1356 = vector.broadcast %squeeze3A_1303 : f32 to vector<16xf32>
          %mul3A_1357 = arith.mulf %get3A_1355, %mul3A_1356 : vector<16xf32>
          %swap3A_1358 = arith.index_cast %add3A_1307 : i32 to index
          %swap3A_1359 = arith.constant 64 : index
          %swap3A_1360 = tpu.vector_load %arg11[%swap3A_1358, %swap3A_1359] {strides = array<i32>} : memref<128x128xf32, #tpu.memory_space<vmem>>, vector<1x16xf32>,
          %swap3A_1361 = vector.shape_cast %swap3A_1360 : vector<1x16xf32> to vector<16xf32>
          %swap3A_1362 = vector.shape_cast %mul3A_1357 : vector<16xf32> to vector<1x16xf32>
          tpu.vector_store %arg11[%swap3A_1358, %swap3A_1359], %swap3A_1362 {strides = array<i32>} : memref<128x128xf32, #tpu.memory_space<vmem>>, vector<1x16xf32>,
          %get3A_1363 = arith.index_cast %add3A_1307 : i32 to index
          %get3A_1364 = arith.constant 80 : index
          %get3A_1365 = tpu.vector_load %arg11[%get3A_1363, %get3A_1364] {strides = array<i32>} : memref<128x128xf32, #tpu.memory_space<vmem>>, vector<1x16xf32>,
          %get3A_1366 = vector.shape_cast %get3A_1365 : vector<1x16xf32> to vector<16xf32>
          %mul3A_1367 = vector.broadcast %squeeze3A_1303 : f32 to vector<16xf32>
          %mul3A_1368 = arith.mulf %get3A_1366, %mul3A_1367 : vector<16xf32>
          %swap3A_1369 = arith.index_cast %add3A_1307 : i32 to index
          %swap3A_1370 = arith.constant 80 : index
          %swap3A_1371 = tpu.vector_load %arg11[%swap3A_1369, %swap3A_1370] {strides = array<i32>} : memref<128x128xf32, #tpu.memory_space<vmem>>, vector<1x16xf32>,
          %swap3A_1372 = vector.shape_cast %swap3A_1371 : vector<1x16xf32> to vector<16xf32>
          %swap3A_1373 = vector.shape_cast %mul3A_1368 : vector<16xf32> to vector<1x16xf32>
          tpu.vector_store %arg11[%swap3A_1369, %swap3A_1370], %swap3A_1373 {strides = array<i32>} : memref<128x128xf32, #tpu.memory_space<vmem>>, vector<1x16xf32>,
          %get3A_1374 = arith.index_cast %add3A_1307 : i32 to index
          %get3A_1375 = arith.constant 96 : index
          %get3A_1376 = tpu.vector_load %arg11[%get3A_1374, %get3A_1375] {strides = array<i32>} : memref<128x128xf32, #tpu.memory_space<vmem>>, vector<1x16xf32>,
          %get3A_1377 = vector.shape_cast %get3A_1376 : vector<1x16xf32> to vector<16xf32>
          %mul3A_1378 = vector.broadcast %squeeze3A_1303 : f32 to vector<16xf32>
          %mul3A_1379 = arith.mulf %get3A_1377, %mul3A_1378 : vector<16xf32>
          %swap3A_1380 = arith.index_cast %add3A_1307 : i32 to index
          %swap3A_1381 = arith.constant 96 : index
          %swap3A_1382 = tpu.vector_load %arg11[%swap3A_1380, %swap3A_1381] {strides = array<i32>} : memref<128x128xf32, #tpu.memory_space<vmem>>, vector<1x16xf32>,
          %swap3A_1383 = vector.shape_cast %swap3A_1382 : vector<1x16xf32> to vector<16xf32>
          %swap3A_1384 = vector.shape_cast %mul3A_1379 : vector<16xf32> to vector<1x16xf32>
          tpu.vector_store %arg11[%swap3A_1380, %swap3A_1381], %swap3A_1384 {strides = array<i32>} : memref<128x128xf32, #tpu.memory_space<vmem>>, vector<1x16xf32>,
          %get3A_1385 = arith.index_cast %add3A_1307 : i32 to index
          %get3A_1386 = arith.constant 112 : index
          %get3A_1387 = tpu.vector_load %arg11[%get3A_1385, %get3A_1386] {strides = array<i32>} : memref<128x128xf32, #tpu.memory_space<vmem>>, vector<1x16xf32>,
          %get3A_1388 = vector.shape_cast %get3A_1387 : vector<1x16xf32> to vector<16xf32>
          %mul3A_1389 = vector.broadcast %squeeze3A_1303 : f32 to vector<16xf32>
          %mul3A_1390 = arith.mulf %get3A_1388, %mul3A_1389 : vector<16xf32>
          %swap3A_1391 = arith.index_cast %add3A_1307 : i32 to index
          %swap3A_1392 = arith.constant 112 : index
          %swap3A_1393 = tpu.vector_load %arg11[%swap3A_1391, %swap3A_1392] {strides = array<i32>} : memref<128x128xf32, #tpu.memory_space<vmem>>, vector<1x16xf32>,
          %swap3A_1394 = vector.shape_cast %swap3A_1393 : vector<1x16xf32> to vector<16xf32>
          %swap3A_1395 = vector.shape_cast %mul3A_1390 : vector<16xf32> to vector<1x16xf32>
          tpu.vector_store %arg11[%swap3A_1391, %swap3A_1392], %swap3A_1395 {strides = array<i32>} : memref<128x128xf32, #tpu.memory_space<vmem>>, vector<1x16xf32>,
          %slice3A_1396 = vector.extract_strided_slice %get3A_82 {offsets = [14], sizes = [1], strides = [1]} : vector<16xf32> to vector<1xf32>
          %squeeze3A_1397 = vector.extract %slice3A_1396[0] : f32 from vector<1xf32>
          %mul3A_1398 = arith.constant 16 : i32
          %mul3A_1399 = arith.muli %scan3A_77, %mul3A_1398 : i32
          %add3A_1400 = arith.constant 14 : i32
          %add3A_1401 = arith.addi %mul3A_1399, %add3A_1400 : i32
          %get3A_1402 = arith.index_cast %add3A_1401 : i32 to index
          %get3A_1403 = arith.constant 0 : index
          %get3A_1404 = tpu.vector_load %arg11[%get3A_1402, %get3A_1403] {strides = array<i32>} : memref<128x128xf32, #tpu.memory_space<vmem>>, vector<1x16xf32>,
          %get3A_1405 = vector.shape_cast %get3A_1404 : vector<1x16xf32> to vector<16xf32>
          %mul3A_1406 = vector.broadcast %squeeze3A_1397 : f32 to vector<16xf32>
          %mul3A_1407 = arith.mulf %get3A_1405, %mul3A_1406 : vector<16xf32>
          %swap3A_1408 = arith.index_cast %add3A_1401 : i32 to index
          %swap3A_1409 = arith.constant 0 : index
          %swap3A_1410 = tpu.vector_load %arg11[%swap3A_1408, %swap3A_1409] {strides = array<i32>} : memref<128x128xf32, #tpu.memory_space<vmem>>, vector<1x16xf32>,
          %swap3A_1411 = vector.shape_cast %swap3A_1410 : vector<1x16xf32> to vector<16xf32>
          %swap3A_1412 = vector.shape_cast %mul3A_1407 : vector<16xf32> to vector<1x16xf32>
          tpu.vector_store %arg11[%swap3A_1408, %swap3A_1409], %swap3A_1412 {strides = array<i32>} : memref<128x128xf32, #tpu.memory_space<vmem>>, vector<1x16xf32>,
          %get3A_1413 = arith.index_cast %add3A_1401 : i32 to index
          %get3A_1414 = arith.constant 16 : index
          %get3A_1415 = tpu.vector_load %arg11[%get3A_1413, %get3A_1414] {strides = array<i32>} : memref<128x128xf32, #tpu.memory_space<vmem>>, vector<1x16xf32>,
          %get3A_1416 = vector.shape_cast %get3A_1415 : vector<1x16xf32> to vector<16xf32>
          %mul3A_1417 = vector.broadcast %squeeze3A_1397 : f32 to vector<16xf32>
          %mul3A_1418 = arith.mulf %get3A_1416, %mul3A_1417 : vector<16xf32>
          %swap3A_1419 = arith.index_cast %add3A_1401 : i32 to index
          %swap3A_1420 = arith.constant 16 : index
          %swap3A_1421 = tpu.vector_load %arg11[%swap3A_1419, %swap3A_1420] {strides = array<i32>} : memref<128x128xf32, #tpu.memory_space<vmem>>, vector<1x16xf32>,
          %swap3A_1422 = vector.shape_cast %swap3A_1421 : vector<1x16xf32> to vector<16xf32>
          %swap3A_1423 = vector.shape_cast %mul3A_1418 : vector<16xf32> to vector<1x16xf32>
          tpu.vector_store %arg11[%swap3A_1419, %swap3A_1420], %swap3A_1423 {strides = array<i32>} : memref<128x128xf32, #tpu.memory_space<vmem>>, vector<1x16xf32>,
          %get3A_1424 = arith.index_cast %add3A_1401 : i32 to index
          %get3A_1425 = arith.constant 32 : index
          %get3A_1426 = tpu.vector_load %arg11[%get3A_1424, %get3A_1425] {strides = array<i32>} : memref<128x128xf32, #tpu.memory_space<vmem>>, vector<1x16xf32>,
          %get3A_1427 = vector.shape_cast %get3A_1426 : vector<1x16xf32> to vector<16xf32>
          %mul3A_1428 = vector.broadcast %squeeze3A_1397 : f32 to vector<16xf32>
          %mul3A_1429 = arith.mulf %get3A_1427, %mul3A_1428 : vector<16xf32>
          %swap3A_1430 = arith.index_cast %add3A_1401 : i32 to index
          %swap3A_1431 = arith.constant 32 : index
          %swap3A_1432 = tpu.vector_load %arg11[%swap3A_1430, %swap3A_1431] {strides = array<i32>} : memref<128x128xf32, #tpu.memory_space<vmem>>, vector<1x16xf32>,
          %swap3A_1433 = vector.shape_cast %swap3A_1432 : vector<1x16xf32> to vector<16xf32>
          %swap3A_1434 = vector.shape_cast %mul3A_1429 : vector<16xf32> to vector<1x16xf32>
          tpu.vector_store %arg11[%swap3A_1430, %swap3A_1431], %swap3A_1434 {strides = array<i32>} : memref<128x128xf32, #tpu.memory_space<vmem>>, vector<1x16xf32>,
          %get3A_1435 = arith.index_cast %add3A_1401 : i32 to index
          %get3A_1436 = arith.constant 48 : index
          %get3A_1437 = tpu.vector_load %arg11[%get3A_1435, %get3A_1436] {strides = array<i32>} : memref<128x128xf32, #tpu.memory_space<vmem>>, vector<1x16xf32>,
          %get3A_1438 = vector.shape_cast %get3A_1437 : vector<1x16xf32> to vector<16xf32>
          %mul3A_1439 = vector.broadcast %squeeze3A_1397 : f32 to vector<16xf32>
          %mul3A_1440 = arith.mulf %get3A_1438, %mul3A_1439 : vector<16xf32>
          %swap3A_1441 = arith.index_cast %add3A_1401 : i32 to index
          %swap3A_1442 = arith.constant 48 : index
          %swap3A_1443 = tpu.vector_load %arg11[%swap3A_1441, %swap3A_1442] {strides = array<i32>} : memref<128x128xf32, #tpu.memory_space<vmem>>, vector<1x16xf32>,
          %swap3A_1444 = vector.shape_cast %swap3A_1443 : vector<1x16xf32> to vector<16xf32>
          %swap3A_1445 = vector.shape_cast %mul3A_1440 : vector<16xf32> to vector<1x16xf32>
          tpu.vector_store %arg11[%swap3A_1441, %swap3A_1442], %swap3A_1445 {strides = array<i32>} : memref<128x128xf32, #tpu.memory_space<vmem>>, vector<1x16xf32>,
          %get3A_1446 = arith.index_cast %add3A_1401 : i32 to index
          %get3A_1447 = arith.constant 64 : index
          %get3A_1448 = tpu.vector_load %arg11[%get3A_1446, %get3A_1447] {strides = array<i32>} : memref<128x128xf32, #tpu.memory_space<vmem>>, vector<1x16xf32>,
          %get3A_1449 = vector.shape_cast %get3A_1448 : vector<1x16xf32> to vector<16xf32>
          %mul3A_1450 = vector.broadcast %squeeze3A_1397 : f32 to vector<16xf32>
          %mul3A_1451 = arith.mulf %get3A_1449, %mul3A_1450 : vector<16xf32>
          %swap3A_1452 = arith.index_cast %add3A_1401 : i32 to index
          %swap3A_1453 = arith.constant 64 : index
          %swap3A_1454 = tpu.vector_load %arg11[%swap3A_1452, %swap3A_1453] {strides = array<i32>} : memref<128x128xf32, #tpu.memory_space<vmem>>, vector<1x16xf32>,
          %swap3A_1455 = vector.shape_cast %swap3A_1454 : vector<1x16xf32> to vector<16xf32>
          %swap3A_1456 = vector.shape_cast %mul3A_1451 : vector<16xf32> to vector<1x16xf32>
          tpu.vector_store %arg11[%swap3A_1452, %swap3A_1453], %swap3A_1456 {strides = array<i32>} : memref<128x128xf32, #tpu.memory_space<vmem>>, vector<1x16xf32>,
          %get3A_1457 = arith.index_cast %add3A_1401 : i32 to index
          %get3A_1458 = arith.constant 80 : index
          %get3A_1459 = tpu.vector_load %arg11[%get3A_1457, %get3A_1458] {strides = array<i32>} : memref<128x128xf32, #tpu.memory_space<vmem>>, vector<1x16xf32>,
          %get3A_1460 = vector.shape_cast %get3A_1459 : vector<1x16xf32> to vector<16xf32>
          %mul3A_1461 = vector.broadcast %squeeze3A_1397 : f32 to vector<16xf32>
          %mul3A_1462 = arith.mulf %get3A_1460, %mul3A_1461 : vector<16xf32>
          %swap3A_1463 = arith.index_cast %add3A_1401 : i32 to index
          %swap3A_1464 = arith.constant 80 : index
          %swap3A_1465 = tpu.vector_load %arg11[%swap3A_1463, %swap3A_1464] {strides = array<i32>} : memref<128x128xf32, #tpu.memory_space<vmem>>, vector<1x16xf32>,
          %swap3A_1466 = vector.shape_cast %swap3A_1465 : vector<1x16xf32> to vector<16xf32>
          %swap3A_1467 = vector.shape_cast %mul3A_1462 : vector<16xf32> to vector<1x16xf32>
          tpu.vector_store %arg11[%swap3A_1463, %swap3A_1464], %swap3A_1467 {strides = array<i32>} : memref<128x128xf32, #tpu.memory_space<vmem>>, vector<1x16xf32>,
          %get3A_1468 = arith.index_cast %add3A_1401 : i32 to index
          %get3A_1469 = arith.constant 96 : index
          %get3A_1470 = tpu.vector_load %arg11[%get3A_1468, %get3A_1469] {strides = array<i32>} : memref<128x128xf32, #tpu.memory_space<vmem>>, vector<1x16xf32>,
          %get3A_1471 = vector.shape_cast %get3A_1470 : vector<1x16xf32> to vector<16xf32>
          %mul3A_1472 = vector.broadcast %squeeze3A_1397 : f32 to vector<16xf32>
          %mul3A_1473 = arith.mulf %get3A_1471, %mul3A_1472 : vector<16xf32>
          %swap3A_1474 = arith.index_cast %add3A_1401 : i32 to index
          %swap3A_1475 = arith.constant 96 : index
          %swap3A_1476 = tpu.vector_load %arg11[%swap3A_1474, %swap3A_1475] {strides = array<i32>} : memref<128x128xf32, #tpu.memory_space<vmem>>, vector<1x16xf32>,
          %swap3A_1477 = vector.shape_cast %swap3A_1476 : vector<1x16xf32> to vector<16xf32>
          %swap3A_1478 = vector.shape_cast %mul3A_1473 : vector<16xf32> to vector<1x16xf32>
          tpu.vector_store %arg11[%swap3A_1474, %swap3A_1475], %swap3A_1478 {strides = array<i32>} : memref<128x128xf32, #tpu.memory_space<vmem>>, vector<1x16xf32>,
          %get3A_1479 = arith.index_cast %add3A_1401 : i32 to index
          %get3A_1480 = arith.constant 112 : index
          %get3A_1481 = tpu.vector_load %arg11[%get3A_1479, %get3A_1480] {strides = array<i32>} : memref<128x128xf32, #tpu.memory_space<vmem>>, vector<1x16xf32>,
          %get3A_1482 = vector.shape_cast %get3A_1481 : vector<1x16xf32> to vector<16xf32>
          %mul3A_1483 = vector.broadcast %squeeze3A_1397 : f32 to vector<16xf32>
          %mul3A_1484 = arith.mulf %get3A_1482, %mul3A_1483 : vector<16xf32>
          %swap3A_1485 = arith.index_cast %add3A_1401 : i32 to index
          %swap3A_1486 = arith.constant 112 : index
          %swap3A_1487 = tpu.vector_load %arg11[%swap3A_1485, %swap3A_1486] {strides = array<i32>} : memref<128x128xf32, #tpu.memory_space<vmem>>, vector<1x16xf32>,
          %swap3A_1488 = vector.shape_cast %swap3A_1487 : vector<1x16xf32> to vector<16xf32>
          %swap3A_1489 = vector.shape_cast %mul3A_1484 : vector<16xf32> to vector<1x16xf32>
          tpu.vector_store %arg11[%swap3A_1485, %swap3A_1486], %swap3A_1489 {strides = array<i32>} : memref<128x128xf32, #tpu.memory_space<vmem>>, vector<1x16xf32>,
          %slice3A_1490 = vector.extract_strided_slice %get3A_82 {offsets = [15], sizes = [1], strides = [1]} : vector<16xf32> to vector<1xf32>
          %squeeze3A_1491 = vector.extract %slice3A_1490[0] : f32 from vector<1xf32>
          %mul3A_1492 = arith.constant 16 : i32
          %mul3A_1493 = arith.muli %scan3A_77, %mul3A_1492 : i32
          %add3A_1494 = arith.constant 15 : i32
          %add3A_1495 = arith.addi %mul3A_1493, %add3A_1494 : i32
          %get3A_1496 = arith.index_cast %add3A_1495 : i32 to index
          %get3A_1497 = arith.constant 0 : index
          %get3A_1498 = tpu.vector_load %arg11[%get3A_1496, %get3A_1497] {strides = array<i32>} : memref<128x128xf32, #tpu.memory_space<vmem>>, vector<1x16xf32>,
          %get3A_1499 = vector.shape_cast %get3A_1498 : vector<1x16xf32> to vector<16xf32>
          %mul3A_1500 = vector.broadcast %squeeze3A_1491 : f32 to vector<16xf32>
          %mul3A_1501 = arith.mulf %get3A_1499, %mul3A_1500 : vector<16xf32>
          %swap3A_1502 = arith.index_cast %add3A_1495 : i32 to index
          %swap3A_1503 = arith.constant 0 : index
          %swap3A_1504 = tpu.vector_load %arg11[%swap3A_1502, %swap3A_1503] {strides = array<i32>} : memref<128x128xf32, #tpu.memory_space<vmem>>, vector<1x16xf32>,
          %swap3A_1505 = vector.shape_cast %swap3A_1504 : vector<1x16xf32> to vector<16xf32>
          %swap3A_1506 = vector.shape_cast %mul3A_1501 : vector<16xf32> to vector<1x16xf32>
          tpu.vector_store %arg11[%swap3A_1502, %swap3A_1503], %swap3A_1506 {strides = array<i32>} : memref<128x128xf32, #tpu.memory_space<vmem>>, vector<1x16xf32>,
          %get3A_1507 = arith.index_cast %add3A_1495 : i32 to index
          %get3A_1508 = arith.constant 16 : index
          %get3A_1509 = tpu.vector_load %arg11[%get3A_1507, %get3A_1508] {strides = array<i32>} : memref<128x128xf32, #tpu.memory_space<vmem>>, vector<1x16xf32>,
          %get3A_1510 = vector.shape_cast %get3A_1509 : vector<1x16xf32> to vector<16xf32>
          %mul3A_1511 = vector.broadcast %squeeze3A_1491 : f32 to vector<16xf32>
          %mul3A_1512 = arith.mulf %get3A_1510, %mul3A_1511 : vector<16xf32>
          %swap3A_1513 = arith.index_cast %add3A_1495 : i32 to index
          %swap3A_1514 = arith.constant 16 : index
          %swap3A_1515 = tpu.vector_load %arg11[%swap3A_1513, %swap3A_1514] {strides = array<i32>} : memref<128x128xf32, #tpu.memory_space<vmem>>, vector<1x16xf32>,
          %swap3A_1516 = vector.shape_cast %swap3A_1515 : vector<1x16xf32> to vector<16xf32>
          %swap3A_1517 = vector.shape_cast %mul3A_1512 : vector<16xf32> to vector<1x16xf32>
          tpu.vector_store %arg11[%swap3A_1513, %swap3A_1514], %swap3A_1517 {strides = array<i32>} : memref<128x128xf32, #tpu.memory_space<vmem>>, vector<1x16xf32>,
          %get3A_1518 = arith.index_cast %add3A_1495 : i32 to index
          %get3A_1519 = arith.constant 32 : index
          %get3A_1520 = tpu.vector_load %arg11[%get3A_1518, %get3A_1519] {strides = array<i32>} : memref<128x128xf32, #tpu.memory_space<vmem>>, vector<1x16xf32>,
          %get3A_1521 = vector.shape_cast %get3A_1520 : vector<1x16xf32> to vector<16xf32>
          %mul3A_1522 = vector.broadcast %squeeze3A_1491 : f32 to vector<16xf32>
          %mul3A_1523 = arith.mulf %get3A_1521, %mul3A_1522 : vector<16xf32>
          %swap3A_1524 = arith.index_cast %add3A_1495 : i32 to index
          %swap3A_1525 = arith.constant 32 : index
          %swap3A_1526 = tpu.vector_load %arg11[%swap3A_1524, %swap3A_1525] {strides = array<i32>} : memref<128x128xf32, #tpu.memory_space<vmem>>, vector<1x16xf32>,
          %swap3A_1527 = vector.shape_cast %swap3A_1526 : vector<1x16xf32> to vector<16xf32>
          %swap3A_1528 = vector.shape_cast %mul3A_1523 : vector<16xf32> to vector<1x16xf32>
          tpu.vector_store %arg11[%swap3A_1524, %swap3A_1525], %swap3A_1528 {strides = array<i32>} : memref<128x128xf32, #tpu.memory_space<vmem>>, vector<1x16xf32>,
          %get3A_1529 = arith.index_cast %add3A_1495 : i32 to index
          %get3A_1530 = arith.constant 48 : index
          %get3A_1531 = tpu.vector_load %arg11[%get3A_1529, %get3A_1530] {strides = array<i32>} : memref<128x128xf32, #tpu.memory_space<vmem>>, vector<1x16xf32>,
          %get3A_1532 = vector.shape_cast %get3A_1531 : vector<1x16xf32> to vector<16xf32>
          %mul3A_1533 = vector.broadcast %squeeze3A_1491 : f32 to vector<16xf32>
          %mul3A_1534 = arith.mulf %get3A_1532, %mul3A_1533 : vector<16xf32>
          %swap3A_1535 = arith.index_cast %add3A_1495 : i32 to index
          %swap3A_1536 = arith.constant 48 : index
          %swap3A_1537 = tpu.vector_load %arg11[%swap3A_1535, %swap3A_1536] {strides = array<i32>} : memref<128x128xf32, #tpu.memory_space<vmem>>, vector<1x16xf32>,
          %swap3A_1538 = vector.shape_cast %swap3A_1537 : vector<1x16xf32> to vector<16xf32>
          %swap3A_1539 = vector.shape_cast %mul3A_1534 : vector<16xf32> to vector<1x16xf32>
          tpu.vector_store %arg11[%swap3A_1535, %swap3A_1536], %swap3A_1539 {strides = array<i32>} : memref<128x128xf32, #tpu.memory_space<vmem>>, vector<1x16xf32>,
          %get3A_1540 = arith.index_cast %add3A_1495 : i32 to index
          %get3A_1541 = arith.constant 64 : index
          %get3A_1542 = tpu.vector_load %arg11[%get3A_1540, %get3A_1541] {strides = array<i32>} : memref<128x128xf32, #tpu.memory_space<vmem>>, vector<1x16xf32>,
          %get3A_1543 = vector.shape_cast %get3A_1542 : vector<1x16xf32> to vector<16xf32>
          %mul3A_1544 = vector.broadcast %squeeze3A_1491 : f32 to vector<16xf32>
          %mul3A_1545 = arith.mulf %get3A_1543, %mul3A_1544 : vector<16xf32>
          %swap3A_1546 = arith.index_cast %add3A_1495 : i32 to index
          %swap3A_1547 = arith.constant 64 : index
          %swap3A_1548 = tpu.vector_load %arg11[%swap3A_1546, %swap3A_1547] {strides = array<i32>} : memref<128x128xf32, #tpu.memory_space<vmem>>, vector<1x16xf32>,
          %swap3A_1549 = vector.shape_cast %swap3A_1548 : vector<1x16xf32> to vector<16xf32>
          %swap3A_1550 = vector.shape_cast %mul3A_1545 : vector<16xf32> to vector<1x16xf32>
          tpu.vector_store %arg11[%swap3A_1546, %swap3A_1547], %swap3A_1550 {strides = array<i32>} : memref<128x128xf32, #tpu.memory_space<vmem>>, vector<1x16xf32>,
          %get3A_1551 = arith.index_cast %add3A_1495 : i32 to index
          %get3A_1552 = arith.constant 80 : index
          %get3A_1553 = tpu.vector_load %arg11[%get3A_1551, %get3A_1552] {strides = array<i32>} : memref<128x128xf32, #tpu.memory_space<vmem>>, vector<1x16xf32>,
          %get3A_1554 = vector.shape_cast %get3A_1553 : vector<1x16xf32> to vector<16xf32>
          %mul3A_1555 = vector.broadcast %squeeze3A_1491 : f32 to vector<16xf32>
          %mul3A_1556 = arith.mulf %get3A_1554, %mul3A_1555 : vector<16xf32>
          %swap3A_1557 = arith.index_cast %add3A_1495 : i32 to index
          %swap3A_1558 = arith.constant 80 : index
          %swap3A_1559 = tpu.vector_load %arg11[%swap3A_1557, %swap3A_1558] {strides = array<i32>} : memref<128x128xf32, #tpu.memory_space<vmem>>, vector<1x16xf32>,
          %swap3A_1560 = vector.shape_cast %swap3A_1559 : vector<1x16xf32> to vector<16xf32>
          %swap3A_1561 = vector.shape_cast %mul3A_1556 : vector<16xf32> to vector<1x16xf32>
          tpu.vector_store %arg11[%swap3A_1557, %swap3A_1558], %swap3A_1561 {strides = array<i32>} : memref<128x128xf32, #tpu.memory_space<vmem>>, vector<1x16xf32>,
          %get3A_1562 = arith.index_cast %add3A_1495 : i32 to index
          %get3A_1563 = arith.constant 96 : index
          %get3A_1564 = tpu.vector_load %arg11[%get3A_1562, %get3A_1563] {strides = array<i32>} : memref<128x128xf32, #tpu.memory_space<vmem>>, vector<1x16xf32>,
          %get3A_1565 = vector.shape_cast %get3A_1564 : vector<1x16xf32> to vector<16xf32>
          %mul3A_1566 = vector.broadcast %squeeze3A_1491 : f32 to vector<16xf32>
          %mul3A_1567 = arith.mulf %get3A_1565, %mul3A_1566 : vector<16xf32>
          %swap3A_1568 = arith.index_cast %add3A_1495 : i32 to index
          %swap3A_1569 = arith.constant 96 : index
          %swap3A_1570 = tpu.vector_load %arg11[%swap3A_1568, %swap3A_1569] {strides = array<i32>} : memref<128x128xf32, #tpu.memory_space<vmem>>, vector<1x16xf32>,
          %swap3A_1571 = vector.shape_cast %swap3A_1570 : vector<1x16xf32> to vector<16xf32>
          %swap3A_1572 = vector.shape_cast %mul3A_1567 : vector<16xf32> to vector<1x16xf32>
          tpu.vector_store %arg11[%swap3A_1568, %swap3A_1569], %swap3A_1572 {strides = array<i32>} : memref<128x128xf32, #tpu.memory_space<vmem>>, vector<1x16xf32>,
          %get3A_1573 = arith.index_cast %add3A_1495 : i32 to index
          %get3A_1574 = arith.constant 112 : index
          %get3A_1575 = tpu.vector_load %arg11[%get3A_1573, %get3A_1574] {strides = array<i32>} : memref<128x128xf32, #tpu.memory_space<vmem>>, vector<1x16xf32>,
          %get3A_1576 = vector.shape_cast %get3A_1575 : vector<1x16xf32> to vector<16xf32>
          %mul3A_1577 = vector.broadcast %squeeze3A_1491 : f32 to vector<16xf32>
          %mul3A_1578 = arith.mulf %get3A_1576, %mul3A_1577 : vector<16xf32>
          %swap3A_1579 = arith.index_cast %add3A_1495 : i32 to index
          %swap3A_1580 = arith.constant 112 : index
          %swap3A_1581 = tpu.vector_load %arg11[%swap3A_1579, %swap3A_1580] {strides = array<i32>} : memref<128x128xf32, #tpu.memory_space<vmem>>, vector<1x16xf32>,
          %swap3A_1582 = vector.shape_cast %swap3A_1581 : vector<1x16xf32> to vector<16xf32>
          %swap3A_1583 = vector.shape_cast %mul3A_1578 : vector<16xf32> to vector<1x16xf32>
          tpu.vector_store %arg11[%swap3A_1579, %swap3A_1580], %swap3A_1583 {strides = array<i32>} : memref<128x128xf32, #tpu.memory_space<vmem>>, vector<1x16xf32>,
        }
        %scan3A_49 = arith.constant 8 : i32
        "tpu.region"() ({
          %run_scoped3A = tpu.sem_alloc : memref<!tpu.dma_semaphore, #tpu.memory_space<semaphore_mem>>
          %dma_start3A_77 = arith.constant 0 : i32
          %dma_start3A_78 = tpu.memref_slice %arg9[%add3A_38, %dma_start3A_77] : memref<40x128xi32, #tpu.memory_space<vmem>> -> memref<1x128xi32, #tpu.memory_space<vmem>>
          %dma_start3A_79 = tpu.memref_squeeze %dma_start3A_78 : memref<1x128xi32, #tpu.memory_space<vmem>> -> memref<128xi32, #tpu.memory_space<vmem>>
          %dma_start3A_80 = arith.constant 0 : i32
          %dma_start3A_81 = arith.constant 0 : i32
          %dma_start3A_82 = tpu.memref_slice %arg13[%dma_start3A_80, %dma_start3A_81] : memref<10112x128xf32, #tpu.memory_space<vmem_shared>> -> memref<10112x128xf32, #tpu.memory_space<vmem_shared>>
          tpu.enqueue_indirect_dma source(%arg11 : memref<128x128xf32, #tpu.memory_space<vmem>>) target(%dma_start3A_82 : memref<10112x128xf32, #tpu.memory_space<vmem_shared>>) offsets(%dma_start3A_79 : memref<128xi32, #tpu.memory_space<vmem>>) semaphore(%run_scoped3A : memref<!tpu.dma_semaphore, #tpu.memory_space<semaphore_mem>>) {add = true}
          %dma_wait3A_83 = arith.constant 0 : i32
          %dma_wait3A_84 = tpu.memref_slice %arg9[%add3A_38, %dma_wait3A_83] : memref<40x128xi32, #tpu.memory_space<vmem>> -> memref<1x128xi32, #tpu.memory_space<vmem>>
          %dma_wait3A_85 = tpu.memref_squeeze %dma_wait3A_84 : memref<1x128xi32, #tpu.memory_space<vmem>> -> memref<128xi32, #tpu.memory_space<vmem>>
          %dma_wait3A_86 = arith.constant 0 : i32
          %dma_wait3A_87 = arith.constant 0 : i32
          %dma_wait3A_88 = tpu.memref_slice %arg13[%dma_wait3A_86, %dma_wait3A_87] : memref<10112x128xf32, #tpu.memory_space<vmem_shared>> -> memref<10112x128xf32, #tpu.memory_space<vmem_shared>>
          tpu.wait_indirect_dma semaphore(%run_scoped3A : memref<!tpu.dma_semaphore, #tpu.memory_space<semaphore_mem>>) src(%arg11 : memref<128x128xf32, #tpu.memory_space<vmem>>) dst(%dma_wait3A_88 : memref<10112x128xf32, #tpu.memory_space<vmem_shared>>)
          tpu.yield
        }) : () -> ()
        %add3A_50 = arith.constant 2 : i32
        %add3A_51 = arith.addi %add3A_38, %add3A_50 : i32
        %lt3A = arith.constant 40 : i32
        %lt3A_52 = arith.cmpi slt, %add3A_51, %lt3A : i32
        %convert_element_type3A = arith.extui %lt3A_52 : i1 to i32
        %cond3A = arith.constant 0 : i32
        %cond3A_53 = arith.cmpi ne, %convert_element_type3A, %cond3A : i32
        scf.if %cond3A_53 {
          %add3A_77 = arith.constant 2 : i32
          %add3A_78 = arith.addi %add3A_38, %add3A_77 : i32
          %dma_start3A_79 = arith.constant 0 : i32
          %dma_start3A_80 = tpu.memref_slice %arg8[%add3A_78, %dma_start3A_79] : memref<40x128xi32, #tpu.memory_space<vmem>> -> memref<1x128xi32, #tpu.memory_space<vmem>>
          %dma_start3A_81 = tpu.memref_squeeze %dma_start3A_80 : memref<1x128xi32, #tpu.memory_space<vmem>> -> memref<128xi32, #tpu.memory_space<vmem>>
          %dma_start3A_82 = arith.constant 0 : i32
          %dma_start3A_83 = arith.constant 0 : i32
          %dma_start3A_84 = tpu.memref_slice %arg2[%dma_start3A_82, %dma_start3A_83] : memref<10000x128xf32, #tpu.memory_space<hbm>> -> memref<10000x128xf32, #tpu.memory_space<hbm>>
          tpu.enqueue_indirect_dma source(%dma_start3A_84 : memref<10000x128xf32, #tpu.memory_space<hbm>>) target(%arg11 : memref<128x128xf32, #tpu.memory_space<vmem>>) offsets(%dma_start3A_81 : memref<128xi32, #tpu.memory_space<vmem>>) semaphore(%arg14 : memref<!tpu.dma_semaphore, #tpu.memory_space<semaphore_mem>>)
        } else {
        }
        %mul3A_54 = arith.constant 2 : i32
        %mul3A_55 = arith.muli %mul3A_54, %scan3A_34 : i32
        %add3A_56 = arith.constant 1 : i32
        %add3A_57 = arith.addi %mul3A_55, %add3A_56 : i32
        %dma_wait3A_58 = arith.constant 0 : i32
        %dma_wait3A_59 = tpu.memref_slice %arg8[%add3A_57, %dma_wait3A_58] : memref<40x128xi32, #tpu.memory_space<vmem>> -> memref<1x128xi32, #tpu.memory_space<vmem>>
        %dma_wait3A_60 = tpu.memref_squeeze %dma_wait3A_59 : memref<1x128xi32, #tpu.memory_space<vmem>> -> memref<128xi32, #tpu.memory_space<vmem>>
        %dma_wait3A_61 = arith.constant 0 : i32
        %dma_wait3A_62 = arith.constant 0 : i32
        %dma_wait3A_63 = tpu.memref_slice %arg2[%dma_wait3A_61, %dma_wait3A_62] : memref<10000x128xf32, #tpu.memory_space<hbm>> -> memref<10000x128xf32, #tpu.memory_space<hbm>>
        tpu.wait_indirect_dma semaphore(%arg15 : memref<!tpu.dma_semaphore, #tpu.memory_space<semaphore_mem>>) src(%dma_wait3A_63 : memref<10000x128xf32, #tpu.memory_space<hbm>>) dst(%arg12 : memref<128x128xf32, #tpu.memory_space<vmem>>)
        %scan3A_64 = arith.constant 0 : i32
        %scan3A_65 = arith.constant 0 : i32
        %scan3A_66 = arith.constant 8 : i32
        %scan3A_67 = arith.addi %scan3A_65, %scan3A_66 : i32
        %scan3A_68 = arith.constant 1 : i32
        scf.for %scan3A_77 = %scan3A_65 to %scan3A_67 step %scan3A_68  : i32 {
          %mul3A_78 = arith.constant 16 : i32
          %mul3A_79 = arith.muli %scan3A_77, %mul3A_78 : i32
          %get3A = arith.index_cast %add3A_57 : i32 to index
          %get3A_80 = arith.index_cast %mul3A_79 : i32 to index
          %get3A_81 = tpu.vector_load %arg10[%get3A, %get3A_80] {strides = array<i32>} : memref<40x128xf32, #tpu.memory_space<vmem>>, vector<1x16xf32>,
          %get3A_82 = vector.shape_cast %get3A_81 : vector<1x16xf32> to vector<16xf32>
          %slice3A = vector.extract_strided_slice %get3A_82 {offsets = [0], sizes = [1], strides = [1]} : vector<16xf32> to vector<1xf32>
          %squeeze3A = vector.extract %slice3A[0] : f32 from vector<1xf32>
          %mul3A_83 = arith.constant 16 : i32
          %mul3A_84 = arith.muli %scan3A_77, %mul3A_83 : i32
          %add3A_85 = arith.constant 0 : i32
          %add3A_86 = arith.addi %mul3A_84, %add3A_85 : i32
          %get3A_87 = arith.index_cast %add3A_86 : i32 to index
          %get3A_88 = arith.constant 0 : index
          %get3A_89 = tpu.vector_load %arg12[%get3A_87, %get3A_88] {strides = array<i32>} : memref<128x128xf32, #tpu.memory_space<vmem>>, vector<1x16xf32>,
          %get3A_90 = vector.shape_cast %get3A_89 : vector<1x16xf32> to vector<16xf32>
          %mul3A_91 = vector.broadcast %squeeze3A : f32 to vector<16xf32>
          %mul3A_92 = arith.mulf %get3A_90, %mul3A_91 : vector<16xf32>
          %swap3A = arith.index_cast %add3A_86 : i32 to index
          %swap3A_93 = arith.constant 0 : index
          %swap3A_94 = tpu.vector_load %arg12[%swap3A, %swap3A_93] {strides = array<i32>} : memref<128x128xf32, #tpu.memory_space<vmem>>, vector<1x16xf32>,
          %swap3A_95 = vector.shape_cast %swap3A_94 : vector<1x16xf32> to vector<16xf32>
          %swap3A_96 = vector.shape_cast %mul3A_92 : vector<16xf32> to vector<1x16xf32>
          tpu.vector_store %arg12[%swap3A, %swap3A_93], %swap3A_96 {strides = array<i32>} : memref<128x128xf32, #tpu.memory_space<vmem>>, vector<1x16xf32>,
          %get3A_97 = arith.index_cast %add3A_86 : i32 to index
          %get3A_98 = arith.constant 16 : index
          %get3A_99 = tpu.vector_load %arg12[%get3A_97, %get3A_98] {strides = array<i32>} : memref<128x128xf32, #tpu.memory_space<vmem>>, vector<1x16xf32>,
          %get3A_100 = vector.shape_cast %get3A_99 : vector<1x16xf32> to vector<16xf32>
          %mul3A_101 = vector.broadcast %squeeze3A : f32 to vector<16xf32>
          %mul3A_102 = arith.mulf %get3A_100, %mul3A_101 : vector<16xf32>
          %swap3A_103 = arith.index_cast %add3A_86 : i32 to index
          %swap3A_104 = arith.constant 16 : index
          %swap3A_105 = tpu.vector_load %arg12[%swap3A_103, %swap3A_104] {strides = array<i32>} : memref<128x128xf32, #tpu.memory_space<vmem>>, vector<1x16xf32>,
          %swap3A_106 = vector.shape_cast %swap3A_105 : vector<1x16xf32> to vector<16xf32>
          %swap3A_107 = vector.shape_cast %mul3A_102 : vector<16xf32> to vector<1x16xf32>
          tpu.vector_store %arg12[%swap3A_103, %swap3A_104], %swap3A_107 {strides = array<i32>} : memref<128x128xf32, #tpu.memory_space<vmem>>, vector<1x16xf32>,
          %get3A_108 = arith.index_cast %add3A_86 : i32 to index
          %get3A_109 = arith.constant 32 : index
          %get3A_110 = tpu.vector_load %arg12[%get3A_108, %get3A_109] {strides = array<i32>} : memref<128x128xf32, #tpu.memory_space<vmem>>, vector<1x16xf32>,
          %get3A_111 = vector.shape_cast %get3A_110 : vector<1x16xf32> to vector<16xf32>
          %mul3A_112 = vector.broadcast %squeeze3A : f32 to vector<16xf32>
          %mul3A_113 = arith.mulf %get3A_111, %mul3A_112 : vector<16xf32>
          %swap3A_114 = arith.index_cast %add3A_86 : i32 to index
          %swap3A_115 = arith.constant 32 : index
          %swap3A_116 = tpu.vector_load %arg12[%swap3A_114, %swap3A_115] {strides = array<i32>} : memref<128x128xf32, #tpu.memory_space<vmem>>, vector<1x16xf32>,
          %swap3A_117 = vector.shape_cast %swap3A_116 : vector<1x16xf32> to vector<16xf32>
          %swap3A_118 = vector.shape_cast %mul3A_113 : vector<16xf32> to vector<1x16xf32>
          tpu.vector_store %arg12[%swap3A_114, %swap3A_115], %swap3A_118 {strides = array<i32>} : memref<128x128xf32, #tpu.memory_space<vmem>>, vector<1x16xf32>,
          %get3A_119 = arith.index_cast %add3A_86 : i32 to index
          %get3A_120 = arith.constant 48 : index
          %get3A_121 = tpu.vector_load %arg12[%get3A_119, %get3A_120] {strides = array<i32>} : memref<128x128xf32, #tpu.memory_space<vmem>>, vector<1x16xf32>,
          %get3A_122 = vector.shape_cast %get3A_121 : vector<1x16xf32> to vector<16xf32>
          %mul3A_123 = vector.broadcast %squeeze3A : f32 to vector<16xf32>
          %mul3A_124 = arith.mulf %get3A_122, %mul3A_123 : vector<16xf32>
          %swap3A_125 = arith.index_cast %add3A_86 : i32 to index
          %swap3A_126 = arith.constant 48 : index
          %swap3A_127 = tpu.vector_load %arg12[%swap3A_125, %swap3A_126] {strides = array<i32>} : memref<128x128xf32, #tpu.memory_space<vmem>>, vector<1x16xf32>,
          %swap3A_128 = vector.shape_cast %swap3A_127 : vector<1x16xf32> to vector<16xf32>
          %swap3A_129 = vector.shape_cast %mul3A_124 : vector<16xf32> to vector<1x16xf32>
          tpu.vector_store %arg12[%swap3A_125, %swap3A_126], %swap3A_129 {strides = array<i32>} : memref<128x128xf32, #tpu.memory_space<vmem>>, vector<1x16xf32>,
          %get3A_130 = arith.index_cast %add3A_86 : i32 to index
          %get3A_131 = arith.constant 64 : index
          %get3A_132 = tpu.vector_load %arg12[%get3A_130, %get3A_131] {strides = array<i32>} : memref<128x128xf32, #tpu.memory_space<vmem>>, vector<1x16xf32>,
          %get3A_133 = vector.shape_cast %get3A_132 : vector<1x16xf32> to vector<16xf32>
          %mul3A_134 = vector.broadcast %squeeze3A : f32 to vector<16xf32>
          %mul3A_135 = arith.mulf %get3A_133, %mul3A_134 : vector<16xf32>
          %swap3A_136 = arith.index_cast %add3A_86 : i32 to index
          %swap3A_137 = arith.constant 64 : index
          %swap3A_138 = tpu.vector_load %arg12[%swap3A_136, %swap3A_137] {strides = array<i32>} : memref<128x128xf32, #tpu.memory_space<vmem>>, vector<1x16xf32>,
          %swap3A_139 = vector.shape_cast %swap3A_138 : vector<1x16xf32> to vector<16xf32>
          %swap3A_140 = vector.shape_cast %mul3A_135 : vector<16xf32> to vector<1x16xf32>
          tpu.vector_store %arg12[%swap3A_136, %swap3A_137], %swap3A_140 {strides = array<i32>} : memref<128x128xf32, #tpu.memory_space<vmem>>, vector<1x16xf32>,
          %get3A_141 = arith.index_cast %add3A_86 : i32 to index
          %get3A_142 = arith.constant 80 : index
          %get3A_143 = tpu.vector_load %arg12[%get3A_141, %get3A_142] {strides = array<i32>} : memref<128x128xf32, #tpu.memory_space<vmem>>, vector<1x16xf32>,
          %get3A_144 = vector.shape_cast %get3A_143 : vector<1x16xf32> to vector<16xf32>
          %mul3A_145 = vector.broadcast %squeeze3A : f32 to vector<16xf32>
          %mul3A_146 = arith.mulf %get3A_144, %mul3A_145 : vector<16xf32>
          %swap3A_147 = arith.index_cast %add3A_86 : i32 to index
          %swap3A_148 = arith.constant 80 : index
          %swap3A_149 = tpu.vector_load %arg12[%swap3A_147, %swap3A_148] {strides = array<i32>} : memref<128x128xf32, #tpu.memory_space<vmem>>, vector<1x16xf32>,
          %swap3A_150 = vector.shape_cast %swap3A_149 : vector<1x16xf32> to vector<16xf32>
          %swap3A_151 = vector.shape_cast %mul3A_146 : vector<16xf32> to vector<1x16xf32>
          tpu.vector_store %arg12[%swap3A_147, %swap3A_148], %swap3A_151 {strides = array<i32>} : memref<128x128xf32, #tpu.memory_space<vmem>>, vector<1x16xf32>,
          %get3A_152 = arith.index_cast %add3A_86 : i32 to index
          %get3A_153 = arith.constant 96 : index
          %get3A_154 = tpu.vector_load %arg12[%get3A_152, %get3A_153] {strides = array<i32>} : memref<128x128xf32, #tpu.memory_space<vmem>>, vector<1x16xf32>,
          %get3A_155 = vector.shape_cast %get3A_154 : vector<1x16xf32> to vector<16xf32>
          %mul3A_156 = vector.broadcast %squeeze3A : f32 to vector<16xf32>
          %mul3A_157 = arith.mulf %get3A_155, %mul3A_156 : vector<16xf32>
          %swap3A_158 = arith.index_cast %add3A_86 : i32 to index
          %swap3A_159 = arith.constant 96 : index
          %swap3A_160 = tpu.vector_load %arg12[%swap3A_158, %swap3A_159] {strides = array<i32>} : memref<128x128xf32, #tpu.memory_space<vmem>>, vector<1x16xf32>,
          %swap3A_161 = vector.shape_cast %swap3A_160 : vector<1x16xf32> to vector<16xf32>
          %swap3A_162 = vector.shape_cast %mul3A_157 : vector<16xf32> to vector<1x16xf32>
          tpu.vector_store %arg12[%swap3A_158, %swap3A_159], %swap3A_162 {strides = array<i32>} : memref<128x128xf32, #tpu.memory_space<vmem>>, vector<1x16xf32>,
          %get3A_163 = arith.index_cast %add3A_86 : i32 to index
          %get3A_164 = arith.constant 112 : index
          %get3A_165 = tpu.vector_load %arg12[%get3A_163, %get3A_164] {strides = array<i32>} : memref<128x128xf32, #tpu.memory_space<vmem>>, vector<1x16xf32>,
          %get3A_166 = vector.shape_cast %get3A_165 : vector<1x16xf32> to vector<16xf32>
          %mul3A_167 = vector.broadcast %squeeze3A : f32 to vector<16xf32>
          %mul3A_168 = arith.mulf %get3A_166, %mul3A_167 : vector<16xf32>
          %swap3A_169 = arith.index_cast %add3A_86 : i32 to index
          %swap3A_170 = arith.constant 112 : index
          %swap3A_171 = tpu.vector_load %arg12[%swap3A_169, %swap3A_170] {strides = array<i32>} : memref<128x128xf32, #tpu.memory_space<vmem>>, vector<1x16xf32>,
          %swap3A_172 = vector.shape_cast %swap3A_171 : vector<1x16xf32> to vector<16xf32>
          %swap3A_173 = vector.shape_cast %mul3A_168 : vector<16xf32> to vector<1x16xf32>
          tpu.vector_store %arg12[%swap3A_169, %swap3A_170], %swap3A_173 {strides = array<i32>} : memref<128x128xf32, #tpu.memory_space<vmem>>, vector<1x16xf32>,
          %slice3A_174 = vector.extract_strided_slice %get3A_82 {offsets = [1], sizes = [1], strides = [1]} : vector<16xf32> to vector<1xf32>
          %squeeze3A_175 = vector.extract %slice3A_174[0] : f32 from vector<1xf32>
          %mul3A_176 = arith.constant 16 : i32
          %mul3A_177 = arith.muli %scan3A_77, %mul3A_176 : i32
          %add3A_178 = arith.constant 1 : i32
          %add3A_179 = arith.addi %mul3A_177, %add3A_178 : i32
          %get3A_180 = arith.index_cast %add3A_179 : i32 to index
          %get3A_181 = arith.constant 0 : index
          %get3A_182 = tpu.vector_load %arg12[%get3A_180, %get3A_181] {strides = array<i32>} : memref<128x128xf32, #tpu.memory_space<vmem>>, vector<1x16xf32>,
          %get3A_183 = vector.shape_cast %get3A_182 : vector<1x16xf32> to vector<16xf32>
          %mul3A_184 = vector.broadcast %squeeze3A_175 : f32 to vector<16xf32>
          %mul3A_185 = arith.mulf %get3A_183, %mul3A_184 : vector<16xf32>
          %swap3A_186 = arith.index_cast %add3A_179 : i32 to index
          %swap3A_187 = arith.constant 0 : index
          %swap3A_188 = tpu.vector_load %arg12[%swap3A_186, %swap3A_187] {strides = array<i32>} : memref<128x128xf32, #tpu.memory_space<vmem>>, vector<1x16xf32>,
          %swap3A_189 = vector.shape_cast %swap3A_188 : vector<1x16xf32> to vector<16xf32>
          %swap3A_190 = vector.shape_cast %mul3A_185 : vector<16xf32> to vector<1x16xf32>
          tpu.vector_store %arg12[%swap3A_186, %swap3A_187], %swap3A_190 {strides = array<i32>} : memref<128x128xf32, #tpu.memory_space<vmem>>, vector<1x16xf32>,
          %get3A_191 = arith.index_cast %add3A_179 : i32 to index
          %get3A_192 = arith.constant 16 : index
          %get3A_193 = tpu.vector_load %arg12[%get3A_191, %get3A_192] {strides = array<i32>} : memref<128x128xf32, #tpu.memory_space<vmem>>, vector<1x16xf32>,
          %get3A_194 = vector.shape_cast %get3A_193 : vector<1x16xf32> to vector<16xf32>
          %mul3A_195 = vector.broadcast %squeeze3A_175 : f32 to vector<16xf32>
          %mul3A_196 = arith.mulf %get3A_194, %mul3A_195 : vector<16xf32>
          %swap3A_197 = arith.index_cast %add3A_179 : i32 to index
          %swap3A_198 = arith.constant 16 : index
          %swap3A_199 = tpu.vector_load %arg12[%swap3A_197, %swap3A_198] {strides = array<i32>} : memref<128x128xf32, #tpu.memory_space<vmem>>, vector<1x16xf32>,
          %swap3A_200 = vector.shape_cast %swap3A_199 : vector<1x16xf32> to vector<16xf32>
          %swap3A_201 = vector.shape_cast %mul3A_196 : vector<16xf32> to vector<1x16xf32>
          tpu.vector_store %arg12[%swap3A_197, %swap3A_198], %swap3A_201 {strides = array<i32>} : memref<128x128xf32, #tpu.memory_space<vmem>>, vector<1x16xf32>,
          %get3A_202 = arith.index_cast %add3A_179 : i32 to index
          %get3A_203 = arith.constant 32 : index
          %get3A_204 = tpu.vector_load %arg12[%get3A_202, %get3A_203] {strides = array<i32>} : memref<128x128xf32, #tpu.memory_space<vmem>>, vector<1x16xf32>,
          %get3A_205 = vector.shape_cast %get3A_204 : vector<1x16xf32> to vector<16xf32>
          %mul3A_206 = vector.broadcast %squeeze3A_175 : f32 to vector<16xf32>
          %mul3A_207 = arith.mulf %get3A_205, %mul3A_206 : vector<16xf32>
          %swap3A_208 = arith.index_cast %add3A_179 : i32 to index
          %swap3A_209 = arith.constant 32 : index
          %swap3A_210 = tpu.vector_load %arg12[%swap3A_208, %swap3A_209] {strides = array<i32>} : memref<128x128xf32, #tpu.memory_space<vmem>>, vector<1x16xf32>,
          %swap3A_211 = vector.shape_cast %swap3A_210 : vector<1x16xf32> to vector<16xf32>
          %swap3A_212 = vector.shape_cast %mul3A_207 : vector<16xf32> to vector<1x16xf32>
          tpu.vector_store %arg12[%swap3A_208, %swap3A_209], %swap3A_212 {strides = array<i32>} : memref<128x128xf32, #tpu.memory_space<vmem>>, vector<1x16xf32>,
          %get3A_213 = arith.index_cast %add3A_179 : i32 to index
          %get3A_214 = arith.constant 48 : index
          %get3A_215 = tpu.vector_load %arg12[%get3A_213, %get3A_214] {strides = array<i32>} : memref<128x128xf32, #tpu.memory_space<vmem>>, vector<1x16xf32>,
          %get3A_216 = vector.shape_cast %get3A_215 : vector<1x16xf32> to vector<16xf32>
          %mul3A_217 = vector.broadcast %squeeze3A_175 : f32 to vector<16xf32>
          %mul3A_218 = arith.mulf %get3A_216, %mul3A_217 : vector<16xf32>
          %swap3A_219 = arith.index_cast %add3A_179 : i32 to index
          %swap3A_220 = arith.constant 48 : index
          %swap3A_221 = tpu.vector_load %arg12[%swap3A_219, %swap3A_220] {strides = array<i32>} : memref<128x128xf32, #tpu.memory_space<vmem>>, vector<1x16xf32>,
          %swap3A_222 = vector.shape_cast %swap3A_221 : vector<1x16xf32> to vector<16xf32>
          %swap3A_223 = vector.shape_cast %mul3A_218 : vector<16xf32> to vector<1x16xf32>
          tpu.vector_store %arg12[%swap3A_219, %swap3A_220], %swap3A_223 {strides = array<i32>} : memref<128x128xf32, #tpu.memory_space<vmem>>, vector<1x16xf32>,
          %get3A_224 = arith.index_cast %add3A_179 : i32 to index
          %get3A_225 = arith.constant 64 : index
          %get3A_226 = tpu.vector_load %arg12[%get3A_224, %get3A_225] {strides = array<i32>} : memref<128x128xf32, #tpu.memory_space<vmem>>, vector<1x16xf32>,
          %get3A_227 = vector.shape_cast %get3A_226 : vector<1x16xf32> to vector<16xf32>
          %mul3A_228 = vector.broadcast %squeeze3A_175 : f32 to vector<16xf32>
          %mul3A_229 = arith.mulf %get3A_227, %mul3A_228 : vector<16xf32>
          %swap3A_230 = arith.index_cast %add3A_179 : i32 to index
          %swap3A_231 = arith.constant 64 : index
          %swap3A_232 = tpu.vector_load %arg12[%swap3A_230, %swap3A_231] {strides = array<i32>} : memref<128x128xf32, #tpu.memory_space<vmem>>, vector<1x16xf32>,
          %swap3A_233 = vector.shape_cast %swap3A_232 : vector<1x16xf32> to vector<16xf32>
          %swap3A_234 = vector.shape_cast %mul3A_229 : vector<16xf32> to vector<1x16xf32>
          tpu.vector_store %arg12[%swap3A_230, %swap3A_231], %swap3A_234 {strides = array<i32>} : memref<128x128xf32, #tpu.memory_space<vmem>>, vector<1x16xf32>,
          %get3A_235 = arith.index_cast %add3A_179 : i32 to index
          %get3A_236 = arith.constant 80 : index
          %get3A_237 = tpu.vector_load %arg12[%get3A_235, %get3A_236] {strides = array<i32>} : memref<128x128xf32, #tpu.memory_space<vmem>>, vector<1x16xf32>,
          %get3A_238 = vector.shape_cast %get3A_237 : vector<1x16xf32> to vector<16xf32>
          %mul3A_239 = vector.broadcast %squeeze3A_175 : f32 to vector<16xf32>
          %mul3A_240 = arith.mulf %get3A_238, %mul3A_239 : vector<16xf32>
          %swap3A_241 = arith.index_cast %add3A_179 : i32 to index
          %swap3A_242 = arith.constant 80 : index
          %swap3A_243 = tpu.vector_load %arg12[%swap3A_241, %swap3A_242] {strides = array<i32>} : memref<128x128xf32, #tpu.memory_space<vmem>>, vector<1x16xf32>,
          %swap3A_244 = vector.shape_cast %swap3A_243 : vector<1x16xf32> to vector<16xf32>
          %swap3A_245 = vector.shape_cast %mul3A_240 : vector<16xf32> to vector<1x16xf32>
          tpu.vector_store %arg12[%swap3A_241, %swap3A_242], %swap3A_245 {strides = array<i32>} : memref<128x128xf32, #tpu.memory_space<vmem>>, vector<1x16xf32>,
          %get3A_246 = arith.index_cast %add3A_179 : i32 to index
          %get3A_247 = arith.constant 96 : index
          %get3A_248 = tpu.vector_load %arg12[%get3A_246, %get3A_247] {strides = array<i32>} : memref<128x128xf32, #tpu.memory_space<vmem>>, vector<1x16xf32>,
          %get3A_249 = vector.shape_cast %get3A_248 : vector<1x16xf32> to vector<16xf32>
          %mul3A_250 = vector.broadcast %squeeze3A_175 : f32 to vector<16xf32>
          %mul3A_251 = arith.mulf %get3A_249, %mul3A_250 : vector<16xf32>
          %swap3A_252 = arith.index_cast %add3A_179 : i32 to index
          %swap3A_253 = arith.constant 96 : index
          %swap3A_254 = tpu.vector_load %arg12[%swap3A_252, %swap3A_253] {strides = array<i32>} : memref<128x128xf32, #tpu.memory_space<vmem>>, vector<1x16xf32>,
          %swap3A_255 = vector.shape_cast %swap3A_254 : vector<1x16xf32> to vector<16xf32>
          %swap3A_256 = vector.shape_cast %mul3A_251 : vector<16xf32> to vector<1x16xf32>
          tpu.vector_store %arg12[%swap3A_252, %swap3A_253], %swap3A_256 {strides = array<i32>} : memref<128x128xf32, #tpu.memory_space<vmem>>, vector<1x16xf32>,
          %get3A_257 = arith.index_cast %add3A_179 : i32 to index
          %get3A_258 = arith.constant 112 : index
          %get3A_259 = tpu.vector_load %arg12[%get3A_257, %get3A_258] {strides = array<i32>} : memref<128x128xf32, #tpu.memory_space<vmem>>, vector<1x16xf32>,
          %get3A_260 = vector.shape_cast %get3A_259 : vector<1x16xf32> to vector<16xf32>
          %mul3A_261 = vector.broadcast %squeeze3A_175 : f32 to vector<16xf32>
          %mul3A_262 = arith.mulf %get3A_260, %mul3A_261 : vector<16xf32>
          %swap3A_263 = arith.index_cast %add3A_179 : i32 to index
          %swap3A_264 = arith.constant 112 : index
          %swap3A_265 = tpu.vector_load %arg12[%swap3A_263, %swap3A_264] {strides = array<i32>} : memref<128x128xf32, #tpu.memory_space<vmem>>, vector<1x16xf32>,
          %swap3A_266 = vector.shape_cast %swap3A_265 : vector<1x16xf32> to vector<16xf32>
          %swap3A_267 = vector.shape_cast %mul3A_262 : vector<16xf32> to vector<1x16xf32>
          tpu.vector_store %arg12[%swap3A_263, %swap3A_264], %swap3A_267 {strides = array<i32>} : memref<128x128xf32, #tpu.memory_space<vmem>>, vector<1x16xf32>,
          %slice3A_268 = vector.extract_strided_slice %get3A_82 {offsets = [2], sizes = [1], strides = [1]} : vector<16xf32> to vector<1xf32>
          %squeeze3A_269 = vector.extract %slice3A_268[0] : f32 from vector<1xf32>
          %mul3A_270 = arith.constant 16 : i32
          %mul3A_271 = arith.muli %scan3A_77, %mul3A_270 : i32
          %add3A_272 = arith.constant 2 : i32
          %add3A_273 = arith.addi %mul3A_271, %add3A_272 : i32
          %get3A_274 = arith.index_cast %add3A_273 : i32 to index
          %get3A_275 = arith.constant 0 : index
          %get3A_276 = tpu.vector_load %arg12[%get3A_274, %get3A_275] {strides = array<i32>} : memref<128x128xf32, #tpu.memory_space<vmem>>, vector<1x16xf32>,
          %get3A_277 = vector.shape_cast %get3A_276 : vector<1x16xf32> to vector<16xf32>
          %mul3A_278 = vector.broadcast %squeeze3A_269 : f32 to vector<16xf32>
          %mul3A_279 = arith.mulf %get3A_277, %mul3A_278 : vector<16xf32>
          %swap3A_280 = arith.index_cast %add3A_273 : i32 to index
          %swap3A_281 = arith.constant 0 : index
          %swap3A_282 = tpu.vector_load %arg12[%swap3A_280, %swap3A_281] {strides = array<i32>} : memref<128x128xf32, #tpu.memory_space<vmem>>, vector<1x16xf32>,
          %swap3A_283 = vector.shape_cast %swap3A_282 : vector<1x16xf32> to vector<16xf32>
          %swap3A_284 = vector.shape_cast %mul3A_279 : vector<16xf32> to vector<1x16xf32>
          tpu.vector_store %arg12[%swap3A_280, %swap3A_281], %swap3A_284 {strides = array<i32>} : memref<128x128xf32, #tpu.memory_space<vmem>>, vector<1x16xf32>,
          %get3A_285 = arith.index_cast %add3A_273 : i32 to index
          %get3A_286 = arith.constant 16 : index
          %get3A_287 = tpu.vector_load %arg12[%get3A_285, %get3A_286] {strides = array<i32>} : memref<128x128xf32, #tpu.memory_space<vmem>>, vector<1x16xf32>,
          %get3A_288 = vector.shape_cast %get3A_287 : vector<1x16xf32> to vector<16xf32>
          %mul3A_289 = vector.broadcast %squeeze3A_269 : f32 to vector<16xf32>
          %mul3A_290 = arith.mulf %get3A_288, %mul3A_289 : vector<16xf32>
          %swap3A_291 = arith.index_cast %add3A_273 : i32 to index
          %swap3A_292 = arith.constant 16 : index
          %swap3A_293 = tpu.vector_load %arg12[%swap3A_291, %swap3A_292] {strides = array<i32>} : memref<128x128xf32, #tpu.memory_space<vmem>>, vector<1x16xf32>,
          %swap3A_294 = vector.shape_cast %swap3A_293 : vector<1x16xf32> to vector<16xf32>
          %swap3A_295 = vector.shape_cast %mul3A_290 : vector<16xf32> to vector<1x16xf32>
          tpu.vector_store %arg12[%swap3A_291, %swap3A_292], %swap3A_295 {strides = array<i32>} : memref<128x128xf32, #tpu.memory_space<vmem>>, vector<1x16xf32>,
          %get3A_296 = arith.index_cast %add3A_273 : i32 to index
          %get3A_297 = arith.constant 32 : index
          %get3A_298 = tpu.vector_load %arg12[%get3A_296, %get3A_297] {strides = array<i32>} : memref<128x128xf32, #tpu.memory_space<vmem>>, vector<1x16xf32>,
          %get3A_299 = vector.shape_cast %get3A_298 : vector<1x16xf32> to vector<16xf32>
          %mul3A_300 = vector.broadcast %squeeze3A_269 : f32 to vector<16xf32>
          %mul3A_301 = arith.mulf %get3A_299, %mul3A_300 : vector<16xf32>
          %swap3A_302 = arith.index_cast %add3A_273 : i32 to index
          %swap3A_303 = arith.constant 32 : index
          %swap3A_304 = tpu.vector_load %arg12[%swap3A_302, %swap3A_303] {strides = array<i32>} : memref<128x128xf32, #tpu.memory_space<vmem>>, vector<1x16xf32>,
          %swap3A_305 = vector.shape_cast %swap3A_304 : vector<1x16xf32> to vector<16xf32>
          %swap3A_306 = vector.shape_cast %mul3A_301 : vector<16xf32> to vector<1x16xf32>
          tpu.vector_store %arg12[%swap3A_302, %swap3A_303], %swap3A_306 {strides = array<i32>} : memref<128x128xf32, #tpu.memory_space<vmem>>, vector<1x16xf32>,
          %get3A_307 = arith.index_cast %add3A_273 : i32 to index
          %get3A_308 = arith.constant 48 : index
          %get3A_309 = tpu.vector_load %arg12[%get3A_307, %get3A_308] {strides = array<i32>} : memref<128x128xf32, #tpu.memory_space<vmem>>, vector<1x16xf32>,
          %get3A_310 = vector.shape_cast %get3A_309 : vector<1x16xf32> to vector<16xf32>
          %mul3A_311 = vector.broadcast %squeeze3A_269 : f32 to vector<16xf32>
          %mul3A_312 = arith.mulf %get3A_310, %mul3A_311 : vector<16xf32>
          %swap3A_313 = arith.index_cast %add3A_273 : i32 to index
          %swap3A_314 = arith.constant 48 : index
          %swap3A_315 = tpu.vector_load %arg12[%swap3A_313, %swap3A_314] {strides = array<i32>} : memref<128x128xf32, #tpu.memory_space<vmem>>, vector<1x16xf32>,
          %swap3A_316 = vector.shape_cast %swap3A_315 : vector<1x16xf32> to vector<16xf32>
          %swap3A_317 = vector.shape_cast %mul3A_312 : vector<16xf32> to vector<1x16xf32>
          tpu.vector_store %arg12[%swap3A_313, %swap3A_314], %swap3A_317 {strides = array<i32>} : memref<128x128xf32, #tpu.memory_space<vmem>>, vector<1x16xf32>,
          %get3A_318 = arith.index_cast %add3A_273 : i32 to index
          %get3A_319 = arith.constant 64 : index
          %get3A_320 = tpu.vector_load %arg12[%get3A_318, %get3A_319] {strides = array<i32>} : memref<128x128xf32, #tpu.memory_space<vmem>>, vector<1x16xf32>,
          %get3A_321 = vector.shape_cast %get3A_320 : vector<1x16xf32> to vector<16xf32>
          %mul3A_322 = vector.broadcast %squeeze3A_269 : f32 to vector<16xf32>
          %mul3A_323 = arith.mulf %get3A_321, %mul3A_322 : vector<16xf32>
          %swap3A_324 = arith.index_cast %add3A_273 : i32 to index
          %swap3A_325 = arith.constant 64 : index
          %swap3A_326 = tpu.vector_load %arg12[%swap3A_324, %swap3A_325] {strides = array<i32>} : memref<128x128xf32, #tpu.memory_space<vmem>>, vector<1x16xf32>,
          %swap3A_327 = vector.shape_cast %swap3A_326 : vector<1x16xf32> to vector<16xf32>
          %swap3A_328 = vector.shape_cast %mul3A_323 : vector<16xf32> to vector<1x16xf32>
          tpu.vector_store %arg12[%swap3A_324, %swap3A_325], %swap3A_328 {strides = array<i32>} : memref<128x128xf32, #tpu.memory_space<vmem>>, vector<1x16xf32>,
          %get3A_329 = arith.index_cast %add3A_273 : i32 to index
          %get3A_330 = arith.constant 80 : index
          %get3A_331 = tpu.vector_load %arg12[%get3A_329, %get3A_330] {strides = array<i32>} : memref<128x128xf32, #tpu.memory_space<vmem>>, vector<1x16xf32>,
          %get3A_332 = vector.shape_cast %get3A_331 : vector<1x16xf32> to vector<16xf32>
          %mul3A_333 = vector.broadcast %squeeze3A_269 : f32 to vector<16xf32>
          %mul3A_334 = arith.mulf %get3A_332, %mul3A_333 : vector<16xf32>
          %swap3A_335 = arith.index_cast %add3A_273 : i32 to index
          %swap3A_336 = arith.constant 80 : index
          %swap3A_337 = tpu.vector_load %arg12[%swap3A_335, %swap3A_336] {strides = array<i32>} : memref<128x128xf32, #tpu.memory_space<vmem>>, vector<1x16xf32>,
          %swap3A_338 = vector.shape_cast %swap3A_337 : vector<1x16xf32> to vector<16xf32>
          %swap3A_339 = vector.shape_cast %mul3A_334 : vector<16xf32> to vector<1x16xf32>
          tpu.vector_store %arg12[%swap3A_335, %swap3A_336], %swap3A_339 {strides = array<i32>} : memref<128x128xf32, #tpu.memory_space<vmem>>, vector<1x16xf32>,
          %get3A_340 = arith.index_cast %add3A_273 : i32 to index
          %get3A_341 = arith.constant 96 : index
          %get3A_342 = tpu.vector_load %arg12[%get3A_340, %get3A_341] {strides = array<i32>} : memref<128x128xf32, #tpu.memory_space<vmem>>, vector<1x16xf32>,
          %get3A_343 = vector.shape_cast %get3A_342 : vector<1x16xf32> to vector<16xf32>
          %mul3A_344 = vector.broadcast %squeeze3A_269 : f32 to vector<16xf32>
          %mul3A_345 = arith.mulf %get3A_343, %mul3A_344 : vector<16xf32>
          %swap3A_346 = arith.index_cast %add3A_273 : i32 to index
          %swap3A_347 = arith.constant 96 : index
          %swap3A_348 = tpu.vector_load %arg12[%swap3A_346, %swap3A_347] {strides = array<i32>} : memref<128x128xf32, #tpu.memory_space<vmem>>, vector<1x16xf32>,
          %swap3A_349 = vector.shape_cast %swap3A_348 : vector<1x16xf32> to vector<16xf32>
          %swap3A_350 = vector.shape_cast %mul3A_345 : vector<16xf32> to vector<1x16xf32>
          tpu.vector_store %arg12[%swap3A_346, %swap3A_347], %swap3A_350 {strides = array<i32>} : memref<128x128xf32, #tpu.memory_space<vmem>>, vector<1x16xf32>,
          %get3A_351 = arith.index_cast %add3A_273 : i32 to index
          %get3A_352 = arith.constant 112 : index
          %get3A_353 = tpu.vector_load %arg12[%get3A_351, %get3A_352] {strides = array<i32>} : memref<128x128xf32, #tpu.memory_space<vmem>>, vector<1x16xf32>,
          %get3A_354 = vector.shape_cast %get3A_353 : vector<1x16xf32> to vector<16xf32>
          %mul3A_355 = vector.broadcast %squeeze3A_269 : f32 to vector<16xf32>
          %mul3A_356 = arith.mulf %get3A_354, %mul3A_355 : vector<16xf32>
          %swap3A_357 = arith.index_cast %add3A_273 : i32 to index
          %swap3A_358 = arith.constant 112 : index
          %swap3A_359 = tpu.vector_load %arg12[%swap3A_357, %swap3A_358] {strides = array<i32>} : memref<128x128xf32, #tpu.memory_space<vmem>>, vector<1x16xf32>,
          %swap3A_360 = vector.shape_cast %swap3A_359 : vector<1x16xf32> to vector<16xf32>
          %swap3A_361 = vector.shape_cast %mul3A_356 : vector<16xf32> to vector<1x16xf32>
          tpu.vector_store %arg12[%swap3A_357, %swap3A_358], %swap3A_361 {strides = array<i32>} : memref<128x128xf32, #tpu.memory_space<vmem>>, vector<1x16xf32>,
          %slice3A_362 = vector.extract_strided_slice %get3A_82 {offsets = [3], sizes = [1], strides = [1]} : vector<16xf32> to vector<1xf32>
          %squeeze3A_363 = vector.extract %slice3A_362[0] : f32 from vector<1xf32>
          %mul3A_364 = arith.constant 16 : i32
          %mul3A_365 = arith.muli %scan3A_77, %mul3A_364 : i32
          %add3A_366 = arith.constant 3 : i32
          %add3A_367 = arith.addi %mul3A_365, %add3A_366 : i32
          %get3A_368 = arith.index_cast %add3A_367 : i32 to index
          %get3A_369 = arith.constant 0 : index
          %get3A_370 = tpu.vector_load %arg12[%get3A_368, %get3A_369] {strides = array<i32>} : memref<128x128xf32, #tpu.memory_space<vmem>>, vector<1x16xf32>,
          %get3A_371 = vector.shape_cast %get3A_370 : vector<1x16xf32> to vector<16xf32>
          %mul3A_372 = vector.broadcast %squeeze3A_363 : f32 to vector<16xf32>
          %mul3A_373 = arith.mulf %get3A_371, %mul3A_372 : vector<16xf32>
          %swap3A_374 = arith.index_cast %add3A_367 : i32 to index
          %swap3A_375 = arith.constant 0 : index
          %swap3A_376 = tpu.vector_load %arg12[%swap3A_374, %swap3A_375] {strides = array<i32>} : memref<128x128xf32, #tpu.memory_space<vmem>>, vector<1x16xf32>,
          %swap3A_377 = vector.shape_cast %swap3A_376 : vector<1x16xf32> to vector<16xf32>
          %swap3A_378 = vector.shape_cast %mul3A_373 : vector<16xf32> to vector<1x16xf32>
          tpu.vector_store %arg12[%swap3A_374, %swap3A_375], %swap3A_378 {strides = array<i32>} : memref<128x128xf32, #tpu.memory_space<vmem>>, vector<1x16xf32>,
          %get3A_379 = arith.index_cast %add3A_367 : i32 to index
          %get3A_380 = arith.constant 16 : index
          %get3A_381 = tpu.vector_load %arg12[%get3A_379, %get3A_380] {strides = array<i32>} : memref<128x128xf32, #tpu.memory_space<vmem>>, vector<1x16xf32>,
          %get3A_382 = vector.shape_cast %get3A_381 : vector<1x16xf32> to vector<16xf32>
          %mul3A_383 = vector.broadcast %squeeze3A_363 : f32 to vector<16xf32>
          %mul3A_384 = arith.mulf %get3A_382, %mul3A_383 : vector<16xf32>
          %swap3A_385 = arith.index_cast %add3A_367 : i32 to index
          %swap3A_386 = arith.constant 16 : index
          %swap3A_387 = tpu.vector_load %arg12[%swap3A_385, %swap3A_386] {strides = array<i32>} : memref<128x128xf32, #tpu.memory_space<vmem>>, vector<1x16xf32>,
          %swap3A_388 = vector.shape_cast %swap3A_387 : vector<1x16xf32> to vector<16xf32>
          %swap3A_389 = vector.shape_cast %mul3A_384 : vector<16xf32> to vector<1x16xf32>
          tpu.vector_store %arg12[%swap3A_385, %swap3A_386], %swap3A_389 {strides = array<i32>} : memref<128x128xf32, #tpu.memory_space<vmem>>, vector<1x16xf32>,
          %get3A_390 = arith.index_cast %add3A_367 : i32 to index
          %get3A_391 = arith.constant 32 : index
          %get3A_392 = tpu.vector_load %arg12[%get3A_390, %get3A_391] {strides = array<i32>} : memref<128x128xf32, #tpu.memory_space<vmem>>, vector<1x16xf32>,
          %get3A_393 = vector.shape_cast %get3A_392 : vector<1x16xf32> to vector<16xf32>
          %mul3A_394 = vector.broadcast %squeeze3A_363 : f32 to vector<16xf32>
          %mul3A_395 = arith.mulf %get3A_393, %mul3A_394 : vector<16xf32>
          %swap3A_396 = arith.index_cast %add3A_367 : i32 to index
          %swap3A_397 = arith.constant 32 : index
          %swap3A_398 = tpu.vector_load %arg12[%swap3A_396, %swap3A_397] {strides = array<i32>} : memref<128x128xf32, #tpu.memory_space<vmem>>, vector<1x16xf32>,
          %swap3A_399 = vector.shape_cast %swap3A_398 : vector<1x16xf32> to vector<16xf32>
          %swap3A_400 = vector.shape_cast %mul3A_395 : vector<16xf32> to vector<1x16xf32>
          tpu.vector_store %arg12[%swap3A_396, %swap3A_397], %swap3A_400 {strides = array<i32>} : memref<128x128xf32, #tpu.memory_space<vmem>>, vector<1x16xf32>,
          %get3A_401 = arith.index_cast %add3A_367 : i32 to index
          %get3A_402 = arith.constant 48 : index
          %get3A_403 = tpu.vector_load %arg12[%get3A_401, %get3A_402] {strides = array<i32>} : memref<128x128xf32, #tpu.memory_space<vmem>>, vector<1x16xf32>,
          %get3A_404 = vector.shape_cast %get3A_403 : vector<1x16xf32> to vector<16xf32>
          %mul3A_405 = vector.broadcast %squeeze3A_363 : f32 to vector<16xf32>
          %mul3A_406 = arith.mulf %get3A_404, %mul3A_405 : vector<16xf32>
          %swap3A_407 = arith.index_cast %add3A_367 : i32 to index
          %swap3A_408 = arith.constant 48 : index
          %swap3A_409 = tpu.vector_load %arg12[%swap3A_407, %swap3A_408] {strides = array<i32>} : memref<128x128xf32, #tpu.memory_space<vmem>>, vector<1x16xf32>,
          %swap3A_410 = vector.shape_cast %swap3A_409 : vector<1x16xf32> to vector<16xf32>
          %swap3A_411 = vector.shape_cast %mul3A_406 : vector<16xf32> to vector<1x16xf32>
          tpu.vector_store %arg12[%swap3A_407, %swap3A_408], %swap3A_411 {strides = array<i32>} : memref<128x128xf32, #tpu.memory_space<vmem>>, vector<1x16xf32>,
          %get3A_412 = arith.index_cast %add3A_367 : i32 to index
          %get3A_413 = arith.constant 64 : index
          %get3A_414 = tpu.vector_load %arg12[%get3A_412, %get3A_413] {strides = array<i32>} : memref<128x128xf32, #tpu.memory_space<vmem>>, vector<1x16xf32>,
          %get3A_415 = vector.shape_cast %get3A_414 : vector<1x16xf32> to vector<16xf32>
          %mul3A_416 = vector.broadcast %squeeze3A_363 : f32 to vector<16xf32>
          %mul3A_417 = arith.mulf %get3A_415, %mul3A_416 : vector<16xf32>
          %swap3A_418 = arith.index_cast %add3A_367 : i32 to index
          %swap3A_419 = arith.constant 64 : index
          %swap3A_420 = tpu.vector_load %arg12[%swap3A_418, %swap3A_419] {strides = array<i32>} : memref<128x128xf32, #tpu.memory_space<vmem>>, vector<1x16xf32>,
          %swap3A_421 = vector.shape_cast %swap3A_420 : vector<1x16xf32> to vector<16xf32>
          %swap3A_422 = vector.shape_cast %mul3A_417 : vector<16xf32> to vector<1x16xf32>
          tpu.vector_store %arg12[%swap3A_418, %swap3A_419], %swap3A_422 {strides = array<i32>} : memref<128x128xf32, #tpu.memory_space<vmem>>, vector<1x16xf32>,
          %get3A_423 = arith.index_cast %add3A_367 : i32 to index
          %get3A_424 = arith.constant 80 : index
          %get3A_425 = tpu.vector_load %arg12[%get3A_423, %get3A_424] {strides = array<i32>} : memref<128x128xf32, #tpu.memory_space<vmem>>, vector<1x16xf32>,
          %get3A_426 = vector.shape_cast %get3A_425 : vector<1x16xf32> to vector<16xf32>
          %mul3A_427 = vector.broadcast %squeeze3A_363 : f32 to vector<16xf32>
          %mul3A_428 = arith.mulf %get3A_426, %mul3A_427 : vector<16xf32>
          %swap3A_429 = arith.index_cast %add3A_367 : i32 to index
          %swap3A_430 = arith.constant 80 : index
          %swap3A_431 = tpu.vector_load %arg12[%swap3A_429, %swap3A_430] {strides = array<i32>} : memref<128x128xf32, #tpu.memory_space<vmem>>, vector<1x16xf32>,
          %swap3A_432 = vector.shape_cast %swap3A_431 : vector<1x16xf32> to vector<16xf32>
          %swap3A_433 = vector.shape_cast %mul3A_428 : vector<16xf32> to vector<1x16xf32>
          tpu.vector_store %arg12[%swap3A_429, %swap3A_430], %swap3A_433 {strides = array<i32>} : memref<128x128xf32, #tpu.memory_space<vmem>>, vector<1x16xf32>,
          %get3A_434 = arith.index_cast %add3A_367 : i32 to index
          %get3A_435 = arith.constant 96 : index
          %get3A_436 = tpu.vector_load %arg12[%get3A_434, %get3A_435] {strides = array<i32>} : memref<128x128xf32, #tpu.memory_space<vmem>>, vector<1x16xf32>,
          %get3A_437 = vector.shape_cast %get3A_436 : vector<1x16xf32> to vector<16xf32>
          %mul3A_438 = vector.broadcast %squeeze3A_363 : f32 to vector<16xf32>
          %mul3A_439 = arith.mulf %get3A_437, %mul3A_438 : vector<16xf32>
          %swap3A_440 = arith.index_cast %add3A_367 : i32 to index
          %swap3A_441 = arith.constant 96 : index
          %swap3A_442 = tpu.vector_load %arg12[%swap3A_440, %swap3A_441] {strides = array<i32>} : memref<128x128xf32, #tpu.memory_space<vmem>>, vector<1x16xf32>,
          %swap3A_443 = vector.shape_cast %swap3A_442 : vector<1x16xf32> to vector<16xf32>
          %swap3A_444 = vector.shape_cast %mul3A_439 : vector<16xf32> to vector<1x16xf32>
          tpu.vector_store %arg12[%swap3A_440, %swap3A_441], %swap3A_444 {strides = array<i32>} : memref<128x128xf32, #tpu.memory_space<vmem>>, vector<1x16xf32>,
          %get3A_445 = arith.index_cast %add3A_367 : i32 to index
          %get3A_446 = arith.constant 112 : index
          %get3A_447 = tpu.vector_load %arg12[%get3A_445, %get3A_446] {strides = array<i32>} : memref<128x128xf32, #tpu.memory_space<vmem>>, vector<1x16xf32>,
          %get3A_448 = vector.shape_cast %get3A_447 : vector<1x16xf32> to vector<16xf32>
          %mul3A_449 = vector.broadcast %squeeze3A_363 : f32 to vector<16xf32>
          %mul3A_450 = arith.mulf %get3A_448, %mul3A_449 : vector<16xf32>
          %swap3A_451 = arith.index_cast %add3A_367 : i32 to index
          %swap3A_452 = arith.constant 112 : index
          %swap3A_453 = tpu.vector_load %arg12[%swap3A_451, %swap3A_452] {strides = array<i32>} : memref<128x128xf32, #tpu.memory_space<vmem>>, vector<1x16xf32>,
          %swap3A_454 = vector.shape_cast %swap3A_453 : vector<1x16xf32> to vector<16xf32>
          %swap3A_455 = vector.shape_cast %mul3A_450 : vector<16xf32> to vector<1x16xf32>
          tpu.vector_store %arg12[%swap3A_451, %swap3A_452], %swap3A_455 {strides = array<i32>} : memref<128x128xf32, #tpu.memory_space<vmem>>, vector<1x16xf32>,
          %slice3A_456 = vector.extract_strided_slice %get3A_82 {offsets = [4], sizes = [1], strides = [1]} : vector<16xf32> to vector<1xf32>
          %squeeze3A_457 = vector.extract %slice3A_456[0] : f32 from vector<1xf32>
          %mul3A_458 = arith.constant 16 : i32
          %mul3A_459 = arith.muli %scan3A_77, %mul3A_458 : i32
          %add3A_460 = arith.constant 4 : i32
          %add3A_461 = arith.addi %mul3A_459, %add3A_460 : i32
          %get3A_462 = arith.index_cast %add3A_461 : i32 to index
          %get3A_463 = arith.constant 0 : index
          %get3A_464 = tpu.vector_load %arg12[%get3A_462, %get3A_463] {strides = array<i32>} : memref<128x128xf32, #tpu.memory_space<vmem>>, vector<1x16xf32>,
          %get3A_465 = vector.shape_cast %get3A_464 : vector<1x16xf32> to vector<16xf32>
          %mul3A_466 = vector.broadcast %squeeze3A_457 : f32 to vector<16xf32>
          %mul3A_467 = arith.mulf %get3A_465, %mul3A_466 : vector<16xf32>
          %swap3A_468 = arith.index_cast %add3A_461 : i32 to index
          %swap3A_469 = arith.constant 0 : index
          %swap3A_470 = tpu.vector_load %arg12[%swap3A_468, %swap3A_469] {strides = array<i32>} : memref<128x128xf32, #tpu.memory_space<vmem>>, vector<1x16xf32>,
          %swap3A_471 = vector.shape_cast %swap3A_470 : vector<1x16xf32> to vector<16xf32>
          %swap3A_472 = vector.shape_cast %mul3A_467 : vector<16xf32> to vector<1x16xf32>
          tpu.vector_store %arg12[%swap3A_468, %swap3A_469], %swap3A_472 {strides = array<i32>} : memref<128x128xf32, #tpu.memory_space<vmem>>, vector<1x16xf32>,
          %get3A_473 = arith.index_cast %add3A_461 : i32 to index
          %get3A_474 = arith.constant 16 : index
          %get3A_475 = tpu.vector_load %arg12[%get3A_473, %get3A_474] {strides = array<i32>} : memref<128x128xf32, #tpu.memory_space<vmem>>, vector<1x16xf32>,
          %get3A_476 = vector.shape_cast %get3A_475 : vector<1x16xf32> to vector<16xf32>
          %mul3A_477 = vector.broadcast %squeeze3A_457 : f32 to vector<16xf32>
          %mul3A_478 = arith.mulf %get3A_476, %mul3A_477 : vector<16xf32>
          %swap3A_479 = arith.index_cast %add3A_461 : i32 to index
          %swap3A_480 = arith.constant 16 : index
          %swap3A_481 = tpu.vector_load %arg12[%swap3A_479, %swap3A_480] {strides = array<i32>} : memref<128x128xf32, #tpu.memory_space<vmem>>, vector<1x16xf32>,
          %swap3A_482 = vector.shape_cast %swap3A_481 : vector<1x16xf32> to vector<16xf32>
          %swap3A_483 = vector.shape_cast %mul3A_478 : vector<16xf32> to vector<1x16xf32>
          tpu.vector_store %arg12[%swap3A_479, %swap3A_480], %swap3A_483 {strides = array<i32>} : memref<128x128xf32, #tpu.memory_space<vmem>>, vector<1x16xf32>,
          %get3A_484 = arith.index_cast %add3A_461 : i32 to index
          %get3A_485 = arith.constant 32 : index
          %get3A_486 = tpu.vector_load %arg12[%get3A_484, %get3A_485] {strides = array<i32>} : memref<128x128xf32, #tpu.memory_space<vmem>>, vector<1x16xf32>,
          %get3A_487 = vector.shape_cast %get3A_486 : vector<1x16xf32> to vector<16xf32>
          %mul3A_488 = vector.broadcast %squeeze3A_457 : f32 to vector<16xf32>
          %mul3A_489 = arith.mulf %get3A_487, %mul3A_488 : vector<16xf32>
          %swap3A_490 = arith.index_cast %add3A_461 : i32 to index
          %swap3A_491 = arith.constant 32 : index
          %swap3A_492 = tpu.vector_load %arg12[%swap3A_490, %swap3A_491] {strides = array<i32>} : memref<128x128xf32, #tpu.memory_space<vmem>>, vector<1x16xf32>,
          %swap3A_493 = vector.shape_cast %swap3A_492 : vector<1x16xf32> to vector<16xf32>
          %swap3A_494 = vector.shape_cast %mul3A_489 : vector<16xf32> to vector<1x16xf32>
          tpu.vector_store %arg12[%swap3A_490, %swap3A_491], %swap3A_494 {strides = array<i32>} : memref<128x128xf32, #tpu.memory_space<vmem>>, vector<1x16xf32>,
          %get3A_495 = arith.index_cast %add3A_461 : i32 to index
          %get3A_496 = arith.constant 48 : index
          %get3A_497 = tpu.vector_load %arg12[%get3A_495, %get3A_496] {strides = array<i32>} : memref<128x128xf32, #tpu.memory_space<vmem>>, vector<1x16xf32>,
          %get3A_498 = vector.shape_cast %get3A_497 : vector<1x16xf32> to vector<16xf32>
          %mul3A_499 = vector.broadcast %squeeze3A_457 : f32 to vector<16xf32>
          %mul3A_500 = arith.mulf %get3A_498, %mul3A_499 : vector<16xf32>
          %swap3A_501 = arith.index_cast %add3A_461 : i32 to index
          %swap3A_502 = arith.constant 48 : index
          %swap3A_503 = tpu.vector_load %arg12[%swap3A_501, %swap3A_502] {strides = array<i32>} : memref<128x128xf32, #tpu.memory_space<vmem>>, vector<1x16xf32>,
          %swap3A_504 = vector.shape_cast %swap3A_503 : vector<1x16xf32> to vector<16xf32>
          %swap3A_505 = vector.shape_cast %mul3A_500 : vector<16xf32> to vector<1x16xf32>
          tpu.vector_store %arg12[%swap3A_501, %swap3A_502], %swap3A_505 {strides = array<i32>} : memref<128x128xf32, #tpu.memory_space<vmem>>, vector<1x16xf32>,
          %get3A_506 = arith.index_cast %add3A_461 : i32 to index
          %get3A_507 = arith.constant 64 : index
          %get3A_508 = tpu.vector_load %arg12[%get3A_506, %get3A_507] {strides = array<i32>} : memref<128x128xf32, #tpu.memory_space<vmem>>, vector<1x16xf32>,
          %get3A_509 = vector.shape_cast %get3A_508 : vector<1x16xf32> to vector<16xf32>
          %mul3A_510 = vector.broadcast %squeeze3A_457 : f32 to vector<16xf32>
          %mul3A_511 = arith.mulf %get3A_509, %mul3A_510 : vector<16xf32>
          %swap3A_512 = arith.index_cast %add3A_461 : i32 to index
          %swap3A_513 = arith.constant 64 : index
          %swap3A_514 = tpu.vector_load %arg12[%swap3A_512, %swap3A_513] {strides = array<i32>} : memref<128x128xf32, #tpu.memory_space<vmem>>, vector<1x16xf32>,
          %swap3A_515 = vector.shape_cast %swap3A_514 : vector<1x16xf32> to vector<16xf32>
          %swap3A_516 = vector.shape_cast %mul3A_511 : vector<16xf32> to vector<1x16xf32>
          tpu.vector_store %arg12[%swap3A_512, %swap3A_513], %swap3A_516 {strides = array<i32>} : memref<128x128xf32, #tpu.memory_space<vmem>>, vector<1x16xf32>,
          %get3A_517 = arith.index_cast %add3A_461 : i32 to index
          %get3A_518 = arith.constant 80 : index
          %get3A_519 = tpu.vector_load %arg12[%get3A_517, %get3A_518] {strides = array<i32>} : memref<128x128xf32, #tpu.memory_space<vmem>>, vector<1x16xf32>,
          %get3A_520 = vector.shape_cast %get3A_519 : vector<1x16xf32> to vector<16xf32>
          %mul3A_521 = vector.broadcast %squeeze3A_457 : f32 to vector<16xf32>
          %mul3A_522 = arith.mulf %get3A_520, %mul3A_521 : vector<16xf32>
          %swap3A_523 = arith.index_cast %add3A_461 : i32 to index
          %swap3A_524 = arith.constant 80 : index
          %swap3A_525 = tpu.vector_load %arg12[%swap3A_523, %swap3A_524] {strides = array<i32>} : memref<128x128xf32, #tpu.memory_space<vmem>>, vector<1x16xf32>,
          %swap3A_526 = vector.shape_cast %swap3A_525 : vector<1x16xf32> to vector<16xf32>
          %swap3A_527 = vector.shape_cast %mul3A_522 : vector<16xf32> to vector<1x16xf32>
          tpu.vector_store %arg12[%swap3A_523, %swap3A_524], %swap3A_527 {strides = array<i32>} : memref<128x128xf32, #tpu.memory_space<vmem>>, vector<1x16xf32>,
          %get3A_528 = arith.index_cast %add3A_461 : i32 to index
          %get3A_529 = arith.constant 96 : index
          %get3A_530 = tpu.vector_load %arg12[%get3A_528, %get3A_529] {strides = array<i32>} : memref<128x128xf32, #tpu.memory_space<vmem>>, vector<1x16xf32>,
          %get3A_531 = vector.shape_cast %get3A_530 : vector<1x16xf32> to vector<16xf32>
          %mul3A_532 = vector.broadcast %squeeze3A_457 : f32 to vector<16xf32>
          %mul3A_533 = arith.mulf %get3A_531, %mul3A_532 : vector<16xf32>
          %swap3A_534 = arith.index_cast %add3A_461 : i32 to index
          %swap3A_535 = arith.constant 96 : index
          %swap3A_536 = tpu.vector_load %arg12[%swap3A_534, %swap3A_535] {strides = array<i32>} : memref<128x128xf32, #tpu.memory_space<vmem>>, vector<1x16xf32>,
          %swap3A_537 = vector.shape_cast %swap3A_536 : vector<1x16xf32> to vector<16xf32>
          %swap3A_538 = vector.shape_cast %mul3A_533 : vector<16xf32> to vector<1x16xf32>
          tpu.vector_store %arg12[%swap3A_534, %swap3A_535], %swap3A_538 {strides = array<i32>} : memref<128x128xf32, #tpu.memory_space<vmem>>, vector<1x16xf32>,
          %get3A_539 = arith.index_cast %add3A_461 : i32 to index
          %get3A_540 = arith.constant 112 : index
          %get3A_541 = tpu.vector_load %arg12[%get3A_539, %get3A_540] {strides = array<i32>} : memref<128x128xf32, #tpu.memory_space<vmem>>, vector<1x16xf32>,
          %get3A_542 = vector.shape_cast %get3A_541 : vector<1x16xf32> to vector<16xf32>
          %mul3A_543 = vector.broadcast %squeeze3A_457 : f32 to vector<16xf32>
          %mul3A_544 = arith.mulf %get3A_542, %mul3A_543 : vector<16xf32>
          %swap3A_545 = arith.index_cast %add3A_461 : i32 to index
          %swap3A_546 = arith.constant 112 : index
          %swap3A_547 = tpu.vector_load %arg12[%swap3A_545, %swap3A_546] {strides = array<i32>} : memref<128x128xf32, #tpu.memory_space<vmem>>, vector<1x16xf32>,
          %swap3A_548 = vector.shape_cast %swap3A_547 : vector<1x16xf32> to vector<16xf32>
          %swap3A_549 = vector.shape_cast %mul3A_544 : vector<16xf32> to vector<1x16xf32>
          tpu.vector_store %arg12[%swap3A_545, %swap3A_546], %swap3A_549 {strides = array<i32>} : memref<128x128xf32, #tpu.memory_space<vmem>>, vector<1x16xf32>,
          %slice3A_550 = vector.extract_strided_slice %get3A_82 {offsets = [5], sizes = [1], strides = [1]} : vector<16xf32> to vector<1xf32>
          %squeeze3A_551 = vector.extract %slice3A_550[0] : f32 from vector<1xf32>
          %mul3A_552 = arith.constant 16 : i32
          %mul3A_553 = arith.muli %scan3A_77, %mul3A_552 : i32
          %add3A_554 = arith.constant 5 : i32
          %add3A_555 = arith.addi %mul3A_553, %add3A_554 : i32
          %get3A_556 = arith.index_cast %add3A_555 : i32 to index
          %get3A_557 = arith.constant 0 : index
          %get3A_558 = tpu.vector_load %arg12[%get3A_556, %get3A_557] {strides = array<i32>} : memref<128x128xf32, #tpu.memory_space<vmem>>, vector<1x16xf32>,
          %get3A_559 = vector.shape_cast %get3A_558 : vector<1x16xf32> to vector<16xf32>
          %mul3A_560 = vector.broadcast %squeeze3A_551 : f32 to vector<16xf32>
          %mul3A_561 = arith.mulf %get3A_559, %mul3A_560 : vector<16xf32>
          %swap3A_562 = arith.index_cast %add3A_555 : i32 to index
          %swap3A_563 = arith.constant 0 : index
          %swap3A_564 = tpu.vector_load %arg12[%swap3A_562, %swap3A_563] {strides = array<i32>} : memref<128x128xf32, #tpu.memory_space<vmem>>, vector<1x16xf32>,
          %swap3A_565 = vector.shape_cast %swap3A_564 : vector<1x16xf32> to vector<16xf32>
          %swap3A_566 = vector.shape_cast %mul3A_561 : vector<16xf32> to vector<1x16xf32>
          tpu.vector_store %arg12[%swap3A_562, %swap3A_563], %swap3A_566 {strides = array<i32>} : memref<128x128xf32, #tpu.memory_space<vmem>>, vector<1x16xf32>,
          %get3A_567 = arith.index_cast %add3A_555 : i32 to index
          %get3A_568 = arith.constant 16 : index
          %get3A_569 = tpu.vector_load %arg12[%get3A_567, %get3A_568] {strides = array<i32>} : memref<128x128xf32, #tpu.memory_space<vmem>>, vector<1x16xf32>,
          %get3A_570 = vector.shape_cast %get3A_569 : vector<1x16xf32> to vector<16xf32>
          %mul3A_571 = vector.broadcast %squeeze3A_551 : f32 to vector<16xf32>
          %mul3A_572 = arith.mulf %get3A_570, %mul3A_571 : vector<16xf32>
          %swap3A_573 = arith.index_cast %add3A_555 : i32 to index
          %swap3A_574 = arith.constant 16 : index
          %swap3A_575 = tpu.vector_load %arg12[%swap3A_573, %swap3A_574] {strides = array<i32>} : memref<128x128xf32, #tpu.memory_space<vmem>>, vector<1x16xf32>,
          %swap3A_576 = vector.shape_cast %swap3A_575 : vector<1x16xf32> to vector<16xf32>
          %swap3A_577 = vector.shape_cast %mul3A_572 : vector<16xf32> to vector<1x16xf32>
          tpu.vector_store %arg12[%swap3A_573, %swap3A_574], %swap3A_577 {strides = array<i32>} : memref<128x128xf32, #tpu.memory_space<vmem>>, vector<1x16xf32>,
          %get3A_578 = arith.index_cast %add3A_555 : i32 to index
          %get3A_579 = arith.constant 32 : index
          %get3A_580 = tpu.vector_load %arg12[%get3A_578, %get3A_579] {strides = array<i32>} : memref<128x128xf32, #tpu.memory_space<vmem>>, vector<1x16xf32>,
          %get3A_581 = vector.shape_cast %get3A_580 : vector<1x16xf32> to vector<16xf32>
          %mul3A_582 = vector.broadcast %squeeze3A_551 : f32 to vector<16xf32>
          %mul3A_583 = arith.mulf %get3A_581, %mul3A_582 : vector<16xf32>
          %swap3A_584 = arith.index_cast %add3A_555 : i32 to index
          %swap3A_585 = arith.constant 32 : index
          %swap3A_586 = tpu.vector_load %arg12[%swap3A_584, %swap3A_585] {strides = array<i32>} : memref<128x128xf32, #tpu.memory_space<vmem>>, vector<1x16xf32>,
          %swap3A_587 = vector.shape_cast %swap3A_586 : vector<1x16xf32> to vector<16xf32>
          %swap3A_588 = vector.shape_cast %mul3A_583 : vector<16xf32> to vector<1x16xf32>
          tpu.vector_store %arg12[%swap3A_584, %swap3A_585], %swap3A_588 {strides = array<i32>} : memref<128x128xf32, #tpu.memory_space<vmem>>, vector<1x16xf32>,
          %get3A_589 = arith.index_cast %add3A_555 : i32 to index
          %get3A_590 = arith.constant 48 : index
          %get3A_591 = tpu.vector_load %arg12[%get3A_589, %get3A_590] {strides = array<i32>} : memref<128x128xf32, #tpu.memory_space<vmem>>, vector<1x16xf32>,
          %get3A_592 = vector.shape_cast %get3A_591 : vector<1x16xf32> to vector<16xf32>
          %mul3A_593 = vector.broadcast %squeeze3A_551 : f32 to vector<16xf32>
          %mul3A_594 = arith.mulf %get3A_592, %mul3A_593 : vector<16xf32>
          %swap3A_595 = arith.index_cast %add3A_555 : i32 to index
          %swap3A_596 = arith.constant 48 : index
          %swap3A_597 = tpu.vector_load %arg12[%swap3A_595, %swap3A_596] {strides = array<i32>} : memref<128x128xf32, #tpu.memory_space<vmem>>, vector<1x16xf32>,
          %swap3A_598 = vector.shape_cast %swap3A_597 : vector<1x16xf32> to vector<16xf32>
          %swap3A_599 = vector.shape_cast %mul3A_594 : vector<16xf32> to vector<1x16xf32>
          tpu.vector_store %arg12[%swap3A_595, %swap3A_596], %swap3A_599 {strides = array<i32>} : memref<128x128xf32, #tpu.memory_space<vmem>>, vector<1x16xf32>,
          %get3A_600 = arith.index_cast %add3A_555 : i32 to index
          %get3A_601 = arith.constant 64 : index
          %get3A_602 = tpu.vector_load %arg12[%get3A_600, %get3A_601] {strides = array<i32>} : memref<128x128xf32, #tpu.memory_space<vmem>>, vector<1x16xf32>,
          %get3A_603 = vector.shape_cast %get3A_602 : vector<1x16xf32> to vector<16xf32>
          %mul3A_604 = vector.broadcast %squeeze3A_551 : f32 to vector<16xf32>
          %mul3A_605 = arith.mulf %get3A_603, %mul3A_604 : vector<16xf32>
          %swap3A_606 = arith.index_cast %add3A_555 : i32 to index
          %swap3A_607 = arith.constant 64 : index
          %swap3A_608 = tpu.vector_load %arg12[%swap3A_606, %swap3A_607] {strides = array<i32>} : memref<128x128xf32, #tpu.memory_space<vmem>>, vector<1x16xf32>,
          %swap3A_609 = vector.shape_cast %swap3A_608 : vector<1x16xf32> to vector<16xf32>
          %swap3A_610 = vector.shape_cast %mul3A_605 : vector<16xf32> to vector<1x16xf32>
          tpu.vector_store %arg12[%swap3A_606, %swap3A_607], %swap3A_610 {strides = array<i32>} : memref<128x128xf32, #tpu.memory_space<vmem>>, vector<1x16xf32>,
          %get3A_611 = arith.index_cast %add3A_555 : i32 to index
          %get3A_612 = arith.constant 80 : index
          %get3A_613 = tpu.vector_load %arg12[%get3A_611, %get3A_612] {strides = array<i32>} : memref<128x128xf32, #tpu.memory_space<vmem>>, vector<1x16xf32>,
          %get3A_614 = vector.shape_cast %get3A_613 : vector<1x16xf32> to vector<16xf32>
          %mul3A_615 = vector.broadcast %squeeze3A_551 : f32 to vector<16xf32>
          %mul3A_616 = arith.mulf %get3A_614, %mul3A_615 : vector<16xf32>
          %swap3A_617 = arith.index_cast %add3A_555 : i32 to index
          %swap3A_618 = arith.constant 80 : index
          %swap3A_619 = tpu.vector_load %arg12[%swap3A_617, %swap3A_618] {strides = array<i32>} : memref<128x128xf32, #tpu.memory_space<vmem>>, vector<1x16xf32>,
          %swap3A_620 = vector.shape_cast %swap3A_619 : vector<1x16xf32> to vector<16xf32>
          %swap3A_621 = vector.shape_cast %mul3A_616 : vector<16xf32> to vector<1x16xf32>
          tpu.vector_store %arg12[%swap3A_617, %swap3A_618], %swap3A_621 {strides = array<i32>} : memref<128x128xf32, #tpu.memory_space<vmem>>, vector<1x16xf32>,
          %get3A_622 = arith.index_cast %add3A_555 : i32 to index
          %get3A_623 = arith.constant 96 : index
          %get3A_624 = tpu.vector_load %arg12[%get3A_622, %get3A_623] {strides = array<i32>} : memref<128x128xf32, #tpu.memory_space<vmem>>, vector<1x16xf32>,
          %get3A_625 = vector.shape_cast %get3A_624 : vector<1x16xf32> to vector<16xf32>
          %mul3A_626 = vector.broadcast %squeeze3A_551 : f32 to vector<16xf32>
          %mul3A_627 = arith.mulf %get3A_625, %mul3A_626 : vector<16xf32>
          %swap3A_628 = arith.index_cast %add3A_555 : i32 to index
          %swap3A_629 = arith.constant 96 : index
          %swap3A_630 = tpu.vector_load %arg12[%swap3A_628, %swap3A_629] {strides = array<i32>} : memref<128x128xf32, #tpu.memory_space<vmem>>, vector<1x16xf32>,
          %swap3A_631 = vector.shape_cast %swap3A_630 : vector<1x16xf32> to vector<16xf32>
          %swap3A_632 = vector.shape_cast %mul3A_627 : vector<16xf32> to vector<1x16xf32>
          tpu.vector_store %arg12[%swap3A_628, %swap3A_629], %swap3A_632 {strides = array<i32>} : memref<128x128xf32, #tpu.memory_space<vmem>>, vector<1x16xf32>,
          %get3A_633 = arith.index_cast %add3A_555 : i32 to index
          %get3A_634 = arith.constant 112 : index
          %get3A_635 = tpu.vector_load %arg12[%get3A_633, %get3A_634] {strides = array<i32>} : memref<128x128xf32, #tpu.memory_space<vmem>>, vector<1x16xf32>,
          %get3A_636 = vector.shape_cast %get3A_635 : vector<1x16xf32> to vector<16xf32>
          %mul3A_637 = vector.broadcast %squeeze3A_551 : f32 to vector<16xf32>
          %mul3A_638 = arith.mulf %get3A_636, %mul3A_637 : vector<16xf32>
          %swap3A_639 = arith.index_cast %add3A_555 : i32 to index
          %swap3A_640 = arith.constant 112 : index
          %swap3A_641 = tpu.vector_load %arg12[%swap3A_639, %swap3A_640] {strides = array<i32>} : memref<128x128xf32, #tpu.memory_space<vmem>>, vector<1x16xf32>,
          %swap3A_642 = vector.shape_cast %swap3A_641 : vector<1x16xf32> to vector<16xf32>
          %swap3A_643 = vector.shape_cast %mul3A_638 : vector<16xf32> to vector<1x16xf32>
          tpu.vector_store %arg12[%swap3A_639, %swap3A_640], %swap3A_643 {strides = array<i32>} : memref<128x128xf32, #tpu.memory_space<vmem>>, vector<1x16xf32>,
          %slice3A_644 = vector.extract_strided_slice %get3A_82 {offsets = [6], sizes = [1], strides = [1]} : vector<16xf32> to vector<1xf32>
          %squeeze3A_645 = vector.extract %slice3A_644[0] : f32 from vector<1xf32>
          %mul3A_646 = arith.constant 16 : i32
          %mul3A_647 = arith.muli %scan3A_77, %mul3A_646 : i32
          %add3A_648 = arith.constant 6 : i32
          %add3A_649 = arith.addi %mul3A_647, %add3A_648 : i32
          %get3A_650 = arith.index_cast %add3A_649 : i32 to index
          %get3A_651 = arith.constant 0 : index
          %get3A_652 = tpu.vector_load %arg12[%get3A_650, %get3A_651] {strides = array<i32>} : memref<128x128xf32, #tpu.memory_space<vmem>>, vector<1x16xf32>,
          %get3A_653 = vector.shape_cast %get3A_652 : vector<1x16xf32> to vector<16xf32>
          %mul3A_654 = vector.broadcast %squeeze3A_645 : f32 to vector<16xf32>
          %mul3A_655 = arith.mulf %get3A_653, %mul3A_654 : vector<16xf32>
          %swap3A_656 = arith.index_cast %add3A_649 : i32 to index
          %swap3A_657 = arith.constant 0 : index
          %swap3A_658 = tpu.vector_load %arg12[%swap3A_656, %swap3A_657] {strides = array<i32>} : memref<128x128xf32, #tpu.memory_space<vmem>>, vector<1x16xf32>,
          %swap3A_659 = vector.shape_cast %swap3A_658 : vector<1x16xf32> to vector<16xf32>
          %swap3A_660 = vector.shape_cast %mul3A_655 : vector<16xf32> to vector<1x16xf32>
          tpu.vector_store %arg12[%swap3A_656, %swap3A_657], %swap3A_660 {strides = array<i32>} : memref<128x128xf32, #tpu.memory_space<vmem>>, vector<1x16xf32>,
          %get3A_661 = arith.index_cast %add3A_649 : i32 to index
          %get3A_662 = arith.constant 16 : index
          %get3A_663 = tpu.vector_load %arg12[%get3A_661, %get3A_662] {strides = array<i32>} : memref<128x128xf32, #tpu.memory_space<vmem>>, vector<1x16xf32>,
          %get3A_664 = vector.shape_cast %get3A_663 : vector<1x16xf32> to vector<16xf32>
          %mul3A_665 = vector.broadcast %squeeze3A_645 : f32 to vector<16xf32>
          %mul3A_666 = arith.mulf %get3A_664, %mul3A_665 : vector<16xf32>
          %swap3A_667 = arith.index_cast %add3A_649 : i32 to index
          %swap3A_668 = arith.constant 16 : index
          %swap3A_669 = tpu.vector_load %arg12[%swap3A_667, %swap3A_668] {strides = array<i32>} : memref<128x128xf32, #tpu.memory_space<vmem>>, vector<1x16xf32>,
          %swap3A_670 = vector.shape_cast %swap3A_669 : vector<1x16xf32> to vector<16xf32>
          %swap3A_671 = vector.shape_cast %mul3A_666 : vector<16xf32> to vector<1x16xf32>
          tpu.vector_store %arg12[%swap3A_667, %swap3A_668], %swap3A_671 {strides = array<i32>} : memref<128x128xf32, #tpu.memory_space<vmem>>, vector<1x16xf32>,
          %get3A_672 = arith.index_cast %add3A_649 : i32 to index
          %get3A_673 = arith.constant 32 : index
          %get3A_674 = tpu.vector_load %arg12[%get3A_672, %get3A_673] {strides = array<i32>} : memref<128x128xf32, #tpu.memory_space<vmem>>, vector<1x16xf32>,
          %get3A_675 = vector.shape_cast %get3A_674 : vector<1x16xf32> to vector<16xf32>
          %mul3A_676 = vector.broadcast %squeeze3A_645 : f32 to vector<16xf32>
          %mul3A_677 = arith.mulf %get3A_675, %mul3A_676 : vector<16xf32>
          %swap3A_678 = arith.index_cast %add3A_649 : i32 to index
          %swap3A_679 = arith.constant 32 : index
          %swap3A_680 = tpu.vector_load %arg12[%swap3A_678, %swap3A_679] {strides = array<i32>} : memref<128x128xf32, #tpu.memory_space<vmem>>, vector<1x16xf32>,
          %swap3A_681 = vector.shape_cast %swap3A_680 : vector<1x16xf32> to vector<16xf32>
          %swap3A_682 = vector.shape_cast %mul3A_677 : vector<16xf32> to vector<1x16xf32>
          tpu.vector_store %arg12[%swap3A_678, %swap3A_679], %swap3A_682 {strides = array<i32>} : memref<128x128xf32, #tpu.memory_space<vmem>>, vector<1x16xf32>,
          %get3A_683 = arith.index_cast %add3A_649 : i32 to index
          %get3A_684 = arith.constant 48 : index
          %get3A_685 = tpu.vector_load %arg12[%get3A_683, %get3A_684] {strides = array<i32>} : memref<128x128xf32, #tpu.memory_space<vmem>>, vector<1x16xf32>,
          %get3A_686 = vector.shape_cast %get3A_685 : vector<1x16xf32> to vector<16xf32>
          %mul3A_687 = vector.broadcast %squeeze3A_645 : f32 to vector<16xf32>
          %mul3A_688 = arith.mulf %get3A_686, %mul3A_687 : vector<16xf32>
          %swap3A_689 = arith.index_cast %add3A_649 : i32 to index
          %swap3A_690 = arith.constant 48 : index
          %swap3A_691 = tpu.vector_load %arg12[%swap3A_689, %swap3A_690] {strides = array<i32>} : memref<128x128xf32, #tpu.memory_space<vmem>>, vector<1x16xf32>,
          %swap3A_692 = vector.shape_cast %swap3A_691 : vector<1x16xf32> to vector<16xf32>
          %swap3A_693 = vector.shape_cast %mul3A_688 : vector<16xf32> to vector<1x16xf32>
          tpu.vector_store %arg12[%swap3A_689, %swap3A_690], %swap3A_693 {strides = array<i32>} : memref<128x128xf32, #tpu.memory_space<vmem>>, vector<1x16xf32>,
          %get3A_694 = arith.index_cast %add3A_649 : i32 to index
          %get3A_695 = arith.constant 64 : index
          %get3A_696 = tpu.vector_load %arg12[%get3A_694, %get3A_695] {strides = array<i32>} : memref<128x128xf32, #tpu.memory_space<vmem>>, vector<1x16xf32>,
          %get3A_697 = vector.shape_cast %get3A_696 : vector<1x16xf32> to vector<16xf32>
          %mul3A_698 = vector.broadcast %squeeze3A_645 : f32 to vector<16xf32>
          %mul3A_699 = arith.mulf %get3A_697, %mul3A_698 : vector<16xf32>
          %swap3A_700 = arith.index_cast %add3A_649 : i32 to index
          %swap3A_701 = arith.constant 64 : index
          %swap3A_702 = tpu.vector_load %arg12[%swap3A_700, %swap3A_701] {strides = array<i32>} : memref<128x128xf32, #tpu.memory_space<vmem>>, vector<1x16xf32>,
          %swap3A_703 = vector.shape_cast %swap3A_702 : vector<1x16xf32> to vector<16xf32>
          %swap3A_704 = vector.shape_cast %mul3A_699 : vector<16xf32> to vector<1x16xf32>
          tpu.vector_store %arg12[%swap3A_700, %swap3A_701], %swap3A_704 {strides = array<i32>} : memref<128x128xf32, #tpu.memory_space<vmem>>, vector<1x16xf32>,
          %get3A_705 = arith.index_cast %add3A_649 : i32 to index
          %get3A_706 = arith.constant 80 : index
          %get3A_707 = tpu.vector_load %arg12[%get3A_705, %get3A_706] {strides = array<i32>} : memref<128x128xf32, #tpu.memory_space<vmem>>, vector<1x16xf32>,
          %get3A_708 = vector.shape_cast %get3A_707 : vector<1x16xf32> to vector<16xf32>
          %mul3A_709 = vector.broadcast %squeeze3A_645 : f32 to vector<16xf32>
          %mul3A_710 = arith.mulf %get3A_708, %mul3A_709 : vector<16xf32>
          %swap3A_711 = arith.index_cast %add3A_649 : i32 to index
          %swap3A_712 = arith.constant 80 : index
          %swap3A_713 = tpu.vector_load %arg12[%swap3A_711, %swap3A_712] {strides = array<i32>} : memref<128x128xf32, #tpu.memory_space<vmem>>, vector<1x16xf32>,
          %swap3A_714 = vector.shape_cast %swap3A_713 : vector<1x16xf32> to vector<16xf32>
          %swap3A_715 = vector.shape_cast %mul3A_710 : vector<16xf32> to vector<1x16xf32>
          tpu.vector_store %arg12[%swap3A_711, %swap3A_712], %swap3A_715 {strides = array<i32>} : memref<128x128xf32, #tpu.memory_space<vmem>>, vector<1x16xf32>,
          %get3A_716 = arith.index_cast %add3A_649 : i32 to index
          %get3A_717 = arith.constant 96 : index
          %get3A_718 = tpu.vector_load %arg12[%get3A_716, %get3A_717] {strides = array<i32>} : memref<128x128xf32, #tpu.memory_space<vmem>>, vector<1x16xf32>,
          %get3A_719 = vector.shape_cast %get3A_718 : vector<1x16xf32> to vector<16xf32>
          %mul3A_720 = vector.broadcast %squeeze3A_645 : f32 to vector<16xf32>
          %mul3A_721 = arith.mulf %get3A_719, %mul3A_720 : vector<16xf32>
          %swap3A_722 = arith.index_cast %add3A_649 : i32 to index
          %swap3A_723 = arith.constant 96 : index
          %swap3A_724 = tpu.vector_load %arg12[%swap3A_722, %swap3A_723] {strides = array<i32>} : memref<128x128xf32, #tpu.memory_space<vmem>>, vector<1x16xf32>,
          %swap3A_725 = vector.shape_cast %swap3A_724 : vector<1x16xf32> to vector<16xf32>
          %swap3A_726 = vector.shape_cast %mul3A_721 : vector<16xf32> to vector<1x16xf32>
          tpu.vector_store %arg12[%swap3A_722, %swap3A_723], %swap3A_726 {strides = array<i32>} : memref<128x128xf32, #tpu.memory_space<vmem>>, vector<1x16xf32>,
          %get3A_727 = arith.index_cast %add3A_649 : i32 to index
          %get3A_728 = arith.constant 112 : index
          %get3A_729 = tpu.vector_load %arg12[%get3A_727, %get3A_728] {strides = array<i32>} : memref<128x128xf32, #tpu.memory_space<vmem>>, vector<1x16xf32>,
          %get3A_730 = vector.shape_cast %get3A_729 : vector<1x16xf32> to vector<16xf32>
          %mul3A_731 = vector.broadcast %squeeze3A_645 : f32 to vector<16xf32>
          %mul3A_732 = arith.mulf %get3A_730, %mul3A_731 : vector<16xf32>
          %swap3A_733 = arith.index_cast %add3A_649 : i32 to index
          %swap3A_734 = arith.constant 112 : index
          %swap3A_735 = tpu.vector_load %arg12[%swap3A_733, %swap3A_734] {strides = array<i32>} : memref<128x128xf32, #tpu.memory_space<vmem>>, vector<1x16xf32>,
          %swap3A_736 = vector.shape_cast %swap3A_735 : vector<1x16xf32> to vector<16xf32>
          %swap3A_737 = vector.shape_cast %mul3A_732 : vector<16xf32> to vector<1x16xf32>
          tpu.vector_store %arg12[%swap3A_733, %swap3A_734], %swap3A_737 {strides = array<i32>} : memref<128x128xf32, #tpu.memory_space<vmem>>, vector<1x16xf32>,
          %slice3A_738 = vector.extract_strided_slice %get3A_82 {offsets = [7], sizes = [1], strides = [1]} : vector<16xf32> to vector<1xf32>
          %squeeze3A_739 = vector.extract %slice3A_738[0] : f32 from vector<1xf32>
          %mul3A_740 = arith.constant 16 : i32
          %mul3A_741 = arith.muli %scan3A_77, %mul3A_740 : i32
          %add3A_742 = arith.constant 7 : i32
          %add3A_743 = arith.addi %mul3A_741, %add3A_742 : i32
          %get3A_744 = arith.index_cast %add3A_743 : i32 to index
          %get3A_745 = arith.constant 0 : index
          %get3A_746 = tpu.vector_load %arg12[%get3A_744, %get3A_745] {strides = array<i32>} : memref<128x128xf32, #tpu.memory_space<vmem>>, vector<1x16xf32>,
          %get3A_747 = vector.shape_cast %get3A_746 : vector<1x16xf32> to vector<16xf32>
          %mul3A_748 = vector.broadcast %squeeze3A_739 : f32 to vector<16xf32>
          %mul3A_749 = arith.mulf %get3A_747, %mul3A_748 : vector<16xf32>
          %swap3A_750 = arith.index_cast %add3A_743 : i32 to index
          %swap3A_751 = arith.constant 0 : index
          %swap3A_752 = tpu.vector_load %arg12[%swap3A_750, %swap3A_751] {strides = array<i32>} : memref<128x128xf32, #tpu.memory_space<vmem>>, vector<1x16xf32>,
          %swap3A_753 = vector.shape_cast %swap3A_752 : vector<1x16xf32> to vector<16xf32>
          %swap3A_754 = vector.shape_cast %mul3A_749 : vector<16xf32> to vector<1x16xf32>
          tpu.vector_store %arg12[%swap3A_750, %swap3A_751], %swap3A_754 {strides = array<i32>} : memref<128x128xf32, #tpu.memory_space<vmem>>, vector<1x16xf32>,
          %get3A_755 = arith.index_cast %add3A_743 : i32 to index
          %get3A_756 = arith.constant 16 : index
          %get3A_757 = tpu.vector_load %arg12[%get3A_755, %get3A_756] {strides = array<i32>} : memref<128x128xf32, #tpu.memory_space<vmem>>, vector<1x16xf32>,
          %get3A_758 = vector.shape_cast %get3A_757 : vector<1x16xf32> to vector<16xf32>
          %mul3A_759 = vector.broadcast %squeeze3A_739 : f32 to vector<16xf32>
          %mul3A_760 = arith.mulf %get3A_758, %mul3A_759 : vector<16xf32>
          %swap3A_761 = arith.index_cast %add3A_743 : i32 to index
          %swap3A_762 = arith.constant 16 : index
          %swap3A_763 = tpu.vector_load %arg12[%swap3A_761, %swap3A_762] {strides = array<i32>} : memref<128x128xf32, #tpu.memory_space<vmem>>, vector<1x16xf32>,
          %swap3A_764 = vector.shape_cast %swap3A_763 : vector<1x16xf32> to vector<16xf32>
          %swap3A_765 = vector.shape_cast %mul3A_760 : vector<16xf32> to vector<1x16xf32>
          tpu.vector_store %arg12[%swap3A_761, %swap3A_762], %swap3A_765 {strides = array<i32>} : memref<128x128xf32, #tpu.memory_space<vmem>>, vector<1x16xf32>,
          %get3A_766 = arith.index_cast %add3A_743 : i32 to index
          %get3A_767 = arith.constant 32 : index
          %get3A_768 = tpu.vector_load %arg12[%get3A_766, %get3A_767] {strides = array<i32>} : memref<128x128xf32, #tpu.memory_space<vmem>>, vector<1x16xf32>,
          %get3A_769 = vector.shape_cast %get3A_768 : vector<1x16xf32> to vector<16xf32>
          %mul3A_770 = vector.broadcast %squeeze3A_739 : f32 to vector<16xf32>
          %mul3A_771 = arith.mulf %get3A_769, %mul3A_770 : vector<16xf32>
          %swap3A_772 = arith.index_cast %add3A_743 : i32 to index
          %swap3A_773 = arith.constant 32 : index
          %swap3A_774 = tpu.vector_load %arg12[%swap3A_772, %swap3A_773] {strides = array<i32>} : memref<128x128xf32, #tpu.memory_space<vmem>>, vector<1x16xf32>,
          %swap3A_775 = vector.shape_cast %swap3A_774 : vector<1x16xf32> to vector<16xf32>
          %swap3A_776 = vector.shape_cast %mul3A_771 : vector<16xf32> to vector<1x16xf32>
          tpu.vector_store %arg12[%swap3A_772, %swap3A_773], %swap3A_776 {strides = array<i32>} : memref<128x128xf32, #tpu.memory_space<vmem>>, vector<1x16xf32>,
          %get3A_777 = arith.index_cast %add3A_743 : i32 to index
          %get3A_778 = arith.constant 48 : index
          %get3A_779 = tpu.vector_load %arg12[%get3A_777, %get3A_778] {strides = array<i32>} : memref<128x128xf32, #tpu.memory_space<vmem>>, vector<1x16xf32>,
          %get3A_780 = vector.shape_cast %get3A_779 : vector<1x16xf32> to vector<16xf32>
          %mul3A_781 = vector.broadcast %squeeze3A_739 : f32 to vector<16xf32>
          %mul3A_782 = arith.mulf %get3A_780, %mul3A_781 : vector<16xf32>
          %swap3A_783 = arith.index_cast %add3A_743 : i32 to index
          %swap3A_784 = arith.constant 48 : index
          %swap3A_785 = tpu.vector_load %arg12[%swap3A_783, %swap3A_784] {strides = array<i32>} : memref<128x128xf32, #tpu.memory_space<vmem>>, vector<1x16xf32>,
          %swap3A_786 = vector.shape_cast %swap3A_785 : vector<1x16xf32> to vector<16xf32>
          %swap3A_787 = vector.shape_cast %mul3A_782 : vector<16xf32> to vector<1x16xf32>
          tpu.vector_store %arg12[%swap3A_783, %swap3A_784], %swap3A_787 {strides = array<i32>} : memref<128x128xf32, #tpu.memory_space<vmem>>, vector<1x16xf32>,
          %get3A_788 = arith.index_cast %add3A_743 : i32 to index
          %get3A_789 = arith.constant 64 : index
          %get3A_790 = tpu.vector_load %arg12[%get3A_788, %get3A_789] {strides = array<i32>} : memref<128x128xf32, #tpu.memory_space<vmem>>, vector<1x16xf32>,
          %get3A_791 = vector.shape_cast %get3A_790 : vector<1x16xf32> to vector<16xf32>
          %mul3A_792 = vector.broadcast %squeeze3A_739 : f32 to vector<16xf32>
          %mul3A_793 = arith.mulf %get3A_791, %mul3A_792 : vector<16xf32>
          %swap3A_794 = arith.index_cast %add3A_743 : i32 to index
          %swap3A_795 = arith.constant 64 : index
          %swap3A_796 = tpu.vector_load %arg12[%swap3A_794, %swap3A_795] {strides = array<i32>} : memref<128x128xf32, #tpu.memory_space<vmem>>, vector<1x16xf32>,
          %swap3A_797 = vector.shape_cast %swap3A_796 : vector<1x16xf32> to vector<16xf32>
          %swap3A_798 = vector.shape_cast %mul3A_793 : vector<16xf32> to vector<1x16xf32>
          tpu.vector_store %arg12[%swap3A_794, %swap3A_795], %swap3A_798 {strides = array<i32>} : memref<128x128xf32, #tpu.memory_space<vmem>>, vector<1x16xf32>,
          %get3A_799 = arith.index_cast %add3A_743 : i32 to index
          %get3A_800 = arith.constant 80 : index
          %get3A_801 = tpu.vector_load %arg12[%get3A_799, %get3A_800] {strides = array<i32>} : memref<128x128xf32, #tpu.memory_space<vmem>>, vector<1x16xf32>,
          %get3A_802 = vector.shape_cast %get3A_801 : vector<1x16xf32> to vector<16xf32>
          %mul3A_803 = vector.broadcast %squeeze3A_739 : f32 to vector<16xf32>
          %mul3A_804 = arith.mulf %get3A_802, %mul3A_803 : vector<16xf32>
          %swap3A_805 = arith.index_cast %add3A_743 : i32 to index
          %swap3A_806 = arith.constant 80 : index
          %swap3A_807 = tpu.vector_load %arg12[%swap3A_805, %swap3A_806] {strides = array<i32>} : memref<128x128xf32, #tpu.memory_space<vmem>>, vector<1x16xf32>,
          %swap3A_808 = vector.shape_cast %swap3A_807 : vector<1x16xf32> to vector<16xf32>
          %swap3A_809 = vector.shape_cast %mul3A_804 : vector<16xf32> to vector<1x16xf32>
          tpu.vector_store %arg12[%swap3A_805, %swap3A_806], %swap3A_809 {strides = array<i32>} : memref<128x128xf32, #tpu.memory_space<vmem>>, vector<1x16xf32>,
          %get3A_810 = arith.index_cast %add3A_743 : i32 to index
          %get3A_811 = arith.constant 96 : index
          %get3A_812 = tpu.vector_load %arg12[%get3A_810, %get3A_811] {strides = array<i32>} : memref<128x128xf32, #tpu.memory_space<vmem>>, vector<1x16xf32>,
          %get3A_813 = vector.shape_cast %get3A_812 : vector<1x16xf32> to vector<16xf32>
          %mul3A_814 = vector.broadcast %squeeze3A_739 : f32 to vector<16xf32>
          %mul3A_815 = arith.mulf %get3A_813, %mul3A_814 : vector<16xf32>
          %swap3A_816 = arith.index_cast %add3A_743 : i32 to index
          %swap3A_817 = arith.constant 96 : index
          %swap3A_818 = tpu.vector_load %arg12[%swap3A_816, %swap3A_817] {strides = array<i32>} : memref<128x128xf32, #tpu.memory_space<vmem>>, vector<1x16xf32>,
          %swap3A_819 = vector.shape_cast %swap3A_818 : vector<1x16xf32> to vector<16xf32>
          %swap3A_820 = vector.shape_cast %mul3A_815 : vector<16xf32> to vector<1x16xf32>
          tpu.vector_store %arg12[%swap3A_816, %swap3A_817], %swap3A_820 {strides = array<i32>} : memref<128x128xf32, #tpu.memory_space<vmem>>, vector<1x16xf32>,
          %get3A_821 = arith.index_cast %add3A_743 : i32 to index
          %get3A_822 = arith.constant 112 : index
          %get3A_823 = tpu.vector_load %arg12[%get3A_821, %get3A_822] {strides = array<i32>} : memref<128x128xf32, #tpu.memory_space<vmem>>, vector<1x16xf32>,
          %get3A_824 = vector.shape_cast %get3A_823 : vector<1x16xf32> to vector<16xf32>
          %mul3A_825 = vector.broadcast %squeeze3A_739 : f32 to vector<16xf32>
          %mul3A_826 = arith.mulf %get3A_824, %mul3A_825 : vector<16xf32>
          %swap3A_827 = arith.index_cast %add3A_743 : i32 to index
          %swap3A_828 = arith.constant 112 : index
          %swap3A_829 = tpu.vector_load %arg12[%swap3A_827, %swap3A_828] {strides = array<i32>} : memref<128x128xf32, #tpu.memory_space<vmem>>, vector<1x16xf32>,
          %swap3A_830 = vector.shape_cast %swap3A_829 : vector<1x16xf32> to vector<16xf32>
          %swap3A_831 = vector.shape_cast %mul3A_826 : vector<16xf32> to vector<1x16xf32>
          tpu.vector_store %arg12[%swap3A_827, %swap3A_828], %swap3A_831 {strides = array<i32>} : memref<128x128xf32, #tpu.memory_space<vmem>>, vector<1x16xf32>,
          %slice3A_832 = vector.extract_strided_slice %get3A_82 {offsets = [8], sizes = [1], strides = [1]} : vector<16xf32> to vector<1xf32>
          %squeeze3A_833 = vector.extract %slice3A_832[0] : f32 from vector<1xf32>
          %mul3A_834 = arith.constant 16 : i32
          %mul3A_835 = arith.muli %scan3A_77, %mul3A_834 : i32
          %add3A_836 = arith.constant 8 : i32
          %add3A_837 = arith.addi %mul3A_835, %add3A_836 : i32
          %get3A_838 = arith.index_cast %add3A_837 : i32 to index
          %get3A_839 = arith.constant 0 : index
          %get3A_840 = tpu.vector_load %arg12[%get3A_838, %get3A_839] {strides = array<i32>} : memref<128x128xf32, #tpu.memory_space<vmem>>, vector<1x16xf32>,
          %get3A_841 = vector.shape_cast %get3A_840 : vector<1x16xf32> to vector<16xf32>
          %mul3A_842 = vector.broadcast %squeeze3A_833 : f32 to vector<16xf32>
          %mul3A_843 = arith.mulf %get3A_841, %mul3A_842 : vector<16xf32>
          %swap3A_844 = arith.index_cast %add3A_837 : i32 to index
          %swap3A_845 = arith.constant 0 : index
          %swap3A_846 = tpu.vector_load %arg12[%swap3A_844, %swap3A_845] {strides = array<i32>} : memref<128x128xf32, #tpu.memory_space<vmem>>, vector<1x16xf32>,
          %swap3A_847 = vector.shape_cast %swap3A_846 : vector<1x16xf32> to vector<16xf32>
          %swap3A_848 = vector.shape_cast %mul3A_843 : vector<16xf32> to vector<1x16xf32>
          tpu.vector_store %arg12[%swap3A_844, %swap3A_845], %swap3A_848 {strides = array<i32>} : memref<128x128xf32, #tpu.memory_space<vmem>>, vector<1x16xf32>,
          %get3A_849 = arith.index_cast %add3A_837 : i32 to index
          %get3A_850 = arith.constant 16 : index
          %get3A_851 = tpu.vector_load %arg12[%get3A_849, %get3A_850] {strides = array<i32>} : memref<128x128xf32, #tpu.memory_space<vmem>>, vector<1x16xf32>,
          %get3A_852 = vector.shape_cast %get3A_851 : vector<1x16xf32> to vector<16xf32>
          %mul3A_853 = vector.broadcast %squeeze3A_833 : f32 to vector<16xf32>
          %mul3A_854 = arith.mulf %get3A_852, %mul3A_853 : vector<16xf32>
          %swap3A_855 = arith.index_cast %add3A_837 : i32 to index
          %swap3A_856 = arith.constant 16 : index
          %swap3A_857 = tpu.vector_load %arg12[%swap3A_855, %swap3A_856] {strides = array<i32>} : memref<128x128xf32, #tpu.memory_space<vmem>>, vector<1x16xf32>,
          %swap3A_858 = vector.shape_cast %swap3A_857 : vector<1x16xf32> to vector<16xf32>
          %swap3A_859 = vector.shape_cast %mul3A_854 : vector<16xf32> to vector<1x16xf32>
          tpu.vector_store %arg12[%swap3A_855, %swap3A_856], %swap3A_859 {strides = array<i32>} : memref<128x128xf32, #tpu.memory_space<vmem>>, vector<1x16xf32>,
          %get3A_860 = arith.index_cast %add3A_837 : i32 to index
          %get3A_861 = arith.constant 32 : index
          %get3A_862 = tpu.vector_load %arg12[%get3A_860, %get3A_861] {strides = array<i32>} : memref<128x128xf32, #tpu.memory_space<vmem>>, vector<1x16xf32>,
          %get3A_863 = vector.shape_cast %get3A_862 : vector<1x16xf32> to vector<16xf32>
          %mul3A_864 = vector.broadcast %squeeze3A_833 : f32 to vector<16xf32>
          %mul3A_865 = arith.mulf %get3A_863, %mul3A_864 : vector<16xf32>
          %swap3A_866 = arith.index_cast %add3A_837 : i32 to index
          %swap3A_867 = arith.constant 32 : index
          %swap3A_868 = tpu.vector_load %arg12[%swap3A_866, %swap3A_867] {strides = array<i32>} : memref<128x128xf32, #tpu.memory_space<vmem>>, vector<1x16xf32>,
          %swap3A_869 = vector.shape_cast %swap3A_868 : vector<1x16xf32> to vector<16xf32>
          %swap3A_870 = vector.shape_cast %mul3A_865 : vector<16xf32> to vector<1x16xf32>
          tpu.vector_store %arg12[%swap3A_866, %swap3A_867], %swap3A_870 {strides = array<i32>} : memref<128x128xf32, #tpu.memory_space<vmem>>, vector<1x16xf32>,
          %get3A_871 = arith.index_cast %add3A_837 : i32 to index
          %get3A_872 = arith.constant 48 : index
          %get3A_873 = tpu.vector_load %arg12[%get3A_871, %get3A_872] {strides = array<i32>} : memref<128x128xf32, #tpu.memory_space<vmem>>, vector<1x16xf32>,
          %get3A_874 = vector.shape_cast %get3A_873 : vector<1x16xf32> to vector<16xf32>
          %mul3A_875 = vector.broadcast %squeeze3A_833 : f32 to vector<16xf32>
          %mul3A_876 = arith.mulf %get3A_874, %mul3A_875 : vector<16xf32>
          %swap3A_877 = arith.index_cast %add3A_837 : i32 to index
          %swap3A_878 = arith.constant 48 : index
          %swap3A_879 = tpu.vector_load %arg12[%swap3A_877, %swap3A_878] {strides = array<i32>} : memref<128x128xf32, #tpu.memory_space<vmem>>, vector<1x16xf32>,
          %swap3A_880 = vector.shape_cast %swap3A_879 : vector<1x16xf32> to vector<16xf32>
          %swap3A_881 = vector.shape_cast %mul3A_876 : vector<16xf32> to vector<1x16xf32>
          tpu.vector_store %arg12[%swap3A_877, %swap3A_878], %swap3A_881 {strides = array<i32>} : memref<128x128xf32, #tpu.memory_space<vmem>>, vector<1x16xf32>,
          %get3A_882 = arith.index_cast %add3A_837 : i32 to index
          %get3A_883 = arith.constant 64 : index
          %get3A_884 = tpu.vector_load %arg12[%get3A_882, %get3A_883] {strides = array<i32>} : memref<128x128xf32, #tpu.memory_space<vmem>>, vector<1x16xf32>,
          %get3A_885 = vector.shape_cast %get3A_884 : vector<1x16xf32> to vector<16xf32>
          %mul3A_886 = vector.broadcast %squeeze3A_833 : f32 to vector<16xf32>
          %mul3A_887 = arith.mulf %get3A_885, %mul3A_886 : vector<16xf32>
          %swap3A_888 = arith.index_cast %add3A_837 : i32 to index
          %swap3A_889 = arith.constant 64 : index
          %swap3A_890 = tpu.vector_load %arg12[%swap3A_888, %swap3A_889] {strides = array<i32>} : memref<128x128xf32, #tpu.memory_space<vmem>>, vector<1x16xf32>,
          %swap3A_891 = vector.shape_cast %swap3A_890 : vector<1x16xf32> to vector<16xf32>
          %swap3A_892 = vector.shape_cast %mul3A_887 : vector<16xf32> to vector<1x16xf32>
          tpu.vector_store %arg12[%swap3A_888, %swap3A_889], %swap3A_892 {strides = array<i32>} : memref<128x128xf32, #tpu.memory_space<vmem>>, vector<1x16xf32>,
          %get3A_893 = arith.index_cast %add3A_837 : i32 to index
          %get3A_894 = arith.constant 80 : index
          %get3A_895 = tpu.vector_load %arg12[%get3A_893, %get3A_894] {strides = array<i32>} : memref<128x128xf32, #tpu.memory_space<vmem>>, vector<1x16xf32>,
          %get3A_896 = vector.shape_cast %get3A_895 : vector<1x16xf32> to vector<16xf32>
          %mul3A_897 = vector.broadcast %squeeze3A_833 : f32 to vector<16xf32>
          %mul3A_898 = arith.mulf %get3A_896, %mul3A_897 : vector<16xf32>
          %swap3A_899 = arith.index_cast %add3A_837 : i32 to index
          %swap3A_900 = arith.constant 80 : index
          %swap3A_901 = tpu.vector_load %arg12[%swap3A_899, %swap3A_900] {strides = array<i32>} : memref<128x128xf32, #tpu.memory_space<vmem>>, vector<1x16xf32>,
          %swap3A_902 = vector.shape_cast %swap3A_901 : vector<1x16xf32> to vector<16xf32>
          %swap3A_903 = vector.shape_cast %mul3A_898 : vector<16xf32> to vector<1x16xf32>
          tpu.vector_store %arg12[%swap3A_899, %swap3A_900], %swap3A_903 {strides = array<i32>} : memref<128x128xf32, #tpu.memory_space<vmem>>, vector<1x16xf32>,
          %get3A_904 = arith.index_cast %add3A_837 : i32 to index
          %get3A_905 = arith.constant 96 : index
          %get3A_906 = tpu.vector_load %arg12[%get3A_904, %get3A_905] {strides = array<i32>} : memref<128x128xf32, #tpu.memory_space<vmem>>, vector<1x16xf32>,
          %get3A_907 = vector.shape_cast %get3A_906 : vector<1x16xf32> to vector<16xf32>
          %mul3A_908 = vector.broadcast %squeeze3A_833 : f32 to vector<16xf32>
          %mul3A_909 = arith.mulf %get3A_907, %mul3A_908 : vector<16xf32>
          %swap3A_910 = arith.index_cast %add3A_837 : i32 to index
          %swap3A_911 = arith.constant 96 : index
          %swap3A_912 = tpu.vector_load %arg12[%swap3A_910, %swap3A_911] {strides = array<i32>} : memref<128x128xf32, #tpu.memory_space<vmem>>, vector<1x16xf32>,
          %swap3A_913 = vector.shape_cast %swap3A_912 : vector<1x16xf32> to vector<16xf32>
          %swap3A_914 = vector.shape_cast %mul3A_909 : vector<16xf32> to vector<1x16xf32>
          tpu.vector_store %arg12[%swap3A_910, %swap3A_911], %swap3A_914 {strides = array<i32>} : memref<128x128xf32, #tpu.memory_space<vmem>>, vector<1x16xf32>,
          %get3A_915 = arith.index_cast %add3A_837 : i32 to index
          %get3A_916 = arith.constant 112 : index
          %get3A_917 = tpu.vector_load %arg12[%get3A_915, %get3A_916] {strides = array<i32>} : memref<128x128xf32, #tpu.memory_space<vmem>>, vector<1x16xf32>,
          %get3A_918 = vector.shape_cast %get3A_917 : vector<1x16xf32> to vector<16xf32>
          %mul3A_919 = vector.broadcast %squeeze3A_833 : f32 to vector<16xf32>
          %mul3A_920 = arith.mulf %get3A_918, %mul3A_919 : vector<16xf32>
          %swap3A_921 = arith.index_cast %add3A_837 : i32 to index
          %swap3A_922 = arith.constant 112 : index
          %swap3A_923 = tpu.vector_load %arg12[%swap3A_921, %swap3A_922] {strides = array<i32>} : memref<128x128xf32, #tpu.memory_space<vmem>>, vector<1x16xf32>,
          %swap3A_924 = vector.shape_cast %swap3A_923 : vector<1x16xf32> to vector<16xf32>
          %swap3A_925 = vector.shape_cast %mul3A_920 : vector<16xf32> to vector<1x16xf32>
          tpu.vector_store %arg12[%swap3A_921, %swap3A_922], %swap3A_925 {strides = array<i32>} : memref<128x128xf32, #tpu.memory_space<vmem>>, vector<1x16xf32>,
          %slice3A_926 = vector.extract_strided_slice %get3A_82 {offsets = [9], sizes = [1], strides = [1]} : vector<16xf32> to vector<1xf32>
          %squeeze3A_927 = vector.extract %slice3A_926[0] : f32 from vector<1xf32>
          %mul3A_928 = arith.constant 16 : i32
          %mul3A_929 = arith.muli %scan3A_77, %mul3A_928 : i32
          %add3A_930 = arith.constant 9 : i32
          %add3A_931 = arith.addi %mul3A_929, %add3A_930 : i32
          %get3A_932 = arith.index_cast %add3A_931 : i32 to index
          %get3A_933 = arith.constant 0 : index
          %get3A_934 = tpu.vector_load %arg12[%get3A_932, %get3A_933] {strides = array<i32>} : memref<128x128xf32, #tpu.memory_space<vmem>>, vector<1x16xf32>,
          %get3A_935 = vector.shape_cast %get3A_934 : vector<1x16xf32> to vector<16xf32>
          %mul3A_936 = vector.broadcast %squeeze3A_927 : f32 to vector<16xf32>
          %mul3A_937 = arith.mulf %get3A_935, %mul3A_936 : vector<16xf32>
          %swap3A_938 = arith.index_cast %add3A_931 : i32 to index
          %swap3A_939 = arith.constant 0 : index
          %swap3A_940 = tpu.vector_load %arg12[%swap3A_938, %swap3A_939] {strides = array<i32>} : memref<128x128xf32, #tpu.memory_space<vmem>>, vector<1x16xf32>,
          %swap3A_941 = vector.shape_cast %swap3A_940 : vector<1x16xf32> to vector<16xf32>
          %swap3A_942 = vector.shape_cast %mul3A_937 : vector<16xf32> to vector<1x16xf32>
          tpu.vector_store %arg12[%swap3A_938, %swap3A_939], %swap3A_942 {strides = array<i32>} : memref<128x128xf32, #tpu.memory_space<vmem>>, vector<1x16xf32>,
          %get3A_943 = arith.index_cast %add3A_931 : i32 to index
          %get3A_944 = arith.constant 16 : index
          %get3A_945 = tpu.vector_load %arg12[%get3A_943, %get3A_944] {strides = array<i32>} : memref<128x128xf32, #tpu.memory_space<vmem>>, vector<1x16xf32>,
          %get3A_946 = vector.shape_cast %get3A_945 : vector<1x16xf32> to vector<16xf32>
          %mul3A_947 = vector.broadcast %squeeze3A_927 : f32 to vector<16xf32>
          %mul3A_948 = arith.mulf %get3A_946, %mul3A_947 : vector<16xf32>
          %swap3A_949 = arith.index_cast %add3A_931 : i32 to index
          %swap3A_950 = arith.constant 16 : index
          %swap3A_951 = tpu.vector_load %arg12[%swap3A_949, %swap3A_950] {strides = array<i32>} : memref<128x128xf32, #tpu.memory_space<vmem>>, vector<1x16xf32>,
          %swap3A_952 = vector.shape_cast %swap3A_951 : vector<1x16xf32> to vector<16xf32>
          %swap3A_953 = vector.shape_cast %mul3A_948 : vector<16xf32> to vector<1x16xf32>
          tpu.vector_store %arg12[%swap3A_949, %swap3A_950], %swap3A_953 {strides = array<i32>} : memref<128x128xf32, #tpu.memory_space<vmem>>, vector<1x16xf32>,
          %get3A_954 = arith.index_cast %add3A_931 : i32 to index
          %get3A_955 = arith.constant 32 : index
          %get3A_956 = tpu.vector_load %arg12[%get3A_954, %get3A_955] {strides = array<i32>} : memref<128x128xf32, #tpu.memory_space<vmem>>, vector<1x16xf32>,
          %get3A_957 = vector.shape_cast %get3A_956 : vector<1x16xf32> to vector<16xf32>
          %mul3A_958 = vector.broadcast %squeeze3A_927 : f32 to vector<16xf32>
          %mul3A_959 = arith.mulf %get3A_957, %mul3A_958 : vector<16xf32>
          %swap3A_960 = arith.index_cast %add3A_931 : i32 to index
          %swap3A_961 = arith.constant 32 : index
          %swap3A_962 = tpu.vector_load %arg12[%swap3A_960, %swap3A_961] {strides = array<i32>} : memref<128x128xf32, #tpu.memory_space<vmem>>, vector<1x16xf32>,
          %swap3A_963 = vector.shape_cast %swap3A_962 : vector<1x16xf32> to vector<16xf32>
          %swap3A_964 = vector.shape_cast %mul3A_959 : vector<16xf32> to vector<1x16xf32>
          tpu.vector_store %arg12[%swap3A_960, %swap3A_961], %swap3A_964 {strides = array<i32>} : memref<128x128xf32, #tpu.memory_space<vmem>>, vector<1x16xf32>,
          %get3A_965 = arith.index_cast %add3A_931 : i32 to index
          %get3A_966 = arith.constant 48 : index
          %get3A_967 = tpu.vector_load %arg12[%get3A_965, %get3A_966] {strides = array<i32>} : memref<128x128xf32, #tpu.memory_space<vmem>>, vector<1x16xf32>,
          %get3A_968 = vector.shape_cast %get3A_967 : vector<1x16xf32> to vector<16xf32>
          %mul3A_969 = vector.broadcast %squeeze3A_927 : f32 to vector<16xf32>
          %mul3A_970 = arith.mulf %get3A_968, %mul3A_969 : vector<16xf32>
          %swap3A_971 = arith.index_cast %add3A_931 : i32 to index
          %swap3A_972 = arith.constant 48 : index
          %swap3A_973 = tpu.vector_load %arg12[%swap3A_971, %swap3A_972] {strides = array<i32>} : memref<128x128xf32, #tpu.memory_space<vmem>>, vector<1x16xf32>,
          %swap3A_974 = vector.shape_cast %swap3A_973 : vector<1x16xf32> to vector<16xf32>
          %swap3A_975 = vector.shape_cast %mul3A_970 : vector<16xf32> to vector<1x16xf32>
          tpu.vector_store %arg12[%swap3A_971, %swap3A_972], %swap3A_975 {strides = array<i32>} : memref<128x128xf32, #tpu.memory_space<vmem>>, vector<1x16xf32>,
          %get3A_976 = arith.index_cast %add3A_931 : i32 to index
          %get3A_977 = arith.constant 64 : index
          %get3A_978 = tpu.vector_load %arg12[%get3A_976, %get3A_977] {strides = array<i32>} : memref<128x128xf32, #tpu.memory_space<vmem>>, vector<1x16xf32>,
          %get3A_979 = vector.shape_cast %get3A_978 : vector<1x16xf32> to vector<16xf32>
          %mul3A_980 = vector.broadcast %squeeze3A_927 : f32 to vector<16xf32>
          %mul3A_981 = arith.mulf %get3A_979, %mul3A_980 : vector<16xf32>
          %swap3A_982 = arith.index_cast %add3A_931 : i32 to index
          %swap3A_983 = arith.constant 64 : index
          %swap3A_984 = tpu.vector_load %arg12[%swap3A_982, %swap3A_983] {strides = array<i32>} : memref<128x128xf32, #tpu.memory_space<vmem>>, vector<1x16xf32>,
          %swap3A_985 = vector.shape_cast %swap3A_984 : vector<1x16xf32> to vector<16xf32>
          %swap3A_986 = vector.shape_cast %mul3A_981 : vector<16xf32> to vector<1x16xf32>
          tpu.vector_store %arg12[%swap3A_982, %swap3A_983], %swap3A_986 {strides = array<i32>} : memref<128x128xf32, #tpu.memory_space<vmem>>, vector<1x16xf32>,
          %get3A_987 = arith.index_cast %add3A_931 : i32 to index
          %get3A_988 = arith.constant 80 : index
          %get3A_989 = tpu.vector_load %arg12[%get3A_987, %get3A_988] {strides = array<i32>} : memref<128x128xf32, #tpu.memory_space<vmem>>, vector<1x16xf32>,
          %get3A_990 = vector.shape_cast %get3A_989 : vector<1x16xf32> to vector<16xf32>
          %mul3A_991 = vector.broadcast %squeeze3A_927 : f32 to vector<16xf32>
          %mul3A_992 = arith.mulf %get3A_990, %mul3A_991 : vector<16xf32>
          %swap3A_993 = arith.index_cast %add3A_931 : i32 to index
          %swap3A_994 = arith.constant 80 : index
          %swap3A_995 = tpu.vector_load %arg12[%swap3A_993, %swap3A_994] {strides = array<i32>} : memref<128x128xf32, #tpu.memory_space<vmem>>, vector<1x16xf32>,
          %swap3A_996 = vector.shape_cast %swap3A_995 : vector<1x16xf32> to vector<16xf32>
          %swap3A_997 = vector.shape_cast %mul3A_992 : vector<16xf32> to vector<1x16xf32>
          tpu.vector_store %arg12[%swap3A_993, %swap3A_994], %swap3A_997 {strides = array<i32>} : memref<128x128xf32, #tpu.memory_space<vmem>>, vector<1x16xf32>,
          %get3A_998 = arith.index_cast %add3A_931 : i32 to index
          %get3A_999 = arith.constant 96 : index
          %get3A_1000 = tpu.vector_load %arg12[%get3A_998, %get3A_999] {strides = array<i32>} : memref<128x128xf32, #tpu.memory_space<vmem>>, vector<1x16xf32>,
          %get3A_1001 = vector.shape_cast %get3A_1000 : vector<1x16xf32> to vector<16xf32>
          %mul3A_1002 = vector.broadcast %squeeze3A_927 : f32 to vector<16xf32>
          %mul3A_1003 = arith.mulf %get3A_1001, %mul3A_1002 : vector<16xf32>
          %swap3A_1004 = arith.index_cast %add3A_931 : i32 to index
          %swap3A_1005 = arith.constant 96 : index
          %swap3A_1006 = tpu.vector_load %arg12[%swap3A_1004, %swap3A_1005] {strides = array<i32>} : memref<128x128xf32, #tpu.memory_space<vmem>>, vector<1x16xf32>,
          %swap3A_1007 = vector.shape_cast %swap3A_1006 : vector<1x16xf32> to vector<16xf32>
          %swap3A_1008 = vector.shape_cast %mul3A_1003 : vector<16xf32> to vector<1x16xf32>
          tpu.vector_store %arg12[%swap3A_1004, %swap3A_1005], %swap3A_1008 {strides = array<i32>} : memref<128x128xf32, #tpu.memory_space<vmem>>, vector<1x16xf32>,
          %get3A_1009 = arith.index_cast %add3A_931 : i32 to index
          %get3A_1010 = arith.constant 112 : index
          %get3A_1011 = tpu.vector_load %arg12[%get3A_1009, %get3A_1010] {strides = array<i32>} : memref<128x128xf32, #tpu.memory_space<vmem>>, vector<1x16xf32>,
          %get3A_1012 = vector.shape_cast %get3A_1011 : vector<1x16xf32> to vector<16xf32>
          %mul3A_1013 = vector.broadcast %squeeze3A_927 : f32 to vector<16xf32>
          %mul3A_1014 = arith.mulf %get3A_1012, %mul3A_1013 : vector<16xf32>
          %swap3A_1015 = arith.index_cast %add3A_931 : i32 to index
          %swap3A_1016 = arith.constant 112 : index
          %swap3A_1017 = tpu.vector_load %arg12[%swap3A_1015, %swap3A_1016] {strides = array<i32>} : memref<128x128xf32, #tpu.memory_space<vmem>>, vector<1x16xf32>,
          %swap3A_1018 = vector.shape_cast %swap3A_1017 : vector<1x16xf32> to vector<16xf32>
          %swap3A_1019 = vector.shape_cast %mul3A_1014 : vector<16xf32> to vector<1x16xf32>
          tpu.vector_store %arg12[%swap3A_1015, %swap3A_1016], %swap3A_1019 {strides = array<i32>} : memref<128x128xf32, #tpu.memory_space<vmem>>, vector<1x16xf32>,
          %slice3A_1020 = vector.extract_strided_slice %get3A_82 {offsets = [10], sizes = [1], strides = [1]} : vector<16xf32> to vector<1xf32>
          %squeeze3A_1021 = vector.extract %slice3A_1020[0] : f32 from vector<1xf32>
          %mul3A_1022 = arith.constant 16 : i32
          %mul3A_1023 = arith.muli %scan3A_77, %mul3A_1022 : i32
          %add3A_1024 = arith.constant 10 : i32
          %add3A_1025 = arith.addi %mul3A_1023, %add3A_1024 : i32
          %get3A_1026 = arith.index_cast %add3A_1025 : i32 to index
          %get3A_1027 = arith.constant 0 : index
          %get3A_1028 = tpu.vector_load %arg12[%get3A_1026, %get3A_1027] {strides = array<i32>} : memref<128x128xf32, #tpu.memory_space<vmem>>, vector<1x16xf32>,
          %get3A_1029 = vector.shape_cast %get3A_1028 : vector<1x16xf32> to vector<16xf32>
          %mul3A_1030 = vector.broadcast %squeeze3A_1021 : f32 to vector<16xf32>
          %mul3A_1031 = arith.mulf %get3A_1029, %mul3A_1030 : vector<16xf32>
          %swap3A_1032 = arith.index_cast %add3A_1025 : i32 to index
          %swap3A_1033 = arith.constant 0 : index
          %swap3A_1034 = tpu.vector_load %arg12[%swap3A_1032, %swap3A_1033] {strides = array<i32>} : memref<128x128xf32, #tpu.memory_space<vmem>>, vector<1x16xf32>,
          %swap3A_1035 = vector.shape_cast %swap3A_1034 : vector<1x16xf32> to vector<16xf32>
          %swap3A_1036 = vector.shape_cast %mul3A_1031 : vector<16xf32> to vector<1x16xf32>
          tpu.vector_store %arg12[%swap3A_1032, %swap3A_1033], %swap3A_1036 {strides = array<i32>} : memref<128x128xf32, #tpu.memory_space<vmem>>, vector<1x16xf32>,
          %get3A_1037 = arith.index_cast %add3A_1025 : i32 to index
          %get3A_1038 = arith.constant 16 : index
          %get3A_1039 = tpu.vector_load %arg12[%get3A_1037, %get3A_1038] {strides = array<i32>} : memref<128x128xf32, #tpu.memory_space<vmem>>, vector<1x16xf32>,
          %get3A_1040 = vector.shape_cast %get3A_1039 : vector<1x16xf32> to vector<16xf32>
          %mul3A_1041 = vector.broadcast %squeeze3A_1021 : f32 to vector<16xf32>
          %mul3A_1042 = arith.mulf %get3A_1040, %mul3A_1041 : vector<16xf32>
          %swap3A_1043 = arith.index_cast %add3A_1025 : i32 to index
          %swap3A_1044 = arith.constant 16 : index
          %swap3A_1045 = tpu.vector_load %arg12[%swap3A_1043, %swap3A_1044] {strides = array<i32>} : memref<128x128xf32, #tpu.memory_space<vmem>>, vector<1x16xf32>,
          %swap3A_1046 = vector.shape_cast %swap3A_1045 : vector<1x16xf32> to vector<16xf32>
          %swap3A_1047 = vector.shape_cast %mul3A_1042 : vector<16xf32> to vector<1x16xf32>
          tpu.vector_store %arg12[%swap3A_1043, %swap3A_1044], %swap3A_1047 {strides = array<i32>} : memref<128x128xf32, #tpu.memory_space<vmem>>, vector<1x16xf32>,
          %get3A_1048 = arith.index_cast %add3A_1025 : i32 to index
          %get3A_1049 = arith.constant 32 : index
          %get3A_1050 = tpu.vector_load %arg12[%get3A_1048, %get3A_1049] {strides = array<i32>} : memref<128x128xf32, #tpu.memory_space<vmem>>, vector<1x16xf32>,
          %get3A_1051 = vector.shape_cast %get3A_1050 : vector<1x16xf32> to vector<16xf32>
          %mul3A_1052 = vector.broadcast %squeeze3A_1021 : f32 to vector<16xf32>
          %mul3A_1053 = arith.mulf %get3A_1051, %mul3A_1052 : vector<16xf32>
          %swap3A_1054 = arith.index_cast %add3A_1025 : i32 to index
          %swap3A_1055 = arith.constant 32 : index
          %swap3A_1056 = tpu.vector_load %arg12[%swap3A_1054, %swap3A_1055] {strides = array<i32>} : memref<128x128xf32, #tpu.memory_space<vmem>>, vector<1x16xf32>,
          %swap3A_1057 = vector.shape_cast %swap3A_1056 : vector<1x16xf32> to vector<16xf32>
          %swap3A_1058 = vector.shape_cast %mul3A_1053 : vector<16xf32> to vector<1x16xf32>
          tpu.vector_store %arg12[%swap3A_1054, %swap3A_1055], %swap3A_1058 {strides = array<i32>} : memref<128x128xf32, #tpu.memory_space<vmem>>, vector<1x16xf32>,
          %get3A_1059 = arith.index_cast %add3A_1025 : i32 to index
          %get3A_1060 = arith.constant 48 : index
          %get3A_1061 = tpu.vector_load %arg12[%get3A_1059, %get3A_1060] {strides = array<i32>} : memref<128x128xf32, #tpu.memory_space<vmem>>, vector<1x16xf32>,
          %get3A_1062 = vector.shape_cast %get3A_1061 : vector<1x16xf32> to vector<16xf32>
          %mul3A_1063 = vector.broadcast %squeeze3A_1021 : f32 to vector<16xf32>
          %mul3A_1064 = arith.mulf %get3A_1062, %mul3A_1063 : vector<16xf32>
          %swap3A_1065 = arith.index_cast %add3A_1025 : i32 to index
          %swap3A_1066 = arith.constant 48 : index
          %swap3A_1067 = tpu.vector_load %arg12[%swap3A_1065, %swap3A_1066] {strides = array<i32>} : memref<128x128xf32, #tpu.memory_space<vmem>>, vector<1x16xf32>,
          %swap3A_1068 = vector.shape_cast %swap3A_1067 : vector<1x16xf32> to vector<16xf32>
          %swap3A_1069 = vector.shape_cast %mul3A_1064 : vector<16xf32> to vector<1x16xf32>
          tpu.vector_store %arg12[%swap3A_1065, %swap3A_1066], %swap3A_1069 {strides = array<i32>} : memref<128x128xf32, #tpu.memory_space<vmem>>, vector<1x16xf32>,
          %get3A_1070 = arith.index_cast %add3A_1025 : i32 to index
          %get3A_1071 = arith.constant 64 : index
          %get3A_1072 = tpu.vector_load %arg12[%get3A_1070, %get3A_1071] {strides = array<i32>} : memref<128x128xf32, #tpu.memory_space<vmem>>, vector<1x16xf32>,
          %get3A_1073 = vector.shape_cast %get3A_1072 : vector<1x16xf32> to vector<16xf32>
          %mul3A_1074 = vector.broadcast %squeeze3A_1021 : f32 to vector<16xf32>
          %mul3A_1075 = arith.mulf %get3A_1073, %mul3A_1074 : vector<16xf32>
          %swap3A_1076 = arith.index_cast %add3A_1025 : i32 to index
          %swap3A_1077 = arith.constant 64 : index
          %swap3A_1078 = tpu.vector_load %arg12[%swap3A_1076, %swap3A_1077] {strides = array<i32>} : memref<128x128xf32, #tpu.memory_space<vmem>>, vector<1x16xf32>,
          %swap3A_1079 = vector.shape_cast %swap3A_1078 : vector<1x16xf32> to vector<16xf32>
          %swap3A_1080 = vector.shape_cast %mul3A_1075 : vector<16xf32> to vector<1x16xf32>
          tpu.vector_store %arg12[%swap3A_1076, %swap3A_1077], %swap3A_1080 {strides = array<i32>} : memref<128x128xf32, #tpu.memory_space<vmem>>, vector<1x16xf32>,
          %get3A_1081 = arith.index_cast %add3A_1025 : i32 to index
          %get3A_1082 = arith.constant 80 : index
          %get3A_1083 = tpu.vector_load %arg12[%get3A_1081, %get3A_1082] {strides = array<i32>} : memref<128x128xf32, #tpu.memory_space<vmem>>, vector<1x16xf32>,
          %get3A_1084 = vector.shape_cast %get3A_1083 : vector<1x16xf32> to vector<16xf32>
          %mul3A_1085 = vector.broadcast %squeeze3A_1021 : f32 to vector<16xf32>
          %mul3A_1086 = arith.mulf %get3A_1084, %mul3A_1085 : vector<16xf32>
          %swap3A_1087 = arith.index_cast %add3A_1025 : i32 to index
          %swap3A_1088 = arith.constant 80 : index
          %swap3A_1089 = tpu.vector_load %arg12[%swap3A_1087, %swap3A_1088] {strides = array<i32>} : memref<128x128xf32, #tpu.memory_space<vmem>>, vector<1x16xf32>,
          %swap3A_1090 = vector.shape_cast %swap3A_1089 : vector<1x16xf32> to vector<16xf32>
          %swap3A_1091 = vector.shape_cast %mul3A_1086 : vector<16xf32> to vector<1x16xf32>
          tpu.vector_store %arg12[%swap3A_1087, %swap3A_1088], %swap3A_1091 {strides = array<i32>} : memref<128x128xf32, #tpu.memory_space<vmem>>, vector<1x16xf32>,
          %get3A_1092 = arith.index_cast %add3A_1025 : i32 to index
          %get3A_1093 = arith.constant 96 : index
          %get3A_1094 = tpu.vector_load %arg12[%get3A_1092, %get3A_1093] {strides = array<i32>} : memref<128x128xf32, #tpu.memory_space<vmem>>, vector<1x16xf32>,
          %get3A_1095 = vector.shape_cast %get3A_1094 : vector<1x16xf32> to vector<16xf32>
          %mul3A_1096 = vector.broadcast %squeeze3A_1021 : f32 to vector<16xf32>
          %mul3A_1097 = arith.mulf %get3A_1095, %mul3A_1096 : vector<16xf32>
          %swap3A_1098 = arith.index_cast %add3A_1025 : i32 to index
          %swap3A_1099 = arith.constant 96 : index
          %swap3A_1100 = tpu.vector_load %arg12[%swap3A_1098, %swap3A_1099] {strides = array<i32>} : memref<128x128xf32, #tpu.memory_space<vmem>>, vector<1x16xf32>,
          %swap3A_1101 = vector.shape_cast %swap3A_1100 : vector<1x16xf32> to vector<16xf32>
          %swap3A_1102 = vector.shape_cast %mul3A_1097 : vector<16xf32> to vector<1x16xf32>
          tpu.vector_store %arg12[%swap3A_1098, %swap3A_1099], %swap3A_1102 {strides = array<i32>} : memref<128x128xf32, #tpu.memory_space<vmem>>, vector<1x16xf32>,
          %get3A_1103 = arith.index_cast %add3A_1025 : i32 to index
          %get3A_1104 = arith.constant 112 : index
          %get3A_1105 = tpu.vector_load %arg12[%get3A_1103, %get3A_1104] {strides = array<i32>} : memref<128x128xf32, #tpu.memory_space<vmem>>, vector<1x16xf32>,
          %get3A_1106 = vector.shape_cast %get3A_1105 : vector<1x16xf32> to vector<16xf32>
          %mul3A_1107 = vector.broadcast %squeeze3A_1021 : f32 to vector<16xf32>
          %mul3A_1108 = arith.mulf %get3A_1106, %mul3A_1107 : vector<16xf32>
          %swap3A_1109 = arith.index_cast %add3A_1025 : i32 to index
          %swap3A_1110 = arith.constant 112 : index
          %swap3A_1111 = tpu.vector_load %arg12[%swap3A_1109, %swap3A_1110] {strides = array<i32>} : memref<128x128xf32, #tpu.memory_space<vmem>>, vector<1x16xf32>,
          %swap3A_1112 = vector.shape_cast %swap3A_1111 : vector<1x16xf32> to vector<16xf32>
          %swap3A_1113 = vector.shape_cast %mul3A_1108 : vector<16xf32> to vector<1x16xf32>
          tpu.vector_store %arg12[%swap3A_1109, %swap3A_1110], %swap3A_1113 {strides = array<i32>} : memref<128x128xf32, #tpu.memory_space<vmem>>, vector<1x16xf32>,
          %slice3A_1114 = vector.extract_strided_slice %get3A_82 {offsets = [11], sizes = [1], strides = [1]} : vector<16xf32> to vector<1xf32>
          %squeeze3A_1115 = vector.extract %slice3A_1114[0] : f32 from vector<1xf32>
          %mul3A_1116 = arith.constant 16 : i32
          %mul3A_1117 = arith.muli %scan3A_77, %mul3A_1116 : i32
          %add3A_1118 = arith.constant 11 : i32
          %add3A_1119 = arith.addi %mul3A_1117, %add3A_1118 : i32
          %get3A_1120 = arith.index_cast %add3A_1119 : i32 to index
          %get3A_1121 = arith.constant 0 : index
          %get3A_1122 = tpu.vector_load %arg12[%get3A_1120, %get3A_1121] {strides = array<i32>} : memref<128x128xf32, #tpu.memory_space<vmem>>, vector<1x16xf32>,
          %get3A_1123 = vector.shape_cast %get3A_1122 : vector<1x16xf32> to vector<16xf32>
          %mul3A_1124 = vector.broadcast %squeeze3A_1115 : f32 to vector<16xf32>
          %mul3A_1125 = arith.mulf %get3A_1123, %mul3A_1124 : vector<16xf32>
          %swap3A_1126 = arith.index_cast %add3A_1119 : i32 to index
          %swap3A_1127 = arith.constant 0 : index
          %swap3A_1128 = tpu.vector_load %arg12[%swap3A_1126, %swap3A_1127] {strides = array<i32>} : memref<128x128xf32, #tpu.memory_space<vmem>>, vector<1x16xf32>,
          %swap3A_1129 = vector.shape_cast %swap3A_1128 : vector<1x16xf32> to vector<16xf32>
          %swap3A_1130 = vector.shape_cast %mul3A_1125 : vector<16xf32> to vector<1x16xf32>
          tpu.vector_store %arg12[%swap3A_1126, %swap3A_1127], %swap3A_1130 {strides = array<i32>} : memref<128x128xf32, #tpu.memory_space<vmem>>, vector<1x16xf32>,
          %get3A_1131 = arith.index_cast %add3A_1119 : i32 to index
          %get3A_1132 = arith.constant 16 : index
          %get3A_1133 = tpu.vector_load %arg12[%get3A_1131, %get3A_1132] {strides = array<i32>} : memref<128x128xf32, #tpu.memory_space<vmem>>, vector<1x16xf32>,
          %get3A_1134 = vector.shape_cast %get3A_1133 : vector<1x16xf32> to vector<16xf32>
          %mul3A_1135 = vector.broadcast %squeeze3A_1115 : f32 to vector<16xf32>
          %mul3A_1136 = arith.mulf %get3A_1134, %mul3A_1135 : vector<16xf32>
          %swap3A_1137 = arith.index_cast %add3A_1119 : i32 to index
          %swap3A_1138 = arith.constant 16 : index
          %swap3A_1139 = tpu.vector_load %arg12[%swap3A_1137, %swap3A_1138] {strides = array<i32>} : memref<128x128xf32, #tpu.memory_space<vmem>>, vector<1x16xf32>,
          %swap3A_1140 = vector.shape_cast %swap3A_1139 : vector<1x16xf32> to vector<16xf32>
          %swap3A_1141 = vector.shape_cast %mul3A_1136 : vector<16xf32> to vector<1x16xf32>
          tpu.vector_store %arg12[%swap3A_1137, %swap3A_1138], %swap3A_1141 {strides = array<i32>} : memref<128x128xf32, #tpu.memory_space<vmem>>, vector<1x16xf32>,
          %get3A_1142 = arith.index_cast %add3A_1119 : i32 to index
          %get3A_1143 = arith.constant 32 : index
          %get3A_1144 = tpu.vector_load %arg12[%get3A_1142, %get3A_1143] {strides = array<i32>} : memref<128x128xf32, #tpu.memory_space<vmem>>, vector<1x16xf32>,
          %get3A_1145 = vector.shape_cast %get3A_1144 : vector<1x16xf32> to vector<16xf32>
          %mul3A_1146 = vector.broadcast %squeeze3A_1115 : f32 to vector<16xf32>
          %mul3A_1147 = arith.mulf %get3A_1145, %mul3A_1146 : vector<16xf32>
          %swap3A_1148 = arith.index_cast %add3A_1119 : i32 to index
          %swap3A_1149 = arith.constant 32 : index
          %swap3A_1150 = tpu.vector_load %arg12[%swap3A_1148, %swap3A_1149] {strides = array<i32>} : memref<128x128xf32, #tpu.memory_space<vmem>>, vector<1x16xf32>,
          %swap3A_1151 = vector.shape_cast %swap3A_1150 : vector<1x16xf32> to vector<16xf32>
          %swap3A_1152 = vector.shape_cast %mul3A_1147 : vector<16xf32> to vector<1x16xf32>
          tpu.vector_store %arg12[%swap3A_1148, %swap3A_1149], %swap3A_1152 {strides = array<i32>} : memref<128x128xf32, #tpu.memory_space<vmem>>, vector<1x16xf32>,
          %get3A_1153 = arith.index_cast %add3A_1119 : i32 to index
          %get3A_1154 = arith.constant 48 : index
          %get3A_1155 = tpu.vector_load %arg12[%get3A_1153, %get3A_1154] {strides = array<i32>} : memref<128x128xf32, #tpu.memory_space<vmem>>, vector<1x16xf32>,
          %get3A_1156 = vector.shape_cast %get3A_1155 : vector<1x16xf32> to vector<16xf32>
          %mul3A_1157 = vector.broadcast %squeeze3A_1115 : f32 to vector<16xf32>
          %mul3A_1158 = arith.mulf %get3A_1156, %mul3A_1157 : vector<16xf32>
          %swap3A_1159 = arith.index_cast %add3A_1119 : i32 to index
          %swap3A_1160 = arith.constant 48 : index
          %swap3A_1161 = tpu.vector_load %arg12[%swap3A_1159, %swap3A_1160] {strides = array<i32>} : memref<128x128xf32, #tpu.memory_space<vmem>>, vector<1x16xf32>,
          %swap3A_1162 = vector.shape_cast %swap3A_1161 : vector<1x16xf32> to vector<16xf32>
          %swap3A_1163 = vector.shape_cast %mul3A_1158 : vector<16xf32> to vector<1x16xf32>
          tpu.vector_store %arg12[%swap3A_1159, %swap3A_1160], %swap3A_1163 {strides = array<i32>} : memref<128x128xf32, #tpu.memory_space<vmem>>, vector<1x16xf32>,
          %get3A_1164 = arith.index_cast %add3A_1119 : i32 to index
          %get3A_1165 = arith.constant 64 : index
          %get3A_1166 = tpu.vector_load %arg12[%get3A_1164, %get3A_1165] {strides = array<i32>} : memref<128x128xf32, #tpu.memory_space<vmem>>, vector<1x16xf32>,
          %get3A_1167 = vector.shape_cast %get3A_1166 : vector<1x16xf32> to vector<16xf32>
          %mul3A_1168 = vector.broadcast %squeeze3A_1115 : f32 to vector<16xf32>
          %mul3A_1169 = arith.mulf %get3A_1167, %mul3A_1168 : vector<16xf32>
          %swap3A_1170 = arith.index_cast %add3A_1119 : i32 to index
          %swap3A_1171 = arith.constant 64 : index
          %swap3A_1172 = tpu.vector_load %arg12[%swap3A_1170, %swap3A_1171] {strides = array<i32>} : memref<128x128xf32, #tpu.memory_space<vmem>>, vector<1x16xf32>,
          %swap3A_1173 = vector.shape_cast %swap3A_1172 : vector<1x16xf32> to vector<16xf32>
          %swap3A_1174 = vector.shape_cast %mul3A_1169 : vector<16xf32> to vector<1x16xf32>
          tpu.vector_store %arg12[%swap3A_1170, %swap3A_1171], %swap3A_1174 {strides = array<i32>} : memref<128x128xf32, #tpu.memory_space<vmem>>, vector<1x16xf32>,
          %get3A_1175 = arith.index_cast %add3A_1119 : i32 to index
          %get3A_1176 = arith.constant 80 : index
          %get3A_1177 = tpu.vector_load %arg12[%get3A_1175, %get3A_1176] {strides = array<i32>} : memref<128x128xf32, #tpu.memory_space<vmem>>, vector<1x16xf32>,
          %get3A_1178 = vector.shape_cast %get3A_1177 : vector<1x16xf32> to vector<16xf32>
          %mul3A_1179 = vector.broadcast %squeeze3A_1115 : f32 to vector<16xf32>
          %mul3A_1180 = arith.mulf %get3A_1178, %mul3A_1179 : vector<16xf32>
          %swap3A_1181 = arith.index_cast %add3A_1119 : i32 to index
          %swap3A_1182 = arith.constant 80 : index
          %swap3A_1183 = tpu.vector_load %arg12[%swap3A_1181, %swap3A_1182] {strides = array<i32>} : memref<128x128xf32, #tpu.memory_space<vmem>>, vector<1x16xf32>,
          %swap3A_1184 = vector.shape_cast %swap3A_1183 : vector<1x16xf32> to vector<16xf32>
          %swap3A_1185 = vector.shape_cast %mul3A_1180 : vector<16xf32> to vector<1x16xf32>
          tpu.vector_store %arg12[%swap3A_1181, %swap3A_1182], %swap3A_1185 {strides = array<i32>} : memref<128x128xf32, #tpu.memory_space<vmem>>, vector<1x16xf32>,
          %get3A_1186 = arith.index_cast %add3A_1119 : i32 to index
          %get3A_1187 = arith.constant 96 : index
          %get3A_1188 = tpu.vector_load %arg12[%get3A_1186, %get3A_1187] {strides = array<i32>} : memref<128x128xf32, #tpu.memory_space<vmem>>, vector<1x16xf32>,
          %get3A_1189 = vector.shape_cast %get3A_1188 : vector<1x16xf32> to vector<16xf32>
          %mul3A_1190 = vector.broadcast %squeeze3A_1115 : f32 to vector<16xf32>
          %mul3A_1191 = arith.mulf %get3A_1189, %mul3A_1190 : vector<16xf32>
          %swap3A_1192 = arith.index_cast %add3A_1119 : i32 to index
          %swap3A_1193 = arith.constant 96 : index
          %swap3A_1194 = tpu.vector_load %arg12[%swap3A_1192, %swap3A_1193] {strides = array<i32>} : memref<128x128xf32, #tpu.memory_space<vmem>>, vector<1x16xf32>,
          %swap3A_1195 = vector.shape_cast %swap3A_1194 : vector<1x16xf32> to vector<16xf32>
          %swap3A_1196 = vector.shape_cast %mul3A_1191 : vector<16xf32> to vector<1x16xf32>
          tpu.vector_store %arg12[%swap3A_1192, %swap3A_1193], %swap3A_1196 {strides = array<i32>} : memref<128x128xf32, #tpu.memory_space<vmem>>, vector<1x16xf32>,
          %get3A_1197 = arith.index_cast %add3A_1119 : i32 to index
          %get3A_1198 = arith.constant 112 : index
          %get3A_1199 = tpu.vector_load %arg12[%get3A_1197, %get3A_1198] {strides = array<i32>} : memref<128x128xf32, #tpu.memory_space<vmem>>, vector<1x16xf32>,
          %get3A_1200 = vector.shape_cast %get3A_1199 : vector<1x16xf32> to vector<16xf32>
          %mul3A_1201 = vector.broadcast %squeeze3A_1115 : f32 to vector<16xf32>
          %mul3A_1202 = arith.mulf %get3A_1200, %mul3A_1201 : vector<16xf32>
          %swap3A_1203 = arith.index_cast %add3A_1119 : i32 to index
          %swap3A_1204 = arith.constant 112 : index
          %swap3A_1205 = tpu.vector_load %arg12[%swap3A_1203, %swap3A_1204] {strides = array<i32>} : memref<128x128xf32, #tpu.memory_space<vmem>>, vector<1x16xf32>,
          %swap3A_1206 = vector.shape_cast %swap3A_1205 : vector<1x16xf32> to vector<16xf32>
          %swap3A_1207 = vector.shape_cast %mul3A_1202 : vector<16xf32> to vector<1x16xf32>
          tpu.vector_store %arg12[%swap3A_1203, %swap3A_1204], %swap3A_1207 {strides = array<i32>} : memref<128x128xf32, #tpu.memory_space<vmem>>, vector<1x16xf32>,
          %slice3A_1208 = vector.extract_strided_slice %get3A_82 {offsets = [12], sizes = [1], strides = [1]} : vector<16xf32> to vector<1xf32>
          %squeeze3A_1209 = vector.extract %slice3A_1208[0] : f32 from vector<1xf32>
          %mul3A_1210 = arith.constant 16 : i32
          %mul3A_1211 = arith.muli %scan3A_77, %mul3A_1210 : i32
          %add3A_1212 = arith.constant 12 : i32
          %add3A_1213 = arith.addi %mul3A_1211, %add3A_1212 : i32
          %get3A_1214 = arith.index_cast %add3A_1213 : i32 to index
          %get3A_1215 = arith.constant 0 : index
          %get3A_1216 = tpu.vector_load %arg12[%get3A_1214, %get3A_1215] {strides = array<i32>} : memref<128x128xf32, #tpu.memory_space<vmem>>, vector<1x16xf32>,
          %get3A_1217 = vector.shape_cast %get3A_1216 : vector<1x16xf32> to vector<16xf32>
          %mul3A_1218 = vector.broadcast %squeeze3A_1209 : f32 to vector<16xf32>
          %mul3A_1219 = arith.mulf %get3A_1217, %mul3A_1218 : vector<16xf32>
          %swap3A_1220 = arith.index_cast %add3A_1213 : i32 to index
          %swap3A_1221 = arith.constant 0 : index
          %swap3A_1222 = tpu.vector_load %arg12[%swap3A_1220, %swap3A_1221] {strides = array<i32>} : memref<128x128xf32, #tpu.memory_space<vmem>>, vector<1x16xf32>,
          %swap3A_1223 = vector.shape_cast %swap3A_1222 : vector<1x16xf32> to vector<16xf32>
          %swap3A_1224 = vector.shape_cast %mul3A_1219 : vector<16xf32> to vector<1x16xf32>
          tpu.vector_store %arg12[%swap3A_1220, %swap3A_1221], %swap3A_1224 {strides = array<i32>} : memref<128x128xf32, #tpu.memory_space<vmem>>, vector<1x16xf32>,
          %get3A_1225 = arith.index_cast %add3A_1213 : i32 to index
          %get3A_1226 = arith.constant 16 : index
          %get3A_1227 = tpu.vector_load %arg12[%get3A_1225, %get3A_1226] {strides = array<i32>} : memref<128x128xf32, #tpu.memory_space<vmem>>, vector<1x16xf32>,
          %get3A_1228 = vector.shape_cast %get3A_1227 : vector<1x16xf32> to vector<16xf32>
          %mul3A_1229 = vector.broadcast %squeeze3A_1209 : f32 to vector<16xf32>
          %mul3A_1230 = arith.mulf %get3A_1228, %mul3A_1229 : vector<16xf32>
          %swap3A_1231 = arith.index_cast %add3A_1213 : i32 to index
          %swap3A_1232 = arith.constant 16 : index
          %swap3A_1233 = tpu.vector_load %arg12[%swap3A_1231, %swap3A_1232] {strides = array<i32>} : memref<128x128xf32, #tpu.memory_space<vmem>>, vector<1x16xf32>,
          %swap3A_1234 = vector.shape_cast %swap3A_1233 : vector<1x16xf32> to vector<16xf32>
          %swap3A_1235 = vector.shape_cast %mul3A_1230 : vector<16xf32> to vector<1x16xf32>
          tpu.vector_store %arg12[%swap3A_1231, %swap3A_1232], %swap3A_1235 {strides = array<i32>} : memref<128x128xf32, #tpu.memory_space<vmem>>, vector<1x16xf32>,
          %get3A_1236 = arith.index_cast %add3A_1213 : i32 to index
          %get3A_1237 = arith.constant 32 : index
          %get3A_1238 = tpu.vector_load %arg12[%get3A_1236, %get3A_1237] {strides = array<i32>} : memref<128x128xf32, #tpu.memory_space<vmem>>, vector<1x16xf32>,
          %get3A_1239 = vector.shape_cast %get3A_1238 : vector<1x16xf32> to vector<16xf32>
          %mul3A_1240 = vector.broadcast %squeeze3A_1209 : f32 to vector<16xf32>
          %mul3A_1241 = arith.mulf %get3A_1239, %mul3A_1240 : vector<16xf32>
          %swap3A_1242 = arith.index_cast %add3A_1213 : i32 to index
          %swap3A_1243 = arith.constant 32 : index
          %swap3A_1244 = tpu.vector_load %arg12[%swap3A_1242, %swap3A_1243] {strides = array<i32>} : memref<128x128xf32, #tpu.memory_space<vmem>>, vector<1x16xf32>,
          %swap3A_1245 = vector.shape_cast %swap3A_1244 : vector<1x16xf32> to vector<16xf32>
          %swap3A_1246 = vector.shape_cast %mul3A_1241 : vector<16xf32> to vector<1x16xf32>
          tpu.vector_store %arg12[%swap3A_1242, %swap3A_1243], %swap3A_1246 {strides = array<i32>} : memref<128x128xf32, #tpu.memory_space<vmem>>, vector<1x16xf32>,
          %get3A_1247 = arith.index_cast %add3A_1213 : i32 to index
          %get3A_1248 = arith.constant 48 : index
          %get3A_1249 = tpu.vector_load %arg12[%get3A_1247, %get3A_1248] {strides = array<i32>} : memref<128x128xf32, #tpu.memory_space<vmem>>, vector<1x16xf32>,
          %get3A_1250 = vector.shape_cast %get3A_1249 : vector<1x16xf32> to vector<16xf32>
          %mul3A_1251 = vector.broadcast %squeeze3A_1209 : f32 to vector<16xf32>
          %mul3A_1252 = arith.mulf %get3A_1250, %mul3A_1251 : vector<16xf32>
          %swap3A_1253 = arith.index_cast %add3A_1213 : i32 to index
          %swap3A_1254 = arith.constant 48 : index
          %swap3A_1255 = tpu.vector_load %arg12[%swap3A_1253, %swap3A_1254] {strides = array<i32>} : memref<128x128xf32, #tpu.memory_space<vmem>>, vector<1x16xf32>,
          %swap3A_1256 = vector.shape_cast %swap3A_1255 : vector<1x16xf32> to vector<16xf32>
          %swap3A_1257 = vector.shape_cast %mul3A_1252 : vector<16xf32> to vector<1x16xf32>
          tpu.vector_store %arg12[%swap3A_1253, %swap3A_1254], %swap3A_1257 {strides = array<i32>} : memref<128x128xf32, #tpu.memory_space<vmem>>, vector<1x16xf32>,
          %get3A_1258 = arith.index_cast %add3A_1213 : i32 to index
          %get3A_1259 = arith.constant 64 : index
          %get3A_1260 = tpu.vector_load %arg12[%get3A_1258, %get3A_1259] {strides = array<i32>} : memref<128x128xf32, #tpu.memory_space<vmem>>, vector<1x16xf32>,
          %get3A_1261 = vector.shape_cast %get3A_1260 : vector<1x16xf32> to vector<16xf32>
          %mul3A_1262 = vector.broadcast %squeeze3A_1209 : f32 to vector<16xf32>
          %mul3A_1263 = arith.mulf %get3A_1261, %mul3A_1262 : vector<16xf32>
          %swap3A_1264 = arith.index_cast %add3A_1213 : i32 to index
          %swap3A_1265 = arith.constant 64 : index
          %swap3A_1266 = tpu.vector_load %arg12[%swap3A_1264, %swap3A_1265] {strides = array<i32>} : memref<128x128xf32, #tpu.memory_space<vmem>>, vector<1x16xf32>,
          %swap3A_1267 = vector.shape_cast %swap3A_1266 : vector<1x16xf32> to vector<16xf32>
          %swap3A_1268 = vector.shape_cast %mul3A_1263 : vector<16xf32> to vector<1x16xf32>
          tpu.vector_store %arg12[%swap3A_1264, %swap3A_1265], %swap3A_1268 {strides = array<i32>} : memref<128x128xf32, #tpu.memory_space<vmem>>, vector<1x16xf32>,
          %get3A_1269 = arith.index_cast %add3A_1213 : i32 to index
          %get3A_1270 = arith.constant 80 : index
          %get3A_1271 = tpu.vector_load %arg12[%get3A_1269, %get3A_1270] {strides = array<i32>} : memref<128x128xf32, #tpu.memory_space<vmem>>, vector<1x16xf32>,
          %get3A_1272 = vector.shape_cast %get3A_1271 : vector<1x16xf32> to vector<16xf32>
          %mul3A_1273 = vector.broadcast %squeeze3A_1209 : f32 to vector<16xf32>
          %mul3A_1274 = arith.mulf %get3A_1272, %mul3A_1273 : vector<16xf32>
          %swap3A_1275 = arith.index_cast %add3A_1213 : i32 to index
          %swap3A_1276 = arith.constant 80 : index
          %swap3A_1277 = tpu.vector_load %arg12[%swap3A_1275, %swap3A_1276] {strides = array<i32>} : memref<128x128xf32, #tpu.memory_space<vmem>>, vector<1x16xf32>,
          %swap3A_1278 = vector.shape_cast %swap3A_1277 : vector<1x16xf32> to vector<16xf32>
          %swap3A_1279 = vector.shape_cast %mul3A_1274 : vector<16xf32> to vector<1x16xf32>
          tpu.vector_store %arg12[%swap3A_1275, %swap3A_1276], %swap3A_1279 {strides = array<i32>} : memref<128x128xf32, #tpu.memory_space<vmem>>, vector<1x16xf32>,
          %get3A_1280 = arith.index_cast %add3A_1213 : i32 to index
          %get3A_1281 = arith.constant 96 : index
          %get3A_1282 = tpu.vector_load %arg12[%get3A_1280, %get3A_1281] {strides = array<i32>} : memref<128x128xf32, #tpu.memory_space<vmem>>, vector<1x16xf32>,
          %get3A_1283 = vector.shape_cast %get3A_1282 : vector<1x16xf32> to vector<16xf32>
          %mul3A_1284 = vector.broadcast %squeeze3A_1209 : f32 to vector<16xf32>
          %mul3A_1285 = arith.mulf %get3A_1283, %mul3A_1284 : vector<16xf32>
          %swap3A_1286 = arith.index_cast %add3A_1213 : i32 to index
          %swap3A_1287 = arith.constant 96 : index
          %swap3A_1288 = tpu.vector_load %arg12[%swap3A_1286, %swap3A_1287] {strides = array<i32>} : memref<128x128xf32, #tpu.memory_space<vmem>>, vector<1x16xf32>,
          %swap3A_1289 = vector.shape_cast %swap3A_1288 : vector<1x16xf32> to vector<16xf32>
          %swap3A_1290 = vector.shape_cast %mul3A_1285 : vector<16xf32> to vector<1x16xf32>
          tpu.vector_store %arg12[%swap3A_1286, %swap3A_1287], %swap3A_1290 {strides = array<i32>} : memref<128x128xf32, #tpu.memory_space<vmem>>, vector<1x16xf32>,
          %get3A_1291 = arith.index_cast %add3A_1213 : i32 to index
          %get3A_1292 = arith.constant 112 : index
          %get3A_1293 = tpu.vector_load %arg12[%get3A_1291, %get3A_1292] {strides = array<i32>} : memref<128x128xf32, #tpu.memory_space<vmem>>, vector<1x16xf32>,
          %get3A_1294 = vector.shape_cast %get3A_1293 : vector<1x16xf32> to vector<16xf32>
          %mul3A_1295 = vector.broadcast %squeeze3A_1209 : f32 to vector<16xf32>
          %mul3A_1296 = arith.mulf %get3A_1294, %mul3A_1295 : vector<16xf32>
          %swap3A_1297 = arith.index_cast %add3A_1213 : i32 to index
          %swap3A_1298 = arith.constant 112 : index
          %swap3A_1299 = tpu.vector_load %arg12[%swap3A_1297, %swap3A_1298] {strides = array<i32>} : memref<128x128xf32, #tpu.memory_space<vmem>>, vector<1x16xf32>,
          %swap3A_1300 = vector.shape_cast %swap3A_1299 : vector<1x16xf32> to vector<16xf32>
          %swap3A_1301 = vector.shape_cast %mul3A_1296 : vector<16xf32> to vector<1x16xf32>
          tpu.vector_store %arg12[%swap3A_1297, %swap3A_1298], %swap3A_1301 {strides = array<i32>} : memref<128x128xf32, #tpu.memory_space<vmem>>, vector<1x16xf32>,
          %slice3A_1302 = vector.extract_strided_slice %get3A_82 {offsets = [13], sizes = [1], strides = [1]} : vector<16xf32> to vector<1xf32>
          %squeeze3A_1303 = vector.extract %slice3A_1302[0] : f32 from vector<1xf32>
          %mul3A_1304 = arith.constant 16 : i32
          %mul3A_1305 = arith.muli %scan3A_77, %mul3A_1304 : i32
          %add3A_1306 = arith.constant 13 : i32
          %add3A_1307 = arith.addi %mul3A_1305, %add3A_1306 : i32
          %get3A_1308 = arith.index_cast %add3A_1307 : i32 to index
          %get3A_1309 = arith.constant 0 : index
          %get3A_1310 = tpu.vector_load %arg12[%get3A_1308, %get3A_1309] {strides = array<i32>} : memref<128x128xf32, #tpu.memory_space<vmem>>, vector<1x16xf32>,
          %get3A_1311 = vector.shape_cast %get3A_1310 : vector<1x16xf32> to vector<16xf32>
          %mul3A_1312 = vector.broadcast %squeeze3A_1303 : f32 to vector<16xf32>
          %mul3A_1313 = arith.mulf %get3A_1311, %mul3A_1312 : vector<16xf32>
          %swap3A_1314 = arith.index_cast %add3A_1307 : i32 to index
          %swap3A_1315 = arith.constant 0 : index
          %swap3A_1316 = tpu.vector_load %arg12[%swap3A_1314, %swap3A_1315] {strides = array<i32>} : memref<128x128xf32, #tpu.memory_space<vmem>>, vector<1x16xf32>,
          %swap3A_1317 = vector.shape_cast %swap3A_1316 : vector<1x16xf32> to vector<16xf32>
          %swap3A_1318 = vector.shape_cast %mul3A_1313 : vector<16xf32> to vector<1x16xf32>
          tpu.vector_store %arg12[%swap3A_1314, %swap3A_1315], %swap3A_1318 {strides = array<i32>} : memref<128x128xf32, #tpu.memory_space<vmem>>, vector<1x16xf32>,
          %get3A_1319 = arith.index_cast %add3A_1307 : i32 to index
          %get3A_1320 = arith.constant 16 : index
          %get3A_1321 = tpu.vector_load %arg12[%get3A_1319, %get3A_1320] {strides = array<i32>} : memref<128x128xf32, #tpu.memory_space<vmem>>, vector<1x16xf32>,
          %get3A_1322 = vector.shape_cast %get3A_1321 : vector<1x16xf32> to vector<16xf32>
          %mul3A_1323 = vector.broadcast %squeeze3A_1303 : f32 to vector<16xf32>
          %mul3A_1324 = arith.mulf %get3A_1322, %mul3A_1323 : vector<16xf32>
          %swap3A_1325 = arith.index_cast %add3A_1307 : i32 to index
          %swap3A_1326 = arith.constant 16 : index
          %swap3A_1327 = tpu.vector_load %arg12[%swap3A_1325, %swap3A_1326] {strides = array<i32>} : memref<128x128xf32, #tpu.memory_space<vmem>>, vector<1x16xf32>,
          %swap3A_1328 = vector.shape_cast %swap3A_1327 : vector<1x16xf32> to vector<16xf32>
          %swap3A_1329 = vector.shape_cast %mul3A_1324 : vector<16xf32> to vector<1x16xf32>
          tpu.vector_store %arg12[%swap3A_1325, %swap3A_1326], %swap3A_1329 {strides = array<i32>} : memref<128x128xf32, #tpu.memory_space<vmem>>, vector<1x16xf32>,
          %get3A_1330 = arith.index_cast %add3A_1307 : i32 to index
          %get3A_1331 = arith.constant 32 : index
          %get3A_1332 = tpu.vector_load %arg12[%get3A_1330, %get3A_1331] {strides = array<i32>} : memref<128x128xf32, #tpu.memory_space<vmem>>, vector<1x16xf32>,
          %get3A_1333 = vector.shape_cast %get3A_1332 : vector<1x16xf32> to vector<16xf32>
          %mul3A_1334 = vector.broadcast %squeeze3A_1303 : f32 to vector<16xf32>
          %mul3A_1335 = arith.mulf %get3A_1333, %mul3A_1334 : vector<16xf32>
          %swap3A_1336 = arith.index_cast %add3A_1307 : i32 to index
          %swap3A_1337 = arith.constant 32 : index
          %swap3A_1338 = tpu.vector_load %arg12[%swap3A_1336, %swap3A_1337] {strides = array<i32>} : memref<128x128xf32, #tpu.memory_space<vmem>>, vector<1x16xf32>,
          %swap3A_1339 = vector.shape_cast %swap3A_1338 : vector<1x16xf32> to vector<16xf32>
          %swap3A_1340 = vector.shape_cast %mul3A_1335 : vector<16xf32> to vector<1x16xf32>
          tpu.vector_store %arg12[%swap3A_1336, %swap3A_1337], %swap3A_1340 {strides = array<i32>} : memref<128x128xf32, #tpu.memory_space<vmem>>, vector<1x16xf32>,
          %get3A_1341 = arith.index_cast %add3A_1307 : i32 to index
          %get3A_1342 = arith.constant 48 : index
          %get3A_1343 = tpu.vector_load %arg12[%get3A_1341, %get3A_1342] {strides = array<i32>} : memref<128x128xf32, #tpu.memory_space<vmem>>, vector<1x16xf32>,
          %get3A_1344 = vector.shape_cast %get3A_1343 : vector<1x16xf32> to vector<16xf32>
          %mul3A_1345 = vector.broadcast %squeeze3A_1303 : f32 to vector<16xf32>
          %mul3A_1346 = arith.mulf %get3A_1344, %mul3A_1345 : vector<16xf32>
          %swap3A_1347 = arith.index_cast %add3A_1307 : i32 to index
          %swap3A_1348 = arith.constant 48 : index
          %swap3A_1349 = tpu.vector_load %arg12[%swap3A_1347, %swap3A_1348] {strides = array<i32>} : memref<128x128xf32, #tpu.memory_space<vmem>>, vector<1x16xf32>,
          %swap3A_1350 = vector.shape_cast %swap3A_1349 : vector<1x16xf32> to vector<16xf32>
          %swap3A_1351 = vector.shape_cast %mul3A_1346 : vector<16xf32> to vector<1x16xf32>
          tpu.vector_store %arg12[%swap3A_1347, %swap3A_1348], %swap3A_1351 {strides = array<i32>} : memref<128x128xf32, #tpu.memory_space<vmem>>, vector<1x16xf32>,
          %get3A_1352 = arith.index_cast %add3A_1307 : i32 to index
          %get3A_1353 = arith.constant 64 : index
          %get3A_1354 = tpu.vector_load %arg12[%get3A_1352, %get3A_1353] {strides = array<i32>} : memref<128x128xf32, #tpu.memory_space<vmem>>, vector<1x16xf32>,
          %get3A_1355 = vector.shape_cast %get3A_1354 : vector<1x16xf32> to vector<16xf32>
          %mul3A_1356 = vector.broadcast %squeeze3A_1303 : f32 to vector<16xf32>
          %mul3A_1357 = arith.mulf %get3A_1355, %mul3A_1356 : vector<16xf32>
          %swap3A_1358 = arith.index_cast %add3A_1307 : i32 to index
          %swap3A_1359 = arith.constant 64 : index
          %swap3A_1360 = tpu.vector_load %arg12[%swap3A_1358, %swap3A_1359] {strides = array<i32>} : memref<128x128xf32, #tpu.memory_space<vmem>>, vector<1x16xf32>,
          %swap3A_1361 = vector.shape_cast %swap3A_1360 : vector<1x16xf32> to vector<16xf32>
          %swap3A_1362 = vector.shape_cast %mul3A_1357 : vector<16xf32> to vector<1x16xf32>
          tpu.vector_store %arg12[%swap3A_1358, %swap3A_1359], %swap3A_1362 {strides = array<i32>} : memref<128x128xf32, #tpu.memory_space<vmem>>, vector<1x16xf32>,
          %get3A_1363 = arith.index_cast %add3A_1307 : i32 to index
          %get3A_1364 = arith.constant 80 : index
          %get3A_1365 = tpu.vector_load %arg12[%get3A_1363, %get3A_1364] {strides = array<i32>} : memref<128x128xf32, #tpu.memory_space<vmem>>, vector<1x16xf32>,
          %get3A_1366 = vector.shape_cast %get3A_1365 : vector<1x16xf32> to vector<16xf32>
          %mul3A_1367 = vector.broadcast %squeeze3A_1303 : f32 to vector<16xf32>
          %mul3A_1368 = arith.mulf %get3A_1366, %mul3A_1367 : vector<16xf32>
          %swap3A_1369 = arith.index_cast %add3A_1307 : i32 to index
          %swap3A_1370 = arith.constant 80 : index
          %swap3A_1371 = tpu.vector_load %arg12[%swap3A_1369, %swap3A_1370] {strides = array<i32>} : memref<128x128xf32, #tpu.memory_space<vmem>>, vector<1x16xf32>,
          %swap3A_1372 = vector.shape_cast %swap3A_1371 : vector<1x16xf32> to vector<16xf32>
          %swap3A_1373 = vector.shape_cast %mul3A_1368 : vector<16xf32> to vector<1x16xf32>
          tpu.vector_store %arg12[%swap3A_1369, %swap3A_1370], %swap3A_1373 {strides = array<i32>} : memref<128x128xf32, #tpu.memory_space<vmem>>, vector<1x16xf32>,
          %get3A_1374 = arith.index_cast %add3A_1307 : i32 to index
          %get3A_1375 = arith.constant 96 : index
          %get3A_1376 = tpu.vector_load %arg12[%get3A_1374, %get3A_1375] {strides = array<i32>} : memref<128x128xf32, #tpu.memory_space<vmem>>, vector<1x16xf32>,
          %get3A_1377 = vector.shape_cast %get3A_1376 : vector<1x16xf32> to vector<16xf32>
          %mul3A_1378 = vector.broadcast %squeeze3A_1303 : f32 to vector<16xf32>
          %mul3A_1379 = arith.mulf %get3A_1377, %mul3A_1378 : vector<16xf32>
          %swap3A_1380 = arith.index_cast %add3A_1307 : i32 to index
          %swap3A_1381 = arith.constant 96 : index
          %swap3A_1382 = tpu.vector_load %arg12[%swap3A_1380, %swap3A_1381] {strides = array<i32>} : memref<128x128xf32, #tpu.memory_space<vmem>>, vector<1x16xf32>,
          %swap3A_1383 = vector.shape_cast %swap3A_1382 : vector<1x16xf32> to vector<16xf32>
          %swap3A_1384 = vector.shape_cast %mul3A_1379 : vector<16xf32> to vector<1x16xf32>
          tpu.vector_store %arg12[%swap3A_1380, %swap3A_1381], %swap3A_1384 {strides = array<i32>} : memref<128x128xf32, #tpu.memory_space<vmem>>, vector<1x16xf32>,
          %get3A_1385 = arith.index_cast %add3A_1307 : i32 to index
          %get3A_1386 = arith.constant 112 : index
          %get3A_1387 = tpu.vector_load %arg12[%get3A_1385, %get3A_1386] {strides = array<i32>} : memref<128x128xf32, #tpu.memory_space<vmem>>, vector<1x16xf32>,
          %get3A_1388 = vector.shape_cast %get3A_1387 : vector<1x16xf32> to vector<16xf32>
          %mul3A_1389 = vector.broadcast %squeeze3A_1303 : f32 to vector<16xf32>
          %mul3A_1390 = arith.mulf %get3A_1388, %mul3A_1389 : vector<16xf32>
          %swap3A_1391 = arith.index_cast %add3A_1307 : i32 to index
          %swap3A_1392 = arith.constant 112 : index
          %swap3A_1393 = tpu.vector_load %arg12[%swap3A_1391, %swap3A_1392] {strides = array<i32>} : memref<128x128xf32, #tpu.memory_space<vmem>>, vector<1x16xf32>,
          %swap3A_1394 = vector.shape_cast %swap3A_1393 : vector<1x16xf32> to vector<16xf32>
          %swap3A_1395 = vector.shape_cast %mul3A_1390 : vector<16xf32> to vector<1x16xf32>
          tpu.vector_store %arg12[%swap3A_1391, %swap3A_1392], %swap3A_1395 {strides = array<i32>} : memref<128x128xf32, #tpu.memory_space<vmem>>, vector<1x16xf32>,
          %slice3A_1396 = vector.extract_strided_slice %get3A_82 {offsets = [14], sizes = [1], strides = [1]} : vector<16xf32> to vector<1xf32>
          %squeeze3A_1397 = vector.extract %slice3A_1396[0] : f32 from vector<1xf32>
          %mul3A_1398 = arith.constant 16 : i32
          %mul3A_1399 = arith.muli %scan3A_77, %mul3A_1398 : i32
          %add3A_1400 = arith.constant 14 : i32
          %add3A_1401 = arith.addi %mul3A_1399, %add3A_1400 : i32
          %get3A_1402 = arith.index_cast %add3A_1401 : i32 to index
          %get3A_1403 = arith.constant 0 : index
          %get3A_1404 = tpu.vector_load %arg12[%get3A_1402, %get3A_1403] {strides = array<i32>} : memref<128x128xf32, #tpu.memory_space<vmem>>, vector<1x16xf32>,
          %get3A_1405 = vector.shape_cast %get3A_1404 : vector<1x16xf32> to vector<16xf32>
          %mul3A_1406 = vector.broadcast %squeeze3A_1397 : f32 to vector<16xf32>
          %mul3A_1407 = arith.mulf %get3A_1405, %mul3A_1406 : vector<16xf32>
          %swap3A_1408 = arith.index_cast %add3A_1401 : i32 to index
          %swap3A_1409 = arith.constant 0 : index
          %swap3A_1410 = tpu.vector_load %arg12[%swap3A_1408, %swap3A_1409] {strides = array<i32>} : memref<128x128xf32, #tpu.memory_space<vmem>>, vector<1x16xf32>,
          %swap3A_1411 = vector.shape_cast %swap3A_1410 : vector<1x16xf32> to vector<16xf32>
          %swap3A_1412 = vector.shape_cast %mul3A_1407 : vector<16xf32> to vector<1x16xf32>
          tpu.vector_store %arg12[%swap3A_1408, %swap3A_1409], %swap3A_1412 {strides = array<i32>} : memref<128x128xf32, #tpu.memory_space<vmem>>, vector<1x16xf32>,
          %get3A_1413 = arith.index_cast %add3A_1401 : i32 to index
          %get3A_1414 = arith.constant 16 : index
          %get3A_1415 = tpu.vector_load %arg12[%get3A_1413, %get3A_1414] {strides = array<i32>} : memref<128x128xf32, #tpu.memory_space<vmem>>, vector<1x16xf32>,
          %get3A_1416 = vector.shape_cast %get3A_1415 : vector<1x16xf32> to vector<16xf32>
          %mul3A_1417 = vector.broadcast %squeeze3A_1397 : f32 to vector<16xf32>
          %mul3A_1418 = arith.mulf %get3A_1416, %mul3A_1417 : vector<16xf32>
          %swap3A_1419 = arith.index_cast %add3A_1401 : i32 to index
          %swap3A_1420 = arith.constant 16 : index
          %swap3A_1421 = tpu.vector_load %arg12[%swap3A_1419, %swap3A_1420] {strides = array<i32>} : memref<128x128xf32, #tpu.memory_space<vmem>>, vector<1x16xf32>,
          %swap3A_1422 = vector.shape_cast %swap3A_1421 : vector<1x16xf32> to vector<16xf32>
          %swap3A_1423 = vector.shape_cast %mul3A_1418 : vector<16xf32> to vector<1x16xf32>
          tpu.vector_store %arg12[%swap3A_1419, %swap3A_1420], %swap3A_1423 {strides = array<i32>} : memref<128x128xf32, #tpu.memory_space<vmem>>, vector<1x16xf32>,
          %get3A_1424 = arith.index_cast %add3A_1401 : i32 to index
          %get3A_1425 = arith.constant 32 : index
          %get3A_1426 = tpu.vector_load %arg12[%get3A_1424, %get3A_1425] {strides = array<i32>} : memref<128x128xf32, #tpu.memory_space<vmem>>, vector<1x16xf32>,
          %get3A_1427 = vector.shape_cast %get3A_1426 : vector<1x16xf32> to vector<16xf32>
          %mul3A_1428 = vector.broadcast %squeeze3A_1397 : f32 to vector<16xf32>
          %mul3A_1429 = arith.mulf %get3A_1427, %mul3A_1428 : vector<16xf32>
          %swap3A_1430 = arith.index_cast %add3A_1401 : i32 to index
          %swap3A_1431 = arith.constant 32 : index
          %swap3A_1432 = tpu.vector_load %arg12[%swap3A_1430, %swap3A_1431] {strides = array<i32>} : memref<128x128xf32, #tpu.memory_space<vmem>>, vector<1x16xf32>,
          %swap3A_1433 = vector.shape_cast %swap3A_1432 : vector<1x16xf32> to vector<16xf32>
          %swap3A_1434 = vector.shape_cast %mul3A_1429 : vector<16xf32> to vector<1x16xf32>
          tpu.vector_store %arg12[%swap3A_1430, %swap3A_1431], %swap3A_1434 {strides = array<i32>} : memref<128x128xf32, #tpu.memory_space<vmem>>, vector<1x16xf32>,
          %get3A_1435 = arith.index_cast %add3A_1401 : i32 to index
          %get3A_1436 = arith.constant 48 : index
          %get3A_1437 = tpu.vector_load %arg12[%get3A_1435, %get3A_1436] {strides = array<i32>} : memref<128x128xf32, #tpu.memory_space<vmem>>, vector<1x16xf32>,
          %get3A_1438 = vector.shape_cast %get3A_1437 : vector<1x16xf32> to vector<16xf32>
          %mul3A_1439 = vector.broadcast %squeeze3A_1397 : f32 to vector<16xf32>
          %mul3A_1440 = arith.mulf %get3A_1438, %mul3A_1439 : vector<16xf32>
          %swap3A_1441 = arith.index_cast %add3A_1401 : i32 to index
          %swap3A_1442 = arith.constant 48 : index
          %swap3A_1443 = tpu.vector_load %arg12[%swap3A_1441, %swap3A_1442] {strides = array<i32>} : memref<128x128xf32, #tpu.memory_space<vmem>>, vector<1x16xf32>,
          %swap3A_1444 = vector.shape_cast %swap3A_1443 : vector<1x16xf32> to vector<16xf32>
          %swap3A_1445 = vector.shape_cast %mul3A_1440 : vector<16xf32> to vector<1x16xf32>
          tpu.vector_store %arg12[%swap3A_1441, %swap3A_1442], %swap3A_1445 {strides = array<i32>} : memref<128x128xf32, #tpu.memory_space<vmem>>, vector<1x16xf32>,
          %get3A_1446 = arith.index_cast %add3A_1401 : i32 to index
          %get3A_1447 = arith.constant 64 : index
          %get3A_1448 = tpu.vector_load %arg12[%get3A_1446, %get3A_1447] {strides = array<i32>} : memref<128x128xf32, #tpu.memory_space<vmem>>, vector<1x16xf32>,
          %get3A_1449 = vector.shape_cast %get3A_1448 : vector<1x16xf32> to vector<16xf32>
          %mul3A_1450 = vector.broadcast %squeeze3A_1397 : f32 to vector<16xf32>
          %mul3A_1451 = arith.mulf %get3A_1449, %mul3A_1450 : vector<16xf32>
          %swap3A_1452 = arith.index_cast %add3A_1401 : i32 to index
          %swap3A_1453 = arith.constant 64 : index
          %swap3A_1454 = tpu.vector_load %arg12[%swap3A_1452, %swap3A_1453] {strides = array<i32>} : memref<128x128xf32, #tpu.memory_space<vmem>>, vector<1x16xf32>,
          %swap3A_1455 = vector.shape_cast %swap3A_1454 : vector<1x16xf32> to vector<16xf32>
          %swap3A_1456 = vector.shape_cast %mul3A_1451 : vector<16xf32> to vector<1x16xf32>
          tpu.vector_store %arg12[%swap3A_1452, %swap3A_1453], %swap3A_1456 {strides = array<i32>} : memref<128x128xf32, #tpu.memory_space<vmem>>, vector<1x16xf32>,
          %get3A_1457 = arith.index_cast %add3A_1401 : i32 to index
          %get3A_1458 = arith.constant 80 : index
          %get3A_1459 = tpu.vector_load %arg12[%get3A_1457, %get3A_1458] {strides = array<i32>} : memref<128x128xf32, #tpu.memory_space<vmem>>, vector<1x16xf32>,
          %get3A_1460 = vector.shape_cast %get3A_1459 : vector<1x16xf32> to vector<16xf32>
          %mul3A_1461 = vector.broadcast %squeeze3A_1397 : f32 to vector<16xf32>
          %mul3A_1462 = arith.mulf %get3A_1460, %mul3A_1461 : vector<16xf32>
          %swap3A_1463 = arith.index_cast %add3A_1401 : i32 to index
          %swap3A_1464 = arith.constant 80 : index
          %swap3A_1465 = tpu.vector_load %arg12[%swap3A_1463, %swap3A_1464] {strides = array<i32>} : memref<128x128xf32, #tpu.memory_space<vmem>>, vector<1x16xf32>,
          %swap3A_1466 = vector.shape_cast %swap3A_1465 : vector<1x16xf32> to vector<16xf32>
          %swap3A_1467 = vector.shape_cast %mul3A_1462 : vector<16xf32> to vector<1x16xf32>
          tpu.vector_store %arg12[%swap3A_1463, %swap3A_1464], %swap3A_1467 {strides = array<i32>} : memref<128x128xf32, #tpu.memory_space<vmem>>, vector<1x16xf32>,
          %get3A_1468 = arith.index_cast %add3A_1401 : i32 to index
          %get3A_1469 = arith.constant 96 : index
          %get3A_1470 = tpu.vector_load %arg12[%get3A_1468, %get3A_1469] {strides = array<i32>} : memref<128x128xf32, #tpu.memory_space<vmem>>, vector<1x16xf32>,
          %get3A_1471 = vector.shape_cast %get3A_1470 : vector<1x16xf32> to vector<16xf32>
          %mul3A_1472 = vector.broadcast %squeeze3A_1397 : f32 to vector<16xf32>
          %mul3A_1473 = arith.mulf %get3A_1471, %mul3A_1472 : vector<16xf32>
          %swap3A_1474 = arith.index_cast %add3A_1401 : i32 to index
          %swap3A_1475 = arith.constant 96 : index
          %swap3A_1476 = tpu.vector_load %arg12[%swap3A_1474, %swap3A_1475] {strides = array<i32>} : memref<128x128xf32, #tpu.memory_space<vmem>>, vector<1x16xf32>,
          %swap3A_1477 = vector.shape_cast %swap3A_1476 : vector<1x16xf32> to vector<16xf32>
          %swap3A_1478 = vector.shape_cast %mul3A_1473 : vector<16xf32> to vector<1x16xf32>
          tpu.vector_store %arg12[%swap3A_1474, %swap3A_1475], %swap3A_1478 {strides = array<i32>} : memref<128x128xf32, #tpu.memory_space<vmem>>, vector<1x16xf32>,
          %get3A_1479 = arith.index_cast %add3A_1401 : i32 to index
          %get3A_1480 = arith.constant 112 : index
          %get3A_1481 = tpu.vector_load %arg12[%get3A_1479, %get3A_1480] {strides = array<i32>} : memref<128x128xf32, #tpu.memory_space<vmem>>, vector<1x16xf32>,
          %get3A_1482 = vector.shape_cast %get3A_1481 : vector<1x16xf32> to vector<16xf32>
          %mul3A_1483 = vector.broadcast %squeeze3A_1397 : f32 to vector<16xf32>
          %mul3A_1484 = arith.mulf %get3A_1482, %mul3A_1483 : vector<16xf32>
          %swap3A_1485 = arith.index_cast %add3A_1401 : i32 to index
          %swap3A_1486 = arith.constant 112 : index
          %swap3A_1487 = tpu.vector_load %arg12[%swap3A_1485, %swap3A_1486] {strides = array<i32>} : memref<128x128xf32, #tpu.memory_space<vmem>>, vector<1x16xf32>,
          %swap3A_1488 = vector.shape_cast %swap3A_1487 : vector<1x16xf32> to vector<16xf32>
          %swap3A_1489 = vector.shape_cast %mul3A_1484 : vector<16xf32> to vector<1x16xf32>
          tpu.vector_store %arg12[%swap3A_1485, %swap3A_1486], %swap3A_1489 {strides = array<i32>} : memref<128x128xf32, #tpu.memory_space<vmem>>, vector<1x16xf32>,
          %slice3A_1490 = vector.extract_strided_slice %get3A_82 {offsets = [15], sizes = [1], strides = [1]} : vector<16xf32> to vector<1xf32>
          %squeeze3A_1491 = vector.extract %slice3A_1490[0] : f32 from vector<1xf32>
          %mul3A_1492 = arith.constant 16 : i32
          %mul3A_1493 = arith.muli %scan3A_77, %mul3A_1492 : i32
          %add3A_1494 = arith.constant 15 : i32
          %add3A_1495 = arith.addi %mul3A_1493, %add3A_1494 : i32
          %get3A_1496 = arith.index_cast %add3A_1495 : i32 to index
          %get3A_1497 = arith.constant 0 : index
          %get3A_1498 = tpu.vector_load %arg12[%get3A_1496, %get3A_1497] {strides = array<i32>} : memref<128x128xf32, #tpu.memory_space<vmem>>, vector<1x16xf32>,
          %get3A_1499 = vector.shape_cast %get3A_1498 : vector<1x16xf32> to vector<16xf32>
          %mul3A_1500 = vector.broadcast %squeeze3A_1491 : f32 to vector<16xf32>
          %mul3A_1501 = arith.mulf %get3A_1499, %mul3A_1500 : vector<16xf32>
          %swap3A_1502 = arith.index_cast %add3A_1495 : i32 to index
          %swap3A_1503 = arith.constant 0 : index
          %swap3A_1504 = tpu.vector_load %arg12[%swap3A_1502, %swap3A_1503] {strides = array<i32>} : memref<128x128xf32, #tpu.memory_space<vmem>>, vector<1x16xf32>,
          %swap3A_1505 = vector.shape_cast %swap3A_1504 : vector<1x16xf32> to vector<16xf32>
          %swap3A_1506 = vector.shape_cast %mul3A_1501 : vector<16xf32> to vector<1x16xf32>
          tpu.vector_store %arg12[%swap3A_1502, %swap3A_1503], %swap3A_1506 {strides = array<i32>} : memref<128x128xf32, #tpu.memory_space<vmem>>, vector<1x16xf32>,
          %get3A_1507 = arith.index_cast %add3A_1495 : i32 to index
          %get3A_1508 = arith.constant 16 : index
          %get3A_1509 = tpu.vector_load %arg12[%get3A_1507, %get3A_1508] {strides = array<i32>} : memref<128x128xf32, #tpu.memory_space<vmem>>, vector<1x16xf32>,
          %get3A_1510 = vector.shape_cast %get3A_1509 : vector<1x16xf32> to vector<16xf32>
          %mul3A_1511 = vector.broadcast %squeeze3A_1491 : f32 to vector<16xf32>
          %mul3A_1512 = arith.mulf %get3A_1510, %mul3A_1511 : vector<16xf32>
          %swap3A_1513 = arith.index_cast %add3A_1495 : i32 to index
          %swap3A_1514 = arith.constant 16 : index
          %swap3A_1515 = tpu.vector_load %arg12[%swap3A_1513, %swap3A_1514] {strides = array<i32>} : memref<128x128xf32, #tpu.memory_space<vmem>>, vector<1x16xf32>,
          %swap3A_1516 = vector.shape_cast %swap3A_1515 : vector<1x16xf32> to vector<16xf32>
          %swap3A_1517 = vector.shape_cast %mul3A_1512 : vector<16xf32> to vector<1x16xf32>
          tpu.vector_store %arg12[%swap3A_1513, %swap3A_1514], %swap3A_1517 {strides = array<i32>} : memref<128x128xf32, #tpu.memory_space<vmem>>, vector<1x16xf32>,
          %get3A_1518 = arith.index_cast %add3A_1495 : i32 to index
          %get3A_1519 = arith.constant 32 : index
          %get3A_1520 = tpu.vector_load %arg12[%get3A_1518, %get3A_1519] {strides = array<i32>} : memref<128x128xf32, #tpu.memory_space<vmem>>, vector<1x16xf32>,
          %get3A_1521 = vector.shape_cast %get3A_1520 : vector<1x16xf32> to vector<16xf32>
          %mul3A_1522 = vector.broadcast %squeeze3A_1491 : f32 to vector<16xf32>
          %mul3A_1523 = arith.mulf %get3A_1521, %mul3A_1522 : vector<16xf32>
          %swap3A_1524 = arith.index_cast %add3A_1495 : i32 to index
          %swap3A_1525 = arith.constant 32 : index
          %swap3A_1526 = tpu.vector_load %arg12[%swap3A_1524, %swap3A_1525] {strides = array<i32>} : memref<128x128xf32, #tpu.memory_space<vmem>>, vector<1x16xf32>,
          %swap3A_1527 = vector.shape_cast %swap3A_1526 : vector<1x16xf32> to vector<16xf32>
          %swap3A_1528 = vector.shape_cast %mul3A_1523 : vector<16xf32> to vector<1x16xf32>
          tpu.vector_store %arg12[%swap3A_1524, %swap3A_1525], %swap3A_1528 {strides = array<i32>} : memref<128x128xf32, #tpu.memory_space<vmem>>, vector<1x16xf32>,
          %get3A_1529 = arith.index_cast %add3A_1495 : i32 to index
          %get3A_1530 = arith.constant 48 : index
          %get3A_1531 = tpu.vector_load %arg12[%get3A_1529, %get3A_1530] {strides = array<i32>} : memref<128x128xf32, #tpu.memory_space<vmem>>, vector<1x16xf32>,
          %get3A_1532 = vector.shape_cast %get3A_1531 : vector<1x16xf32> to vector<16xf32>
          %mul3A_1533 = vector.broadcast %squeeze3A_1491 : f32 to vector<16xf32>
          %mul3A_1534 = arith.mulf %get3A_1532, %mul3A_1533 : vector<16xf32>
          %swap3A_1535 = arith.index_cast %add3A_1495 : i32 to index
          %swap3A_1536 = arith.constant 48 : index
          %swap3A_1537 = tpu.vector_load %arg12[%swap3A_1535, %swap3A_1536] {strides = array<i32>} : memref<128x128xf32, #tpu.memory_space<vmem>>, vector<1x16xf32>,
          %swap3A_1538 = vector.shape_cast %swap3A_1537 : vector<1x16xf32> to vector<16xf32>
          %swap3A_1539 = vector.shape_cast %mul3A_1534 : vector<16xf32> to vector<1x16xf32>
          tpu.vector_store %arg12[%swap3A_1535, %swap3A_1536], %swap3A_1539 {strides = array<i32>} : memref<128x128xf32, #tpu.memory_space<vmem>>, vector<1x16xf32>,
          %get3A_1540 = arith.index_cast %add3A_1495 : i32 to index
          %get3A_1541 = arith.constant 64 : index
          %get3A_1542 = tpu.vector_load %arg12[%get3A_1540, %get3A_1541] {strides = array<i32>} : memref<128x128xf32, #tpu.memory_space<vmem>>, vector<1x16xf32>,
          %get3A_1543 = vector.shape_cast %get3A_1542 : vector<1x16xf32> to vector<16xf32>
          %mul3A_1544 = vector.broadcast %squeeze3A_1491 : f32 to vector<16xf32>
          %mul3A_1545 = arith.mulf %get3A_1543, %mul3A_1544 : vector<16xf32>
          %swap3A_1546 = arith.index_cast %add3A_1495 : i32 to index
          %swap3A_1547 = arith.constant 64 : index
          %swap3A_1548 = tpu.vector_load %arg12[%swap3A_1546, %swap3A_1547] {strides = array<i32>} : memref<128x128xf32, #tpu.memory_space<vmem>>, vector<1x16xf32>,
          %swap3A_1549 = vector.shape_cast %swap3A_1548 : vector<1x16xf32> to vector<16xf32>
          %swap3A_1550 = vector.shape_cast %mul3A_1545 : vector<16xf32> to vector<1x16xf32>
          tpu.vector_store %arg12[%swap3A_1546, %swap3A_1547], %swap3A_1550 {strides = array<i32>} : memref<128x128xf32, #tpu.memory_space<vmem>>, vector<1x16xf32>,
          %get3A_1551 = arith.index_cast %add3A_1495 : i32 to index
          %get3A_1552 = arith.constant 80 : index
          %get3A_1553 = tpu.vector_load %arg12[%get3A_1551, %get3A_1552] {strides = array<i32>} : memref<128x128xf32, #tpu.memory_space<vmem>>, vector<1x16xf32>,
          %get3A_1554 = vector.shape_cast %get3A_1553 : vector<1x16xf32> to vector<16xf32>
          %mul3A_1555 = vector.broadcast %squeeze3A_1491 : f32 to vector<16xf32>
          %mul3A_1556 = arith.mulf %get3A_1554, %mul3A_1555 : vector<16xf32>
          %swap3A_1557 = arith.index_cast %add3A_1495 : i32 to index
          %swap3A_1558 = arith.constant 80 : index
          %swap3A_1559 = tpu.vector_load %arg12[%swap3A_1557, %swap3A_1558] {strides = array<i32>} : memref<128x128xf32, #tpu.memory_space<vmem>>, vector<1x16xf32>,
          %swap3A_1560 = vector.shape_cast %swap3A_1559 : vector<1x16xf32> to vector<16xf32>
          %swap3A_1561 = vector.shape_cast %mul3A_1556 : vector<16xf32> to vector<1x16xf32>
          tpu.vector_store %arg12[%swap3A_1557, %swap3A_1558], %swap3A_1561 {strides = array<i32>} : memref<128x128xf32, #tpu.memory_space<vmem>>, vector<1x16xf32>,
          %get3A_1562 = arith.index_cast %add3A_1495 : i32 to index
          %get3A_1563 = arith.constant 96 : index
          %get3A_1564 = tpu.vector_load %arg12[%get3A_1562, %get3A_1563] {strides = array<i32>} : memref<128x128xf32, #tpu.memory_space<vmem>>, vector<1x16xf32>,
          %get3A_1565 = vector.shape_cast %get3A_1564 : vector<1x16xf32> to vector<16xf32>
          %mul3A_1566 = vector.broadcast %squeeze3A_1491 : f32 to vector<16xf32>
          %mul3A_1567 = arith.mulf %get3A_1565, %mul3A_1566 : vector<16xf32>
          %swap3A_1568 = arith.index_cast %add3A_1495 : i32 to index
          %swap3A_1569 = arith.constant 96 : index
          %swap3A_1570 = tpu.vector_load %arg12[%swap3A_1568, %swap3A_1569] {strides = array<i32>} : memref<128x128xf32, #tpu.memory_space<vmem>>, vector<1x16xf32>,
          %swap3A_1571 = vector.shape_cast %swap3A_1570 : vector<1x16xf32> to vector<16xf32>
          %swap3A_1572 = vector.shape_cast %mul3A_1567 : vector<16xf32> to vector<1x16xf32>
          tpu.vector_store %arg12[%swap3A_1568, %swap3A_1569], %swap3A_1572 {strides = array<i32>} : memref<128x128xf32, #tpu.memory_space<vmem>>, vector<1x16xf32>,
          %get3A_1573 = arith.index_cast %add3A_1495 : i32 to index
          %get3A_1574 = arith.constant 112 : index
          %get3A_1575 = tpu.vector_load %arg12[%get3A_1573, %get3A_1574] {strides = array<i32>} : memref<128x128xf32, #tpu.memory_space<vmem>>, vector<1x16xf32>,
          %get3A_1576 = vector.shape_cast %get3A_1575 : vector<1x16xf32> to vector<16xf32>
          %mul3A_1577 = vector.broadcast %squeeze3A_1491 : f32 to vector<16xf32>
          %mul3A_1578 = arith.mulf %get3A_1576, %mul3A_1577 : vector<16xf32>
          %swap3A_1579 = arith.index_cast %add3A_1495 : i32 to index
          %swap3A_1580 = arith.constant 112 : index
          %swap3A_1581 = tpu.vector_load %arg12[%swap3A_1579, %swap3A_1580] {strides = array<i32>} : memref<128x128xf32, #tpu.memory_space<vmem>>, vector<1x16xf32>,
          %swap3A_1582 = vector.shape_cast %swap3A_1581 : vector<1x16xf32> to vector<16xf32>
          %swap3A_1583 = vector.shape_cast %mul3A_1578 : vector<16xf32> to vector<1x16xf32>
          tpu.vector_store %arg12[%swap3A_1579, %swap3A_1580], %swap3A_1583 {strides = array<i32>} : memref<128x128xf32, #tpu.memory_space<vmem>>, vector<1x16xf32>,
        }
        %scan3A_69 = arith.constant 8 : i32
        "tpu.region"() ({
          %run_scoped3A = tpu.sem_alloc : memref<!tpu.dma_semaphore, #tpu.memory_space<semaphore_mem>>
          %dma_start3A_77 = arith.constant 0 : i32
          %dma_start3A_78 = tpu.memref_slice %arg9[%add3A_57, %dma_start3A_77] : memref<40x128xi32, #tpu.memory_space<vmem>> -> memref<1x128xi32, #tpu.memory_space<vmem>>
          %dma_start3A_79 = tpu.memref_squeeze %dma_start3A_78 : memref<1x128xi32, #tpu.memory_space<vmem>> -> memref<128xi32, #tpu.memory_space<vmem>>
          %dma_start3A_80 = arith.constant 0 : i32
          %dma_start3A_81 = arith.constant 0 : i32
          %dma_start3A_82 = tpu.memref_slice %arg13[%dma_start3A_80, %dma_start3A_81] : memref<10112x128xf32, #tpu.memory_space<vmem_shared>> -> memref<10112x128xf32, #tpu.memory_space<vmem_shared>>
          tpu.enqueue_indirect_dma source(%arg12 : memref<128x128xf32, #tpu.memory_space<vmem>>) target(%dma_start3A_82 : memref<10112x128xf32, #tpu.memory_space<vmem_shared>>) offsets(%dma_start3A_79 : memref<128xi32, #tpu.memory_space<vmem>>) semaphore(%run_scoped3A : memref<!tpu.dma_semaphore, #tpu.memory_space<semaphore_mem>>) {add = true}
          %dma_wait3A_83 = arith.constant 0 : i32
          %dma_wait3A_84 = tpu.memref_slice %arg9[%add3A_57, %dma_wait3A_83] : memref<40x128xi32, #tpu.memory_space<vmem>> -> memref<1x128xi32, #tpu.memory_space<vmem>>
          %dma_wait3A_85 = tpu.memref_squeeze %dma_wait3A_84 : memref<1x128xi32, #tpu.memory_space<vmem>> -> memref<128xi32, #tpu.memory_space<vmem>>
          %dma_wait3A_86 = arith.constant 0 : i32
          %dma_wait3A_87 = arith.constant 0 : i32
          %dma_wait3A_88 = tpu.memref_slice %arg13[%dma_wait3A_86, %dma_wait3A_87] : memref<10112x128xf32, #tpu.memory_space<vmem_shared>> -> memref<10112x128xf32, #tpu.memory_space<vmem_shared>>
          tpu.wait_indirect_dma semaphore(%run_scoped3A : memref<!tpu.dma_semaphore, #tpu.memory_space<semaphore_mem>>) src(%arg12 : memref<128x128xf32, #tpu.memory_space<vmem>>) dst(%dma_wait3A_88 : memref<10112x128xf32, #tpu.memory_space<vmem_shared>>)
          tpu.yield
        }) : () -> ()
        %add3A_70 = arith.constant 2 : i32
        %add3A_71 = arith.addi %add3A_57, %add3A_70 : i32
        %lt3A_72 = arith.constant 40 : i32
        %lt3A_73 = arith.cmpi slt, %add3A_71, %lt3A_72 : i32
        %convert_element_type3A_74 = arith.extui %lt3A_73 : i1 to i32
        %cond3A_75 = arith.constant 0 : i32
        %cond3A_76 = arith.cmpi ne, %convert_element_type3A_74, %cond3A_75 : i32
        scf.if %cond3A_76 {
          %add3A_77 = arith.constant 2 : i32
          %add3A_78 = arith.addi %add3A_57, %add3A_77 : i32
          %dma_start3A_79 = arith.constant 0 : i32
          %dma_start3A_80 = tpu.memref_slice %arg8[%add3A_78, %dma_start3A_79] : memref<40x128xi32, #tpu.memory_space<vmem>> -> memref<1x128xi32, #tpu.memory_space<vmem>>
          %dma_start3A_81 = tpu.memref_squeeze %dma_start3A_80 : memref<1x128xi32, #tpu.memory_space<vmem>> -> memref<128xi32, #tpu.memory_space<vmem>>
          %dma_start3A_82 = arith.constant 0 : i32
          %dma_start3A_83 = arith.constant 0 : i32
          %dma_start3A_84 = tpu.memref_slice %arg2[%dma_start3A_82, %dma_start3A_83] : memref<10000x128xf32, #tpu.memory_space<hbm>> -> memref<10000x128xf32, #tpu.memory_space<hbm>>
          tpu.enqueue_indirect_dma source(%dma_start3A_84 : memref<10000x128xf32, #tpu.memory_space<hbm>>) target(%arg12 : memref<128x128xf32, #tpu.memory_space<vmem>>) offsets(%dma_start3A_81 : memref<128xi32, #tpu.memory_space<vmem>>) semaphore(%arg15 : memref<!tpu.dma_semaphore, #tpu.memory_space<semaphore_mem>>)
        } else {
        }
      }
      %scan3A_33 = arith.constant 20 : i32
    }
    %scan3A_7 = arith.constant 2 : i32
    %barrier3A_8 = arith.constant 0 : index
    tpu.barrier barrier_id(%barrier3A_8)
    "tpu.region"() ({
      %run_scoped3A = tpu.sem_alloc : memref<!tpu.dma_semaphore, #tpu.memory_space<semaphore_mem>>
      %dma_start3A = arith.constant 0 : i32
      %dma_start3A_9 = tpu.memref_slice %arg7[%arg0, %mul3A_2, %dma_start3A] : memref<2x10112x128xf32, #tpu.memory_space<hbm>> -> memref<1x632x128xf32, #tpu.memory_space<hbm>>
      %dma_start3A_10 = tpu.memref_squeeze %dma_start3A_9 : memref<1x632x128xf32, #tpu.memory_space<hbm>> -> memref<632x128xf32, #tpu.memory_space<hbm>>
      %dma_start3A_11 = arith.constant 0 : i32
      %dma_start3A_12 = tpu.memref_slice %arg13[%mul3A_2, %dma_start3A_11] : memref<10112x128xf32, #tpu.memory_space<vmem_shared>> -> memref<632x128xf32, #tpu.memory_space<vmem_shared>>
      tpu.enqueue_dma source(%dma_start3A_12 : memref<632x128xf32, #tpu.memory_space<vmem_shared>>) target(%dma_start3A_10 : memref<632x128xf32, #tpu.memory_space<hbm>>) target_semaphore(%run_scoped3A : memref<!tpu.dma_semaphore, #tpu.memory_space<semaphore_mem>>)
      %dma_wait3A = arith.constant 0 : i32
      %dma_wait3A_13 = tpu.memref_slice %arg7[%arg0, %mul3A_2, %dma_wait3A] : memref<2x10112x128xf32, #tpu.memory_space<hbm>> -> memref<1x632x128xf32, #tpu.memory_space<hbm>>
      %dma_wait3A_14 = tpu.memref_squeeze %dma_wait3A_13 : memref<1x632x128xf32, #tpu.memory_space<hbm>> -> memref<632x128xf32, #tpu.memory_space<hbm>>
      %dma_wait3A_15 = arith.constant 0 : i32
      %dma_wait3A_16 = tpu.memref_slice %arg13[%mul3A_2, %dma_wait3A_15] : memref<10112x128xf32, #tpu.memory_space<vmem_shared>> -> memref<632x128xf32, #tpu.memory_space<vmem_shared>>
      tpu.wait_dma2 semaphore(%run_scoped3A : memref<!tpu.dma_semaphore, #tpu.memory_space<semaphore_mem>>) src(%dma_wait3A_16 : memref<632x128xf32, #tpu.memory_space<vmem_shared>>) dst(%dma_wait3A_14 : memref<632x128xf32, #tpu.memory_space<hbm>>)
      tpu.yield
    }) : () -> ()
    return
  }
}

module attributes {stable_mosaic.version = 14 : i64} {
  func.func @body(%arg0: i32, %arg1: memref<2x1000x128xf32, #tpu.memory_space<vmem>>, %arg2: memref<128x128xf32, #tpu.memory_space<vmem>>, %arg3: memref<1x128xf32, #tpu.memory_space<vmem>>, %arg4: memref<1000x128xf32, #tpu.memory_space<vmem>>) attributes {dimension_semantics = [#tpu.dimension_semantics<arbitrary>], iteration_bounds = array<i64: 10>, scalar_prefetch = 0 : i64, scratch_operands = 0 : i64, tpu.core_type = #tpu.core_type<tc>, window_params = [{transform_indices = @transform_0, window_bounds = array<i64: 2, 1000, 128>}, {pipeline_mode = #tpu.pipeline_mode<synchronous>, transform_indices = @transform_1, window_bounds = array<i64: 128, 128>}, {pipeline_mode = #tpu.pipeline_mode<synchronous>, transform_indices = @transform_2, window_bounds = array<i64: 1, 128>}, {transform_indices = @transform_3, window_bounds = array<i64: 1000, 128>}]} {
    %get3A = arith.constant 0 : index
    %get3A_0 = arith.constant 0 : index
    %get3A_1 = arith.constant 0 : index
    %get3A_2 = vector.load %arg1[%get3A, %get3A_0, %get3A_1] : memref<2x1000x128xf32, #tpu.memory_space<vmem>>, vector<1x1000x128xf32>
    %get3A_3 = vector.shape_cast %get3A_2 : vector<1x1000x128xf32> to vector<1000x128xf32>
    %get3A_4 = arith.constant 1 : index
    %get3A_5 = arith.constant 0 : index
    %get3A_6 = arith.constant 0 : index
    %get3A_7 = vector.load %arg1[%get3A_4, %get3A_5, %get3A_6] : memref<2x1000x128xf32, #tpu.memory_space<vmem>>, vector<1x1000x128xf32>
    %get3A_8 = vector.shape_cast %get3A_7 : vector<1x1000x128xf32> to vector<1000x128xf32>
    %add3A = arith.addf %get3A_3, %get3A_8 : vector<1000x128xf32>
    %get3A_9 = arith.constant 0 : index
    %get3A_10 = arith.constant 0 : index
    %get3A_11 = vector.load %arg2[%get3A_9, %get3A_10] : memref<128x128xf32, #tpu.memory_space<vmem>>, vector<128x128xf32>
    %dot_general3A = arith.constant dense<0.000000e+00> : vector<1000x128xf32>
    %dot_general3A_12 = tpu.matmul %add3A, %get3A_11, %dot_general3A {dimension_numbers = #tpu.dot_dimension_numbers<[1], [0], [0], [1], [0, 0, 1, 1], [], []>, transpose_lhs_hint = false} : vector<1000x128xf32>, vector<128x128xf32>, vector<1000x128xf32> -> vector<1000x128xf32>
    %get3A_13 = arith.constant 0 : index
    %get3A_14 = arith.constant 0 : index
    %get3A_15 = vector.load %arg3[%get3A_13, %get3A_14] : memref<1x128xf32, #tpu.memory_space<vmem>>, vector<1x128xf32>
    %add3A_16 = vector.broadcast %get3A_15 : vector<1x128xf32> to vector<1000x128xf32>
    %add3A_17 = arith.addf %dot_general3A_12, %add3A_16 : vector<1000x128xf32>
    %swap3A = arith.constant 0 : index
    %swap3A_18 = arith.constant 0 : index
    %swap3A_19 = vector.load %arg4[%swap3A, %swap3A_18] : memref<1000x128xf32, #tpu.memory_space<vmem>>, vector<1000x128xf32>
    tpu.vector_store %arg4[%swap3A, %swap3A_18], %add3A_17 {strides = array<i32>} : memref<1000x128xf32, #tpu.memory_space<vmem>>, vector<1000x128xf32>,
    return
  }
  func.func @transform_0(%arg0: i32) -> (i32, i32, i32) {
    %c0_i32 = arith.constant 0 : i32
    %c0_i32_0 = arith.constant 0 : i32
    %c0_i32_1 = arith.constant 0 : i32
    return %c0_i32, %arg0, %c0_i32_0 : i32, i32, i32
  }
  func.func @transform_1(%arg0: i32) -> (i32, i32) {
    %c0_i32 = arith.constant 0 : i32
    %c0_i32_0 = arith.constant 0 : i32
    %c0_i32_1 = arith.constant 0 : i32
    return %c0_i32, %c0_i32_0 : i32, i32
  }
  func.func @transform_2(%arg0: i32) -> (i32, i32) {
    %c0_i32 = arith.constant 0 : i32
    %c0_i32_0 = arith.constant 0 : i32
    %c0_i32_1 = arith.constant 0 : i32
    return %c0_i32, %c0_i32_0 : i32, i32
  }
  func.func @transform_3(%arg0: i32) -> (i32, i32) {
    %c0_i32 = arith.constant 0 : i32
    %c0_i32_0 = arith.constant 0 : i32
    return %arg0, %c0_i32 : i32, i32
  }
}

</mosaic_0001>

<sc_bundles>
// kernel: kernel.4.cloned.1.call-start
scs
__scs_entry_jumppad:
0x0: {  	(pc) =	sbr.rel $0x88, $3  }
0x1: {  	(tag) =	ssettag $0x0;
	lr =	simm.s32 $0x1  }
0x2: {  	[smem:$0x3F9C] =	sst lr;
	_ =	strace $0xD0000000  }
0x3: {  	_ = 	snop  }
0x4: {  	_ = 	snop  }
0x5: {  	_ = 	snop  }
0x6: {  	_ = 	snop  }
0x7: {  	_ = 	snop  }
__scs_overlays_trampoline_lowered:
0x8: {  	[smem:$0x3FAB] =	sst s0  }
0x9: {  	[smem:$0x3FAC] =	sst s1  }
0xa: {  	[smem:$0x3FAD] =	sst s2  }
0xb: {  	[smem:$0x3FAE] =	sst s3  }
0xc: {  	[smem:$0x3FAF] =	sst s4  }
0xd: {  	[smem:$0x3FB0] =	sst s5  }
0xe: {  	[smem:$0x3FB1] =	sst s6  }
0xf: {  	[smem:$0x3FB2] =	sst s7  }
0x10: {  	[smem:$0x3FB3] =	sst s8  }
0x11: {  	[smem:$0x3FB4] =	sst s9;
	s0 =	simm.s32 @!p0 $0x0  }
0x12: {  	s1 =	sld [smem:$0x3F9A];
	s0 =	simm.s32 @p0 $0x1  }
0x13: {  	[smem:$0x3FB5] =	sst s0;
	s0 =	simm.s32 @!p1 $0x0  }
0x14: {  	s2 =	sld [smem:$0x3F99];
	s0 =	simm.s32 @p1 $0x1  }
0x15: {  	[smem:$0x3FB6] =	sst s0;
	s0 =	simm.s32 @!p2 $0x0  }
0x16: {  	s3 =	sld [smem:$0x3FDB];
	s0 =	simm.s32 @p2 $0x1  }
0x17: {  	s4 =	simm.s32 $0x1BF5;
	[smem:$0x3FB8] =	sst s0  }
0x18: {  	s0 =	sld [smem:$0x3F9B];
	_ =	swait.ge [sflag:s4], $0x0  }
0x19: {  	s7 =	sld [smem:$0x3F9C]  }
0x1a: {  	s8 =	sadd.s32 $0xFFFFE003, lr  }
0x1b: {  	s9 =	sadd.s32 $0xFFFFFEF7, lr;
	s5 =	simm.s32 $0xFFFFFFFF;
	p2 =	slt.u32 s8, $0xFFFFF086  }
0x1c: {  	p1 =	slt.u32 s9, $0xF7A;
	s5 =	simm.s32 @!p2 $0x0  }
0x1d: {  	s5 =	simm.s32 @p1 $0x1;
	p0 =	seq.s32 s7, s2  }
0x1e: {  	s7 =	smul.u32 @!p0 $0xF7A, s2;
	p2 =	seq.s32 @!p0 s5, $0x0  }
0x1f: {  	s9 =	smul.u32 $0xF7A, s1;
	s8 =	simm.s32 @!p0 $0x1BF5;
	p2 =	por !p2, p0  }
0x20: {  	[sflag:s8] =	ssyncset.s32 @!p0 $0xFFFFF086;
	s6 =	sadd.s32 @!p0 s3, s7;
	s7 =	simm.s32 @!p0 $0x108  }
0x21: {  	s3 =	sadd.s32 s3, s9;
	s6 =	sadd.s32 @!p0 $0x88, s6;
	s7 =	simm.s32 @p2 $0x1082  }
0x22: {  	[simem:s7], [sflag:s8] =	dma.local @!p0 [hbm:s6], $0xF7A  }
0x23: {  	s9 =	sor.u32 $0xD0000000, s2;
	s6 =	simm.s32 $0x108;
	_ =	swait.ge @!p0 [sflag:s8], $0x0  }
0x24: {  	s3 =	sadd.s32 $0x88, s3;
	s6 =	simm.s32 @!p1 $0x1082;
	[sflag:s4] =	ssyncset.s32 $0xFFFFF086  }
0x25: {  	[simem:s6], [sflag:s4] =	dma.local [hbm:s3], $0xF7A  }
0x26: {  	[smem:$0x3F9C] =	sst s1;
	(tag) =	ssettag s2;
	_ =	strace s9  }
0x27: {  	s1 =	sld [smem:$0x3FAC]  }
0x28: {  	s2 =	sld [smem:$0x3FAD]  }
0x29: {  	s4 =	sld [smem:$0x3FAF]  }
0x2a: {  	p0 =	seq.s32 s5, $0x0;
	s5 =	sld [smem:$0x3FB0]  }
0x2b: {  	s6 =	sld [smem:$0x3FB1]  }
0x2c: {  	s7 =	sld [smem:$0x3FB2]  }
0x2d: {  	s3 =	simm.s32 $0x108;
	s8 =	sld [smem:$0x3FB3]  }
0x2e: {  	s3 =	simm.s32 @!p0 $0x1082;
	s9 =	sld [smem:$0x3FB4]  }
0x2f: {  	lr =	sadd.s32 s0, s3;
	s0 =	sld [smem:$0x3FAB]  }
0x30: {  	s3 =	sld [smem:$0x3FAE]  }
0x31: {  	[smem:$0x3FB7] =	sst s10  }
0x32: {  	s10 =	sld [smem:$0x3FB5];
	_ =	sdelay $0x3  }
0x33: {  	p0 =	seq.s32 s10, $0x1;
	s10 =	sld [smem:$0x3FB7];
	_ =	sdelay $0x3  }
0x34: {  	[smem:$0x3FB7] =	sst s10  }
0x35: {  	s10 =	sld [smem:$0x3FB6];
	_ =	sdelay $0x3  }
0x36: {  	p1 =	seq.s32 s10, $0x1;
	s10 =	sld [smem:$0x3FB7];
	_ =	sdelay $0x3  }
0x37: {  	[smem:$0x3FB7] =	sst s10  }
0x38: {  	s10 =	sld [smem:$0x3FB8]  }
0x39: {  	_ = 	snop;
	(pc) =	sbr.ind lr, $3  }
0x3a: {  	_ = 	snop  }
0x3b: {  	_ = 	snop  }
0x3c: {  	p2 =	seq.s32 s10, $0x1;
	s10 =	sld [smem:$0x3FB7]  }
0x3d: {  	_ =	shalt  }
0x3e: {  	_ =	shalt  }
0x3f: {  	_ =	shalt  }
0x40: {  	_ =	shalt  }
0x41: {  	_ =	shalt  }
0x42: {  	_ =	shalt  }
0x43: {  	_ =	shalt  }
0x44: {  	_ =	shalt  }
0x45: {  	_ =	shalt  }
0x46: {  	_ =	shalt  }
0x47: {  	_ =	shalt  }
0x48: {  	_ =	shalt  }
0x49: {  	_ =	shalt  }
0x4a: {  	_ =	shalt  }
0x4b: {  	_ =	shalt  }
0x4c: {  	_ =	shalt  }
0x4d: {  	_ =	shalt  }
0x4e: {  	_ =	shalt  }
0x4f: {  	_ =	shalt  }
0x50: {  	_ =	shalt  }
0x51: {  	_ =	shalt  }
0x52: {  	_ =	shalt  }
0x53: {  	_ =	shalt  }
0x54: {  	_ =	shalt  }
0x55: {  	_ =	shalt  }
0x56: {  	_ =	shalt  }
0x57: {  	_ =	shalt  }
0x58: {  	_ =	shalt  }
0x59: {  	_ =	shalt  }
0x5a: {  	_ =	shalt  }
0x5b: {  	_ =	shalt  }
0x5c: {  	_ =	shalt  }
0x5d: {  	_ =	shalt  }
0x5e: {  	_ =	shalt  }
0x5f: {  	_ =	shalt  }
0x60: {  	_ =	shalt  }
0x61: {  	_ =	shalt  }
0x62: {  	_ =	shalt  }
0x63: {  	_ =	shalt  }
0x64: {  	_ =	shalt  }
0x65: {  	_ =	shalt  }
0x66: {  	_ =	shalt  }
0x67: {  	_ =	shalt  }
0x68: {  	_ =	shalt  }
0x69: {  	_ =	shalt  }
0x6a: {  	_ =	shalt  }
0x6b: {  	_ =	shalt  }
0x6c: {  	_ =	shalt  }
0x6d: {  	_ =	shalt  }
0x6e: {  	_ =	shalt  }
0x6f: {  	_ =	shalt  }
0x70: {  	_ =	shalt  }
0x71: {  	_ =	shalt  }
0x72: {  	_ =	shalt  }
0x73: {  	_ =	shalt  }
0x74: {  	_ =	shalt  }
0x75: {  	_ =	shalt  }
0x76: {  	_ =	shalt  }
0x77: {  	_ =	shalt  }
0x78: {  	_ =	shalt  }
0x79: {  	_ =	shalt  }
0x7a: {  	_ =	shalt  }
0x7b: {  	_ =	shalt  }
0x7c: {  	_ =	shalt  }
0x7d: {  	_ =	shalt  }
0x7e: {  	_ =	shalt  }
0x7f: {  	_ =	shalt  }
0x80: {  	_ =	shalt  }
0x81: {  	_ =	shalt  }
0x82: {  	_ =	shalt  }
0x83: {  	_ =	shalt  }
0x84: {  	_ =	shalt  }
0x85: {  	_ =	shalt  }
0x86: {  	_ =	shalt  }
0x87: {  	_ =	shalt  }
.Lfunc_end0:
.L_simem_size_0:
called_computation_lowered:
.L_overlay_start_0:
0x88: {  	s2 =	sld [smem:$0x3FD9]  }
0x89: {  	s3 =	sld [smem:$0x3FFE];
	_ =	sdelay $0x1  }
0x8a: {  	s1 =	srdreg.scid  }
0x8b: {  	s0 =	sand.u32 $0x1, s1  }
0x8c: {  	s17 =	sshll.u32 s0, $0xA;
	s2 =	sadd.s32 s3, s2  }
0x8d: {  	s2 =	sadd.s32 s2, s17  }
0x8e: {  	[smem:$0x3FC3] =	sst s2  }
0x8f: {  	_ = 	snop  }
0x90: {  	s2 =	sld [smem:$0x3FC9]  }
0x91: {  	s18 =	sld [smem:$0x3FD0];
	(tm) =	ssettm $0x1  }
0x92: {  	s4 =	sld [smem:$0x3FFB];
	_ =	sdelay $0x3  }
0x93: {  	_ =	strace s4  }
0x94: {  	s4 =	sld [smem:$0x3FFC];
	_ =	sdelay $0x3  }
0x95: {  	_ =	strace s4  }
0x96: {  	s4 =	sld [smem:$0x3FFD];
	_ =	sdelay $0x3  }
0x97: {  	_ =	strace s4  }
0x98: {  	_ =	strace $0x8FFFFFFF  }
0x99: {  	s19 =	sld [smem:$0x3FDB];
	_ =	sdelay $0x1  }
0x9a: {  	s5 =	simm.s32 $_scs_section_size  }
0x9b: {  	s6 =	simm.s32 $_size__tile_overlayer_lowered;
	s7 =	simm.s32 $_tile_overlayer_lowered  }
0x9c: {  	s22 =	simm.s32 $0x1BFF;
	s21 =	sshll.u32 s7, $0x1;
	s4 =	sadd.s32 s5, s19  }
0x9d: {  	s8 =	simm.s32 $0x0;
	s20 =	sshll.u32 s6, $0x1;
	s6 =	sadd.s32 s21, s4  }
0x9e: {  	[timem:s8], [sflag:s22] =	dma.local [hbm:s6], s20  }
0x9f: {  	_ =	swait.ge [sflag:s22], s20  }
0xa0: {  	s5 =	ssub.s32 $0x0, s20;
	[sflag:s22] =	ssyncset.done $0x0  }
0xa1: {  	[sflag:s22] =	ssyncadd.s32 s5;
	_ =	sdelay $0x1  }
0xa2: {  	s23 =	simm.s32 $0x1B8B  }
0xa3: {  	_ =	swait.ge [sflag:s23], $0x1  }
0xa4: {  	[sflag:s23] =	ssyncset.done $0x0  }
0xa5: {  	s25 =	simm.s32 $0x1B8E;
	s24 =	sld [smem:$0x3FFE];
	[sflag:s23] =	ssyncadd.s32 $0xFFFFFFFF  }
0xa6: {  	s26 =	simm.s32 $execute0_lowered;
	[smem:$0x3FD2] =	sst s25  }
0xa7: {  	s6 =	sshll.u32 s26, $0x1;
	_ =	strace $0x80000046;
	[dreg:$0x1] =	wrdreg $0xFFFFFFFF  }
0xa8: {  	s28 =	simm.s32 $_size_execute0_lowered;
	s4 =	sadd.s32 s4, s6;
	[dreg:$0x0] =	wrdreg $0x0  }
0xa9: {  	s6 =	sshll.u32 s28, $0x1;
	[dreg:$0x2] =	wrdreg s4  }
0xaa: {  	[dreg:$0x3] =	wrdreg s6  }
0xab: {  	[dreg:$0x4] =	wrdreg $0xC0  }
0xac: {  	_ =	task [dreg:s8], $0x5FFFF  }
0xad: {  	[dreg:$0x1] =	wrdreg $0xFFFFFFFF  }
0xae: {  	[dreg:$0x0] =	wrdreg $0x60  }
0xaf: {  	[dreg:$0x2] =	wrdreg s2  }
0xb0: {  	[dreg:$0x3] =	wrdreg s24  }
0xb1: {  	[dreg:$0x4] =	wrdreg s18  }
0xb2: {  	[dreg:$0x5] =	wrdreg $0xBC000  }
0xb3: {  	[dreg:$0x6] =	wrdreg $0x9  }
0xb4: {  	_ =	task.clear_ibuf [dreg:s8], $0x7FFFF;
	_ =	strace $0x90000046  }
0xb5: {  	s29 =	simm.s32 $0x9;
	_ =	strace $0x80000048  }
0xb6: {  	_ =	swait.ge [sflag:s29], $0x1  }
0xb7: {  	[sflag:s29] =	ssyncadd.s32 $0xFFFFFFFF  }
0xb8: {  	_ =	strace $0x90000048  }
0xb9: {  	_ =	sfence  }
0xba: {  	s30 =	sld [smem:$0x0];
	_ =	sdelay $0x2  }
0xbb: {  	s31 =	sshll.u32 s1, $0xD;
	s1 =	sshrl.u32 s1, $0x2  }
0xbc: {  	s3 =	sand.u32 $0x4000, s31;
	s1 =	sadd.s32 s1, s30  }
0xbd: {  	s0 =	sor.u32 s3, s0;
	s1 =	sshll.u32 s1, $0x11  }
0xbe: {  	s0 =	sor.u32 s1, s0  }
0xbf: {  	s0 =	sadd.s32 $0x8F2B, s0  }
0xc0: {  	[sflag:s0] =	ssyncadd.remote.s32 $0x1  }
0xc1: {  	_ =	sfence.sel $0xFFFF  }
0xc2: {  	[dreg:$0x0] =	wrdreg $0xFFFFFFFF;
	(pc) =	sbr.abs _section_cstart, $3  }
0xc3: {  	[dreg:$0x1] =	wrdreg $0xFFFFFFFF  }
0xc4: {  	_ =	task.clear_ibuf [dreg:s8], $0x2FFFF;
	_ =	strace $0x9FFFFFFF  }
0xc5: {  	(tm) =	ssettm $0x7FFFFFFF  }
tec
execute0_lowered:
.L_overlay_start_1:
0x0: {  	(tag) =	ssettag $0x1  }
0x1: {  	s1 =	rddreg [dreg:$0x0]  }
0x2: {  	s8 =	rddreg [dreg:$0x1]  }
0x3: {  	s3 =	rddreg [dreg:$0x2]  }
0x4: {  	s4 =	rddreg [dreg:$0x3]  }
0x5: {  	s0 =	rddreg [dreg:$0x4]  }
0x6: {  	s5 =	simm.s32 $0x0;
	s2 =	stileid.u32;
	s6 =	srdreg.scid  }
0x7: {  	s16 =	simm.s32 $0x2800;
	s17 =	simm.s32 $0x80;
	s18 =	simm.s32 $0x3C00  }
0x8: {  	s19 =	simm.s32 $0x7C00;
	s20 =	simm.s32 $0x1;
	s21 =	simm.s32 $0x2  }
0x9: {  	[smem:$0x7FF] =	sst s5;
	s9 =	smul.u32 $0x13C00, s2;
	s10 =	sand.u32 $0x1, s6  }
0xa: {  	s6 =	sadd.s32 $0xA600, s8;
	s7 =	sadd.s32 $0x600, s8;
	s14 =	smul.u32 $0x4F000, s2  }
0xb: {  	s31 =	sshll.u32 s2, $0x6;
	_ =	strace $0x80000047;
	s11 =	smul.u32 $0x13C000, s10  }
0xc: {  	s28 =	ssub.s32 $0x2, s10;
	s29 =	sshll.u32 s10, $0x4;
	s12 =	sshrl.u32 s9, $0x3  }
0xd: {  	s13 =	sshrl.u32 s28, $0x1;
	s10 =	sor.u32 s2, s29;
	s30 =	sshrl.u32 s14, $0x2  }
.Ltmp0:
0xe: {  	s12 =	sadd.s32 s12, s8;
	s9 =	sadd.s32 s9, s11;
	(pc) =	sbr.rel .LBB2_1-.Ltmp0, $4  }
0xf: {  	s13 =	ssub.s32 s28, s13;
	s14 =	sadd.s32 s30, s4;
	s9 =	sshrl.u32 s9, $0x3  }
0x10: {  	s10 =	smul.u32 $0x50, s10;
	s15 =	sadd.s32 s9, s8;
	s8 =	sadd.s32 $0x14600, s12  }
0x11: {  	s9 =	sor.u32 $0x1C03, s31;
	s12 =	smax.u32 s13, $0x1;
	s13 =	sshrl.u32 s14, $0x3  }
0x12: {  	s14 =	simm.s32 $0x3;
	s11 =	sadd.s32 $0x3BE00, s15;
	s15 =	simm.s32 $0x1400  }
.LBB2_10:
0x13: {  	s5 =	sadd.s32 $0x1, s5  }
0x14: {  	p0 =	sne.s32 s5, s12  }
.Ltmp1:
0x15: {  	[bflag:$0x0] =	sbarrier.arrive $0xFFFF;
	(pc) =	sbr.rel @!p0 .LBB2_11-.Ltmp1, $4  }
0x16: {  	[hbm:s11], [sflag:s9] =	dma.local [spmem:s13], $0x2780  }
0x17: {  	_ =	swait.ge [sflag:s14], $0x2780  }
0x18: {  	[sflag:s14] =	ssyncset.done $0x0  }
0x19: {  	[sflag:s14] =	ssyncadd.s32 $0xFFFFD880  }
.LBB2_1:
0x1a: {  	[spmem:s13], [sflag:s9] =	dma.local [hbm:s8], $0x2780  }
.Ltmp2:
0x1b: {  	_ =	swait.ge [sflag:s14], $0x2780;
	(pc) =	sbr.rel .LBB2_2-.Ltmp2, $4  }
0x1c: {  	[sflag:s14] =	ssyncset.done $0x0  }
0x1d: {  	[sflag:s14] =	ssyncadd.s32 $0xFFFFD880  }
0x1e: {  	[bflag:$0x0] =	sbarrier.arrive $0xFFFF  }
0x1f: {  	p1 =	por $0x1, $0x1;
	s22 =	simm.s32 $0x0  }
.LBB2_9:
.Ltmp3:
0x20: {  	(pc) =	sbr.rel @!p0 .LBB2_10-.Ltmp3, $2  }
0x21: {  	_ =	sdelay $0x2  }
0x22: {  	s22 =	simm.s32 $0x28;
	p1 =	por $0x0, $0x0  }
.LBB2_2:
0x23: {  	s22 =	sadd.s32 s10, s22  }
0x24: {  	s23 =	sshll.u32 s22, $0x4  }
0x25: {  	s22 =	simm.s32 $0x0;
	s24 =	sadd.s32 s6, s23  }
0x26: {  	[tilespmem:s22], [sflag:$0x3] =	stream.linear.gather [hbm4b:s24+s22], $0x1400, $0x38;
	[tilespmem:$0x1F800] =	vst v63  }
0x27: {  	_ =	swait.ge [sflag:s14], $0x1400  }
0x28: {  	[sflag:s14] =	ssyncset.done $0x0  }
0x29: {  	s31 =	sadd.s32 s3, s23;
	[sflag:s14] =	ssyncadd.s32 $0xFFFFEC00  }
0x2a: {  	[tilespmem:s15], [sflag:$0x3] =	stream.linear.gather [hbm4b:s31+s22], $0x1400, $0x38;
	[tilespmem:$0x1F800] =	vst v63  }
0x2b: {  	_ =	swait.ge [sflag:s14], $0x1400  }
0x2c: {  	[sflag:s14] =	ssyncset.done $0x0  }
0x2d: {  	s23 =	sadd.s32 s7, s23;
	[sflag:s14] =	ssyncadd.s32 $0xFFFFEC00  }
0x2e: {  	[tilespmem:s16], [sflag:$0x3] =	stream.linear.gather [hbm4b:s23+s22], $0x1400, $0x38;
	[tilespmem:$0x1F800] =	vst v63  }
0x2f: {  	_ =	swait.ge [sflag:s14], $0x1400  }
0x30: {  	[sflag:s14] =	ssyncset.done $0x0  }
0x31: {  	[sflag:s14] =	ssyncadd.s32 $0xFFFFEC00  }
0x32: {  	[tilespmem:s18], [sflag:$0x1] =	stream.indirect.gather [hbm4b:s1+s17], $0x80, s22, s17, $0xb8;
	[tilespmem:$0x1F800] =	vst v63  }
0x33: {  	p0 =	por p1, p1  }
0x34: {  	[tilespmem:s19], [sflag:$0x2] =	stream.indirect.gather [hbm4b:s1+s17], $0x80, s17, s17, $0xb8;
	[tilespmem:$0x1F800] =	vst v63  }
.LBB2_3:
0x35: {  	s24 =	sshll.u32 s22, $0xA  }
0x36: {  	s23 =	sshrl.u32 s24, $0x2  }
0x37: {  	s25 =	sadd.s32 $0x2800, s23  }
0x38: {  	v0 =	vmov s25;
	_ =	sdelay $0x1  }
0x39: {  	_ =	swait.ge [sflag:s20], $0x4000  }
0x3a: {  	s31 =	simm.s32 $0x0;
	[sflag:s20] =	ssyncset.done $0x0  }
0x3b: {  	[sflag:s20] =	ssyncadd.s32 $0xFFFFC000;
	s25 =	sand.u32 $0x3FFFFFF0, s31  }
0x3c: {  	s26 =	simm.s32 $0x0;
	v1 =	vld.idx.msk [tilespmem:v0+s25+$0x0 ss:$0x1], $0xffff  }
0x3d: {  	s25 =	sand.u32 $0x3FFFF800, s26  }
0x3e: {  	v3 =	vld [tilespmem:s25+$0x3C20]  }
0x3f: {  	v4 =	vld [tilespmem:s25+$0x3C30]  }
0x40: {  	v10 =	vld [tilespmem:s25+$0x3C60]  }
0x41: {  	v11 =	vld [tilespmem:s25+$0x3C70];
	v2 =	vbroadcast v1, $0x0  }
0x42: {  	v12 =	vld [tilespmem:s25+$0x3C80]  }
0x43: {  	v13 =	vld [tilespmem:s25+$0x3C90];
	v3 =	vmul.f32 v3, v2  }
0x44: {  	v14 =	vld [tilespmem:s25+$0x3CA0];
	v4 =	vmul.f32 v4, v2  }
0x45: {  	v9 =	vld [tilespmem:s25+$0x3CB0];
	v23 =	vbroadcast v1, $0x1;
	v22 =	vmul.f32 v10, v2;
	[tilespmem:s25+$0x3C20] =	vst v3  }
0x46: {  	v7 =	vld [tilespmem:s25+$0x3CC0];
	v11 =	vmul.f32 v11, v2;
	[tilespmem:s25+$0x3C30] =	vst v4  }
0x47: {  	v8 =	vld [tilespmem:s25+$0x3CD0];
	v12 =	vmul.f32 v12, v23;
	[tilespmem:s25+$0x3C60] =	vst v22  }
0x48: {  	v25 =	vld [tilespmem:s25+$0x3CF0];
	v13 =	vmul.f32 v13, v23;
	[tilespmem:s25+$0x3C70] =	vst v11  }
0x49: {  	v26 =	vld [tilespmem:s25+$0x3D00];
	v14 =	vmul.f32 v14, v23;
	[tilespmem:s25+$0x3C80] =	vst v12  }
0x4a: {  	v27 =	vld [tilespmem:s25+$0x3D10];
	v9 =	vmul.f32 v9, v23;
	[tilespmem:s25+$0x3C90] =	vst v13  }
0x4b: {  	v6 =	vld [tilespmem:s25+$0x4170];
	v7 =	vmul.f32 v7, v23;
	[tilespmem:s25+$0x3CA0] =	vst v14  }
0x4c: {  	v24 =	vld [tilespmem:s25+$0x3CE0];
	v15 =	vbroadcast v1, $0x2;
	v8 =	vmul.f32 v8, v23;
	[tilespmem:s25+$0x3CB0] =	vst v9  }
0x4d: {  	v28 =	vld [tilespmem:s25+$0x3D20];
	v10 =	vmul.f32 v25, v23;
	[tilespmem:s25+$0x3CC0] =	vst v7  }
0x4e: {  	v29 =	vld [tilespmem:s25+$0x3D30];
	v5 =	vbroadcast v1, $0xA;
	v32 =	vmul.f32 v26, v15;
	[tilespmem:s25+$0x3CD0] =	vst v8  }
0x4f: {  	v30 =	vld [tilespmem:s25+$0x3D40];
	v34 =	vmul.f32 v27, v15;
	[tilespmem:s25+$0x3CF0] =	vst v10  }
0x50: {  	v33 =	vld [tilespmem:s25+$0x3D60];
	v3 =	vmul.f32 v6, v5;
	[tilespmem:s25+$0x3D00] =	vst v32  }
0x51: {  	v35 =	vld [tilespmem:s25+$0x3D70];
	v11 =	vmul.f32 v24, v23;
	[tilespmem:s25+$0x3D10] =	vst v34  }
0x52: {  	v36 =	vld [tilespmem:s25+$0x3D80];
	v9 =	vmul.f32 v28, v15;
	[tilespmem:s25+$0x4170] =	vst v3  }
0x53: {  	v31 =	vld [tilespmem:s25+$0x3D50];
	v7 =	vmul.f32 v29, v15;
	[tilespmem:s25+$0x3CE0] =	vst v11  }
0x54: {  	v37 =	vld [tilespmem:s25+$0x3D90];
	v8 =	vmul.f32 v30, v15;
	[tilespmem:s25+$0x3D20] =	vst v9  }
0x55: {  	v38 =	vld [tilespmem:s25+$0x3DA0];
	v41 =	vbroadcast v1, $0x3;
	v10 =	vmul.f32 v33, v15;
	[tilespmem:s25+$0x3D30] =	vst v7  }
0x56: {  	v39 =	vld [tilespmem:s25+$0x3DB0];
	v12 =	vmul.f32 v35, v15;
	[tilespmem:s25+$0x3D40] =	vst v8  }
0x57: {  	v42 =	vld [tilespmem:s25+$0x3DD0];
	v13 =	vmul.f32 v36, v41;
	[tilespmem:s25+$0x3D60] =	vst v10  }
0x58: {  	v43 =	vld [tilespmem:s25+$0x3DE0];
	v11 =	vmul.f32 v31, v15;
	[tilespmem:s25+$0x3D70] =	vst v12  }
0x59: {  	v44 =	vld [tilespmem:s25+$0x3DF0];
	v9 =	vmul.f32 v37, v41;
	[tilespmem:s25+$0x3D80] =	vst v13  }
0x5a: {  	v40 =	vld [tilespmem:s25+$0x3DC0];
	v7 =	vmul.f32 v38, v41;
	[tilespmem:s25+$0x3D50] =	vst v11  }
0x5b: {  	v45 =	vld [tilespmem:s25+$0x3E00];
	v8 =	vmul.f32 v39, v41;
	[tilespmem:s25+$0x3D90] =	vst v9  }
0x5c: {  	v46 =	vld [tilespmem:s25+$0x3E10];
	v10 =	vmul.f32 v42, v41;
	[tilespmem:s25+$0x3DA0] =	vst v7  }
0x5d: {  	v47 =	vld [tilespmem:s25+$0x3E20];
	v12 =	vmul.f32 v43, v41;
	[tilespmem:s25+$0x3DB0] =	vst v8  }
0x5e: {  	v49 =	vld [tilespmem:s25+$0x3E40];
	v50 =	vbroadcast v1, $0x4;
	v13 =	vmul.f32 v44, v41;
	[tilespmem:s25+$0x3DD0] =	vst v10  }
0x5f: {  	v51 =	vld [tilespmem:s25+$0x3E50];
	v11 =	vmul.f32 v40, v41;
	[tilespmem:s25+$0x3DE0] =	vst v12  }
0x60: {  	v52 =	vld [tilespmem:s25+$0x3E60];
	v9 =	vmul.f32 v45, v50;
	[tilespmem:s25+$0x3DF0] =	vst v13  }
0x61: {  	v48 =	vld [tilespmem:s25+$0x3E30];
	v7 =	vmul.f32 v46, v50;
	[tilespmem:s25+$0x3DC0] =	vst v11  }
0x62: {  	v53 =	vld [tilespmem:s25+$0x3E70];
	v8 =	vmul.f32 v47, v50;
	[tilespmem:s25+$0x3E00] =	vst v9  }
0x63: {  	v54 =	vld [tilespmem:s25+$0x3E80];
	v10 =	vmul.f32 v49, v50;
	[tilespmem:s25+$0x3E10] =	vst v7  }
0x64: {  	v55 =	vld [tilespmem:s25+$0x3E90];
	v12 =	vmul.f32 v51, v50;
	[tilespmem:s25+$0x3E20] =	vst v8  }
0x65: {  	v57 =	vld [tilespmem:s25+$0x3EB0];
	v13 =	vmul.f32 v52, v50;
	[tilespmem:s25+$0x3E40] =	vst v10  }
0x66: {  	v58 =	vld [tilespmem:s25+$0x3EC0];
	v59 =	vbroadcast v1, $0x5;
	v11 =	vmul.f32 v48, v50;
	[tilespmem:s25+$0x3E50] =	vst v12  }
0x67: {  	v60 =	vld [tilespmem:s25+$0x3ED0];
	v9 =	vmul.f32 v53, v50;
	[tilespmem:s25+$0x3E60] =	vst v13  }
0x68: {  	v56 =	vld [tilespmem:s25+$0x3EA0];
	v7 =	vmul.f32 v54, v59;
	[tilespmem:s25+$0x3E30] =	vst v11  }
0x69: {  	v61 =	vld [tilespmem:s25+$0x3EE0];
	v8 =	vmul.f32 v55, v59;
	[tilespmem:s25+$0x3E70] =	vst v9  }
0x6a: {  	v62 =	vld [tilespmem:s25+$0x3EF0];
	v10 =	vmul.f32 v57, v59;
	[tilespmem:s25+$0x3E80] =	vst v7  }
0x6b: {  	v63 =	vld [tilespmem:s25+$0x3F00];
	v12 =	vmul.f32 v58, v59;
	[tilespmem:s25+$0x3E90] =	vst v8  }
0x6c: {  	v19 =	vld [tilespmem:s25+$0x3F20];
	v13 =	vmul.f32 v60, v59;
	[tilespmem:s25+$0x3EB0] =	vst v10  }
0x6d: {  	v20 =	vld [tilespmem:s25+$0x3F30];
	v11 =	vmul.f32 v56, v59;
	[tilespmem:s25+$0x3EC0] =	vst v12  }
0x6e: {  	v21 =	vld [tilespmem:s25+$0x3F40];
	v22 =	vbroadcast v1, $0x6;
	v9 =	vmul.f32 v61, v59;
	[tilespmem:s25+$0x3ED0] =	vst v13  }
0x6f: {  	v18 =	vld [tilespmem:s25+$0x3F10];
	v7 =	vmul.f32 v62, v59;
	[tilespmem:s25+$0x3EA0] =	vst v11  }
0x70: {  	v23 =	vld [tilespmem:s25+$0x3F50];
	v8 =	vmul.f32 v63, v22;
	[tilespmem:s25+$0x3EE0] =	vst v9  }
0x71: {  	v24 =	vld [tilespmem:s25+$0x3F60];
	v10 =	vmul.f32 v19, v22;
	[tilespmem:s25+$0x3EF0] =	vst v7  }
0x72: {  	v25 =	vld [tilespmem:s25+$0x3F70];
	v12 =	vmul.f32 v20, v22;
	[tilespmem:s25+$0x3F00] =	vst v8  }
0x73: {  	v27 =	vld [tilespmem:s25+$0x3F90];
	v13 =	vmul.f32 v21, v22;
	[tilespmem:s25+$0x3F20] =	vst v10  }
0x74: {  	v28 =	vld [tilespmem:s25+$0x3FA0];
	v11 =	vmul.f32 v18, v22;
	[tilespmem:s25+$0x3F30] =	vst v12  }
0x75: {  	v29 =	vld [tilespmem:s25+$0x3FB0];
	v9 =	vmul.f32 v23, v22;
	[tilespmem:s25+$0x3F40] =	vst v13  }
0x76: {  	v31 =	vbroadcast v1, $0x7;
	v53 =	vld [tilespmem:s25+$0x4100];
	v7 =	vmul.f32 v24, v22;
	[tilespmem:s25+$0x3F10] =	vst v11  }
0x77: {  	v57 =	vld [tilespmem:s25+$0x4140];
	v8 =	vmul.f32 v25, v22;
	[tilespmem:s25+$0x3F50] =	vst v9  }
0x78: {  	v58 =	vld [tilespmem:s25+$0x4150];
	v10 =	vmul.f32 v27, v31;
	[tilespmem:s25+$0x3F60] =	vst v7  }
0x79: {  	v26 =	vld [tilespmem:s25+$0x3F80];
	v12 =	vmul.f32 v28, v31;
	[tilespmem:s25+$0x3F70] =	vst v8  }
0x7a: {  	v30 =	vld [tilespmem:s25+$0x3FC0];
	v13 =	vmul.f32 v29, v31;
	[tilespmem:s25+$0x3F90] =	vst v10  }
0x7b: {  	v32 =	vld [tilespmem:s25+$0x3FD0];
	v59 =	vmul.f32 v53, v5;
	[tilespmem:s25+$0x3FA0] =	vst v12  }
0x7c: {  	v33 =	vld [tilespmem:s25+$0x3FE0];
	v18 =	vmul.f32 v57, v5;
	[tilespmem:s25+$0x3FB0] =	vst v13  }
0x7d: {  	v35 =	vld [tilespmem:s25+$0x4000];
	v20 =	vmul.f32 v58, v5;
	[tilespmem:s25+$0x4100] =	vst v59  }
0x7e: {  	v36 =	vld [tilespmem:s25+$0x4010];
	v11 =	vmul.f32 v26, v31;
	[tilespmem:s25+$0x4140] =	vst v18  }
0x7f: {  	v37 =	vld [tilespmem:s25+$0x4020];
	v9 =	vmul.f32 v30, v31;
	[tilespmem:s25+$0x4150] =	vst v20  }
0x80: {  	v4 =	vld [tilespmem:s25+$0x4180];
	v40 =	vbroadcast v1, $0x8;
	v7 =	vmul.f32 v32, v31;
	[tilespmem:s25+$0x3F80] =	vst v11  }
0x81: {  	v6 =	vld [tilespmem:s25+$0x4190];
	v8 =	vmul.f32 v33, v31;
	[tilespmem:s25+$0x3FC0] =	vst v9  }
0x82: {  	v3 =	vld [tilespmem:s25+$0x43D0];
	v10 =	vmul.f32 v35, v40;
	[tilespmem:s25+$0x3FD0] =	vst v7  }
0x83: {  	v61 =	vld [tilespmem:s25+$0x3C00];
	v23 =	vbroadcast v1, $0xB;
	v12 =	vmul.f32 v36, v40;
	[tilespmem:s25+$0x3FE0] =	vst v8  }
0x84: {  	v34 =	vld [tilespmem:s25+$0x3FF0];
	v13 =	vmul.f32 v37, v40;
	[tilespmem:s25+$0x4000] =	vst v10  }
0x85: {  	v38 =	vld [tilespmem:s25+$0x4030];
	v27 =	vbroadcast v1, $0xF;
	v4 =	vmul.f32 v4, v23;
	[tilespmem:s25+$0x4010] =	vst v12  }
0x86: {  	v39 =	vld [tilespmem:s25+$0x4040];
	v6 =	vmul.f32 v6, v23;
	[tilespmem:s25+$0x4020] =	vst v13  }
0x87: {  	v41 =	vld [tilespmem:s25+$0x4050];
	v3 =	vmul.f32 v3, v27;
	[tilespmem:s25+$0x4180] =	vst v4  }
0x88: {  	v43 =	vld [tilespmem:s25+$0x4070];
	v24 =	vmul.f32 v2, v61;
	[tilespmem:s25+$0x4190] =	vst v6  }
0x89: {  	v44 =	vld [tilespmem:s25+$0x4080];
	v11 =	vmul.f32 v34, v31;
	[tilespmem:s25+$0x43D0] =	vst v3  }
0x8a: {  	v45 =	vld [tilespmem:s25+$0x4090];
	v9 =	vmul.f32 v38, v40;
	[tilespmem:s25+$0x3C00] =	vst v24  }
0x8b: {  	v63 =	vld [tilespmem:s25+$0x3C40];
	v7 =	vmul.f32 v39, v40;
	[tilespmem:s25+$0x3FF0] =	vst v11  }
0x8c: {  	v49 =	vbroadcast v1, $0x9;
	v29 =	vld [tilespmem:s25+$0x41F0];
	v8 =	vmul.f32 v41, v40;
	[tilespmem:s25+$0x4030] =	vst v9  }
0x8d: {  	v42 =	vld [tilespmem:s25+$0x4060];
	v10 =	vmul.f32 v43, v40;
	[tilespmem:s25+$0x4040] =	vst v7  }
0x8e: {  	v46 =	vld [tilespmem:s25+$0x40A0];
	v12 =	vmul.f32 v44, v49;
	[tilespmem:s25+$0x4050] =	vst v8  }
0x8f: {  	v47 =	vld [tilespmem:s25+$0x40B0];
	v13 =	vmul.f32 v45, v49;
	[tilespmem:s25+$0x4070] =	vst v10  }
0x90: {  	v48 =	vld [tilespmem:s25+$0x40C0];
	v3 =	vmul.f32 v63, v2;
	[tilespmem:s25+$0x4080] =	vst v12  }
0x91: {  	v51 =	vld [tilespmem:s25+$0x40E0];
	v6 =	vmul.f32 v29, v23;
	[tilespmem:s25+$0x4090] =	vst v13  }
0x92: {  	v52 =	vld [tilespmem:s25+$0x40F0];
	v11 =	vmul.f32 v42, v40;
	[tilespmem:s25+$0x3C40] =	vst v3  }
0x93: {  	v28 =	vld [tilespmem:s25+$0x41E0];
	v9 =	vmul.f32 v46, v49;
	[tilespmem:s25+$0x41F0] =	vst v6  }
0x94: {  	v26 =	vld [tilespmem:s25+$0x41D0];
	v7 =	vmul.f32 v47, v49;
	[tilespmem:s25+$0x4060] =	vst v11  }
0x95: {  	v30 =	vld [tilespmem:s25+$0x4200];
	v8 =	vmul.f32 v48, v49;
	[tilespmem:s25+$0x40A0] =	vst v9  }
0x96: {  	v50 =	vld [tilespmem:s25+$0x40D0];
	v10 =	vmul.f32 v51, v49;
	[tilespmem:s25+$0x40B0] =	vst v7  }
0x97: {  	v54 =	vld [tilespmem:s25+$0x4110];
	v12 =	vmul.f32 v52, v49;
	[tilespmem:s25+$0x40C0] =	vst v8  }
0x98: {  	v55 =	vld [tilespmem:s25+$0x4120];
	v35 =	vbroadcast v1, $0xC;
	v40 =	vmul.f32 v28, v23;
	[tilespmem:s25+$0x40E0] =	vst v10  }
0x99: {  	v56 =	vld [tilespmem:s25+$0x4130];
	v32 =	vmul.f32 v26, v23;
	[tilespmem:s25+$0x40F0] =	vst v12  }
0x9a: {  	v60 =	vld [tilespmem:s25+$0x4160];
	v15 =	vmul.f32 v30, v35;
	[tilespmem:s25+$0x41E0] =	vst v40  }
0x9b: {  	v62 =	vld [tilespmem:s25+$0x3C10];
	v11 =	vmul.f32 v50, v49;
	[tilespmem:s25+$0x41D0] =	vst v32  }
0x9c: {  	v19 =	vld [tilespmem:s25+$0x3C50];
	v9 =	vmul.f32 v54, v5;
	[tilespmem:s25+$0x4200] =	vst v15  }
0x9d: {  	v33 =	vld [tilespmem:s25+$0x4230];
	v7 =	vmul.f32 v55, v5;
	[tilespmem:s25+$0x40D0] =	vst v11  }
0x9e: {  	v61 =	vld [tilespmem:s25+$0x43F0];
	v8 =	vmul.f32 v56, v5;
	[tilespmem:s25+$0x4110] =	vst v9  }
0x9f: {  	v38 =	vld [tilespmem:s25+$0x4270];
	v5 =	vmul.f32 v60, v5;
	[tilespmem:s25+$0x4120] =	vst v7  }
0xa0: {  	v21 =	vld [tilespmem:s25+$0x41A0];
	v12 =	vmul.f32 v62, v2;
	[tilespmem:s25+$0x4130] =	vst v8  }
0xa1: {  	v22 =	vld [tilespmem:s25+$0x41B0];
	v2 =	vmul.f32 v19, v2;
	[tilespmem:s25+$0x4160] =	vst v5  }
0xa2: {  	v25 =	vld [tilespmem:s25+$0x41C0];
	v62 =	vmul.f32 v33, v35;
	[tilespmem:s25+$0x3C10] =	vst v12  }
0xa3: {  	v31 =	vld [tilespmem:s25+$0x4210];
	v63 =	vmul.f32 v61, v27;
	[tilespmem:s25+$0x3C50] =	vst v2  }
0xa4: {  	v34 =	vld [tilespmem:s25+$0x4240];
	v15 =	vmul.f32 v38, v35;
	[tilespmem:s25+$0x4230] =	vst v62  }
0xa5: {  	v41 =	vld [tilespmem:s25+$0x42A0];
	v7 =	vmul.f32 v21, v23;
	[tilespmem:s25+$0x43F0] =	vst v63  }
0xa6: {  	v46 =	vld [tilespmem:s25+$0x42E0];
	v8 =	vmul.f32 v22, v23;
	[tilespmem:s25+$0x4270] =	vst v15  }
0xa7: {  	v36 =	vld [tilespmem:s25+$0x4250];
	v5 =	vmul.f32 v25, v23;
	[tilespmem:s25+$0x41A0] =	vst v7  }
0xa8: {  	v44 =	vbroadcast v1, $0xD;
	v9 =	vmul.f32 v31, v35;
	v2 =	vld [tilespmem:s25+$0x4290];
	[tilespmem:s25+$0x41B0] =	vst v8  }
0xa9: {  	v37 =	vld [tilespmem:s25+$0x4260];
	v12 =	vmul.f32 v34, v35;
	[tilespmem:s25+$0x41C0] =	vst v5  }
0xaa: {  	v39 =	vld [tilespmem:s25+$0x4280];
	v11 =	vmul.f32 v41, v44;
	[tilespmem:s25+$0x4210] =	vst v9  }
0xab: {  	v42 =	vld [tilespmem:s25+$0x42B0];
	v51 =	vmul.f32 v46, v44;
	[tilespmem:s25+$0x4240] =	vst v12  }
0xac: {  	v48 =	vld [tilespmem:s25+$0x4310];
	v8 =	vmul.f32 v36, v35;
	[tilespmem:s25+$0x42A0] =	vst v11  }
0xad: {  	v49 =	vld [tilespmem:s25+$0x4320];
	[tilespmem:s25+$0x42E0] =	vst v51;
	v2 =	vmul.f32 v2, v44  }
0xae: {  	v50 =	vld [tilespmem:s25+$0x4330];
	v5 =	vmul.f32 v37, v35;
	[tilespmem:s25+$0x4250] =	vst v8  }
0xaf: {  	v1 =	vbroadcast v1, $0xE;
	v9 =	vmul.f32 v39, v44;
	[tilespmem:s25+$0x4290] =	vst v2;
	v2 =	vld [tilespmem:s25+$0x4300]  }
0xb0: {  	v60 =	vld [tilespmem:s25+$0x43E0];
	v12 =	vmul.f32 v42, v44;
	[tilespmem:s25+$0x4260] =	vst v5  }
0xb1: {  	v45 =	vld [tilespmem:s25+$0x42D0];
	v11 =	vmul.f32 v48, v1;
	[tilespmem:s25+$0x4280] =	vst v9  }
0xb2: {  	v47 =	vld [tilespmem:s25+$0x42F0];
	v10 =	vmul.f32 v49, v1;
	[tilespmem:s25+$0x42B0] =	vst v12  }
0xb3: {  	v43 =	vld [tilespmem:s25+$0x42C0];
	v6 =	vmul.f32 v50, v1;
	[tilespmem:s25+$0x4310] =	vst v11  }
0xb4: {  	v55 =	vld [tilespmem:s25+$0x4380];
	[tilespmem:s25+$0x4320] =	vst v10;
	v2 =	vmul.f32 v2, v1  }
0xb5: {  	v57 =	vld [tilespmem:s25+$0x43A0];
	v4 =	vmul.f32 v60, v27;
	[tilespmem:s25+$0x4330] =	vst v6  }
0xb6: {  	v5 =	vmul.f32 v45, v44;
	[tilespmem:s25+$0x4300] =	vst v2;
	v2 =	vld [tilespmem:s25+$0x4370]  }
0xb7: {  	v52 =	vld [tilespmem:s25+$0x4340];
	v9 =	vmul.f32 v47, v44;
	[tilespmem:s25+$0x43E0] =	vst v4  }
0xb8: {  	v56 =	vld [tilespmem:s25+$0x4390];
	v8 =	vmul.f32 v43, v44;
	[tilespmem:s25+$0x42D0] =	vst v5  }
0xb9: {  	v54 =	vld [tilespmem:s25+$0x4360];
	v11 =	vmul.f32 v55, v27;
	[tilespmem:s25+$0x42F0] =	vst v9  }
0xba: {  	v58 =	vld [tilespmem:s25+$0x43B0];
	v6 =	vmul.f32 v57, v27;
	[tilespmem:s25+$0x42C0] =	vst v8  }
0xbb: {  	v53 =	vld [tilespmem:s25+$0x4350];
	[tilespmem:s25+$0x4380] =	vst v11;
	v2 =	vmul.f32 v2, v1  }
0xbc: {  	v59 =	vld [tilespmem:s25+$0x43C0];
	v5 =	vmul.f32 v52, v1;
	[tilespmem:s25+$0x43A0] =	vst v6  }
0xbd: {  	[tilespmem:s25+$0x4370] =	vst v2;
	v2 =	vmul.f32 v56, v27  }
0xbe: {  	v3 =	vld [tilespmem:s25+$0x4220];
	v9 =	vmul.f32 v54, v1;
	[tilespmem:s25+$0x4340] =	vst v5  }
0xbf: {  	[tilespmem:s25+$0x4390] =	vst v2;
	v2 =	vmul.f32 v58, v27  }
0xc0: {  	[tilespmem:s25+$0x4360] =	vst v9;
	v1 =	vmul.f32 v53, v1  }
0xc1: {  	[tilespmem:s25+$0x43B0] =	vst v2;
	v2 =	vmul.f32 v59, v27  }
0xc2: {  	[tilespmem:s25+$0x4350] =	vst v1  }
0xc3: {  	s26 =	simm.s32 $0x1;
	[tilespmem:s25+$0x43C0] =	vst v2;
	v2 =	vmul.f32 v3, v35  }
.LBB2_4:
0xc4: {  	s28 =	sshll.u32 s26, $0x4  }
0xc5: {  	p1 =	sne.s32 s26, $0x7;
	[tilespmem:s25+$0x4220] =	vst v2;
	s25 =	smov.u32 s26;
	s26 =	sadd.s32 $0x1, s26  }
0xc6: {  	s28 =	sand.u32 $0x3FFFFFF0, s28  }
0xc7: {  	v1 =	vld.idx.msk [tilespmem:v0+s28+$0x0 ss:$0x1], $0xffff  }
0xc8: {  	s25 =	sshll.u32 s25, $0xB  }
0xc9: {  	s25 =	sand.u32 $0x3FFFF800, s25  }
0xca: {  	v8 =	vld [tilespmem:s25+$0x3CC0]  }
0xcb: {  	v9 =	vld [tilespmem:s25+$0x3CD0]  }
0xcc: {  	v10 =	vld [tilespmem:s25+$0x3CB0]  }
0xcd: {  	v2 =	vbroadcast v1, $0x0;
	v7 =	vbroadcast v1, $0x4;
	v3 =	vld [tilespmem:s25+$0x3C20]  }
0xce: {  	v5 =	vld [tilespmem:s25+$0x3C30]  }
0xcf: {  	v6 =	vld [tilespmem:s25+$0x4170]  }
0xd0: {  	v11 =	vld [tilespmem:s25+$0x3C60]  }
0xd1: {  	v12 =	vld [tilespmem:s25+$0x3C70]  }
0xd2: {  	v4 =	vbroadcast v1, $0xA;
	v3 =	vmul.f32 v3, v2;
	v13 =	vld [tilespmem:s25+$0x3C80]  }
0xd3: {  	v5 =	vmul.f32 v5, v2;
	v14 =	vld [tilespmem:s25+$0x3C90]  }
0xd4: {  	[tilespmem:s25+$0x3C20] =	vst v3;
	v15 =	vld [tilespmem:s25+$0x3CA0];
	v3 =	vmul.f32 v6, v4  }
0xd5: {  	[tilespmem:s25+$0x3C30] =	vst v5;
	v6 =	vmul.f32 v11, v2;
	v11 =	vbroadcast v1, $0x1;
	v5 =	vld [tilespmem:s25+$0x4180]  }
0xd6: {  	v12 =	vmul.f32 v12, v2;
	[tilespmem:s25+$0x4170] =	vst v3;
	v3 =	vld [tilespmem:s25+$0x43D0]  }
0xd7: {  	[tilespmem:s25+$0x3C60] =	vst v6;
	v13 =	vmul.f32 v13, v11;
	v6 =	vld [tilespmem:s25+$0x4190]  }
0xd8: {  	[tilespmem:s25+$0x3C70] =	vst v12;
	v12 =	vmul.f32 v14, v11;
	v14 =	vld [tilespmem:s25+$0x3CE0]  }
0xd9: {  	[tilespmem:s25+$0x3C80] =	vst v13;
	v13 =	vmul.f32 v15, v11;
	v15 =	vld [tilespmem:s25+$0x3CF0]  }
0xda: {  	v10 =	vmul.f32 v10, v11;
	[tilespmem:s25+$0x3C90] =	vst v12;
	v12 =	vld [tilespmem:s25+$0x3D00]  }
0xdb: {  	v8 =	vmul.f32 v8, v11;
	[tilespmem:s25+$0x3CA0] =	vst v13;
	v13 =	vld [tilespmem:s25+$0x3D10]  }
0xdc: {  	v9 =	vmul.f32 v9, v11;
	[tilespmem:s25+$0x3CB0] =	vst v10;
	v10 =	vld [tilespmem:s25+$0x3D20]  }
0xdd: {  	[tilespmem:s25+$0x3CC0] =	vst v8;
	v8 =	vmul.f32 v14, v11;
	v14 =	vbroadcast v1, $0x2;
	v16 =	vld [tilespmem:s25+$0x3D30]  }
0xde: {  	[tilespmem:s25+$0x3CD0] =	vst v9;
	v9 =	vmul.f32 v15, v11;
	v11 =	vld [tilespmem:s25+$0x3D40]  }
0xdf: {  	[tilespmem:s25+$0x3CE0] =	vst v8;
	v8 =	vmul.f32 v12, v14;
	v12 =	vld [tilespmem:s25+$0x3D50]  }
0xe0: {  	[tilespmem:s25+$0x3CF0] =	vst v9;
	v9 =	vmul.f32 v13, v14;
	v13 =	vld [tilespmem:s25+$0x3D60]  }
0xe1: {  	[tilespmem:s25+$0x3D00] =	vst v8;
	v8 =	vmul.f32 v10, v14;
	v10 =	vld [tilespmem:s25+$0x3D70]  }
0xe2: {  	[tilespmem:s25+$0x3D10] =	vst v9;
	v9 =	vmul.f32 v16, v14;
	v15 =	vld [tilespmem:s25+$0x3D80]  }
0xe3: {  	[tilespmem:s25+$0x3D20] =	vst v8;
	v8 =	vmul.f32 v11, v14;
	v11 =	vld [tilespmem:s25+$0x3D90]  }
0xe4: {  	[tilespmem:s25+$0x3D30] =	vst v9;
	v9 =	vmul.f32 v12, v14;
	v12 =	vld [tilespmem:s25+$0x3DA0]  }
0xe5: {  	[tilespmem:s25+$0x3D40] =	vst v8;
	v8 =	vmul.f32 v13, v14;
	v13 =	vbroadcast v1, $0x3;
	v16 =	vld [tilespmem:s25+$0x3DB0]  }
0xe6: {  	[tilespmem:s25+$0x3D50] =	vst v9;
	v9 =	vmul.f32 v10, v14;
	v10 =	vld [tilespmem:s25+$0x3DC0]  }
0xe7: {  	[tilespmem:s25+$0x3D60] =	vst v8;
	v8 =	vmul.f32 v15, v13;
	v14 =	vld [tilespmem:s25+$0x3DD0]  }
0xe8: {  	[tilespmem:s25+$0x3D70] =	vst v9;
	v9 =	vmul.f32 v11, v13;
	v11 =	vld [tilespmem:s25+$0x3DE0]  }
0xe9: {  	[tilespmem:s25+$0x3D80] =	vst v8;
	v8 =	vmul.f32 v12, v13;
	v12 =	vld [tilespmem:s25+$0x3DF0]  }
0xea: {  	[tilespmem:s25+$0x3D90] =	vst v9;
	v9 =	vmul.f32 v16, v13;
	v15 =	vld [tilespmem:s25+$0x3E00]  }
0xeb: {  	[tilespmem:s25+$0x3DA0] =	vst v8;
	v8 =	vmul.f32 v10, v13;
	v10 =	vld [tilespmem:s25+$0x3E10]  }
0xec: {  	[tilespmem:s25+$0x3DB0] =	vst v9;
	v9 =	vmul.f32 v14, v13;
	v14 =	vld [tilespmem:s25+$0x3E20]  }
0xed: {  	[tilespmem:s25+$0x3DC0] =	vst v8;
	v8 =	vmul.f32 v11, v13;
	v11 =	vld [tilespmem:s25+$0x3E30]  }
0xee: {  	[tilespmem:s25+$0x3DD0] =	vst v9;
	v9 =	vmul.f32 v12, v13;
	v12 =	vld [tilespmem:s25+$0x3E40]  }
0xef: {  	[tilespmem:s25+$0x3DE0] =	vst v8;
	v8 =	vmul.f32 v15, v7;
	v13 =	vld [tilespmem:s25+$0x3E50]  }
0xf0: {  	[tilespmem:s25+$0x3DF0] =	vst v9;
	v9 =	vmul.f32 v10, v7;
	v10 =	vld [tilespmem:s25+$0x3E60]  }
0xf1: {  	[tilespmem:s25+$0x3E00] =	vst v8;
	v8 =	vmul.f32 v14, v7;
	v14 =	vld [tilespmem:s25+$0x3E70]  }
0xf2: {  	[tilespmem:s25+$0x3E10] =	vst v9;
	v9 =	vmul.f32 v11, v7;
	v11 =	vld [tilespmem:s25+$0x3E80]  }
0xf3: {  	[tilespmem:s25+$0x3E20] =	vst v8;
	v8 =	vmul.f32 v12, v7;
	v12 =	vld [tilespmem:s25+$0x3E90]  }
0xf4: {  	[tilespmem:s25+$0x3E30] =	vst v9;
	v9 =	vmul.f32 v13, v7;
	v13 =	vld [tilespmem:s25+$0x3EA0]  }
0xf5: {  	[tilespmem:s25+$0x3E40] =	vst v8;
	v8 =	vmul.f32 v10, v7;
	v10 =	vbroadcast v1, $0x5;
	v15 =	vld [tilespmem:s25+$0x3EB0]  }
0xf6: {  	[tilespmem:s25+$0x3E50] =	vst v9;
	v7 =	vmul.f32 v14, v7;
	v9 =	vld [tilespmem:s25+$0x3EC0]  }
0xf7: {  	[tilespmem:s25+$0x3E60] =	vst v8;
	v8 =	vmul.f32 v11, v10;
	v11 =	vld [tilespmem:s25+$0x3ED0]  }
0xf8: {  	[tilespmem:s25+$0x3E70] =	vst v7;
	v7 =	vmul.f32 v12, v10;
	v12 =	vld [tilespmem:s25+$0x3EE0]  }
0xf9: {  	[tilespmem:s25+$0x3E80] =	vst v8;
	v8 =	vmul.f32 v13, v10;
	v13 =	vld [tilespmem:s25+$0x3EF0]  }
0xfa: {  	[tilespmem:s25+$0x3E90] =	vst v7;
	v7 =	vmul.f32 v15, v10;
	v14 =	vld [tilespmem:s25+$0x3F00]  }
0xfb: {  	[tilespmem:s25+$0x3EA0] =	vst v8;
	v8 =	vmul.f32 v9, v10;
	v9 =	vld [tilespmem:s25+$0x3F10]  }
0xfc: {  	[tilespmem:s25+$0x3EB0] =	vst v7;
	v7 =	vmul.f32 v11, v10;
	v11 =	vld [tilespmem:s25+$0x3F20]  }
0xfd: {  	[tilespmem:s25+$0x3EC0] =	vst v8;
	v8 =	vmul.f32 v12, v10;
	v12 =	vbroadcast v1, $0x6;
	v15 =	vld [tilespmem:s25+$0x3F30]  }
0xfe: {  	[tilespmem:s25+$0x3ED0] =	vst v7;
	v7 =	vmul.f32 v13, v10;
	v10 =	vld [tilespmem:s25+$0x3F40]  }
0xff: {  	[tilespmem:s25+$0x3EE0] =	vst v8;
	v8 =	vmul.f32 v14, v12;
	v13 =	vld [tilespmem:s25+$0x3F50]  }
0x100: {  	[tilespmem:s25+$0x3EF0] =	vst v7;
	v7 =	vmul.f32 v9, v12;
	v9 =	vld [tilespmem:s25+$0x3F60]  }
0x101: {  	[tilespmem:s25+$0x3F00] =	vst v8;
	v8 =	vmul.f32 v11, v12;
	v11 =	vld [tilespmem:s25+$0x3F70]  }
0x102: {  	[tilespmem:s25+$0x3F10] =	vst v7;
	v7 =	vmul.f32 v15, v12;
	v14 =	vld [tilespmem:s25+$0x3F80]  }
0x103: {  	[tilespmem:s25+$0x3F20] =	vst v8;
	v8 =	vmul.f32 v10, v12;
	v10 =	vld [tilespmem:s25+$0x3F90]  }
0x104: {  	[tilespmem:s25+$0x3F30] =	vst v7;
	v7 =	vmul.f32 v13, v12;
	v13 =	vld [tilespmem:s25+$0x3FA0]  }
0x105: {  	[tilespmem:s25+$0x3F40] =	vst v8;
	v8 =	vmul.f32 v9, v12;
	v9 =	vbroadcast v1, $0x7;
	v15 =	vld [tilespmem:s25+$0x3FB0]  }
0x106: {  	[tilespmem:s25+$0x3F50] =	vst v7;
	v7 =	vmul.f32 v11, v12;
	v11 =	vld [tilespmem:s25+$0x3FC0]  }
0x107: {  	[tilespmem:s25+$0x3F60] =	vst v8;
	v8 =	vmul.f32 v14, v9;
	v12 =	vld [tilespmem:s25+$0x3FD0]  }
0x108: {  	[tilespmem:s25+$0x3F70] =	vst v7;
	v7 =	vmul.f32 v10, v9;
	v10 =	vld [tilespmem:s25+$0x3FE0]  }
0x109: {  	[tilespmem:s25+$0x3F80] =	vst v8;
	v8 =	vmul.f32 v13, v9;
	v13 =	vld [tilespmem:s25+$0x3FF0]  }
0x10a: {  	[tilespmem:s25+$0x3F90] =	vst v7;
	v7 =	vmul.f32 v15, v9;
	v14 =	vld [tilespmem:s25+$0x4000]  }
0x10b: {  	[tilespmem:s25+$0x3FA0] =	vst v8;
	v8 =	vmul.f32 v11, v9;
	v11 =	vld [tilespmem:s25+$0x4010]  }
0x10c: {  	[tilespmem:s25+$0x3FB0] =	vst v7;
	v7 =	vmul.f32 v12, v9;
	v12 =	vld [tilespmem:s25+$0x4020]  }
0x10d: {  	[tilespmem:s25+$0x3FC0] =	vst v8;
	v8 =	vmul.f32 v10, v9;
	v10 =	vbroadcast v1, $0x8;
	v15 =	vld [tilespmem:s25+$0x4030]  }
0x10e: {  	[tilespmem:s25+$0x3FD0] =	vst v7;
	v7 =	vmul.f32 v13, v9;
	v9 =	vld [tilespmem:s25+$0x4040]  }
0x10f: {  	[tilespmem:s25+$0x3FE0] =	vst v8;
	v8 =	vmul.f32 v14, v10;
	v13 =	vld [tilespmem:s25+$0x4050]  }
0x110: {  	[tilespmem:s25+$0x3FF0] =	vst v7;
	v7 =	vmul.f32 v11, v10;
	v11 =	vld [tilespmem:s25+$0x4060]  }
0x111: {  	[tilespmem:s25+$0x4000] =	vst v8;
	v8 =	vmul.f32 v12, v10;
	v12 =	vld [tilespmem:s25+$0x4070]  }
0x112: {  	[tilespmem:s25+$0x4010] =	vst v7;
	v7 =	vmul.f32 v15, v10;
	v14 =	vld [tilespmem:s25+$0x4080]  }
0x113: {  	[tilespmem:s25+$0x4020] =	vst v8;
	v8 =	vmul.f32 v9, v10;
	v9 =	vld [tilespmem:s25+$0x4090]  }
0x114: {  	[tilespmem:s25+$0x4030] =	vst v7;
	v7 =	vmul.f32 v13, v10;
	v13 =	vld [tilespmem:s25+$0x40A0]  }
0x115: {  	[tilespmem:s25+$0x4040] =	vst v8;
	v8 =	vmul.f32 v11, v10;
	v11 =	vbroadcast v1, $0x9;
	v15 =	vld [tilespmem:s25+$0x40B0]  }
0x116: {  	[tilespmem:s25+$0x4050] =	vst v7;
	v7 =	vmul.f32 v12, v10;
	v10 =	vld [tilespmem:s25+$0x40C0]  }
0x117: {  	[tilespmem:s25+$0x4060] =	vst v8;
	v8 =	vmul.f32 v14, v11;
	v12 =	vld [tilespmem:s25+$0x40D0]  }
0x118: {  	[tilespmem:s25+$0x4070] =	vst v7;
	v7 =	vmul.f32 v9, v11;
	v9 =	vld [tilespmem:s25+$0x40E0]  }
0x119: {  	[tilespmem:s25+$0x4080] =	vst v8;
	v8 =	vmul.f32 v13, v11;
	v13 =	vld [tilespmem:s25+$0x40F0]  }
0x11a: {  	[tilespmem:s25+$0x4090] =	vst v7;
	v7 =	vmul.f32 v15, v11;
	v14 =	vld [tilespmem:s25+$0x4100]  }
0x11b: {  	[tilespmem:s25+$0x40A0] =	vst v8;
	v8 =	vmul.f32 v10, v11;
	v10 =	vld [tilespmem:s25+$0x4110]  }
0x11c: {  	[tilespmem:s25+$0x40B0] =	vst v7;
	v7 =	vmul.f32 v12, v11;
	v12 =	vld [tilespmem:s25+$0x4120]  }
0x11d: {  	[tilespmem:s25+$0x40C0] =	vst v8;
	v8 =	vmul.f32 v9, v11;
	v9 =	vld [tilespmem:s25+$0x4130]  }
0x11e: {  	[tilespmem:s25+$0x40D0] =	vst v7;
	v7 =	vmul.f32 v13, v11;
	v11 =	vld [tilespmem:s25+$0x4140]  }
0x11f: {  	[tilespmem:s25+$0x40E0] =	vst v8;
	v8 =	vmul.f32 v14, v4;
	v13 =	vld [tilespmem:s25+$0x4150]  }
0x120: {  	[tilespmem:s25+$0x40F0] =	vst v7;
	v7 =	vmul.f32 v10, v4;
	v10 =	vld [tilespmem:s25+$0x4160]  }
0x121: {  	v14 =	vld [tilespmem:s25+$0x3C00];
	[tilespmem:s25+$0x4100] =	vst v8;
	v8 =	vmul.f32 v12, v4  }
0x122: {  	v12 =	vld [tilespmem:s25+$0x3C10];
	[tilespmem:s25+$0x4110] =	vst v7;
	v7 =	vmul.f32 v9, v4  }
0x123: {  	v9 =	vld [tilespmem:s25+$0x3C40];
	[tilespmem:s25+$0x4120] =	vst v8;
	v8 =	vmul.f32 v11, v4  }
0x124: {  	v11 =	vld [tilespmem:s25+$0x3C50];
	[tilespmem:s25+$0x4130] =	vst v7;
	v7 =	vmul.f32 v13, v4  }
0x125: {  	[tilespmem:s25+$0x4140] =	vst v8;
	v8 =	vmul.f32 v10, v4;
	v10 =	vbroadcast v1, $0xB;
	v13 =	vld [tilespmem:s25+$0x41A0]  }
0x126: {  	v4 =	vbroadcast v1, $0xF;
	v14 =	vmul.f32 v2, v14;
	[tilespmem:s25+$0x4150] =	vst v7;
	v7 =	vld [tilespmem:s25+$0x41B0]  }
0x127: {  	v12 =	vmul.f32 v12, v2;
	[tilespmem:s25+$0x4160] =	vst v8;
	v5 =	vmul.f32 v5, v10;
	v8 =	vld [tilespmem:s25+$0x41C0]  }
0x128: {  	v6 =	vmul.f32 v6, v10;
	[tilespmem:s25+$0x3C00] =	vst v14;
	v9 =	vmul.f32 v9, v2;
	v14 =	vld [tilespmem:s25+$0x41D0]  }
0x129: {  	v3 =	vmul.f32 v3, v4;
	v11 =	vmul.f32 v11, v2;
	[tilespmem:s25+$0x4180] =	vst v5;
	v2 =	vld [tilespmem:s25+$0x41E0]  }
0x12a: {  	[tilespmem:s25+$0x4190] =	vst v6;
	v5 =	vmul.f32 v13, v10;
	v6 =	vld [tilespmem:s25+$0x41F0]  }
0x12b: {  	v7 =	vmul.f32 v7, v10;
	v13 =	vld [tilespmem:s25+$0x4200];
	[tilespmem:s25+$0x43D0] =	vst v3  }
0x12c: {  	[tilespmem:s25+$0x3C10] =	vst v12;
	v3 =	vmul.f32 v8, v10;
	v8 =	vld [tilespmem:s25+$0x4210]  }
0x12d: {  	[tilespmem:s25+$0x3C40] =	vst v9;
	v9 =	vmul.f32 v14, v10;
	v12 =	vld [tilespmem:s25+$0x4220]  }
0x12e: {  	v14 =	vbroadcast v1, $0xC;
	[tilespmem:s25+$0x41A0] =	vst v5;
	v5 =	vmul.f32 v2, v10;
	v15 =	vld [tilespmem:s25+$0x4230]  }
0x12f: {  	[tilespmem:s25+$0x41D0] =	vst v9;
	v6 =	vmul.f32 v6, v10;
	v9 =	vld [tilespmem:s25+$0x4240]  }
0x130: {  	[tilespmem:s25+$0x41B0] =	vst v7;
	v2 =	vmul.f32 v13, v14;
	v7 =	vld [tilespmem:s25+$0x4250]  }
0x131: {  	[tilespmem:s25+$0x41C0] =	vst v3;
	v3 =	vmul.f32 v8, v14;
	v8 =	vld [tilespmem:s25+$0x4260]  }
0x132: {  	[tilespmem:s25+$0x4200] =	vst v2;
	v2 =	vmul.f32 v12, v14;
	v10 =	vld [tilespmem:s25+$0x4270]  }
0x133: {  	[tilespmem:s25+$0x4210] =	vst v3;
	v3 =	vld [tilespmem:s25+$0x4280]  }
0x134: {  	[tilespmem:s25+$0x3C50] =	vst v11;
	v9 =	vmul.f32 v9, v14;
	v11 =	vld [tilespmem:s25+$0x4290]  }
0x135: {  	[tilespmem:s25+$0x41E0] =	vst v5;
	v5 =	vmul.f32 v7, v14;
	v7 =	vld [tilespmem:s25+$0x42A0]  }
0x136: {  	[tilespmem:s25+$0x4240] =	vst v9;
	v8 =	vmul.f32 v8, v14;
	v9 =	vbroadcast v1, $0xD;
	v12 =	vld [tilespmem:s25+$0x42B0]  }
0x137: {  	[tilespmem:s25+$0x4250] =	vst v5;
	v5 =	vmul.f32 v10, v14;
	v10 =	vld [tilespmem:s25+$0x42C0]  }
0x138: {  	[tilespmem:s25+$0x4260] =	vst v8;
	v3 =	vmul.f32 v3, v9;
	v8 =	vld [tilespmem:s25+$0x42D0]  }
0x139: {  	[tilespmem:s25+$0x4270] =	vst v5;
	v5 =	vmul.f32 v11, v9;
	v11 =	vld [tilespmem:s25+$0x42E0]  }
0x13a: {  	[tilespmem:s25+$0x4280] =	vst v3;
	v3 =	vmul.f32 v7, v9;
	v7 =	vld [tilespmem:s25+$0x42F0]  }
0x13b: {  	[tilespmem:s25+$0x4290] =	vst v5;
	v5 =	vmul.f32 v12, v9;
	v12 =	vld [tilespmem:s25+$0x4300]  }
0x13c: {  	[tilespmem:s25+$0x42A0] =	vst v3;
	v3 =	vmul.f32 v10, v9;
	v10 =	vld [tilespmem:s25+$0x4310]  }
0x13d: {  	[tilespmem:s25+$0x42B0] =	vst v5;
	v5 =	vmul.f32 v8, v9;
	v8 =	vld [tilespmem:s25+$0x4320]  }
0x13e: {  	v1 =	vbroadcast v1, $0xE;
	[tilespmem:s25+$0x41F0] =	vst v6;
	v6 =	vmul.f32 v11, v9;
	v11 =	vld [tilespmem:s25+$0x4330]  }
0x13f: {  	[tilespmem:s25+$0x42D0] =	vst v5;
	v5 =	vmul.f32 v7, v9;
	v7 =	vld [tilespmem:s25+$0x4340]  }
0x140: {  	[tilespmem:s25+$0x42E0] =	vst v6;
	v6 =	vmul.f32 v12, v1;
	v9 =	vld [tilespmem:s25+$0x4350]  }
0x141: {  	[tilespmem:s25+$0x42F0] =	vst v5;
	v5 =	vmul.f32 v10, v1;
	v10 =	vld [tilespmem:s25+$0x4360]  }
0x142: {  	[tilespmem:s25+$0x4300] =	vst v6;
	v6 =	vmul.f32 v8, v1;
	v8 =	vld [tilespmem:s25+$0x4370]  }
0x143: {  	[tilespmem:s25+$0x4310] =	vst v5;
	v5 =	vmul.f32 v11, v1;
	v11 =	vld [tilespmem:s25+$0x4380]  }
0x144: {  	[tilespmem:s25+$0x4320] =	vst v6;
	v6 =	vmul.f32 v7, v1;
	v7 =	vld [tilespmem:s25+$0x4390]  }
0x145: {  	[tilespmem:s25+$0x4330] =	vst v5;
	v5 =	vmul.f32 v9, v1;
	v9 =	vld [tilespmem:s25+$0x43A0]  }
0x146: {  	[tilespmem:s25+$0x4340] =	vst v6;
	v6 =	vmul.f32 v10, v1;
	v10 =	vld [tilespmem:s25+$0x43B0]  }
0x147: {  	[tilespmem:s25+$0x42C0] =	vst v3;
	v1 =	vmul.f32 v8, v1;
	v3 =	vld [tilespmem:s25+$0x43C0]  }
0x148: {  	[tilespmem:s25+$0x4360] =	vst v6;
	v6 =	vmul.f32 v11, v4;
	v8 =	vld [tilespmem:s25+$0x43E0]  }
0x149: {  	[tilespmem:s25+$0x4370] =	vst v1;
	v1 =	vmul.f32 v7, v4;
	v7 =	vld [tilespmem:s25+$0x43F0]  }
0x14a: {  	[tilespmem:s25+$0x4380] =	vst v6;
	v6 =	vmul.f32 v9, v4  }
0x14b: {  	[tilespmem:s25+$0x4390] =	vst v1;
	v1 =	vmul.f32 v10, v4  }
0x14c: {  	v9 =	vmul.f32 v15, v14;
	[tilespmem:s25+$0x43A0] =	vst v6  }
0x14d: {  	[tilespmem:s25+$0x43B0] =	vst v1;
	v1 =	vmul.f32 v3, v4  }
.Ltmp4:
0x14e: {  	[tilespmem:s25+$0x4230] =	vst v9;
	v3 =	vmul.f32 v7, v4;
	(pc) =	sbr.rel @p1 .LBB2_4-.Ltmp4, $4  }
0x14f: {  	[tilespmem:s25+$0x43C0] =	vst v1  }
0x150: {  	v1 =	vmul.f32 v8, v4;
	[tilespmem:s25+$0x43F0] =	vst v3  }
0x151: {  	[tilespmem:s25+$0x4350] =	vst v5  }
0x152: {  	[tilespmem:s25+$0x43E0] =	vst v1  }
0x153: {  	[tilespmem:s25+$0x4220] =	vst v2;
	s28 =	sadd.s32 $0x1400, s23;
	s29 =	sor.u32 $0x200, s24;
	p1 =	seq.s32 s22, $0x13  }
0x154: {  	[spmem:s4] =	stream.indirect.scatter.add.f32 [tilespmem:s18], [sflag:$0x3], $0x80, s28, s17, $0xb8;
	[tilespmem:$0x1F800] =	vst v63  }
0x155: {  	s25 =	sshrl.u32 s29, $0x2;
	s24 =	sshrl.u32 @!p1 s24, $0x2;
	_ =	swait.ge [sflag:s14], $0x4000  }
0x156: {  	s28 =	simm.s32 @!p1 $0x80;
	s26 =	sadd.s32 $0x2800, s25;
	[sflag:s14] =	ssyncset.done $0x0  }
0x157: {  	s24 =	sadd.s32 @!p1 $0x100, s24;
	v0 =	vmov s26;
	s26 =	simm.s32 @!p1 $0x3C00;
	[sflag:s14] =	ssyncadd.s32 $0xFFFFC000  }
0x158: {  	[tilespmem:s26], [sflag:$0x1] =	stream.indirect.gather @!p1 [hbm4b:s1+s28], $0x80, s24, s28, $0xb8;
	[tilespmem:$0x1F800] =	vst v63  }
0x159: {  	_ =	swait.ge [sflag:s21], $0x4000  }
0x15a: {  	s30 =	simm.s32 $0x0;
	[sflag:s21] =	ssyncset.done $0x0  }
0x15b: {  	s24 =	sand.u32 $0x3FFFFFF0, s30;
	[sflag:s21] =	ssyncadd.s32 $0xFFFFC000  }
0x15c: {  	s31 =	simm.s32 $0x0;
	v1 =	vld.idx.msk [tilespmem:v0+s24+$0x0 ss:$0x1], $0xffff  }
0x15d: {  	s24 =	sand.u32 $0x3FFFF800, s31  }
0x15e: {  	v3 =	vld [tilespmem:s24+$0x7C20]  }
0x15f: {  	v4 =	vld [tilespmem:s24+$0x7C30]  }
0x160: {  	v10 =	vld [tilespmem:s24+$0x7C60]  }
0x161: {  	v11 =	vld [tilespmem:s24+$0x7C70];
	v2 =	vbroadcast v1, $0x0  }
0x162: {  	v12 =	vld [tilespmem:s24+$0x7C80]  }
0x163: {  	v13 =	vld [tilespmem:s24+$0x7C90];
	v3 =	vmul.f32 v3, v2  }
0x164: {  	v14 =	vld [tilespmem:s24+$0x7CA0];
	v4 =	vmul.f32 v4, v2  }
0x165: {  	v9 =	vld [tilespmem:s24+$0x7CB0];
	v23 =	vbroadcast v1, $0x1;
	v22 =	vmul.f32 v10, v2;
	[tilespmem:s24+$0x7C20] =	vst v3  }
0x166: {  	v7 =	vld [tilespmem:s24+$0x7CC0];
	v11 =	vmul.f32 v11, v2;
	[tilespmem:s24+$0x7C30] =	vst v4  }
0x167: {  	v8 =	vld [tilespmem:s24+$0x7CD0];
	v12 =	vmul.f32 v12, v23;
	[tilespmem:s24+$0x7C60] =	vst v22  }
0x168: {  	v25 =	vld [tilespmem:s24+$0x7CF0];
	v13 =	vmul.f32 v13, v23;
	[tilespmem:s24+$0x7C70] =	vst v11  }
0x169: {  	v26 =	vld [tilespmem:s24+$0x7D00];
	v14 =	vmul.f32 v14, v23;
	[tilespmem:s24+$0x7C80] =	vst v12  }
0x16a: {  	v27 =	vld [tilespmem:s24+$0x7D10];
	v9 =	vmul.f32 v9, v23;
	[tilespmem:s24+$0x7C90] =	vst v13  }
0x16b: {  	v6 =	vld [tilespmem:s24+$0x8170];
	v7 =	vmul.f32 v7, v23;
	[tilespmem:s24+$0x7CA0] =	vst v14  }
0x16c: {  	v24 =	vld [tilespmem:s24+$0x7CE0];
	v15 =	vbroadcast v1, $0x2;
	v8 =	vmul.f32 v8, v23;
	[tilespmem:s24+$0x7CB0] =	vst v9  }
0x16d: {  	v28 =	vld [tilespmem:s24+$0x7D20];
	v10 =	vmul.f32 v25, v23;
	[tilespmem:s24+$0x7CC0] =	vst v7  }
0x16e: {  	v29 =	vld [tilespmem:s24+$0x7D30];
	v5 =	vbroadcast v1, $0xA;
	v32 =	vmul.f32 v26, v15;
	[tilespmem:s24+$0x7CD0] =	vst v8  }
0x16f: {  	v30 =	vld [tilespmem:s24+$0x7D40];
	v34 =	vmul.f32 v27, v15;
	[tilespmem:s24+$0x7CF0] =	vst v10  }
0x170: {  	v33 =	vld [tilespmem:s24+$0x7D60];
	v3 =	vmul.f32 v6, v5;
	[tilespmem:s24+$0x7D00] =	vst v32  }
0x171: {  	v35 =	vld [tilespmem:s24+$0x7D70];
	v11 =	vmul.f32 v24, v23;
	[tilespmem:s24+$0x7D10] =	vst v34  }
0x172: {  	v36 =	vld [tilespmem:s24+$0x7D80];
	v9 =	vmul.f32 v28, v15;
	[tilespmem:s24+$0x8170] =	vst v3  }
0x173: {  	v31 =	vld [tilespmem:s24+$0x7D50];
	v7 =	vmul.f32 v29, v15;
	[tilespmem:s24+$0x7CE0] =	vst v11  }
0x174: {  	v37 =	vld [tilespmem:s24+$0x7D90];
	v8 =	vmul.f32 v30, v15;
	[tilespmem:s24+$0x7D20] =	vst v9  }
0x175: {  	v38 =	vld [tilespmem:s24+$0x7DA0];
	v41 =	vbroadcast v1, $0x3;
	v10 =	vmul.f32 v33, v15;
	[tilespmem:s24+$0x7D30] =	vst v7  }
0x176: {  	v39 =	vld [tilespmem:s24+$0x7DB0];
	v12 =	vmul.f32 v35, v15;
	[tilespmem:s24+$0x7D40] =	vst v8  }
0x177: {  	v42 =	vld [tilespmem:s24+$0x7DD0];
	v13 =	vmul.f32 v36, v41;
	[tilespmem:s24+$0x7D60] =	vst v10  }
0x178: {  	v43 =	vld [tilespmem:s24+$0x7DE0];
	v11 =	vmul.f32 v31, v15;
	[tilespmem:s24+$0x7D70] =	vst v12  }
0x179: {  	v44 =	vld [tilespmem:s24+$0x7DF0];
	v9 =	vmul.f32 v37, v41;
	[tilespmem:s24+$0x7D80] =	vst v13  }
0x17a: {  	v40 =	vld [tilespmem:s24+$0x7DC0];
	v7 =	vmul.f32 v38, v41;
	[tilespmem:s24+$0x7D50] =	vst v11  }
0x17b: {  	v45 =	vld [tilespmem:s24+$0x7E00];
	v8 =	vmul.f32 v39, v41;
	[tilespmem:s24+$0x7D90] =	vst v9  }
0x17c: {  	v46 =	vld [tilespmem:s24+$0x7E10];
	v10 =	vmul.f32 v42, v41;
	[tilespmem:s24+$0x7DA0] =	vst v7  }
0x17d: {  	v47 =	vld [tilespmem:s24+$0x7E20];
	v12 =	vmul.f32 v43, v41;
	[tilespmem:s24+$0x7DB0] =	vst v8  }
0x17e: {  	v49 =	vld [tilespmem:s24+$0x7E40];
	v50 =	vbroadcast v1, $0x4;
	v13 =	vmul.f32 v44, v41;
	[tilespmem:s24+$0x7DD0] =	vst v10  }
0x17f: {  	v51 =	vld [tilespmem:s24+$0x7E50];
	v11 =	vmul.f32 v40, v41;
	[tilespmem:s24+$0x7DE0] =	vst v12  }
0x180: {  	v52 =	vld [tilespmem:s24+$0x7E60];
	v9 =	vmul.f32 v45, v50;
	[tilespmem:s24+$0x7DF0] =	vst v13  }
0x181: {  	v48 =	vld [tilespmem:s24+$0x7E30];
	v7 =	vmul.f32 v46, v50;
	[tilespmem:s24+$0x7DC0] =	vst v11  }
0x182: {  	v53 =	vld [tilespmem:s24+$0x7E70];
	v8 =	vmul.f32 v47, v50;
	[tilespmem:s24+$0x7E00] =	vst v9  }
0x183: {  	v54 =	vld [tilespmem:s24+$0x7E80];
	v10 =	vmul.f32 v49, v50;
	[tilespmem:s24+$0x7E10] =	vst v7  }
0x184: {  	v55 =	vld [tilespmem:s24+$0x7E90];
	v12 =	vmul.f32 v51, v50;
	[tilespmem:s24+$0x7E20] =	vst v8  }
0x185: {  	v57 =	vld [tilespmem:s24+$0x7EB0];
	v13 =	vmul.f32 v52, v50;
	[tilespmem:s24+$0x7E40] =	vst v10  }
0x186: {  	v58 =	vld [tilespmem:s24+$0x7EC0];
	v59 =	vbroadcast v1, $0x5;
	v11 =	vmul.f32 v48, v50;
	[tilespmem:s24+$0x7E50] =	vst v12  }
0x187: {  	v60 =	vld [tilespmem:s24+$0x7ED0];
	v9 =	vmul.f32 v53, v50;
	[tilespmem:s24+$0x7E60] =	vst v13  }
0x188: {  	v56 =	vld [tilespmem:s24+$0x7EA0];
	v7 =	vmul.f32 v54, v59;
	[tilespmem:s24+$0x7E30] =	vst v11  }
0x189: {  	v61 =	vld [tilespmem:s24+$0x7EE0];
	v8 =	vmul.f32 v55, v59;
	[tilespmem:s24+$0x7E70] =	vst v9  }
0x18a: {  	v62 =	vld [tilespmem:s24+$0x7EF0];
	v10 =	vmul.f32 v57, v59;
	[tilespmem:s24+$0x7E80] =	vst v7  }
0x18b: {  	v63 =	vld [tilespmem:s24+$0x7F00];
	v12 =	vmul.f32 v58, v59;
	[tilespmem:s24+$0x7E90] =	vst v8  }
0x18c: {  	v19 =	vld [tilespmem:s24+$0x7F20];
	v13 =	vmul.f32 v60, v59;
	[tilespmem:s24+$0x7EB0] =	vst v10  }
0x18d: {  	v20 =	vld [tilespmem:s24+$0x7F30];
	v11 =	vmul.f32 v56, v59;
	[tilespmem:s24+$0x7EC0] =	vst v12  }
0x18e: {  	v21 =	vld [tilespmem:s24+$0x7F40];
	v22 =	vbroadcast v1, $0x6;
	v9 =	vmul.f32 v61, v59;
	[tilespmem:s24+$0x7ED0] =	vst v13  }
0x18f: {  	v18 =	vld [tilespmem:s24+$0x7F10];
	v7 =	vmul.f32 v62, v59;
	[tilespmem:s24+$0x7EA0] =	vst v11  }
0x190: {  	v23 =	vld [tilespmem:s24+$0x7F50];
	v8 =	vmul.f32 v63, v22;
	[tilespmem:s24+$0x7EE0] =	vst v9  }
0x191: {  	v24 =	vld [tilespmem:s24+$0x7F60];
	v10 =	vmul.f32 v19, v22;
	[tilespmem:s24+$0x7EF0] =	vst v7  }
0x192: {  	v25 =	vld [tilespmem:s24+$0x7F70];
	v12 =	vmul.f32 v20, v22;
	[tilespmem:s24+$0x7F00] =	vst v8  }
0x193: {  	v27 =	vld [tilespmem:s24+$0x7F90];
	v13 =	vmul.f32 v21, v22;
	[tilespmem:s24+$0x7F20] =	vst v10  }
0x194: {  	v28 =	vld [tilespmem:s24+$0x7FA0];
	v11 =	vmul.f32 v18, v22;
	[tilespmem:s24+$0x7F30] =	vst v12  }
0x195: {  	v29 =	vld [tilespmem:s24+$0x7FB0];
	v9 =	vmul.f32 v23, v22;
	[tilespmem:s24+$0x7F40] =	vst v13  }
0x196: {  	v31 =	vbroadcast v1, $0x7;
	v53 =	vld [tilespmem:s24+$0x8100];
	v7 =	vmul.f32 v24, v22;
	[tilespmem:s24+$0x7F10] =	vst v11  }
0x197: {  	v57 =	vld [tilespmem:s24+$0x8140];
	v8 =	vmul.f32 v25, v22;
	[tilespmem:s24+$0x7F50] =	vst v9  }
0x198: {  	v58 =	vld [tilespmem:s24+$0x8150];
	v10 =	vmul.f32 v27, v31;
	[tilespmem:s24+$0x7F60] =	vst v7  }
0x199: {  	v26 =	vld [tilespmem:s24+$0x7F80];
	v12 =	vmul.f32 v28, v31;
	[tilespmem:s24+$0x7F70] =	vst v8  }
0x19a: {  	v30 =	vld [tilespmem:s24+$0x7FC0];
	v13 =	vmul.f32 v29, v31;
	[tilespmem:s24+$0x7F90] =	vst v10  }
0x19b: {  	v32 =	vld [tilespmem:s24+$0x7FD0];
	v59 =	vmul.f32 v53, v5;
	[tilespmem:s24+$0x7FA0] =	vst v12  }
0x19c: {  	v33 =	vld [tilespmem:s24+$0x7FE0];
	v18 =	vmul.f32 v57, v5;
	[tilespmem:s24+$0x7FB0] =	vst v13  }
0x19d: {  	v35 =	vld [tilespmem:s24+$0x8000];
	v20 =	vmul.f32 v58, v5;
	[tilespmem:s24+$0x8100] =	vst v59  }
0x19e: {  	v36 =	vld [tilespmem:s24+$0x8010];
	v11 =	vmul.f32 v26, v31;
	[tilespmem:s24+$0x8140] =	vst v18  }
0x19f: {  	v37 =	vld [tilespmem:s24+$0x8020];
	v9 =	vmul.f32 v30, v31;
	[tilespmem:s24+$0x8150] =	vst v20  }
0x1a0: {  	v4 =	vld [tilespmem:s24+$0x8180];
	v40 =	vbroadcast v1, $0x8;
	v7 =	vmul.f32 v32, v31;
	[tilespmem:s24+$0x7F80] =	vst v11  }
0x1a1: {  	v6 =	vld [tilespmem:s24+$0x8190];
	v8 =	vmul.f32 v33, v31;
	[tilespmem:s24+$0x7FC0] =	vst v9  }
0x1a2: {  	v3 =	vld [tilespmem:s24+$0x83D0];
	v10 =	vmul.f32 v35, v40;
	[tilespmem:s24+$0x7FD0] =	vst v7  }
0x1a3: {  	v61 =	vld [tilespmem:s24+$0x7C00];
	v23 =	vbroadcast v1, $0xB;
	v12 =	vmul.f32 v36, v40;
	[tilespmem:s24+$0x7FE0] =	vst v8  }
0x1a4: {  	v34 =	vld [tilespmem:s24+$0x7FF0];
	v13 =	vmul.f32 v37, v40;
	[tilespmem:s24+$0x8000] =	vst v10  }
0x1a5: {  	v38 =	vld [tilespmem:s24+$0x8030];
	v27 =	vbroadcast v1, $0xF;
	v4 =	vmul.f32 v4, v23;
	[tilespmem:s24+$0x8010] =	vst v12  }
0x1a6: {  	v39 =	vld [tilespmem:s24+$0x8040];
	v6 =	vmul.f32 v6, v23;
	[tilespmem:s24+$0x8020] =	vst v13  }
0x1a7: {  	v41 =	vld [tilespmem:s24+$0x8050];
	v3 =	vmul.f32 v3, v27;
	[tilespmem:s24+$0x8180] =	vst v4  }
0x1a8: {  	v43 =	vld [tilespmem:s24+$0x8070];
	v24 =	vmul.f32 v2, v61;
	[tilespmem:s24+$0x8190] =	vst v6  }
0x1a9: {  	v44 =	vld [tilespmem:s24+$0x8080];
	v11 =	vmul.f32 v34, v31;
	[tilespmem:s24+$0x83D0] =	vst v3  }
0x1aa: {  	v45 =	vld [tilespmem:s24+$0x8090];
	v9 =	vmul.f32 v38, v40;
	[tilespmem:s24+$0x7C00] =	vst v24  }
0x1ab: {  	v63 =	vld [tilespmem:s24+$0x7C40];
	v7 =	vmul.f32 v39, v40;
	[tilespmem:s24+$0x7FF0] =	vst v11  }
0x1ac: {  	v49 =	vbroadcast v1, $0x9;
	v29 =	vld [tilespmem:s24+$0x81F0];
	v8 =	vmul.f32 v41, v40;
	[tilespmem:s24+$0x8030] =	vst v9  }
0x1ad: {  	v42 =	vld [tilespmem:s24+$0x8060];
	v10 =	vmul.f32 v43, v40;
	[tilespmem:s24+$0x8040] =	vst v7  }
0x1ae: {  	v46 =	vld [tilespmem:s24+$0x80A0];
	v12 =	vmul.f32 v44, v49;
	[tilespmem:s24+$0x8050] =	vst v8  }
0x1af: {  	v47 =	vld [tilespmem:s24+$0x80B0];
	v13 =	vmul.f32 v45, v49;
	[tilespmem:s24+$0x8070] =	vst v10  }
0x1b0: {  	v48 =	vld [tilespmem:s24+$0x80C0];
	v3 =	vmul.f32 v63, v2;
	[tilespmem:s24+$0x8080] =	vst v12  }
0x1b1: {  	v51 =	vld [tilespmem:s24+$0x80E0];
	v6 =	vmul.f32 v29, v23;
	[tilespmem:s24+$0x8090] =	vst v13  }
0x1b2: {  	v52 =	vld [tilespmem:s24+$0x80F0];
	v11 =	vmul.f32 v42, v40;
	[tilespmem:s24+$0x7C40] =	vst v3  }
0x1b3: {  	v28 =	vld [tilespmem:s24+$0x81E0];
	v9 =	vmul.f32 v46, v49;
	[tilespmem:s24+$0x81F0] =	vst v6  }
0x1b4: {  	v26 =	vld [tilespmem:s24+$0x81D0];
	v7 =	vmul.f32 v47, v49;
	[tilespmem:s24+$0x8060] =	vst v11  }
0x1b5: {  	v30 =	vld [tilespmem:s24+$0x8200];
	v8 =	vmul.f32 v48, v49;
	[tilespmem:s24+$0x80A0] =	vst v9  }
0x1b6: {  	v50 =	vld [tilespmem:s24+$0x80D0];
	v10 =	vmul.f32 v51, v49;
	[tilespmem:s24+$0x80B0] =	vst v7  }
0x1b7: {  	v54 =	vld [tilespmem:s24+$0x8110];
	v12 =	vmul.f32 v52, v49;
	[tilespmem:s24+$0x80C0] =	vst v8  }
0x1b8: {  	v55 =	vld [tilespmem:s24+$0x8120];
	v35 =	vbroadcast v1, $0xC;
	v40 =	vmul.f32 v28, v23;
	[tilespmem:s24+$0x80E0] =	vst v10  }
0x1b9: {  	v56 =	vld [tilespmem:s24+$0x8130];
	v32 =	vmul.f32 v26, v23;
	[tilespmem:s24+$0x80F0] =	vst v12  }
0x1ba: {  	v60 =	vld [tilespmem:s24+$0x8160];
	v15 =	vmul.f32 v30, v35;
	[tilespmem:s24+$0x81E0] =	vst v40  }
0x1bb: {  	v62 =	vld [tilespmem:s24+$0x7C10];
	v11 =	vmul.f32 v50, v49;
	[tilespmem:s24+$0x81D0] =	vst v32  }
0x1bc: {  	v19 =	vld [tilespmem:s24+$0x7C50];
	v9 =	vmul.f32 v54, v5;
	[tilespmem:s24+$0x8200] =	vst v15  }
0x1bd: {  	v33 =	vld [tilespmem:s24+$0x8230];
	v7 =	vmul.f32 v55, v5;
	[tilespmem:s24+$0x80D0] =	vst v11  }
0x1be: {  	v61 =	vld [tilespmem:s24+$0x83F0];
	v8 =	vmul.f32 v56, v5;
	[tilespmem:s24+$0x8110] =	vst v9  }
0x1bf: {  	v38 =	vld [tilespmem:s24+$0x8270];
	v5 =	vmul.f32 v60, v5;
	[tilespmem:s24+$0x8120] =	vst v7  }
0x1c0: {  	v21 =	vld [tilespmem:s24+$0x81A0];
	v12 =	vmul.f32 v62, v2;
	[tilespmem:s24+$0x8130] =	vst v8  }
0x1c1: {  	v22 =	vld [tilespmem:s24+$0x81B0];
	v2 =	vmul.f32 v19, v2;
	[tilespmem:s24+$0x8160] =	vst v5  }
0x1c2: {  	v25 =	vld [tilespmem:s24+$0x81C0];
	v62 =	vmul.f32 v33, v35;
	[tilespmem:s24+$0x7C10] =	vst v12  }
0x1c3: {  	v31 =	vld [tilespmem:s24+$0x8210];
	v63 =	vmul.f32 v61, v27;
	[tilespmem:s24+$0x7C50] =	vst v2  }
0x1c4: {  	v34 =	vld [tilespmem:s24+$0x8240];
	v15 =	vmul.f32 v38, v35;
	[tilespmem:s24+$0x8230] =	vst v62  }
0x1c5: {  	v41 =	vld [tilespmem:s24+$0x82A0];
	v7 =	vmul.f32 v21, v23;
	[tilespmem:s24+$0x83F0] =	vst v63  }
0x1c6: {  	v46 =	vld [tilespmem:s24+$0x82E0];
	v8 =	vmul.f32 v22, v23;
	[tilespmem:s24+$0x8270] =	vst v15  }
0x1c7: {  	v36 =	vld [tilespmem:s24+$0x8250];
	v5 =	vmul.f32 v25, v23;
	[tilespmem:s24+$0x81A0] =	vst v7  }
0x1c8: {  	v44 =	vbroadcast v1, $0xD;
	v9 =	vmul.f32 v31, v35;
	v2 =	vld [tilespmem:s24+$0x8290];
	[tilespmem:s24+$0x81B0] =	vst v8  }
0x1c9: {  	v37 =	vld [tilespmem:s24+$0x8260];
	v12 =	vmul.f32 v34, v35;
	[tilespmem:s24+$0x81C0] =	vst v5  }
0x1ca: {  	v39 =	vld [tilespmem:s24+$0x8280];
	v11 =	vmul.f32 v41, v44;
	[tilespmem:s24+$0x8210] =	vst v9  }
0x1cb: {  	v42 =	vld [tilespmem:s24+$0x82B0];
	v51 =	vmul.f32 v46, v44;
	[tilespmem:s24+$0x8240] =	vst v12  }
0x1cc: {  	v48 =	vld [tilespmem:s24+$0x8310];
	v8 =	vmul.f32 v36, v35;
	[tilespmem:s24+$0x82A0] =	vst v11  }
0x1cd: {  	v49 =	vld [tilespmem:s24+$0x8320];
	[tilespmem:s24+$0x82E0] =	vst v51;
	v2 =	vmul.f32 v2, v44  }
0x1ce: {  	v50 =	vld [tilespmem:s24+$0x8330];
	v5 =	vmul.f32 v37, v35;
	[tilespmem:s24+$0x8250] =	vst v8  }
0x1cf: {  	v1 =	vbroadcast v1, $0xE;
	v9 =	vmul.f32 v39, v44;
	[tilespmem:s24+$0x8290] =	vst v2;
	v2 =	vld [tilespmem:s24+$0x8300]  }
0x1d0: {  	v60 =	vld [tilespmem:s24+$0x83E0];
	v12 =	vmul.f32 v42, v44;
	[tilespmem:s24+$0x8260] =	vst v5  }
0x1d1: {  	v45 =	vld [tilespmem:s24+$0x82D0];
	v11 =	vmul.f32 v48, v1;
	[tilespmem:s24+$0x8280] =	vst v9  }
0x1d2: {  	v47 =	vld [tilespmem:s24+$0x82F0];
	v10 =	vmul.f32 v49, v1;
	[tilespmem:s24+$0x82B0] =	vst v12  }
0x1d3: {  	v43 =	vld [tilespmem:s24+$0x82C0];
	v6 =	vmul.f32 v50, v1;
	[tilespmem:s24+$0x8310] =	vst v11  }
0x1d4: {  	v55 =	vld [tilespmem:s24+$0x8380];
	[tilespmem:s24+$0x8320] =	vst v10;
	v2 =	vmul.f32 v2, v1  }
0x1d5: {  	v57 =	vld [tilespmem:s24+$0x83A0];
	v4 =	vmul.f32 v60, v27;
	[tilespmem:s24+$0x8330] =	vst v6  }
0x1d6: {  	v5 =	vmul.f32 v45, v44;
	[tilespmem:s24+$0x8300] =	vst v2;
	v2 =	vld [tilespmem:s24+$0x8370]  }
0x1d7: {  	v52 =	vld [tilespmem:s24+$0x8340];
	v9 =	vmul.f32 v47, v44;
	[tilespmem:s24+$0x83E0] =	vst v4  }
0x1d8: {  	v56 =	vld [tilespmem:s24+$0x8390];
	v8 =	vmul.f32 v43, v44;
	[tilespmem:s24+$0x82D0] =	vst v5  }
0x1d9: {  	v54 =	vld [tilespmem:s24+$0x8360];
	v11 =	vmul.f32 v55, v27;
	[tilespmem:s24+$0x82F0] =	vst v9  }
0x1da: {  	v58 =	vld [tilespmem:s24+$0x83B0];
	v6 =	vmul.f32 v57, v27;
	[tilespmem:s24+$0x82C0] =	vst v8  }
0x1db: {  	v53 =	vld [tilespmem:s24+$0x8350];
	[tilespmem:s24+$0x8380] =	vst v11;
	v2 =	vmul.f32 v2, v1  }
0x1dc: {  	v59 =	vld [tilespmem:s24+$0x83C0];
	v5 =	vmul.f32 v52, v1;
	[tilespmem:s24+$0x83A0] =	vst v6  }
0x1dd: {  	[tilespmem:s24+$0x8370] =	vst v2;
	v2 =	vmul.f32 v56, v27  }
0x1de: {  	v3 =	vld [tilespmem:s24+$0x8220];
	v9 =	vmul.f32 v54, v1;
	[tilespmem:s24+$0x8340] =	vst v5  }
0x1df: {  	[tilespmem:s24+$0x8390] =	vst v2;
	v2 =	vmul.f32 v58, v27  }
0x1e0: {  	[tilespmem:s24+$0x8360] =	vst v9;
	v1 =	vmul.f32 v53, v1  }
0x1e1: {  	[tilespmem:s24+$0x83B0] =	vst v2;
	v2 =	vmul.f32 v59, v27  }
0x1e2: {  	[tilespmem:s24+$0x8350] =	vst v1  }
0x1e3: {  	s26 =	simm.s32 $0x1;
	[tilespmem:s24+$0x83C0] =	vst v2;
	v2 =	vmul.f32 v3, v35  }
.LBB2_6:
0x1e4: {  	s28 =	sshll.u32 s26, $0x4  }
0x1e5: {  	p2 =	sne.s32 s26, $0x7;
	[tilespmem:s24+$0x8220] =	vst v2;
	s24 =	smov.u32 s26;
	s26 =	sadd.s32 $0x1, s26  }
0x1e6: {  	s28 =	sand.u32 $0x3FFFFFF0, s28  }
0x1e7: {  	v1 =	vld.idx.msk [tilespmem:v0+s28+$0x0 ss:$0x1], $0xffff  }
0x1e8: {  	s24 =	sshll.u32 s24, $0xB  }
0x1e9: {  	s24 =	sand.u32 $0x3FFFF800, s24  }
0x1ea: {  	v8 =	vld [tilespmem:s24+$0x7CC0]  }
0x1eb: {  	v9 =	vld [tilespmem:s24+$0x7CD0]  }
0x1ec: {  	v10 =	vld [tilespmem:s24+$0x7CB0]  }
0x1ed: {  	v2 =	vbroadcast v1, $0x0;
	v7 =	vbroadcast v1, $0x4;
	v3 =	vld [tilespmem:s24+$0x7C20]  }
0x1ee: {  	v5 =	vld [tilespmem:s24+$0x7C30]  }
0x1ef: {  	v6 =	vld [tilespmem:s24+$0x8170]  }
0x1f0: {  	v11 =	vld [tilespmem:s24+$0x7C60]  }
0x1f1: {  	v12 =	vld [tilespmem:s24+$0x7C70]  }
0x1f2: {  	v4 =	vbroadcast v1, $0xA;
	v3 =	vmul.f32 v3, v2;
	v13 =	vld [tilespmem:s24+$0x7C80]  }
0x1f3: {  	v5 =	vmul.f32 v5, v2;
	v14 =	vld [tilespmem:s24+$0x7C90]  }
0x1f4: {  	[tilespmem:s24+$0x7C20] =	vst v3;
	v15 =	vld [tilespmem:s24+$0x7CA0];
	v3 =	vmul.f32 v6, v4  }
0x1f5: {  	[tilespmem:s24+$0x7C30] =	vst v5;
	v6 =	vmul.f32 v11, v2;
	v11 =	vbroadcast v1, $0x1;
	v5 =	vld [tilespmem:s24+$0x8180]  }
0x1f6: {  	v12 =	vmul.f32 v12, v2;
	[tilespmem:s24+$0x8170] =	vst v3;
	v3 =	vld [tilespmem:s24+$0x83D0]  }
0x1f7: {  	[tilespmem:s24+$0x7C60] =	vst v6;
	v13 =	vmul.f32 v13, v11;
	v6 =	vld [tilespmem:s24+$0x8190]  }
0x1f8: {  	[tilespmem:s24+$0x7C70] =	vst v12;
	v12 =	vmul.f32 v14, v11;
	v14 =	vld [tilespmem:s24+$0x7CE0]  }
0x1f9: {  	[tilespmem:s24+$0x7C80] =	vst v13;
	v13 =	vmul.f32 v15, v11;
	v15 =	vld [tilespmem:s24+$0x7CF0]  }
0x1fa: {  	v10 =	vmul.f32 v10, v11;
	[tilespmem:s24+$0x7C90] =	vst v12;
	v12 =	vld [tilespmem:s24+$0x7D00]  }
0x1fb: {  	v8 =	vmul.f32 v8, v11;
	[tilespmem:s24+$0x7CA0] =	vst v13;
	v13 =	vld [tilespmem:s24+$0x7D10]  }
0x1fc: {  	v9 =	vmul.f32 v9, v11;
	[tilespmem:s24+$0x7CB0] =	vst v10;
	v10 =	vld [tilespmem:s24+$0x7D20]  }
0x1fd: {  	[tilespmem:s24+$0x7CC0] =	vst v8;
	v8 =	vmul.f32 v14, v11;
	v14 =	vbroadcast v1, $0x2;
	v16 =	vld [tilespmem:s24+$0x7D30]  }
0x1fe: {  	[tilespmem:s24+$0x7CD0] =	vst v9;
	v9 =	vmul.f32 v15, v11;
	v11 =	vld [tilespmem:s24+$0x7D40]  }
0x1ff: {  	[tilespmem:s24+$0x7CE0] =	vst v8;
	v8 =	vmul.f32 v12, v14;
	v12 =	vld [tilespmem:s24+$0x7D50]  }
0x200: {  	[tilespmem:s24+$0x7CF0] =	vst v9;
	v9 =	vmul.f32 v13, v14;
	v13 =	vld [tilespmem:s24+$0x7D60]  }
0x201: {  	[tilespmem:s24+$0x7D00] =	vst v8;
	v8 =	vmul.f32 v10, v14;
	v10 =	vld [tilespmem:s24+$0x7D70]  }
0x202: {  	[tilespmem:s24+$0x7D10] =	vst v9;
	v9 =	vmul.f32 v16, v14;
	v15 =	vld [tilespmem:s24+$0x7D80]  }
0x203: {  	[tilespmem:s24+$0x7D20] =	vst v8;
	v8 =	vmul.f32 v11, v14;
	v11 =	vld [tilespmem:s24+$0x7D90]  }
0x204: {  	[tilespmem:s24+$0x7D30] =	vst v9;
	v9 =	vmul.f32 v12, v14;
	v12 =	vld [tilespmem:s24+$0x7DA0]  }
0x205: {  	[tilespmem:s24+$0x7D40] =	vst v8;
	v8 =	vmul.f32 v13, v14;
	v13 =	vbroadcast v1, $0x3;
	v16 =	vld [tilespmem:s24+$0x7DB0]  }
0x206: {  	[tilespmem:s24+$0x7D50] =	vst v9;
	v9 =	vmul.f32 v10, v14;
	v10 =	vld [tilespmem:s24+$0x7DC0]  }
0x207: {  	[tilespmem:s24+$0x7D60] =	vst v8;
	v8 =	vmul.f32 v15, v13;
	v14 =	vld [tilespmem:s24+$0x7DD0]  }
0x208: {  	[tilespmem:s24+$0x7D70] =	vst v9;
	v9 =	vmul.f32 v11, v13;
	v11 =	vld [tilespmem:s24+$0x7DE0]  }
0x209: {  	[tilespmem:s24+$0x7D80] =	vst v8;
	v8 =	vmul.f32 v12, v13;
	v12 =	vld [tilespmem:s24+$0x7DF0]  }
0x20a: {  	[tilespmem:s24+$0x7D90] =	vst v9;
	v9 =	vmul.f32 v16, v13;
	v15 =	vld [tilespmem:s24+$0x7E00]  }
0x20b: {  	[tilespmem:s24+$0x7DA0] =	vst v8;
	v8 =	vmul.f32 v10, v13;
	v10 =	vld [tilespmem:s24+$0x7E10]  }
0x20c: {  	[tilespmem:s24+$0x7DB0] =	vst v9;
	v9 =	vmul.f32 v14, v13;
	v14 =	vld [tilespmem:s24+$0x7E20]  }
0x20d: {  	[tilespmem:s24+$0x7DC0] =	vst v8;
	v8 =	vmul.f32 v11, v13;
	v11 =	vld [tilespmem:s24+$0x7E30]  }
0x20e: {  	[tilespmem:s24+$0x7DD0] =	vst v9;
	v9 =	vmul.f32 v12, v13;
	v12 =	vld [tilespmem:s24+$0x7E40]  }
0x20f: {  	[tilespmem:s24+$0x7DE0] =	vst v8;
	v8 =	vmul.f32 v15, v7;
	v13 =	vld [tilespmem:s24+$0x7E50]  }
0x210: {  	[tilespmem:s24+$0x7DF0] =	vst v9;
	v9 =	vmul.f32 v10, v7;
	v10 =	vld [tilespmem:s24+$0x7E60]  }
0x211: {  	[tilespmem:s24+$0x7E00] =	vst v8;
	v8 =	vmul.f32 v14, v7;
	v14 =	vld [tilespmem:s24+$0x7E70]  }
0x212: {  	[tilespmem:s24+$0x7E10] =	vst v9;
	v9 =	vmul.f32 v11, v7;
	v11 =	vld [tilespmem:s24+$0x7E80]  }
0x213: {  	[tilespmem:s24+$0x7E20] =	vst v8;
	v8 =	vmul.f32 v12, v7;
	v12 =	vld [tilespmem:s24+$0x7E90]  }
0x214: {  	[tilespmem:s24+$0x7E30] =	vst v9;
	v9 =	vmul.f32 v13, v7;
	v13 =	vld [tilespmem:s24+$0x7EA0]  }
0x215: {  	[tilespmem:s24+$0x7E40] =	vst v8;
	v8 =	vmul.f32 v10, v7;
	v10 =	vbroadcast v1, $0x5;
	v15 =	vld [tilespmem:s24+$0x7EB0]  }
0x216: {  	[tilespmem:s24+$0x7E50] =	vst v9;
	v7 =	vmul.f32 v14, v7;
	v9 =	vld [tilespmem:s24+$0x7EC0]  }
0x217: {  	[tilespmem:s24+$0x7E60] =	vst v8;
	v8 =	vmul.f32 v11, v10;
	v11 =	vld [tilespmem:s24+$0x7ED0]  }
0x218: {  	[tilespmem:s24+$0x7E70] =	vst v7;
	v7 =	vmul.f32 v12, v10;
	v12 =	vld [tilespmem:s24+$0x7EE0]  }
0x219: {  	[tilespmem:s24+$0x7E80] =	vst v8;
	v8 =	vmul.f32 v13, v10;
	v13 =	vld [tilespmem:s24+$0x7EF0]  }
0x21a: {  	[tilespmem:s24+$0x7E90] =	vst v7;
	v7 =	vmul.f32 v15, v10;
	v14 =	vld [tilespmem:s24+$0x7F00]  }
0x21b: {  	[tilespmem:s24+$0x7EA0] =	vst v8;
	v8 =	vmul.f32 v9, v10;
	v9 =	vld [tilespmem:s24+$0x7F10]  }
0x21c: {  	[tilespmem:s24+$0x7EB0] =	vst v7;
	v7 =	vmul.f32 v11, v10;
	v11 =	vld [tilespmem:s24+$0x7F20]  }
0x21d: {  	[tilespmem:s24+$0x7EC0] =	vst v8;
	v8 =	vmul.f32 v12, v10;
	v12 =	vbroadcast v1, $0x6;
	v15 =	vld [tilespmem:s24+$0x7F30]  }
0x21e: {  	[tilespmem:s24+$0x7ED0] =	vst v7;
	v7 =	vmul.f32 v13, v10;
	v10 =	vld [tilespmem:s24+$0x7F40]  }
0x21f: {  	[tilespmem:s24+$0x7EE0] =	vst v8;
	v8 =	vmul.f32 v14, v12;
	v13 =	vld [tilespmem:s24+$0x7F50]  }
0x220: {  	[tilespmem:s24+$0x7EF0] =	vst v7;
	v7 =	vmul.f32 v9, v12;
	v9 =	vld [tilespmem:s24+$0x7F60]  }
0x221: {  	[tilespmem:s24+$0x7F00] =	vst v8;
	v8 =	vmul.f32 v11, v12;
	v11 =	vld [tilespmem:s24+$0x7F70]  }
0x222: {  	[tilespmem:s24+$0x7F10] =	vst v7;
	v7 =	vmul.f32 v15, v12;
	v14 =	vld [tilespmem:s24+$0x7F80]  }
0x223: {  	[tilespmem:s24+$0x7F20] =	vst v8;
	v8 =	vmul.f32 v10, v12;
	v10 =	vld [tilespmem:s24+$0x7F90]  }
0x224: {  	[tilespmem:s24+$0x7F30] =	vst v7;
	v7 =	vmul.f32 v13, v12;
	v13 =	vld [tilespmem:s24+$0x7FA0]  }
0x225: {  	[tilespmem:s24+$0x7F40] =	vst v8;
	v8 =	vmul.f32 v9, v12;
	v9 =	vbroadcast v1, $0x7;
	v15 =	vld [tilespmem:s24+$0x7FB0]  }
0x226: {  	[tilespmem:s24+$0x7F50] =	vst v7;
	v7 =	vmul.f32 v11, v12;
	v11 =	vld [tilespmem:s24+$0x7FC0]  }
0x227: {  	[tilespmem:s24+$0x7F60] =	vst v8;
	v8 =	vmul.f32 v14, v9;
	v12 =	vld [tilespmem:s24+$0x7FD0]  }
0x228: {  	[tilespmem:s24+$0x7F70] =	vst v7;
	v7 =	vmul.f32 v10, v9;
	v10 =	vld [tilespmem:s24+$0x7FE0]  }
0x229: {  	[tilespmem:s24+$0x7F80] =	vst v8;
	v8 =	vmul.f32 v13, v9;
	v13 =	vld [tilespmem:s24+$0x7FF0]  }
0x22a: {  	[tilespmem:s24+$0x7F90] =	vst v7;
	v7 =	vmul.f32 v15, v9;
	v14 =	vld [tilespmem:s24+$0x8000]  }
0x22b: {  	[tilespmem:s24+$0x7FA0] =	vst v8;
	v8 =	vmul.f32 v11, v9;
	v11 =	vld [tilespmem:s24+$0x8010]  }
0x22c: {  	[tilespmem:s24+$0x7FB0] =	vst v7;
	v7 =	vmul.f32 v12, v9;
	v12 =	vld [tilespmem:s24+$0x8020]  }
0x22d: {  	[tilespmem:s24+$0x7FC0] =	vst v8;
	v8 =	vmul.f32 v10, v9;
	v10 =	vbroadcast v1, $0x8;
	v15 =	vld [tilespmem:s24+$0x8030]  }
0x22e: {  	[tilespmem:s24+$0x7FD0] =	vst v7;
	v7 =	vmul.f32 v13, v9;
	v9 =	vld [tilespmem:s24+$0x8040]  }
0x22f: {  	[tilespmem:s24+$0x7FE0] =	vst v8;
	v8 =	vmul.f32 v14, v10;
	v13 =	vld [tilespmem:s24+$0x8050]  }
0x230: {  	[tilespmem:s24+$0x7FF0] =	vst v7;
	v7 =	vmul.f32 v11, v10;
	v11 =	vld [tilespmem:s24+$0x8060]  }
0x231: {  	[tilespmem:s24+$0x8000] =	vst v8;
	v8 =	vmul.f32 v12, v10;
	v12 =	vld [tilespmem:s24+$0x8070]  }
0x232: {  	[tilespmem:s24+$0x8010] =	vst v7;
	v7 =	vmul.f32 v15, v10;
	v14 =	vld [tilespmem:s24+$0x8080]  }
0x233: {  	[tilespmem:s24+$0x8020] =	vst v8;
	v8 =	vmul.f32 v9, v10;
	v9 =	vld [tilespmem:s24+$0x8090]  }
0x234: {  	[tilespmem:s24+$0x8030] =	vst v7;
	v7 =	vmul.f32 v13, v10;
	v13 =	vld [tilespmem:s24+$0x80A0]  }
0x235: {  	[tilespmem:s24+$0x8040] =	vst v8;
	v8 =	vmul.f32 v11, v10;
	v11 =	vbroadcast v1, $0x9;
	v15 =	vld [tilespmem:s24+$0x80B0]  }
0x236: {  	[tilespmem:s24+$0x8050] =	vst v7;
	v7 =	vmul.f32 v12, v10;
	v10 =	vld [tilespmem:s24+$0x80C0]  }
0x237: {  	[tilespmem:s24+$0x8060] =	vst v8;
	v8 =	vmul.f32 v14, v11;
	v12 =	vld [tilespmem:s24+$0x80D0]  }
0x238: {  	[tilespmem:s24+$0x8070] =	vst v7;
	v7 =	vmul.f32 v9, v11;
	v9 =	vld [tilespmem:s24+$0x80E0]  }
0x239: {  	[tilespmem:s24+$0x8080] =	vst v8;
	v8 =	vmul.f32 v13, v11;
	v13 =	vld [tilespmem:s24+$0x80F0]  }
0x23a: {  	[tilespmem:s24+$0x8090] =	vst v7;
	v7 =	vmul.f32 v15, v11;
	v14 =	vld [tilespmem:s24+$0x8100]  }
0x23b: {  	[tilespmem:s24+$0x80A0] =	vst v8;
	v8 =	vmul.f32 v10, v11;
	v10 =	vld [tilespmem:s24+$0x8110]  }
0x23c: {  	[tilespmem:s24+$0x80B0] =	vst v7;
	v7 =	vmul.f32 v12, v11;
	v12 =	vld [tilespmem:s24+$0x8120]  }
0x23d: {  	[tilespmem:s24+$0x80C0] =	vst v8;
	v8 =	vmul.f32 v9, v11;
	v9 =	vld [tilespmem:s24+$0x8130]  }
0x23e: {  	[tilespmem:s24+$0x80D0] =	vst v7;
	v7 =	vmul.f32 v13, v11;
	v11 =	vld [tilespmem:s24+$0x8140]  }
0x23f: {  	[tilespmem:s24+$0x80E0] =	vst v8;
	v8 =	vmul.f32 v14, v4;
	v13 =	vld [tilespmem:s24+$0x8150]  }
0x240: {  	[tilespmem:s24+$0x80F0] =	vst v7;
	v7 =	vmul.f32 v10, v4;
	v10 =	vld [tilespmem:s24+$0x8160]  }
0x241: {  	v14 =	vld [tilespmem:s24+$0x7C00];
	[tilespmem:s24+$0x8100] =	vst v8;
	v8 =	vmul.f32 v12, v4  }
0x242: {  	v12 =	vld [tilespmem:s24+$0x7C10];
	[tilespmem:s24+$0x8110] =	vst v7;
	v7 =	vmul.f32 v9, v4  }
0x243: {  	v9 =	vld [tilespmem:s24+$0x7C40];
	[tilespmem:s24+$0x8120] =	vst v8;
	v8 =	vmul.f32 v11, v4  }
0x244: {  	v11 =	vld [tilespmem:s24+$0x7C50];
	[tilespmem:s24+$0x8130] =	vst v7;
	v7 =	vmul.f32 v13, v4  }
0x245: {  	[tilespmem:s24+$0x8140] =	vst v8;
	v8 =	vmul.f32 v10, v4;
	v10 =	vbroadcast v1, $0xB;
	v13 =	vld [tilespmem:s24+$0x81A0]  }
0x246: {  	v4 =	vbroadcast v1, $0xF;
	v14 =	vmul.f32 v2, v14;
	[tilespmem:s24+$0x8150] =	vst v7;
	v7 =	vld [tilespmem:s24+$0x81B0]  }
0x247: {  	v12 =	vmul.f32 v12, v2;
	[tilespmem:s24+$0x8160] =	vst v8;
	v5 =	vmul.f32 v5, v10;
	v8 =	vld [tilespmem:s24+$0x81C0]  }
0x248: {  	v6 =	vmul.f32 v6, v10;
	[tilespmem:s24+$0x7C00] =	vst v14;
	v9 =	vmul.f32 v9, v2;
	v14 =	vld [tilespmem:s24+$0x81D0]  }
0x249: {  	v3 =	vmul.f32 v3, v4;
	v11 =	vmul.f32 v11, v2;
	[tilespmem:s24+$0x8180] =	vst v5;
	v2 =	vld [tilespmem:s24+$0x81E0]  }
0x24a: {  	[tilespmem:s24+$0x8190] =	vst v6;
	v5 =	vmul.f32 v13, v10;
	v6 =	vld [tilespmem:s24+$0x81F0]  }
0x24b: {  	v7 =	vmul.f32 v7, v10;
	v13 =	vld [tilespmem:s24+$0x8200];
	[tilespmem:s24+$0x83D0] =	vst v3  }
0x24c: {  	[tilespmem:s24+$0x7C10] =	vst v12;
	v3 =	vmul.f32 v8, v10;
	v8 =	vld [tilespmem:s24+$0x8210]  }
0x24d: {  	[tilespmem:s24+$0x7C40] =	vst v9;
	v9 =	vmul.f32 v14, v10;
	v12 =	vld [tilespmem:s24+$0x8220]  }
0x24e: {  	v14 =	vbroadcast v1, $0xC;
	[tilespmem:s24+$0x81A0] =	vst v5;
	v5 =	vmul.f32 v2, v10;
	v15 =	vld [tilespmem:s24+$0x8230]  }
0x24f: {  	[tilespmem:s24+$0x81D0] =	vst v9;
	v6 =	vmul.f32 v6, v10;
	v9 =	vld [tilespmem:s24+$0x8240]  }
0x250: {  	[tilespmem:s24+$0x81B0] =	vst v7;
	v2 =	vmul.f32 v13, v14;
	v7 =	vld [tilespmem:s24+$0x8250]  }
0x251: {  	[tilespmem:s24+$0x81C0] =	vst v3;
	v3 =	vmul.f32 v8, v14;
	v8 =	vld [tilespmem:s24+$0x8260]  }
0x252: {  	[tilespmem:s24+$0x8200] =	vst v2;
	v2 =	vmul.f32 v12, v14;
	v10 =	vld [tilespmem:s24+$0x8270]  }
0x253: {  	[tilespmem:s24+$0x8210] =	vst v3;
	v3 =	vld [tilespmem:s24+$0x8280]  }
0x254: {  	[tilespmem:s24+$0x7C50] =	vst v11;
	v9 =	vmul.f32 v9, v14;
	v11 =	vld [tilespmem:s24+$0x8290]  }
0x255: {  	[tilespmem:s24+$0x81E0] =	vst v5;
	v5 =	vmul.f32 v7, v14;
	v7 =	vld [tilespmem:s24+$0x82A0]  }
0x256: {  	[tilespmem:s24+$0x8240] =	vst v9;
	v8 =	vmul.f32 v8, v14;
	v9 =	vbroadcast v1, $0xD;
	v12 =	vld [tilespmem:s24+$0x82B0]  }
0x257: {  	[tilespmem:s24+$0x8250] =	vst v5;
	v5 =	vmul.f32 v10, v14;
	v10 =	vld [tilespmem:s24+$0x82C0]  }
0x258: {  	[tilespmem:s24+$0x8260] =	vst v8;
	v3 =	vmul.f32 v3, v9;
	v8 =	vld [tilespmem:s24+$0x82D0]  }
0x259: {  	[tilespmem:s24+$0x8270] =	vst v5;
	v5 =	vmul.f32 v11, v9;
	v11 =	vld [tilespmem:s24+$0x82E0]  }
0x25a: {  	[tilespmem:s24+$0x8280] =	vst v3;
	v3 =	vmul.f32 v7, v9;
	v7 =	vld [tilespmem:s24+$0x82F0]  }
0x25b: {  	[tilespmem:s24+$0x8290] =	vst v5;
	v5 =	vmul.f32 v12, v9;
	v12 =	vld [tilespmem:s24+$0x8300]  }
0x25c: {  	[tilespmem:s24+$0x82A0] =	vst v3;
	v3 =	vmul.f32 v10, v9;
	v10 =	vld [tilespmem:s24+$0x8310]  }
0x25d: {  	[tilespmem:s24+$0x82B0] =	vst v5;
	v5 =	vmul.f32 v8, v9;
	v8 =	vld [tilespmem:s24+$0x8320]  }
0x25e: {  	v1 =	vbroadcast v1, $0xE;
	[tilespmem:s24+$0x81F0] =	vst v6;
	v6 =	vmul.f32 v11, v9;
	v11 =	vld [tilespmem:s24+$0x8330]  }
0x25f: {  	[tilespmem:s24+$0x82D0] =	vst v5;
	v5 =	vmul.f32 v7, v9;
	v7 =	vld [tilespmem:s24+$0x8340]  }
0x260: {  	[tilespmem:s24+$0x82E0] =	vst v6;
	v6 =	vmul.f32 v12, v1;
	v9 =	vld [tilespmem:s24+$0x8350]  }
0x261: {  	[tilespmem:s24+$0x82F0] =	vst v5;
	v5 =	vmul.f32 v10, v1;
	v10 =	vld [tilespmem:s24+$0x8360]  }
0x262: {  	[tilespmem:s24+$0x8300] =	vst v6;
	v6 =	vmul.f32 v8, v1;
	v8 =	vld [tilespmem:s24+$0x8370]  }
0x263: {  	[tilespmem:s24+$0x8310] =	vst v5;
	v5 =	vmul.f32 v11, v1;
	v11 =	vld [tilespmem:s24+$0x8380]  }
0x264: {  	[tilespmem:s24+$0x8320] =	vst v6;
	v6 =	vmul.f32 v7, v1;
	v7 =	vld [tilespmem:s24+$0x8390]  }
0x265: {  	[tilespmem:s24+$0x8330] =	vst v5;
	v5 =	vmul.f32 v9, v1;
	v9 =	vld [tilespmem:s24+$0x83A0]  }
0x266: {  	[tilespmem:s24+$0x8340] =	vst v6;
	v6 =	vmul.f32 v10, v1;
	v10 =	vld [tilespmem:s24+$0x83B0]  }
0x267: {  	[tilespmem:s24+$0x82C0] =	vst v3;
	v1 =	vmul.f32 v8, v1;
	v3 =	vld [tilespmem:s24+$0x83C0]  }
0x268: {  	[tilespmem:s24+$0x8360] =	vst v6;
	v6 =	vmul.f32 v11, v4;
	v8 =	vld [tilespmem:s24+$0x83E0]  }
0x269: {  	[tilespmem:s24+$0x8370] =	vst v1;
	v1 =	vmul.f32 v7, v4;
	v7 =	vld [tilespmem:s24+$0x83F0]  }
0x26a: {  	[tilespmem:s24+$0x8380] =	vst v6;
	v6 =	vmul.f32 v9, v4  }
0x26b: {  	[tilespmem:s24+$0x8390] =	vst v1;
	v1 =	vmul.f32 v10, v4  }
0x26c: {  	v9 =	vmul.f32 v15, v14;
	[tilespmem:s24+$0x83A0] =	vst v6  }
0x26d: {  	[tilespmem:s24+$0x83B0] =	vst v1;
	v1 =	vmul.f32 v3, v4  }
.Ltmp5:
0x26e: {  	[tilespmem:s24+$0x8230] =	vst v9;
	v3 =	vmul.f32 v7, v4;
	(pc) =	sbr.rel @p2 .LBB2_6-.Ltmp5, $4  }
0x26f: {  	[tilespmem:s24+$0x83C0] =	vst v1  }
0x270: {  	v1 =	vmul.f32 v8, v4;
	[tilespmem:s24+$0x83F0] =	vst v3  }
0x271: {  	[tilespmem:s24+$0x8350] =	vst v5  }
0x272: {  	[tilespmem:s24+$0x83E0] =	vst v1  }
.Ltmp6:
0x273: {  	[tilespmem:s24+$0x8220] =	vst v2;
	s31 =	sadd.s32 $0x1400, s25;
	(pc) =	sbr.rel @p1 .LBB2_9-.Ltmp6, $4  }
0x274: {  	[spmem:s4] =	stream.indirect.scatter.add.f32 [tilespmem:s19], [sflag:$0x3], $0x80, s31, s17, $0xb8;
	[tilespmem:$0x1F800] =	vst v63  }
0x275: {  	_ =	swait.ge [sflag:s14], $0x4000  }
0x276: {  	[sflag:s14] =	ssyncset.done $0x0  }
0x277: {  	[sflag:s14] =	ssyncadd.s32 $0xFFFFC000  }
.Ltmp7:
0x278: {  	(pc) =	sbr.rel .LBB2_3-.Ltmp7, $3  }
0x279: {  	_ =	sdelay $0x1  }
0x27a: {  	s23 =	sadd.s32 $0x180, s23;
	s22 =	sadd.s32 $0x1, s22  }
0x27b: {  	[tilespmem:s19], [sflag:$0x2] =	stream.indirect.gather [hbm4b:s1+s17], $0x80, s23, s17, $0xb8;
	[tilespmem:$0x1F800] =	vst v63  }
.LBB2_11:
0x27c: {  	_ =	sfence.sel $0x180000  }
0x27d: {  	[bflag:$0x0] =	sbarrier.arrive $0xFFFF  }
0x27e: {  	p0 =	sne.s32 s2, $0x0;
	_ =	strace $0x90000047  }
0x27f: {  	s0 =	sadd.s32 @!p0 $0x100000, s0;
	[bflag:$0x2] =	sbarrier.arrive $0xFFFF  }
0x280: {  	[sflag:s0] =	ssyncadd.tile.s32 @!p0 $0x1;
	_ =	shalt  }
.Lfunc_end2:
_tile_overlayer_lowered:
.L_overlay_start_2:
0x281: {  	(tag) =	ssettag $0x2  }
0x282: {  	s0 =	rddreg [dreg:$0x0];
	s2 =	stileid.u32  }
0x283: {  	s1 =	rddreg [dreg:$0x1];
	p0 =	sne.s32 s2, $0x0  }
0x284: {  	s3 =	rddreg [dreg:$0x2];
	[bflag:$0x3] =	sbarrier.arrive $0xFFFF;
	s2 =	simm.s32 @!p0 $0x1C03  }
0x285: {  	[timem:s3], [sflag:s2] =	dma.local @!p0 [hbm:s0], s1  }
0x286: {  	s0 =	simm.s32 @!p0 $0x3  }
0x287: {  	_ =	swait.ge @!p0 [sflag:s0], s1  }
0x288: {  	s1 =	ssub.s32 @!p0 $0x0, s1;
	[sflag:s0] =	ssyncset.done @!p0 $0x0  }
0x289: {  	[sflag:s0] =	ssyncadd.s32 @!p0 s1  }
0x28a: {  	[bflag:$0x3] =	sbarrier.arrive $0xFFFF  }
0x28b: {  	_ =	shalt  }

</sc_bundles>
